<compile_context>
chip_gen: v7x
topology: tpu7x:2x2x1
jax: 0.10.2.dev20260603
libtpu: 0.0.44.dev20260713+nightly
codegen_flags: <defaults>
</compile_context>

<pallas_src>
import functools

import jax
import jax.numpy as jnp
from jax import lax
from jax.experimental import pallas as pl
from jax.experimental.pallas import tpu as pltpu
from jax.experimental.pallas import tpu_sc as plsc

N = 10000
NG = 64
D_IN = 11
DH = 128
NPAD = 10240
PADROW = NPAD - 1
E = 320000
K = 128
NCH0 = 80
NCH1 = 80
NCHM = max(NCH0, NCH1)
NCH = NCHM
NW = 32
EPAD = NW * NCHM * K
RPT = NPAD // 16
RB = 128

_MESH = plsc.VectorSubcoreMesh(
    core_axis_name="c", subcore_axis_name="s", num_cores=2, num_subcores=16)

def _zero_acc_slice(s, zbuf, acc, F):
    zero16 = jnp.zeros((16,), jnp.float32)
    for i in range(16):
        for k in range(F // 16):
            zbuf[i, pl.ds(16 * k, 16)] = zero16

    @pl.loop(0, RPT // 16)
    def _zero(j):
        pltpu.sync_copy(zbuf, acc.at[pl.ds(s * RPT + j * 16, 16)])


def _readout(c, s, acc, stage, out_hbm):
    @pl.loop(0, RPT // RB)
    def _read(j):
        pltpu.sync_copy(acc.at[pl.ds(s * RPT + j * RB, RB)], stage)
        pltpu.sync_copy(stage, out_hbm.at[c, pl.ds(s * RPT + j * RB, RB)])


IG = 8


def _spmm_body(F, src_hbm, dst_hbm, table_hbm, out_hbm,
               sidx, didx, rows2, zbuf, acc, sem, sem_i):
    c = lax.axis_index("c")
    s = lax.axis_index("s")
    wid = c * 16 + s
    nch = jnp.where(c == 0, NCH0, NCH1)

    _zero_acc_slice(s, zbuf, acc, F)

    pltpu.async_copy(src_hbm.at[wid, pl.ds(0, IG)], sidx.at[0], sem_i)
    pltpu.async_copy(dst_hbm.at[wid, pl.ds(0, IG)], didx.at[0], sem_i)
    plsc.subcore_barrier()

    @pl.loop(0, nch + 1)
    def _edges(j):
        g = j // IG
        h = lax.rem(g, 2)
        jr = lax.rem(j, IG)

        @pl.when(j < nch)
        def _gather():
            @pl.when(jr == 0)
            def _wait_refill():
                pltpu.make_async_copy(
                    src_hbm.at[wid, pl.ds(g * IG, IG)], sidx.at[h], sem_i).wait()
                pltpu.make_async_copy(
                    dst_hbm.at[wid, pl.ds(g * IG, IG)], didx.at[h], sem_i).wait()

            pltpu.async_copy(
                table_hbm.at[sidx.at[h, jr]], rows2.at[lax.rem(j, 2)], sem)

        @pl.when(j >= 1)
        def _scatter():
            jm = j - 1
            hm = lax.rem(jm // IG, 2)
            b = lax.rem(jm, 2)
            pltpu.make_async_copy(
                table_hbm.at[sidx.at[hm, lax.rem(jm, IG)]], rows2.at[b], sem).wait()
            pltpu.sync_copy(
                rows2.at[b], acc.at[didx.at[hm, lax.rem(jm, IG)]], add=True)

        @pl.when((jr == 0) & (j + IG < nch))
        def _refill():
            h2 = lax.rem(g + 1, 2)
            pltpu.async_copy(src_hbm.at[wid, pl.ds((g + 1) * IG, IG)], sidx.at[h2], sem_i)
            pltpu.async_copy(dst_hbm.at[wid, pl.ds((g + 1) * IG, IG)], didx.at[h2], sem_i)

    plsc.subcore_barrier()
    _readout(c, s, acc, rows2.at[0], out_hbm)


D16 = 6


def _spmm16_body(src_hbm, dst_hbm, table_hbm, out_hbm,
                 sidx, didx, rows, zbuf, acc, sem_g, sem_s):
    c = lax.axis_index("c")
    s = lax.axis_index("s")
    wid = c * 16 + s

    _zero_acc_slice(s, zbuf, acc, 16)

    pltpu.sync_copy(src_hbm.at[wid], sidx)
    pltpu.sync_copy(dst_hbm.at[wid], didx)
    plsc.subcore_barrier()

    for jj in range(D16 - 1):
        pltpu.async_copy(table_hbm.at[sidx.at[jj]], rows.at[jj], sem_g)

    @pl.loop(0, NCHM)
    def _edges(j):
        b = lax.rem(j, D16)
        pltpu.make_async_copy(table_hbm.at[sidx.at[j]], rows.at[b], sem_g).wait()
        pltpu.sync_copy(rows.at[b], acc.at[didx.at[j]], add=True)

        @pl.when(j + (D16 - 1) < NCHM)
        def _next_gather():
            jn = j + D16 - 1
            pltpu.async_copy(table_hbm.at[sidx.at[jn]], rows.at[lax.rem(jn, D16)], sem_g)

    plsc.subcore_barrier()
    _readout(c, s, acc, rows.at[0], out_hbm)


def _deg_body(dst_hbm, out_hbm, didx, rows, zbuf, acc, sem):
    c = lax.axis_index("c")
    s = lax.axis_index("s")
    wid = c * 16 + s

    _zero_acc_slice(s, zbuf, acc, 16)

    one16 = jnp.ones((16,), jnp.float32)
    for i in range(RB):
        rows[i, pl.ds(0, 16)] = one16

    pltpu.sync_copy(dst_hbm.at[wid], didx)
    plsc.subcore_barrier()

    @pl.loop(0, NCHM)
    def _edges(j):
        pltpu.sync_copy(rows, acc.at[didx.at[j]], add=True)

    plsc.subcore_barrier()
    _readout(c, s, acc, rows, out_hbm)


def _make_spmm(F, tc_tiling=True):
    scratch = [
        pltpu.VMEM((2, IG, K), jnp.int32),
        pltpu.VMEM((2, IG, K), jnp.int32),
        pltpu.VMEM((2, RB, F), jnp.float32),
        pltpu.VMEM((16, F), jnp.float32),
        pltpu.VMEM_SHARED((NPAD, F), jnp.float32),
        pltpu.SemaphoreType.DMA,
        pltpu.SemaphoreType.DMA,
    ]
    return pl.kernel(
        functools.partial(_spmm_body, F),
        out_type=jax.ShapeDtypeStruct((2, NPAD, F), jnp.float32),
        mesh=_MESH,
        scratch_types=scratch,
        compiler_params=pltpu.CompilerParams(use_tc_tiling_on_sc=tc_tiling),
        name=f"sc_spmm_f{F}",
    )


_DEG_SCRATCH = [
    pltpu.VMEM((NCHM, K), jnp.int32),
    pltpu.VMEM((RB, 16), jnp.float32),
    pltpu.VMEM((16, 16), jnp.float32),
    pltpu.VMEM_SHARED((NPAD, 16), jnp.float32),
    pltpu.SemaphoreType.DMA,
]

_deg_kernel = pl.kernel(
    _deg_body,
    out_type=jax.ShapeDtypeStruct((2, NPAD, 16), jnp.float32),
    mesh=_MESH,
    scratch_types=_DEG_SCRATCH,
    name="sc_degree",
)

_spmm128 = _make_spmm(128)
_SPMM16_SCRATCH = [
    pltpu.VMEM((NCHM, K), jnp.int32),
    pltpu.VMEM((NCHM, K), jnp.int32),
    pltpu.VMEM((D16, RB, 16), jnp.float32),
    pltpu.VMEM((16, 16), jnp.float32),
    pltpu.VMEM_SHARED((NPAD, 16), jnp.float32),
    pltpu.SemaphoreType.DMA,
    pltpu.SemaphoreType.DMA,
]

_spmm16 = pl.kernel(
    _spmm16_body,
    out_type=jax.ShapeDtypeStruct((2, NPAD, 16), jnp.float32),
    mesh=_MESH,
    scratch_types=_SPMM16_SCRATCH,
    compiler_params=pltpu.CompilerParams(use_tc_tiling_on_sc=False),
    name="sc_spmm_f16",
)



def _scale_body(deg_ref, x_ref, xs_ref, dinv_ref):
    deg = deg_ref[0] + deg_ref[1] + 1.0
    dinv = lax.rsqrt(deg)
    rowid = lax.broadcasted_iota(jnp.int32, (NPAD, 16), 0)
    dinv = jnp.where(rowid < N, dinv, 0.0)
    xs_ref[...] = x_ref[...] * dinv
    dinv_ref[...] = dinv


def _layer12_body(acc_ref, xs_ref, dinv_ref, w1_ref, b1_ref, w2_ref, g2_ref):
    pre = dinv_ref[...] * (acc_ref[0] + acc_ref[1] + xs_ref[...])
    h1 = jnp.dot(pre, w1_ref[...], preferred_element_type=jnp.float32) + b1_ref[...]
    h1 = jnp.maximum(h1, 0.0)
    g2 = jnp.dot(h1, w2_ref[...], preferred_element_type=jnp.float32)
    g2_ref[...] = g2 * dinv_ref[:, :1]


def _layer23_body(acc_ref, g2_ref, dinv_ref, b2_ref, w3_ref, wlin_ref, z_ref):
    d = dinv_ref[:, :1]
    h2 = d * (acc_ref[0] + acc_ref[1] + g2_ref[...]) + b2_ref[...]
    h2 = jnp.maximum(h2, 0.0)
    w3l = jnp.dot(w3_ref[...], wlin_ref[...], preferred_element_type=jnp.float32)
    z = jnp.dot(h2, w3l, preferred_element_type=jnp.float32) * d
    z_ref[...] = jnp.broadcast_to(z, (z.shape[0], 16))


def _head_body(acc_ref, z_ref, dinv_ref, batch_ref, b3_ref, wlin_ref, blin_ref, out_ref):
    c = jnp.dot(b3_ref[...], wlin_ref[...], preferred_element_type=jnp.float32)
    h3 = dinv_ref[:, :1] * (acc_ref[0][:, :1] + acc_ref[1][:, :1] + z_ref[:, :1]) + c
    onehot = (batch_ref[...] == lax.broadcasted_iota(jnp.int32, (1, NG), 1)
              ).astype(jnp.float32)
    sums = jnp.sum(onehot * h3, axis=0)
    counts = jnp.sum(onehot, axis=0)
    out_ref[...] = (sums / jnp.maximum(counts, 1.0))[:, None] + blin_ref[...]


_RB_TC = 2560


def kernel(x, edge_index, batch, W1, b1, W2, b2, W3, b3, Wlin, blin):
    f32 = jnp.float32
    e_used = 16 * (NCH0 + NCH1) * K
    epad0 = N + (jnp.arange(max(0, e_used - E), dtype=jnp.int32) % (NPAD - N))

    def _split(idx):
        flat = jnp.concatenate([idx.astype(jnp.int32), epad0])[:e_used]
        a = flat[:16 * NCH0 * K].reshape(16, NCH0, K)
        b = flat[16 * NCH0 * K:].reshape(16, NCH1, K)
        a = jnp.pad(a, ((0, 0), (0, NCHM - NCH0), (0, 0)), constant_values=PADROW)
        b = jnp.pad(b, ((0, 0), (0, NCHM - NCH1), (0, 0)), constant_values=PADROW)
        return jnp.concatenate([a, b], axis=0)

    src_r = _split(edge_index[0])
    dst_r = _split(edge_index[1])
    x_pad = jnp.pad(x, ((0, NPAD - N), (0, 16 - D_IN)))
    batch_p = jnp.pad(batch.astype(jnp.int32), (0, NPAD - N), constant_values=NG)
    batch_p = batch_p.reshape(NPAD, 1)
    W1p = jnp.pad(W1, ((0, 16 - D_IN), (0, 0)))
    b1r, b2r, b3r = b1.reshape(1, DH), b2.reshape(1, DH), b3.reshape(1, DH)
    blinr = blin.reshape(1, 1)

    deg2 = _deg_kernel(dst_r)

    xs, dinv = pl.pallas_call(
        _scale_body,
        out_shape=[jax.ShapeDtypeStruct((NPAD, 16), f32),
                   jax.ShapeDtypeStruct((NPAD, 16), f32)],
    )(deg2, x_pad)

    acc1 = _spmm16(src_r, dst_r, xs)

    ng = NPAD // _RB_TC
    g2 = pl.pallas_call(
        _layer12_body,
        grid=(ng,),
        in_specs=[
            pl.BlockSpec((2, _RB_TC, 16), lambda i: (0, i, 0)),
            pl.BlockSpec((_RB_TC, 16), lambda i: (i, 0)),
            pl.BlockSpec((_RB_TC, 16), lambda i: (i, 0)),
            pl.BlockSpec((16, DH), lambda i: (0, 0)),
            pl.BlockSpec((1, DH), lambda i: (0, 0)),
            pl.BlockSpec((DH, DH), lambda i: (0, 0)),
        ],
        out_specs=pl.BlockSpec((_RB_TC, DH), lambda i: (i, 0)),
        out_shape=jax.ShapeDtypeStruct((NPAD, DH), f32),
    )(acc1, xs, dinv, W1p, b1r, W2)

    acc2 = _spmm128(src_r, dst_r, g2)

    z = pl.pallas_call(
        _layer23_body,
        grid=(ng,),
        in_specs=[
            pl.BlockSpec((2, _RB_TC, DH), lambda i: (0, i, 0)),
            pl.BlockSpec((_RB_TC, DH), lambda i: (i, 0)),
            pl.BlockSpec((_RB_TC, 16), lambda i: (i, 0)),
            pl.BlockSpec((1, DH), lambda i: (0, 0)),
            pl.BlockSpec((DH, DH), lambda i: (0, 0)),
            pl.BlockSpec((DH, 1), lambda i: (0, 0)),
        ],
        out_specs=pl.BlockSpec((_RB_TC, 16), lambda i: (i, 0)),
        out_shape=jax.ShapeDtypeStruct((NPAD, 16), f32),
    )(acc2, g2, dinv, b2r, W3, Wlin)

    acc3 = _spmm16(src_r, dst_r, z)

    out = pl.pallas_call(
        _head_body,
        out_shape=jax.ShapeDtypeStruct((NG, 1), f32),
    )(acc3, z, dinv, batch_p, b3r, Wlin, blinr)
    return out

# --- scband reference (transcript-rebuilt; emitter-appended) ---
"""Pipeline reference for scband-gcn-22084721836225 (READ-ONLY COPY).

The authoritative reference and input builder live on the scoring server;
editing this copy changes nothing except your own understanding.
"""

import jax, jax.numpy as jnp
import numpy as np

N = 10000
E = 320000
D_IN = 11
DIM_H = 128
N_GRAPHS = 64


def setup_inputs(seed: int = 0) -> dict:
    key = jax.random.key(seed)
    ks = jax.random.split(key, 12)
    x = jax.random.normal(ks[0], (N, D_IN), dtype=jnp.float32)
    edge_index = jax.random.randint(ks[1], (2, E), 0, N, dtype=jnp.int32)
    batch = jnp.sort(jax.random.randint(ks[2], (N,), 0, N_GRAPHS, dtype=jnp.int32))
    W1 = jax.random.normal(ks[3], (D_IN, DIM_H), dtype=jnp.float32) * 0.1
    b1 = jnp.zeros((DIM_H,), dtype=jnp.float32)
    W2 = jax.random.normal(ks[4], (DIM_H, DIM_H), dtype=jnp.float32) * 0.05
    b2 = jnp.zeros((DIM_H,), dtype=jnp.float32)
    W3 = jax.random.normal(ks[5], (DIM_H, DIM_H), dtype=jnp.float32) * 0.05
    b3 = jnp.zeros((DIM_H,), dtype=jnp.float32)
    Wlin = jax.random.normal(ks[6], (DIM_H, 1), dtype=jnp.float32) * 0.05
    blin = jnp.zeros((1,), dtype=jnp.float32)
    return {"x": x, "edge_index": edge_index, "batch": batch,
            "W1": W1, "b1": b1, "W2": W2, "b2": b2, "W3": W3, "b3": b3,
            "Wlin": Wlin, "blin": blin}


def _gcn_conv(x, src, dst, norm, W, b):
    h = x @ W
    msg = h[src] * norm[:, None]
    out = jnp.zeros((N, W.shape[1]), dtype=h.dtype).at[dst].add(msg)
    return out + b


def reference(x, edge_index, batch, W1, b1, W2, b2, W3, b3, Wlin, blin):
    loops = jnp.arange(N, dtype=edge_index.dtype)
    src = jnp.concatenate([edge_index[0], loops])
    dst = jnp.concatenate([edge_index[1], loops])
    # GCN symmetric normalization with self-loops (PyG GCNConv default)
    deg = jnp.zeros((N,), dtype=jnp.float32).at[dst].add(1.0)
    deg_inv_sqrt = jnp.where(deg > 0, 1.0 / jnp.sqrt(deg), 0.0)
    norm = deg_inv_sqrt[src] * deg_inv_sqrt[dst]

    h = _gcn_conv(x, src, dst, norm, W1, b1)
    h = jax.nn.relu(h)
    h = _gcn_conv(h, src, dst, norm, W2, b2)
    h = jax.nn.relu(h)
    h = _gcn_conv(h, src, dst, norm, W3, b3)

    # global_mean_pool over graph ids
    sums = jax.ops.segment_sum(h, batch, num_segments=N_GRAPHS)
    counts = jax.ops.segment_sum(jnp.ones((N,), dtype=jnp.float32), batch, num_segments=N_GRAPHS)
    pooled = sums / jnp.maximum(counts, 1.0)[:, None]

    # dropout inactive in eval mode
    out = pooled @ Wlin + blin
    return out

if __name__ == "__main__":
    import jax
    _d = setup_inputs()
    print(jax.jit(kernel)(*tuple(_d.values())))

</pallas_src>

<mosaic_0001>
#map = affine_map<(d0, d1) -> (0, 0, 0)>
#map1 = affine_map<(d0, d1) -> (0, 0)>
module attributes {stable_mosaic.version = 14 : i64} {
  func.func @sc_spmm_f128(%arg0: i32, %arg1: i32, %arg2: memref<32x80x128xi32, #tpu.memory_space<hbm>>, %arg3: memref<32x80x128xi32, #tpu.memory_space<hbm>>, %arg4: memref<10240x128xf32, #tpu.memory_space<hbm>>, %arg5: memref<2x10240x128xf32, #tpu.memory_space<hbm>>, %arg6: memref<2x8x128xi32, #tpu.memory_space<vmem>>, %arg7: memref<2x8x128xi32, #tpu.memory_space<vmem>>, %arg8: memref<2x128x128xf32, #tpu.memory_space<vmem>>, %arg9: memref<16x128xf32, #tpu.memory_space<vmem>>, %arg10: memref<10240x128xf32, #tpu.memory_space<vmem_shared>>, %arg11: memref<!tpu.dma_semaphore, #tpu.memory_space<semaphore_mem>>, %arg12: memref<!tpu.dma_semaphore, #tpu.memory_space<semaphore_mem>>) attributes {dimension_semantics = [#tpu.dimension_semantics<core_parallel>, #tpu.dimension_semantics<subcore_parallel>], iteration_bounds = array<i64: 2, 16>, scalar_prefetch = 0 : i64, scratch_operands = 7 : i64, tpu.core_type = #tpu.core_type<sc_vector_subcore>, window_params = [{transform_indices = #map}, {transform_indices = #map}, {transform_indices = #map1}, {transform_indices = #map}]} {
    %mul3A = arith.constant 16 : i32
    %mul3A_0 = arith.muli %arg0, %mul3A : i32
    %add3A = arith.addi %mul3A_0, %arg1 : i32
    %eq3A = arith.constant 0 : i32
    %eq3A_1 = arith.cmpi eq, %arg0, %eq3A : i32
    %jit3A = arith.constant 80 : i32
    %jit3A_2 = arith.constant 80 : i32
    %select_n3A = arith.select %eq3A_1, %jit3A, %jit3A_2 : i32
    %broadcast_in_dim3A = arith.constant 0.000000e+00 : f32
    %broadcast_in_dim3A_3 = vector.broadcast %broadcast_in_dim3A : f32 to vector<16xf32>
    %swap3A = arith.constant 0 : i32
    %swap3A_4 = arith.index_cast %swap3A : i32 to index
    %swap3A_5 = arith.constant 0 : index
    %swap3A_6 = tpu.vector_load %arg9[%swap3A_4, %swap3A_5] {strides = array<i32>} : memref<16x128xf32, #tpu.memory_space<vmem>>, vector<1x16xf32>,
    %swap3A_7 = vector.shape_cast %swap3A_6 : vector<1x16xf32> to vector<16xf32>
    %swap3A_8 = vector.shape_cast %broadcast_in_dim3A_3 : vector<16xf32> to vector<1x16xf32>
    tpu.vector_store %arg9[%swap3A_4, %swap3A_5], %swap3A_8 {strides = array<i32>} : memref<16x128xf32, #tpu.memory_space<vmem>>, vector<1x16xf32>,
    %swap3A_9 = arith.constant 0 : i32
    %swap3A_10 = arith.index_cast %swap3A_9 : i32 to index
    %swap3A_11 = arith.constant 16 : index
    %swap3A_12 = tpu.vector_load %arg9[%swap3A_10, %swap3A_11] {strides = array<i32>} : memref<16x128xf32, #tpu.memory_space<vmem>>, vector<1x16xf32>,
    %swap3A_13 = vector.shape_cast %swap3A_12 : vector<1x16xf32> to vector<16xf32>
    %swap3A_14 = vector.shape_cast %broadcast_in_dim3A_3 : vector<16xf32> to vector<1x16xf32>
    tpu.vector_store %arg9[%swap3A_10, %swap3A_11], %swap3A_14 {strides = array<i32>} : memref<16x128xf32, #tpu.memory_space<vmem>>, vector<1x16xf32>,
    %swap3A_15 = arith.constant 0 : i32
    %swap3A_16 = arith.index_cast %swap3A_15 : i32 to index
    %swap3A_17 = arith.constant 32 : index
    %swap3A_18 = tpu.vector_load %arg9[%swap3A_16, %swap3A_17] {strides = array<i32>} : memref<16x128xf32, #tpu.memory_space<vmem>>, vector<1x16xf32>,
    %swap3A_19 = vector.shape_cast %swap3A_18 : vector<1x16xf32> to vector<16xf32>
    %swap3A_20 = vector.shape_cast %broadcast_in_dim3A_3 : vector<16xf32> to vector<1x16xf32>
    tpu.vector_store %arg9[%swap3A_16, %swap3A_17], %swap3A_20 {strides = array<i32>} : memref<16x128xf32, #tpu.memory_space<vmem>>, vector<1x16xf32>,
    %swap3A_21 = arith.constant 0 : i32
    %swap3A_22 = arith.index_cast %swap3A_21 : i32 to index
    %swap3A_23 = arith.constant 48 : index
    %swap3A_24 = tpu.vector_load %arg9[%swap3A_22, %swap3A_23] {strides = array<i32>} : memref<16x128xf32, #tpu.memory_space<vmem>>, vector<1x16xf32>,
    %swap3A_25 = vector.shape_cast %swap3A_24 : vector<1x16xf32> to vector<16xf32>
    %swap3A_26 = vector.shape_cast %broadcast_in_dim3A_3 : vector<16xf32> to vector<1x16xf32>
    tpu.vector_store %arg9[%swap3A_22, %swap3A_23], %swap3A_26 {strides = array<i32>} : memref<16x128xf32, #tpu.memory_space<vmem>>, vector<1x16xf32>,
    %swap3A_27 = arith.constant 0 : i32
    %swap3A_28 = arith.index_cast %swap3A_27 : i32 to index
    %swap3A_29 = arith.constant 64 : index
    %swap3A_30 = tpu.vector_load %arg9[%swap3A_28, %swap3A_29] {strides = array<i32>} : memref<16x128xf32, #tpu.memory_space<vmem>>, vector<1x16xf32>,
    %swap3A_31 = vector.shape_cast %swap3A_30 : vector<1x16xf32> to vector<16xf32>
    %swap3A_32 = vector.shape_cast %broadcast_in_dim3A_3 : vector<16xf32> to vector<1x16xf32>
    tpu.vector_store %arg9[%swap3A_28, %swap3A_29], %swap3A_32 {strides = array<i32>} : memref<16x128xf32, #tpu.memory_space<vmem>>, vector<1x16xf32>,
    %swap3A_33 = arith.constant 0 : i32
    %swap3A_34 = arith.index_cast %swap3A_33 : i32 to index
    %swap3A_35 = arith.constant 80 : index
    %swap3A_36 = tpu.vector_load %arg9[%swap3A_34, %swap3A_35] {strides = array<i32>} : memref<16x128xf32, #tpu.memory_space<vmem>>, vector<1x16xf32>,
    %swap3A_37 = vector.shape_cast %swap3A_36 : vector<1x16xf32> to vector<16xf32>
    %swap3A_38 = vector.shape_cast %broadcast_in_dim3A_3 : vector<16xf32> to vector<1x16xf32>
    tpu.vector_store %arg9[%swap3A_34, %swap3A_35], %swap3A_38 {strides = array<i32>} : memref<16x128xf32, #tpu.memory_space<vmem>>, vector<1x16xf32>,
    %swap3A_39 = arith.constant 0 : i32
    %swap3A_40 = arith.index_cast %swap3A_39 : i32 to index
    %swap3A_41 = arith.constant 96 : index
    %swap3A_42 = tpu.vector_load %arg9[%swap3A_40, %swap3A_41] {strides = array<i32>} : memref<16x128xf32, #tpu.memory_space<vmem>>, vector<1x16xf32>,
    %swap3A_43 = vector.shape_cast %swap3A_42 : vector<1x16xf32> to vector<16xf32>
    %swap3A_44 = vector.shape_cast %broadcast_in_dim3A_3 : vector<16xf32> to vector<1x16xf32>
    tpu.vector_store %arg9[%swap3A_40, %swap3A_41], %swap3A_44 {strides = array<i32>} : memref<16x128xf32, #tpu.memory_space<vmem>>, vector<1x16xf32>,
    %swap3A_45 = arith.constant 0 : i32
    %swap3A_46 = arith.index_cast %swap3A_45 : i32 to index
    %swap3A_47 = arith.constant 112 : index
    %swap3A_48 = tpu.vector_load %arg9[%swap3A_46, %swap3A_47] {strides = array<i32>} : memref<16x128xf32, #tpu.memory_space<vmem>>, vector<1x16xf32>,
    %swap3A_49 = vector.shape_cast %swap3A_48 : vector<1x16xf32> to vector<16xf32>
    %swap3A_50 = vector.shape_cast %broadcast_in_dim3A_3 : vector<16xf32> to vector<1x16xf32>
    tpu.vector_store %arg9[%swap3A_46, %swap3A_47], %swap3A_50 {strides = array<i32>} : memref<16x128xf32, #tpu.memory_space<vmem>>, vector<1x16xf32>,
    %swap3A_51 = arith.constant 1 : i32
    %swap3A_52 = arith.index_cast %swap3A_51 : i32 to index
    %swap3A_53 = arith.constant 0 : index
    %swap3A_54 = tpu.vector_load %arg9[%swap3A_52, %swap3A_53] {strides = array<i32>} : memref<16x128xf32, #tpu.memory_space<vmem>>, vector<1x16xf32>,
    %swap3A_55 = vector.shape_cast %swap3A_54 : vector<1x16xf32> to vector<16xf32>
    %swap3A_56 = vector.shape_cast %broadcast_in_dim3A_3 : vector<16xf32> to vector<1x16xf32>
    tpu.vector_store %arg9[%swap3A_52, %swap3A_53], %swap3A_56 {strides = array<i32>} : memref<16x128xf32, #tpu.memory_space<vmem>>, vector<1x16xf32>,
    %swap3A_57 = arith.constant 1 : i32
    %swap3A_58 = arith.index_cast %swap3A_57 : i32 to index
    %swap3A_59 = arith.constant 16 : index
    %swap3A_60 = tpu.vector_load %arg9[%swap3A_58, %swap3A_59] {strides = array<i32>} : memref<16x128xf32, #tpu.memory_space<vmem>>, vector<1x16xf32>,
    %swap3A_61 = vector.shape_cast %swap3A_60 : vector<1x16xf32> to vector<16xf32>
    %swap3A_62 = vector.shape_cast %broadcast_in_dim3A_3 : vector<16xf32> to vector<1x16xf32>
    tpu.vector_store %arg9[%swap3A_58, %swap3A_59], %swap3A_62 {strides = array<i32>} : memref<16x128xf32, #tpu.memory_space<vmem>>, vector<1x16xf32>,
    %swap3A_63 = arith.constant 1 : i32
    %swap3A_64 = arith.index_cast %swap3A_63 : i32 to index
    %swap3A_65 = arith.constant 32 : index
    %swap3A_66 = tpu.vector_load %arg9[%swap3A_64, %swap3A_65] {strides = array<i32>} : memref<16x128xf32, #tpu.memory_space<vmem>>, vector<1x16xf32>,
    %swap3A_67 = vector.shape_cast %swap3A_66 : vector<1x16xf32> to vector<16xf32>
    %swap3A_68 = vector.shape_cast %broadcast_in_dim3A_3 : vector<16xf32> to vector<1x16xf32>
    tpu.vector_store %arg9[%swap3A_64, %swap3A_65], %swap3A_68 {strides = array<i32>} : memref<16x128xf32, #tpu.memory_space<vmem>>, vector<1x16xf32>,
    %swap3A_69 = arith.constant 1 : i32
    %swap3A_70 = arith.index_cast %swap3A_69 : i32 to index
    %swap3A_71 = arith.constant 48 : index
    %swap3A_72 = tpu.vector_load %arg9[%swap3A_70, %swap3A_71] {strides = array<i32>} : memref<16x128xf32, #tpu.memory_space<vmem>>, vector<1x16xf32>,
    %swap3A_73 = vector.shape_cast %swap3A_72 : vector<1x16xf32> to vector<16xf32>
    %swap3A_74 = vector.shape_cast %broadcast_in_dim3A_3 : vector<16xf32> to vector<1x16xf32>
    tpu.vector_store %arg9[%swap3A_70, %swap3A_71], %swap3A_74 {strides = array<i32>} : memref<16x128xf32, #tpu.memory_space<vmem>>, vector<1x16xf32>,
    %swap3A_75 = arith.constant 1 : i32
    %swap3A_76 = arith.index_cast %swap3A_75 : i32 to index
    %swap3A_77 = arith.constant 64 : index
    %swap3A_78 = tpu.vector_load %arg9[%swap3A_76, %swap3A_77] {strides = array<i32>} : memref<16x128xf32, #tpu.memory_space<vmem>>, vector<1x16xf32>,
    %swap3A_79 = vector.shape_cast %swap3A_78 : vector<1x16xf32> to vector<16xf32>
    %swap3A_80 = vector.shape_cast %broadcast_in_dim3A_3 : vector<16xf32> to vector<1x16xf32>
    tpu.vector_store %arg9[%swap3A_76, %swap3A_77], %swap3A_80 {strides = array<i32>} : memref<16x128xf32, #tpu.memory_space<vmem>>, vector<1x16xf32>,
    %swap3A_81 = arith.constant 1 : i32
    %swap3A_82 = arith.index_cast %swap3A_81 : i32 to index
    %swap3A_83 = arith.constant 80 : index
    %swap3A_84 = tpu.vector_load %arg9[%swap3A_82, %swap3A_83] {strides = array<i32>} : memref<16x128xf32, #tpu.memory_space<vmem>>, vector<1x16xf32>,
    %swap3A_85 = vector.shape_cast %swap3A_84 : vector<1x16xf32> to vector<16xf32>
    %swap3A_86 = vector.shape_cast %broadcast_in_dim3A_3 : vector<16xf32> to vector<1x16xf32>
    tpu.vector_store %arg9[%swap3A_82, %swap3A_83], %swap3A_86 {strides = array<i32>} : memref<16x128xf32, #tpu.memory_space<vmem>>, vector<1x16xf32>,
    %swap3A_87 = arith.constant 1 : i32
    %swap3A_88 = arith.index_cast %swap3A_87 : i32 to index
    %swap3A_89 = arith.constant 96 : index
    %swap3A_90 = tpu.vector_load %arg9[%swap3A_88, %swap3A_89] {strides = array<i32>} : memref<16x128xf32, #tpu.memory_space<vmem>>, vector<1x16xf32>,
    %swap3A_91 = vector.shape_cast %swap3A_90 : vector<1x16xf32> to vector<16xf32>
    %swap3A_92 = vector.shape_cast %broadcast_in_dim3A_3 : vector<16xf32> to vector<1x16xf32>
    tpu.vector_store %arg9[%swap3A_88, %swap3A_89], %swap3A_92 {strides = array<i32>} : memref<16x128xf32, #tpu.memory_space<vmem>>, vector<1x16xf32>,
    %swap3A_93 = arith.constant 1 : i32
    %swap3A_94 = arith.index_cast %swap3A_93 : i32 to index
    %swap3A_95 = arith.constant 112 : index
    %swap3A_96 = tpu.vector_load %arg9[%swap3A_94, %swap3A_95] {strides = array<i32>} : memref<16x128xf32, #tpu.memory_space<vmem>>, vector<1x16xf32>,
    %swap3A_97 = vector.shape_cast %swap3A_96 : vector<1x16xf32> to vector<16xf32>
    %swap3A_98 = vector.shape_cast %broadcast_in_dim3A_3 : vector<16xf32> to vector<1x16xf32>
    tpu.vector_store %arg9[%swap3A_94, %swap3A_95], %swap3A_98 {strides = array<i32>} : memref<16x128xf32, #tpu.memory_space<vmem>>, vector<1x16xf32>,
    %swap3A_99 = arith.constant 2 : i32
    %swap3A_100 = arith.index_cast %swap3A_99 : i32 to index
    %swap3A_101 = arith.constant 0 : index
    %swap3A_102 = tpu.vector_load %arg9[%swap3A_100, %swap3A_101] {strides = array<i32>} : memref<16x128xf32, #tpu.memory_space<vmem>>, vector<1x16xf32>,
    %swap3A_103 = vector.shape_cast %swap3A_102 : vector<1x16xf32> to vector<16xf32>
    %swap3A_104 = vector.shape_cast %broadcast_in_dim3A_3 : vector<16xf32> to vector<1x16xf32>
    tpu.vector_store %arg9[%swap3A_100, %swap3A_101], %swap3A_104 {strides = array<i32>} : memref<16x128xf32, #tpu.memory_space<vmem>>, vector<1x16xf32>,
    %swap3A_105 = arith.constant 2 : i32
    %swap3A_106 = arith.index_cast %swap3A_105 : i32 to index
    %swap3A_107 = arith.constant 16 : index
    %swap3A_108 = tpu.vector_load %arg9[%swap3A_106, %swap3A_107] {strides = array<i32>} : memref<16x128xf32, #tpu.memory_space<vmem>>, vector<1x16xf32>,
    %swap3A_109 = vector.shape_cast %swap3A_108 : vector<1x16xf32> to vector<16xf32>
    %swap3A_110 = vector.shape_cast %broadcast_in_dim3A_3 : vector<16xf32> to vector<1x16xf32>
    tpu.vector_store %arg9[%swap3A_106, %swap3A_107], %swap3A_110 {strides = array<i32>} : memref<16x128xf32, #tpu.memory_space<vmem>>, vector<1x16xf32>,
    %swap3A_111 = arith.constant 2 : i32
    %swap3A_112 = arith.index_cast %swap3A_111 : i32 to index
    %swap3A_113 = arith.constant 32 : index
    %swap3A_114 = tpu.vector_load %arg9[%swap3A_112, %swap3A_113] {strides = array<i32>} : memref<16x128xf32, #tpu.memory_space<vmem>>, vector<1x16xf32>,
    %swap3A_115 = vector.shape_cast %swap3A_114 : vector<1x16xf32> to vector<16xf32>
    %swap3A_116 = vector.shape_cast %broadcast_in_dim3A_3 : vector<16xf32> to vector<1x16xf32>
    tpu.vector_store %arg9[%swap3A_112, %swap3A_113], %swap3A_116 {strides = array<i32>} : memref<16x128xf32, #tpu.memory_space<vmem>>, vector<1x16xf32>,
    %swap3A_117 = arith.constant 2 : i32
    %swap3A_118 = arith.index_cast %swap3A_117 : i32 to index
    %swap3A_119 = arith.constant 48 : index
    %swap3A_120 = tpu.vector_load %arg9[%swap3A_118, %swap3A_119] {strides = array<i32>} : memref<16x128xf32, #tpu.memory_space<vmem>>, vector<1x16xf32>,
    %swap3A_121 = vector.shape_cast %swap3A_120 : vector<1x16xf32> to vector<16xf32>
    %swap3A_122 = vector.shape_cast %broadcast_in_dim3A_3 : vector<16xf32> to vector<1x16xf32>
    tpu.vector_store %arg9[%swap3A_118, %swap3A_119], %swap3A_122 {strides = array<i32>} : memref<16x128xf32, #tpu.memory_space<vmem>>, vector<1x16xf32>,
    %swap3A_123 = arith.constant 2 : i32
    %swap3A_124 = arith.index_cast %swap3A_123 : i32 to index
    %swap3A_125 = arith.constant 64 : index
    %swap3A_126 = tpu.vector_load %arg9[%swap3A_124, %swap3A_125] {strides = array<i32>} : memref<16x128xf32, #tpu.memory_space<vmem>>, vector<1x16xf32>,
    %swap3A_127 = vector.shape_cast %swap3A_126 : vector<1x16xf32> to vector<16xf32>
    %swap3A_128 = vector.shape_cast %broadcast_in_dim3A_3 : vector<16xf32> to vector<1x16xf32>
    tpu.vector_store %arg9[%swap3A_124, %swap3A_125], %swap3A_128 {strides = array<i32>} : memref<16x128xf32, #tpu.memory_space<vmem>>, vector<1x16xf32>,
    %swap3A_129 = arith.constant 2 : i32
    %swap3A_130 = arith.index_cast %swap3A_129 : i32 to index
    %swap3A_131 = arith.constant 80 : index
    %swap3A_132 = tpu.vector_load %arg9[%swap3A_130, %swap3A_131] {strides = array<i32>} : memref<16x128xf32, #tpu.memory_space<vmem>>, vector<1x16xf32>,
    %swap3A_133 = vector.shape_cast %swap3A_132 : vector<1x16xf32> to vector<16xf32>
    %swap3A_134 = vector.shape_cast %broadcast_in_dim3A_3 : vector<16xf32> to vector<1x16xf32>
    tpu.vector_store %arg9[%swap3A_130, %swap3A_131], %swap3A_134 {strides = array<i32>} : memref<16x128xf32, #tpu.memory_space<vmem>>, vector<1x16xf32>,
    %swap3A_135 = arith.constant 2 : i32
    %swap3A_136 = arith.index_cast %swap3A_135 : i32 to index
    %swap3A_137 = arith.constant 96 : index
    %swap3A_138 = tpu.vector_load %arg9[%swap3A_136, %swap3A_137] {strides = array<i32>} : memref<16x128xf32, #tpu.memory_space<vmem>>, vector<1x16xf32>,
    %swap3A_139 = vector.shape_cast %swap3A_138 : vector<1x16xf32> to vector<16xf32>
    %swap3A_140 = vector.shape_cast %broadcast_in_dim3A_3 : vector<16xf32> to vector<1x16xf32>
    tpu.vector_store %arg9[%swap3A_136, %swap3A_137], %swap3A_140 {strides = array<i32>} : memref<16x128xf32, #tpu.memory_space<vmem>>, vector<1x16xf32>,
    %swap3A_141 = arith.constant 2 : i32
    %swap3A_142 = arith.index_cast %swap3A_141 : i32 to index
    %swap3A_143 = arith.constant 112 : index
    %swap3A_144 = tpu.vector_load %arg9[%swap3A_142, %swap3A_143] {strides = array<i32>} : memref<16x128xf32, #tpu.memory_space<vmem>>, vector<1x16xf32>,
    %swap3A_145 = vector.shape_cast %swap3A_144 : vector<1x16xf32> to vector<16xf32>
    %swap3A_146 = vector.shape_cast %broadcast_in_dim3A_3 : vector<16xf32> to vector<1x16xf32>
    tpu.vector_store %arg9[%swap3A_142, %swap3A_143], %swap3A_146 {strides = array<i32>} : memref<16x128xf32, #tpu.memory_space<vmem>>, vector<1x16xf32>,
    %swap3A_147 = arith.constant 3 : i32
    %swap3A_148 = arith.index_cast %swap3A_147 : i32 to index
    %swap3A_149 = arith.constant 0 : index
    %swap3A_150 = tpu.vector_load %arg9[%swap3A_148, %swap3A_149] {strides = array<i32>} : memref<16x128xf32, #tpu.memory_space<vmem>>, vector<1x16xf32>,
    %swap3A_151 = vector.shape_cast %swap3A_150 : vector<1x16xf32> to vector<16xf32>
    %swap3A_152 = vector.shape_cast %broadcast_in_dim3A_3 : vector<16xf32> to vector<1x16xf32>
    tpu.vector_store %arg9[%swap3A_148, %swap3A_149], %swap3A_152 {strides = array<i32>} : memref<16x128xf32, #tpu.memory_space<vmem>>, vector<1x16xf32>,
    %swap3A_153 = arith.constant 3 : i32
    %swap3A_154 = arith.index_cast %swap3A_153 : i32 to index
    %swap3A_155 = arith.constant 16 : index
    %swap3A_156 = tpu.vector_load %arg9[%swap3A_154, %swap3A_155] {strides = array<i32>} : memref<16x128xf32, #tpu.memory_space<vmem>>, vector<1x16xf32>,
    %swap3A_157 = vector.shape_cast %swap3A_156 : vector<1x16xf32> to vector<16xf32>
    %swap3A_158 = vector.shape_cast %broadcast_in_dim3A_3 : vector<16xf32> to vector<1x16xf32>
    tpu.vector_store %arg9[%swap3A_154, %swap3A_155], %swap3A_158 {strides = array<i32>} : memref<16x128xf32, #tpu.memory_space<vmem>>, vector<1x16xf32>,
    %swap3A_159 = arith.constant 3 : i32
    %swap3A_160 = arith.index_cast %swap3A_159 : i32 to index
    %swap3A_161 = arith.constant 32 : index
    %swap3A_162 = tpu.vector_load %arg9[%swap3A_160, %swap3A_161] {strides = array<i32>} : memref<16x128xf32, #tpu.memory_space<vmem>>, vector<1x16xf32>,
    %swap3A_163 = vector.shape_cast %swap3A_162 : vector<1x16xf32> to vector<16xf32>
    %swap3A_164 = vector.shape_cast %broadcast_in_dim3A_3 : vector<16xf32> to vector<1x16xf32>
    tpu.vector_store %arg9[%swap3A_160, %swap3A_161], %swap3A_164 {strides = array<i32>} : memref<16x128xf32, #tpu.memory_space<vmem>>, vector<1x16xf32>,
    %swap3A_165 = arith.constant 3 : i32
    %swap3A_166 = arith.index_cast %swap3A_165 : i32 to index
    %swap3A_167 = arith.constant 48 : index
    %swap3A_168 = tpu.vector_load %arg9[%swap3A_166, %swap3A_167] {strides = array<i32>} : memref<16x128xf32, #tpu.memory_space<vmem>>, vector<1x16xf32>,
    %swap3A_169 = vector.shape_cast %swap3A_168 : vector<1x16xf32> to vector<16xf32>
    %swap3A_170 = vector.shape_cast %broadcast_in_dim3A_3 : vector<16xf32> to vector<1x16xf32>
    tpu.vector_store %arg9[%swap3A_166, %swap3A_167], %swap3A_170 {strides = array<i32>} : memref<16x128xf32, #tpu.memory_space<vmem>>, vector<1x16xf32>,
    %swap3A_171 = arith.constant 3 : i32
    %swap3A_172 = arith.index_cast %swap3A_171 : i32 to index
    %swap3A_173 = arith.constant 64 : index
    %swap3A_174 = tpu.vector_load %arg9[%swap3A_172, %swap3A_173] {strides = array<i32>} : memref<16x128xf32, #tpu.memory_space<vmem>>, vector<1x16xf32>,
    %swap3A_175 = vector.shape_cast %swap3A_174 : vector<1x16xf32> to vector<16xf32>
    %swap3A_176 = vector.shape_cast %broadcast_in_dim3A_3 : vector<16xf32> to vector<1x16xf32>
    tpu.vector_store %arg9[%swap3A_172, %swap3A_173], %swap3A_176 {strides = array<i32>} : memref<16x128xf32, #tpu.memory_space<vmem>>, vector<1x16xf32>,
    %swap3A_177 = arith.constant 3 : i32
    %swap3A_178 = arith.index_cast %swap3A_177 : i32 to index
    %swap3A_179 = arith.constant 80 : index
    %swap3A_180 = tpu.vector_load %arg9[%swap3A_178, %swap3A_179] {strides = array<i32>} : memref<16x128xf32, #tpu.memory_space<vmem>>, vector<1x16xf32>,
    %swap3A_181 = vector.shape_cast %swap3A_180 : vector<1x16xf32> to vector<16xf32>
    %swap3A_182 = vector.shape_cast %broadcast_in_dim3A_3 : vector<16xf32> to vector<1x16xf32>
    tpu.vector_store %arg9[%swap3A_178, %swap3A_179], %swap3A_182 {strides = array<i32>} : memref<16x128xf32, #tpu.memory_space<vmem>>, vector<1x16xf32>,
    %swap3A_183 = arith.constant 3 : i32
    %swap3A_184 = arith.index_cast %swap3A_183 : i32 to index
    %swap3A_185 = arith.constant 96 : index
    %swap3A_186 = tpu.vector_load %arg9[%swap3A_184, %swap3A_185] {strides = array<i32>} : memref<16x128xf32, #tpu.memory_space<vmem>>, vector<1x16xf32>,
    %swap3A_187 = vector.shape_cast %swap3A_186 : vector<1x16xf32> to vector<16xf32>
    %swap3A_188 = vector.shape_cast %broadcast_in_dim3A_3 : vector<16xf32> to vector<1x16xf32>
    tpu.vector_store %arg9[%swap3A_184, %swap3A_185], %swap3A_188 {strides = array<i32>} : memref<16x128xf32, #tpu.memory_space<vmem>>, vector<1x16xf32>,
    %swap3A_189 = arith.constant 3 : i32
    %swap3A_190 = arith.index_cast %swap3A_189 : i32 to index
    %swap3A_191 = arith.constant 112 : index
    %swap3A_192 = tpu.vector_load %arg9[%swap3A_190, %swap3A_191] {strides = array<i32>} : memref<16x128xf32, #tpu.memory_space<vmem>>, vector<1x16xf32>,
    %swap3A_193 = vector.shape_cast %swap3A_192 : vector<1x16xf32> to vector<16xf32>
    %swap3A_194 = vector.shape_cast %broadcast_in_dim3A_3 : vector<16xf32> to vector<1x16xf32>
    tpu.vector_store %arg9[%swap3A_190, %swap3A_191], %swap3A_194 {strides = array<i32>} : memref<16x128xf32, #tpu.memory_space<vmem>>, vector<1x16xf32>,
    %swap3A_195 = arith.constant 4 : i32
    %swap3A_196 = arith.index_cast %swap3A_195 : i32 to index
    %swap3A_197 = arith.constant 0 : index
    %swap3A_198 = tpu.vector_load %arg9[%swap3A_196, %swap3A_197] {strides = array<i32>} : memref<16x128xf32, #tpu.memory_space<vmem>>, vector<1x16xf32>,
    %swap3A_199 = vector.shape_cast %swap3A_198 : vector<1x16xf32> to vector<16xf32>
    %swap3A_200 = vector.shape_cast %broadcast_in_dim3A_3 : vector<16xf32> to vector<1x16xf32>
    tpu.vector_store %arg9[%swap3A_196, %swap3A_197], %swap3A_200 {strides = array<i32>} : memref<16x128xf32, #tpu.memory_space<vmem>>, vector<1x16xf32>,
    %swap3A_201 = arith.constant 4 : i32
    %swap3A_202 = arith.index_cast %swap3A_201 : i32 to index
    %swap3A_203 = arith.constant 16 : index
    %swap3A_204 = tpu.vector_load %arg9[%swap3A_202, %swap3A_203] {strides = array<i32>} : memref<16x128xf32, #tpu.memory_space<vmem>>, vector<1x16xf32>,
    %swap3A_205 = vector.shape_cast %swap3A_204 : vector<1x16xf32> to vector<16xf32>
    %swap3A_206 = vector.shape_cast %broadcast_in_dim3A_3 : vector<16xf32> to vector<1x16xf32>
    tpu.vector_store %arg9[%swap3A_202, %swap3A_203], %swap3A_206 {strides = array<i32>} : memref<16x128xf32, #tpu.memory_space<vmem>>, vector<1x16xf32>,
    %swap3A_207 = arith.constant 4 : i32
    %swap3A_208 = arith.index_cast %swap3A_207 : i32 to index
    %swap3A_209 = arith.constant 32 : index
    %swap3A_210 = tpu.vector_load %arg9[%swap3A_208, %swap3A_209] {strides = array<i32>} : memref<16x128xf32, #tpu.memory_space<vmem>>, vector<1x16xf32>,
    %swap3A_211 = vector.shape_cast %swap3A_210 : vector<1x16xf32> to vector<16xf32>
    %swap3A_212 = vector.shape_cast %broadcast_in_dim3A_3 : vector<16xf32> to vector<1x16xf32>
    tpu.vector_store %arg9[%swap3A_208, %swap3A_209], %swap3A_212 {strides = array<i32>} : memref<16x128xf32, #tpu.memory_space<vmem>>, vector<1x16xf32>,
    %swap3A_213 = arith.constant 4 : i32
    %swap3A_214 = arith.index_cast %swap3A_213 : i32 to index
    %swap3A_215 = arith.constant 48 : index
    %swap3A_216 = tpu.vector_load %arg9[%swap3A_214, %swap3A_215] {strides = array<i32>} : memref<16x128xf32, #tpu.memory_space<vmem>>, vector<1x16xf32>,
    %swap3A_217 = vector.shape_cast %swap3A_216 : vector<1x16xf32> to vector<16xf32>
    %swap3A_218 = vector.shape_cast %broadcast_in_dim3A_3 : vector<16xf32> to vector<1x16xf32>
    tpu.vector_store %arg9[%swap3A_214, %swap3A_215], %swap3A_218 {strides = array<i32>} : memref<16x128xf32, #tpu.memory_space<vmem>>, vector<1x16xf32>,
    %swap3A_219 = arith.constant 4 : i32
    %swap3A_220 = arith.index_cast %swap3A_219 : i32 to index
    %swap3A_221 = arith.constant 64 : index
    %swap3A_222 = tpu.vector_load %arg9[%swap3A_220, %swap3A_221] {strides = array<i32>} : memref<16x128xf32, #tpu.memory_space<vmem>>, vector<1x16xf32>,
    %swap3A_223 = vector.shape_cast %swap3A_222 : vector<1x16xf32> to vector<16xf32>
    %swap3A_224 = vector.shape_cast %broadcast_in_dim3A_3 : vector<16xf32> to vector<1x16xf32>
    tpu.vector_store %arg9[%swap3A_220, %swap3A_221], %swap3A_224 {strides = array<i32>} : memref<16x128xf32, #tpu.memory_space<vmem>>, vector<1x16xf32>,
    %swap3A_225 = arith.constant 4 : i32
    %swap3A_226 = arith.index_cast %swap3A_225 : i32 to index
    %swap3A_227 = arith.constant 80 : index
    %swap3A_228 = tpu.vector_load %arg9[%swap3A_226, %swap3A_227] {strides = array<i32>} : memref<16x128xf32, #tpu.memory_space<vmem>>, vector<1x16xf32>,
    %swap3A_229 = vector.shape_cast %swap3A_228 : vector<1x16xf32> to vector<16xf32>
    %swap3A_230 = vector.shape_cast %broadcast_in_dim3A_3 : vector<16xf32> to vector<1x16xf32>
    tpu.vector_store %arg9[%swap3A_226, %swap3A_227], %swap3A_230 {strides = array<i32>} : memref<16x128xf32, #tpu.memory_space<vmem>>, vector<1x16xf32>,
    %swap3A_231 = arith.constant 4 : i32
    %swap3A_232 = arith.index_cast %swap3A_231 : i32 to index
    %swap3A_233 = arith.constant 96 : index
    %swap3A_234 = tpu.vector_load %arg9[%swap3A_232, %swap3A_233] {strides = array<i32>} : memref<16x128xf32, #tpu.memory_space<vmem>>, vector<1x16xf32>,
    %swap3A_235 = vector.shape_cast %swap3A_234 : vector<1x16xf32> to vector<16xf32>
    %swap3A_236 = vector.shape_cast %broadcast_in_dim3A_3 : vector<16xf32> to vector<1x16xf32>
    tpu.vector_store %arg9[%swap3A_232, %swap3A_233], %swap3A_236 {strides = array<i32>} : memref<16x128xf32, #tpu.memory_space<vmem>>, vector<1x16xf32>,
    %swap3A_237 = arith.constant 4 : i32
    %swap3A_238 = arith.index_cast %swap3A_237 : i32 to index
    %swap3A_239 = arith.constant 112 : index
    %swap3A_240 = tpu.vector_load %arg9[%swap3A_238, %swap3A_239] {strides = array<i32>} : memref<16x128xf32, #tpu.memory_space<vmem>>, vector<1x16xf32>,
    %swap3A_241 = vector.shape_cast %swap3A_240 : vector<1x16xf32> to vector<16xf32>
    %swap3A_242 = vector.shape_cast %broadcast_in_dim3A_3 : vector<16xf32> to vector<1x16xf32>
    tpu.vector_store %arg9[%swap3A_238, %swap3A_239], %swap3A_242 {strides = array<i32>} : memref<16x128xf32, #tpu.memory_space<vmem>>, vector<1x16xf32>,
    %swap3A_243 = arith.constant 5 : i32
    %swap3A_244 = arith.index_cast %swap3A_243 : i32 to index
    %swap3A_245 = arith.constant 0 : index
    %swap3A_246 = tpu.vector_load %arg9[%swap3A_244, %swap3A_245] {strides = array<i32>} : memref<16x128xf32, #tpu.memory_space<vmem>>, vector<1x16xf32>,
    %swap3A_247 = vector.shape_cast %swap3A_246 : vector<1x16xf32> to vector<16xf32>
    %swap3A_248 = vector.shape_cast %broadcast_in_dim3A_3 : vector<16xf32> to vector<1x16xf32>
    tpu.vector_store %arg9[%swap3A_244, %swap3A_245], %swap3A_248 {strides = array<i32>} : memref<16x128xf32, #tpu.memory_space<vmem>>, vector<1x16xf32>,
    %swap3A_249 = arith.constant 5 : i32
    %swap3A_250 = arith.index_cast %swap3A_249 : i32 to index
    %swap3A_251 = arith.constant 16 : index
    %swap3A_252 = tpu.vector_load %arg9[%swap3A_250, %swap3A_251] {strides = array<i32>} : memref<16x128xf32, #tpu.memory_space<vmem>>, vector<1x16xf32>,
    %swap3A_253 = vector.shape_cast %swap3A_252 : vector<1x16xf32> to vector<16xf32>
    %swap3A_254 = vector.shape_cast %broadcast_in_dim3A_3 : vector<16xf32> to vector<1x16xf32>
    tpu.vector_store %arg9[%swap3A_250, %swap3A_251], %swap3A_254 {strides = array<i32>} : memref<16x128xf32, #tpu.memory_space<vmem>>, vector<1x16xf32>,
    %swap3A_255 = arith.constant 5 : i32
    %swap3A_256 = arith.index_cast %swap3A_255 : i32 to index
    %swap3A_257 = arith.constant 32 : index
    %swap3A_258 = tpu.vector_load %arg9[%swap3A_256, %swap3A_257] {strides = array<i32>} : memref<16x128xf32, #tpu.memory_space<vmem>>, vector<1x16xf32>,
    %swap3A_259 = vector.shape_cast %swap3A_258 : vector<1x16xf32> to vector<16xf32>
    %swap3A_260 = vector.shape_cast %broadcast_in_dim3A_3 : vector<16xf32> to vector<1x16xf32>
    tpu.vector_store %arg9[%swap3A_256, %swap3A_257], %swap3A_260 {strides = array<i32>} : memref<16x128xf32, #tpu.memory_space<vmem>>, vector<1x16xf32>,
    %swap3A_261 = arith.constant 5 : i32
    %swap3A_262 = arith.index_cast %swap3A_261 : i32 to index
    %swap3A_263 = arith.constant 48 : index
    %swap3A_264 = tpu.vector_load %arg9[%swap3A_262, %swap3A_263] {strides = array<i32>} : memref<16x128xf32, #tpu.memory_space<vmem>>, vector<1x16xf32>,
    %swap3A_265 = vector.shape_cast %swap3A_264 : vector<1x16xf32> to vector<16xf32>
    %swap3A_266 = vector.shape_cast %broadcast_in_dim3A_3 : vector<16xf32> to vector<1x16xf32>
    tpu.vector_store %arg9[%swap3A_262, %swap3A_263], %swap3A_266 {strides = array<i32>} : memref<16x128xf32, #tpu.memory_space<vmem>>, vector<1x16xf32>,
    %swap3A_267 = arith.constant 5 : i32
    %swap3A_268 = arith.index_cast %swap3A_267 : i32 to index
    %swap3A_269 = arith.constant 64 : index
    %swap3A_270 = tpu.vector_load %arg9[%swap3A_268, %swap3A_269] {strides = array<i32>} : memref<16x128xf32, #tpu.memory_space<vmem>>, vector<1x16xf32>,
    %swap3A_271 = vector.shape_cast %swap3A_270 : vector<1x16xf32> to vector<16xf32>
    %swap3A_272 = vector.shape_cast %broadcast_in_dim3A_3 : vector<16xf32> to vector<1x16xf32>
    tpu.vector_store %arg9[%swap3A_268, %swap3A_269], %swap3A_272 {strides = array<i32>} : memref<16x128xf32, #tpu.memory_space<vmem>>, vector<1x16xf32>,
    %swap3A_273 = arith.constant 5 : i32
    %swap3A_274 = arith.index_cast %swap3A_273 : i32 to index
    %swap3A_275 = arith.constant 80 : index
    %swap3A_276 = tpu.vector_load %arg9[%swap3A_274, %swap3A_275] {strides = array<i32>} : memref<16x128xf32, #tpu.memory_space<vmem>>, vector<1x16xf32>,
    %swap3A_277 = vector.shape_cast %swap3A_276 : vector<1x16xf32> to vector<16xf32>
    %swap3A_278 = vector.shape_cast %broadcast_in_dim3A_3 : vector<16xf32> to vector<1x16xf32>
    tpu.vector_store %arg9[%swap3A_274, %swap3A_275], %swap3A_278 {strides = array<i32>} : memref<16x128xf32, #tpu.memory_space<vmem>>, vector<1x16xf32>,
    %swap3A_279 = arith.constant 5 : i32
    %swap3A_280 = arith.index_cast %swap3A_279 : i32 to index
    %swap3A_281 = arith.constant 96 : index
    %swap3A_282 = tpu.vector_load %arg9[%swap3A_280, %swap3A_281] {strides = array<i32>} : memref<16x128xf32, #tpu.memory_space<vmem>>, vector<1x16xf32>,
    %swap3A_283 = vector.shape_cast %swap3A_282 : vector<1x16xf32> to vector<16xf32>
    %swap3A_284 = vector.shape_cast %broadcast_in_dim3A_3 : vector<16xf32> to vector<1x16xf32>
    tpu.vector_store %arg9[%swap3A_280, %swap3A_281], %swap3A_284 {strides = array<i32>} : memref<16x128xf32, #tpu.memory_space<vmem>>, vector<1x16xf32>,
    %swap3A_285 = arith.constant 5 : i32
    %swap3A_286 = arith.index_cast %swap3A_285 : i32 to index
    %swap3A_287 = arith.constant 112 : index
    %swap3A_288 = tpu.vector_load %arg9[%swap3A_286, %swap3A_287] {strides = array<i32>} : memref<16x128xf32, #tpu.memory_space<vmem>>, vector<1x16xf32>,
    %swap3A_289 = vector.shape_cast %swap3A_288 : vector<1x16xf32> to vector<16xf32>
    %swap3A_290 = vector.shape_cast %broadcast_in_dim3A_3 : vector<16xf32> to vector<1x16xf32>
    tpu.vector_store %arg9[%swap3A_286, %swap3A_287], %swap3A_290 {strides = array<i32>} : memref<16x128xf32, #tpu.memory_space<vmem>>, vector<1x16xf32>,
    %swap3A_291 = arith.constant 6 : i32
    %swap3A_292 = arith.index_cast %swap3A_291 : i32 to index
    %swap3A_293 = arith.constant 0 : index
    %swap3A_294 = tpu.vector_load %arg9[%swap3A_292, %swap3A_293] {strides = array<i32>} : memref<16x128xf32, #tpu.memory_space<vmem>>, vector<1x16xf32>,
    %swap3A_295 = vector.shape_cast %swap3A_294 : vector<1x16xf32> to vector<16xf32>
    %swap3A_296 = vector.shape_cast %broadcast_in_dim3A_3 : vector<16xf32> to vector<1x16xf32>
    tpu.vector_store %arg9[%swap3A_292, %swap3A_293], %swap3A_296 {strides = array<i32>} : memref<16x128xf32, #tpu.memory_space<vmem>>, vector<1x16xf32>,
    %swap3A_297 = arith.constant 6 : i32
    %swap3A_298 = arith.index_cast %swap3A_297 : i32 to index
    %swap3A_299 = arith.constant 16 : index
    %swap3A_300 = tpu.vector_load %arg9[%swap3A_298, %swap3A_299] {strides = array<i32>} : memref<16x128xf32, #tpu.memory_space<vmem>>, vector<1x16xf32>,
    %swap3A_301 = vector.shape_cast %swap3A_300 : vector<1x16xf32> to vector<16xf32>
    %swap3A_302 = vector.shape_cast %broadcast_in_dim3A_3 : vector<16xf32> to vector<1x16xf32>
    tpu.vector_store %arg9[%swap3A_298, %swap3A_299], %swap3A_302 {strides = array<i32>} : memref<16x128xf32, #tpu.memory_space<vmem>>, vector<1x16xf32>,
    %swap3A_303 = arith.constant 6 : i32
    %swap3A_304 = arith.index_cast %swap3A_303 : i32 to index
    %swap3A_305 = arith.constant 32 : index
    %swap3A_306 = tpu.vector_load %arg9[%swap3A_304, %swap3A_305] {strides = array<i32>} : memref<16x128xf32, #tpu.memory_space<vmem>>, vector<1x16xf32>,
    %swap3A_307 = vector.shape_cast %swap3A_306 : vector<1x16xf32> to vector<16xf32>
    %swap3A_308 = vector.shape_cast %broadcast_in_dim3A_3 : vector<16xf32> to vector<1x16xf32>
    tpu.vector_store %arg9[%swap3A_304, %swap3A_305], %swap3A_308 {strides = array<i32>} : memref<16x128xf32, #tpu.memory_space<vmem>>, vector<1x16xf32>,
    %swap3A_309 = arith.constant 6 : i32
    %swap3A_310 = arith.index_cast %swap3A_309 : i32 to index
    %swap3A_311 = arith.constant 48 : index
    %swap3A_312 = tpu.vector_load %arg9[%swap3A_310, %swap3A_311] {strides = array<i32>} : memref<16x128xf32, #tpu.memory_space<vmem>>, vector<1x16xf32>,
    %swap3A_313 = vector.shape_cast %swap3A_312 : vector<1x16xf32> to vector<16xf32>
    %swap3A_314 = vector.shape_cast %broadcast_in_dim3A_3 : vector<16xf32> to vector<1x16xf32>
    tpu.vector_store %arg9[%swap3A_310, %swap3A_311], %swap3A_314 {strides = array<i32>} : memref<16x128xf32, #tpu.memory_space<vmem>>, vector<1x16xf32>,
    %swap3A_315 = arith.constant 6 : i32
    %swap3A_316 = arith.index_cast %swap3A_315 : i32 to index
    %swap3A_317 = arith.constant 64 : index
    %swap3A_318 = tpu.vector_load %arg9[%swap3A_316, %swap3A_317] {strides = array<i32>} : memref<16x128xf32, #tpu.memory_space<vmem>>, vector<1x16xf32>,
    %swap3A_319 = vector.shape_cast %swap3A_318 : vector<1x16xf32> to vector<16xf32>
    %swap3A_320 = vector.shape_cast %broadcast_in_dim3A_3 : vector<16xf32> to vector<1x16xf32>
    tpu.vector_store %arg9[%swap3A_316, %swap3A_317], %swap3A_320 {strides = array<i32>} : memref<16x128xf32, #tpu.memory_space<vmem>>, vector<1x16xf32>,
    %swap3A_321 = arith.constant 6 : i32
    %swap3A_322 = arith.index_cast %swap3A_321 : i32 to index
    %swap3A_323 = arith.constant 80 : index
    %swap3A_324 = tpu.vector_load %arg9[%swap3A_322, %swap3A_323] {strides = array<i32>} : memref<16x128xf32, #tpu.memory_space<vmem>>, vector<1x16xf32>,
    %swap3A_325 = vector.shape_cast %swap3A_324 : vector<1x16xf32> to vector<16xf32>
    %swap3A_326 = vector.shape_cast %broadcast_in_dim3A_3 : vector<16xf32> to vector<1x16xf32>
    tpu.vector_store %arg9[%swap3A_322, %swap3A_323], %swap3A_326 {strides = array<i32>} : memref<16x128xf32, #tpu.memory_space<vmem>>, vector<1x16xf32>,
    %swap3A_327 = arith.constant 6 : i32
    %swap3A_328 = arith.index_cast %swap3A_327 : i32 to index
    %swap3A_329 = arith.constant 96 : index
    %swap3A_330 = tpu.vector_load %arg9[%swap3A_328, %swap3A_329] {strides = array<i32>} : memref<16x128xf32, #tpu.memory_space<vmem>>, vector<1x16xf32>,
    %swap3A_331 = vector.shape_cast %swap3A_330 : vector<1x16xf32> to vector<16xf32>
    %swap3A_332 = vector.shape_cast %broadcast_in_dim3A_3 : vector<16xf32> to vector<1x16xf32>
    tpu.vector_store %arg9[%swap3A_328, %swap3A_329], %swap3A_332 {strides = array<i32>} : memref<16x128xf32, #tpu.memory_space<vmem>>, vector<1x16xf32>,
    %swap3A_333 = arith.constant 6 : i32
    %swap3A_334 = arith.index_cast %swap3A_333 : i32 to index
    %swap3A_335 = arith.constant 112 : index
    %swap3A_336 = tpu.vector_load %arg9[%swap3A_334, %swap3A_335] {strides = array<i32>} : memref<16x128xf32, #tpu.memory_space<vmem>>, vector<1x16xf32>,
    %swap3A_337 = vector.shape_cast %swap3A_336 : vector<1x16xf32> to vector<16xf32>
    %swap3A_338 = vector.shape_cast %broadcast_in_dim3A_3 : vector<16xf32> to vector<1x16xf32>
    tpu.vector_store %arg9[%swap3A_334, %swap3A_335], %swap3A_338 {strides = array<i32>} : memref<16x128xf32, #tpu.memory_space<vmem>>, vector<1x16xf32>,
    %swap3A_339 = arith.constant 7 : i32
    %swap3A_340 = arith.index_cast %swap3A_339 : i32 to index
    %swap3A_341 = arith.constant 0 : index
    %swap3A_342 = tpu.vector_load %arg9[%swap3A_340, %swap3A_341] {strides = array<i32>} : memref<16x128xf32, #tpu.memory_space<vmem>>, vector<1x16xf32>,
    %swap3A_343 = vector.shape_cast %swap3A_342 : vector<1x16xf32> to vector<16xf32>
    %swap3A_344 = vector.shape_cast %broadcast_in_dim3A_3 : vector<16xf32> to vector<1x16xf32>
    tpu.vector_store %arg9[%swap3A_340, %swap3A_341], %swap3A_344 {strides = array<i32>} : memref<16x128xf32, #tpu.memory_space<vmem>>, vector<1x16xf32>,
    %swap3A_345 = arith.constant 7 : i32
    %swap3A_346 = arith.index_cast %swap3A_345 : i32 to index
    %swap3A_347 = arith.constant 16 : index
    %swap3A_348 = tpu.vector_load %arg9[%swap3A_346, %swap3A_347] {strides = array<i32>} : memref<16x128xf32, #tpu.memory_space<vmem>>, vector<1x16xf32>,
    %swap3A_349 = vector.shape_cast %swap3A_348 : vector<1x16xf32> to vector<16xf32>
    %swap3A_350 = vector.shape_cast %broadcast_in_dim3A_3 : vector<16xf32> to vector<1x16xf32>
    tpu.vector_store %arg9[%swap3A_346, %swap3A_347], %swap3A_350 {strides = array<i32>} : memref<16x128xf32, #tpu.memory_space<vmem>>, vector<1x16xf32>,
    %swap3A_351 = arith.constant 7 : i32
    %swap3A_352 = arith.index_cast %swap3A_351 : i32 to index
    %swap3A_353 = arith.constant 32 : index
    %swap3A_354 = tpu.vector_load %arg9[%swap3A_352, %swap3A_353] {strides = array<i32>} : memref<16x128xf32, #tpu.memory_space<vmem>>, vector<1x16xf32>,
    %swap3A_355 = vector.shape_cast %swap3A_354 : vector<1x16xf32> to vector<16xf32>
    %swap3A_356 = vector.shape_cast %broadcast_in_dim3A_3 : vector<16xf32> to vector<1x16xf32>
    tpu.vector_store %arg9[%swap3A_352, %swap3A_353], %swap3A_356 {strides = array<i32>} : memref<16x128xf32, #tpu.memory_space<vmem>>, vector<1x16xf32>,
    %swap3A_357 = arith.constant 7 : i32
    %swap3A_358 = arith.index_cast %swap3A_357 : i32 to index
    %swap3A_359 = arith.constant 48 : index
    %swap3A_360 = tpu.vector_load %arg9[%swap3A_358, %swap3A_359] {strides = array<i32>} : memref<16x128xf32, #tpu.memory_space<vmem>>, vector<1x16xf32>,
    %swap3A_361 = vector.shape_cast %swap3A_360 : vector<1x16xf32> to vector<16xf32>
    %swap3A_362 = vector.shape_cast %broadcast_in_dim3A_3 : vector<16xf32> to vector<1x16xf32>
    tpu.vector_store %arg9[%swap3A_358, %swap3A_359], %swap3A_362 {strides = array<i32>} : memref<16x128xf32, #tpu.memory_space<vmem>>, vector<1x16xf32>,
    %swap3A_363 = arith.constant 7 : i32
    %swap3A_364 = arith.index_cast %swap3A_363 : i32 to index
    %swap3A_365 = arith.constant 64 : index
    %swap3A_366 = tpu.vector_load %arg9[%swap3A_364, %swap3A_365] {strides = array<i32>} : memref<16x128xf32, #tpu.memory_space<vmem>>, vector<1x16xf32>,
    %swap3A_367 = vector.shape_cast %swap3A_366 : vector<1x16xf32> to vector<16xf32>
    %swap3A_368 = vector.shape_cast %broadcast_in_dim3A_3 : vector<16xf32> to vector<1x16xf32>
    tpu.vector_store %arg9[%swap3A_364, %swap3A_365], %swap3A_368 {strides = array<i32>} : memref<16x128xf32, #tpu.memory_space<vmem>>, vector<1x16xf32>,
    %swap3A_369 = arith.constant 7 : i32
    %swap3A_370 = arith.index_cast %swap3A_369 : i32 to index
    %swap3A_371 = arith.constant 80 : index
    %swap3A_372 = tpu.vector_load %arg9[%swap3A_370, %swap3A_371] {strides = array<i32>} : memref<16x128xf32, #tpu.memory_space<vmem>>, vector<1x16xf32>,
    %swap3A_373 = vector.shape_cast %swap3A_372 : vector<1x16xf32> to vector<16xf32>
    %swap3A_374 = vector.shape_cast %broadcast_in_dim3A_3 : vector<16xf32> to vector<1x16xf32>
    tpu.vector_store %arg9[%swap3A_370, %swap3A_371], %swap3A_374 {strides = array<i32>} : memref<16x128xf32, #tpu.memory_space<vmem>>, vector<1x16xf32>,
    %swap3A_375 = arith.constant 7 : i32
    %swap3A_376 = arith.index_cast %swap3A_375 : i32 to index
    %swap3A_377 = arith.constant 96 : index
    %swap3A_378 = tpu.vector_load %arg9[%swap3A_376, %swap3A_377] {strides = array<i32>} : memref<16x128xf32, #tpu.memory_space<vmem>>, vector<1x16xf32>,
    %swap3A_379 = vector.shape_cast %swap3A_378 : vector<1x16xf32> to vector<16xf32>
    %swap3A_380 = vector.shape_cast %broadcast_in_dim3A_3 : vector<16xf32> to vector<1x16xf32>
    tpu.vector_store %arg9[%swap3A_376, %swap3A_377], %swap3A_380 {strides = array<i32>} : memref<16x128xf32, #tpu.memory_space<vmem>>, vector<1x16xf32>,
    %swap3A_381 = arith.constant 7 : i32
    %swap3A_382 = arith.index_cast %swap3A_381 : i32 to index
    %swap3A_383 = arith.constant 112 : index
    %swap3A_384 = tpu.vector_load %arg9[%swap3A_382, %swap3A_383] {strides = array<i32>} : memref<16x128xf32, #tpu.memory_space<vmem>>, vector<1x16xf32>,
    %swap3A_385 = vector.shape_cast %swap3A_384 : vector<1x16xf32> to vector<16xf32>
    %swap3A_386 = vector.shape_cast %broadcast_in_dim3A_3 : vector<16xf32> to vector<1x16xf32>
    tpu.vector_store %arg9[%swap3A_382, %swap3A_383], %swap3A_386 {strides = array<i32>} : memref<16x128xf32, #tpu.memory_space<vmem>>, vector<1x16xf32>,
    %swap3A_387 = arith.constant 8 : i32
    %swap3A_388 = arith.index_cast %swap3A_387 : i32 to index
    %swap3A_389 = arith.constant 0 : index
    %swap3A_390 = tpu.vector_load %arg9[%swap3A_388, %swap3A_389] {strides = array<i32>} : memref<16x128xf32, #tpu.memory_space<vmem>>, vector<1x16xf32>,
    %swap3A_391 = vector.shape_cast %swap3A_390 : vector<1x16xf32> to vector<16xf32>
    %swap3A_392 = vector.shape_cast %broadcast_in_dim3A_3 : vector<16xf32> to vector<1x16xf32>
    tpu.vector_store %arg9[%swap3A_388, %swap3A_389], %swap3A_392 {strides = array<i32>} : memref<16x128xf32, #tpu.memory_space<vmem>>, vector<1x16xf32>,
    %swap3A_393 = arith.constant 8 : i32
    %swap3A_394 = arith.index_cast %swap3A_393 : i32 to index
    %swap3A_395 = arith.constant 16 : index
    %swap3A_396 = tpu.vector_load %arg9[%swap3A_394, %swap3A_395] {strides = array<i32>} : memref<16x128xf32, #tpu.memory_space<vmem>>, vector<1x16xf32>,
    %swap3A_397 = vector.shape_cast %swap3A_396 : vector<1x16xf32> to vector<16xf32>
    %swap3A_398 = vector.shape_cast %broadcast_in_dim3A_3 : vector<16xf32> to vector<1x16xf32>
    tpu.vector_store %arg9[%swap3A_394, %swap3A_395], %swap3A_398 {strides = array<i32>} : memref<16x128xf32, #tpu.memory_space<vmem>>, vector<1x16xf32>,
    %swap3A_399 = arith.constant 8 : i32
    %swap3A_400 = arith.index_cast %swap3A_399 : i32 to index
    %swap3A_401 = arith.constant 32 : index
    %swap3A_402 = tpu.vector_load %arg9[%swap3A_400, %swap3A_401] {strides = array<i32>} : memref<16x128xf32, #tpu.memory_space<vmem>>, vector<1x16xf32>,
    %swap3A_403 = vector.shape_cast %swap3A_402 : vector<1x16xf32> to vector<16xf32>
    %swap3A_404 = vector.shape_cast %broadcast_in_dim3A_3 : vector<16xf32> to vector<1x16xf32>
    tpu.vector_store %arg9[%swap3A_400, %swap3A_401], %swap3A_404 {strides = array<i32>} : memref<16x128xf32, #tpu.memory_space<vmem>>, vector<1x16xf32>,
    %swap3A_405 = arith.constant 8 : i32
    %swap3A_406 = arith.index_cast %swap3A_405 : i32 to index
    %swap3A_407 = arith.constant 48 : index
    %swap3A_408 = tpu.vector_load %arg9[%swap3A_406, %swap3A_407] {strides = array<i32>} : memref<16x128xf32, #tpu.memory_space<vmem>>, vector<1x16xf32>,
    %swap3A_409 = vector.shape_cast %swap3A_408 : vector<1x16xf32> to vector<16xf32>
    %swap3A_410 = vector.shape_cast %broadcast_in_dim3A_3 : vector<16xf32> to vector<1x16xf32>
    tpu.vector_store %arg9[%swap3A_406, %swap3A_407], %swap3A_410 {strides = array<i32>} : memref<16x128xf32, #tpu.memory_space<vmem>>, vector<1x16xf32>,
    %swap3A_411 = arith.constant 8 : i32
    %swap3A_412 = arith.index_cast %swap3A_411 : i32 to index
    %swap3A_413 = arith.constant 64 : index
    %swap3A_414 = tpu.vector_load %arg9[%swap3A_412, %swap3A_413] {strides = array<i32>} : memref<16x128xf32, #tpu.memory_space<vmem>>, vector<1x16xf32>,
    %swap3A_415 = vector.shape_cast %swap3A_414 : vector<1x16xf32> to vector<16xf32>
    %swap3A_416 = vector.shape_cast %broadcast_in_dim3A_3 : vector<16xf32> to vector<1x16xf32>
    tpu.vector_store %arg9[%swap3A_412, %swap3A_413], %swap3A_416 {strides = array<i32>} : memref<16x128xf32, #tpu.memory_space<vmem>>, vector<1x16xf32>,
    %swap3A_417 = arith.constant 8 : i32
    %swap3A_418 = arith.index_cast %swap3A_417 : i32 to index
    %swap3A_419 = arith.constant 80 : index
    %swap3A_420 = tpu.vector_load %arg9[%swap3A_418, %swap3A_419] {strides = array<i32>} : memref<16x128xf32, #tpu.memory_space<vmem>>, vector<1x16xf32>,
    %swap3A_421 = vector.shape_cast %swap3A_420 : vector<1x16xf32> to vector<16xf32>
    %swap3A_422 = vector.shape_cast %broadcast_in_dim3A_3 : vector<16xf32> to vector<1x16xf32>
    tpu.vector_store %arg9[%swap3A_418, %swap3A_419], %swap3A_422 {strides = array<i32>} : memref<16x128xf32, #tpu.memory_space<vmem>>, vector<1x16xf32>,
    %swap3A_423 = arith.constant 8 : i32
    %swap3A_424 = arith.index_cast %swap3A_423 : i32 to index
    %swap3A_425 = arith.constant 96 : index
    %swap3A_426 = tpu.vector_load %arg9[%swap3A_424, %swap3A_425] {strides = array<i32>} : memref<16x128xf32, #tpu.memory_space<vmem>>, vector<1x16xf32>,
    %swap3A_427 = vector.shape_cast %swap3A_426 : vector<1x16xf32> to vector<16xf32>
    %swap3A_428 = vector.shape_cast %broadcast_in_dim3A_3 : vector<16xf32> to vector<1x16xf32>
    tpu.vector_store %arg9[%swap3A_424, %swap3A_425], %swap3A_428 {strides = array<i32>} : memref<16x128xf32, #tpu.memory_space<vmem>>, vector<1x16xf32>,
    %swap3A_429 = arith.constant 8 : i32
    %swap3A_430 = arith.index_cast %swap3A_429 : i32 to index
    %swap3A_431 = arith.constant 112 : index
    %swap3A_432 = tpu.vector_load %arg9[%swap3A_430, %swap3A_431] {strides = array<i32>} : memref<16x128xf32, #tpu.memory_space<vmem>>, vector<1x16xf32>,
    %swap3A_433 = vector.shape_cast %swap3A_432 : vector<1x16xf32> to vector<16xf32>
    %swap3A_434 = vector.shape_cast %broadcast_in_dim3A_3 : vector<16xf32> to vector<1x16xf32>
    tpu.vector_store %arg9[%swap3A_430, %swap3A_431], %swap3A_434 {strides = array<i32>} : memref<16x128xf32, #tpu.memory_space<vmem>>, vector<1x16xf32>,
    %swap3A_435 = arith.constant 9 : i32
    %swap3A_436 = arith.index_cast %swap3A_435 : i32 to index
    %swap3A_437 = arith.constant 0 : index
    %swap3A_438 = tpu.vector_load %arg9[%swap3A_436, %swap3A_437] {strides = array<i32>} : memref<16x128xf32, #tpu.memory_space<vmem>>, vector<1x16xf32>,
    %swap3A_439 = vector.shape_cast %swap3A_438 : vector<1x16xf32> to vector<16xf32>
    %swap3A_440 = vector.shape_cast %broadcast_in_dim3A_3 : vector<16xf32> to vector<1x16xf32>
    tpu.vector_store %arg9[%swap3A_436, %swap3A_437], %swap3A_440 {strides = array<i32>} : memref<16x128xf32, #tpu.memory_space<vmem>>, vector<1x16xf32>,
    %swap3A_441 = arith.constant 9 : i32
    %swap3A_442 = arith.index_cast %swap3A_441 : i32 to index
    %swap3A_443 = arith.constant 16 : index
    %swap3A_444 = tpu.vector_load %arg9[%swap3A_442, %swap3A_443] {strides = array<i32>} : memref<16x128xf32, #tpu.memory_space<vmem>>, vector<1x16xf32>,
    %swap3A_445 = vector.shape_cast %swap3A_444 : vector<1x16xf32> to vector<16xf32>
    %swap3A_446 = vector.shape_cast %broadcast_in_dim3A_3 : vector<16xf32> to vector<1x16xf32>
    tpu.vector_store %arg9[%swap3A_442, %swap3A_443], %swap3A_446 {strides = array<i32>} : memref<16x128xf32, #tpu.memory_space<vmem>>, vector<1x16xf32>,
    %swap3A_447 = arith.constant 9 : i32
    %swap3A_448 = arith.index_cast %swap3A_447 : i32 to index
    %swap3A_449 = arith.constant 32 : index
    %swap3A_450 = tpu.vector_load %arg9[%swap3A_448, %swap3A_449] {strides = array<i32>} : memref<16x128xf32, #tpu.memory_space<vmem>>, vector<1x16xf32>,
    %swap3A_451 = vector.shape_cast %swap3A_450 : vector<1x16xf32> to vector<16xf32>
    %swap3A_452 = vector.shape_cast %broadcast_in_dim3A_3 : vector<16xf32> to vector<1x16xf32>
    tpu.vector_store %arg9[%swap3A_448, %swap3A_449], %swap3A_452 {strides = array<i32>} : memref<16x128xf32, #tpu.memory_space<vmem>>, vector<1x16xf32>,
    %swap3A_453 = arith.constant 9 : i32
    %swap3A_454 = arith.index_cast %swap3A_453 : i32 to index
    %swap3A_455 = arith.constant 48 : index
    %swap3A_456 = tpu.vector_load %arg9[%swap3A_454, %swap3A_455] {strides = array<i32>} : memref<16x128xf32, #tpu.memory_space<vmem>>, vector<1x16xf32>,
    %swap3A_457 = vector.shape_cast %swap3A_456 : vector<1x16xf32> to vector<16xf32>
    %swap3A_458 = vector.shape_cast %broadcast_in_dim3A_3 : vector<16xf32> to vector<1x16xf32>
    tpu.vector_store %arg9[%swap3A_454, %swap3A_455], %swap3A_458 {strides = array<i32>} : memref<16x128xf32, #tpu.memory_space<vmem>>, vector<1x16xf32>,
    %swap3A_459 = arith.constant 9 : i32
    %swap3A_460 = arith.index_cast %swap3A_459 : i32 to index
    %swap3A_461 = arith.constant 64 : index
    %swap3A_462 = tpu.vector_load %arg9[%swap3A_460, %swap3A_461] {strides = array<i32>} : memref<16x128xf32, #tpu.memory_space<vmem>>, vector<1x16xf32>,
    %swap3A_463 = vector.shape_cast %swap3A_462 : vector<1x16xf32> to vector<16xf32>
    %swap3A_464 = vector.shape_cast %broadcast_in_dim3A_3 : vector<16xf32> to vector<1x16xf32>
    tpu.vector_store %arg9[%swap3A_460, %swap3A_461], %swap3A_464 {strides = array<i32>} : memref<16x128xf32, #tpu.memory_space<vmem>>, vector<1x16xf32>,
    %swap3A_465 = arith.constant 9 : i32
    %swap3A_466 = arith.index_cast %swap3A_465 : i32 to index
    %swap3A_467 = arith.constant 80 : index
    %swap3A_468 = tpu.vector_load %arg9[%swap3A_466, %swap3A_467] {strides = array<i32>} : memref<16x128xf32, #tpu.memory_space<vmem>>, vector<1x16xf32>,
    %swap3A_469 = vector.shape_cast %swap3A_468 : vector<1x16xf32> to vector<16xf32>
    %swap3A_470 = vector.shape_cast %broadcast_in_dim3A_3 : vector<16xf32> to vector<1x16xf32>
    tpu.vector_store %arg9[%swap3A_466, %swap3A_467], %swap3A_470 {strides = array<i32>} : memref<16x128xf32, #tpu.memory_space<vmem>>, vector<1x16xf32>,
    %swap3A_471 = arith.constant 9 : i32
    %swap3A_472 = arith.index_cast %swap3A_471 : i32 to index
    %swap3A_473 = arith.constant 96 : index
    %swap3A_474 = tpu.vector_load %arg9[%swap3A_472, %swap3A_473] {strides = array<i32>} : memref<16x128xf32, #tpu.memory_space<vmem>>, vector<1x16xf32>,
    %swap3A_475 = vector.shape_cast %swap3A_474 : vector<1x16xf32> to vector<16xf32>
    %swap3A_476 = vector.shape_cast %broadcast_in_dim3A_3 : vector<16xf32> to vector<1x16xf32>
    tpu.vector_store %arg9[%swap3A_472, %swap3A_473], %swap3A_476 {strides = array<i32>} : memref<16x128xf32, #tpu.memory_space<vmem>>, vector<1x16xf32>,
    %swap3A_477 = arith.constant 9 : i32
    %swap3A_478 = arith.index_cast %swap3A_477 : i32 to index
    %swap3A_479 = arith.constant 112 : index
    %swap3A_480 = tpu.vector_load %arg9[%swap3A_478, %swap3A_479] {strides = array<i32>} : memref<16x128xf32, #tpu.memory_space<vmem>>, vector<1x16xf32>,
    %swap3A_481 = vector.shape_cast %swap3A_480 : vector<1x16xf32> to vector<16xf32>
    %swap3A_482 = vector.shape_cast %broadcast_in_dim3A_3 : vector<16xf32> to vector<1x16xf32>
    tpu.vector_store %arg9[%swap3A_478, %swap3A_479], %swap3A_482 {strides = array<i32>} : memref<16x128xf32, #tpu.memory_space<vmem>>, vector<1x16xf32>,
    %swap3A_483 = arith.constant 10 : i32
    %swap3A_484 = arith.index_cast %swap3A_483 : i32 to index
    %swap3A_485 = arith.constant 0 : index
    %swap3A_486 = tpu.vector_load %arg9[%swap3A_484, %swap3A_485] {strides = array<i32>} : memref<16x128xf32, #tpu.memory_space<vmem>>, vector<1x16xf32>,
    %swap3A_487 = vector.shape_cast %swap3A_486 : vector<1x16xf32> to vector<16xf32>
    %swap3A_488 = vector.shape_cast %broadcast_in_dim3A_3 : vector<16xf32> to vector<1x16xf32>
    tpu.vector_store %arg9[%swap3A_484, %swap3A_485], %swap3A_488 {strides = array<i32>} : memref<16x128xf32, #tpu.memory_space<vmem>>, vector<1x16xf32>,
    %swap3A_489 = arith.constant 10 : i32
    %swap3A_490 = arith.index_cast %swap3A_489 : i32 to index
    %swap3A_491 = arith.constant 16 : index
    %swap3A_492 = tpu.vector_load %arg9[%swap3A_490, %swap3A_491] {strides = array<i32>} : memref<16x128xf32, #tpu.memory_space<vmem>>, vector<1x16xf32>,
    %swap3A_493 = vector.shape_cast %swap3A_492 : vector<1x16xf32> to vector<16xf32>
    %swap3A_494 = vector.shape_cast %broadcast_in_dim3A_3 : vector<16xf32> to vector<1x16xf32>
    tpu.vector_store %arg9[%swap3A_490, %swap3A_491], %swap3A_494 {strides = array<i32>} : memref<16x128xf32, #tpu.memory_space<vmem>>, vector<1x16xf32>,
    %swap3A_495 = arith.constant 10 : i32
    %swap3A_496 = arith.index_cast %swap3A_495 : i32 to index
    %swap3A_497 = arith.constant 32 : index
    %swap3A_498 = tpu.vector_load %arg9[%swap3A_496, %swap3A_497] {strides = array<i32>} : memref<16x128xf32, #tpu.memory_space<vmem>>, vector<1x16xf32>,
    %swap3A_499 = vector.shape_cast %swap3A_498 : vector<1x16xf32> to vector<16xf32>
    %swap3A_500 = vector.shape_cast %broadcast_in_dim3A_3 : vector<16xf32> to vector<1x16xf32>
    tpu.vector_store %arg9[%swap3A_496, %swap3A_497], %swap3A_500 {strides = array<i32>} : memref<16x128xf32, #tpu.memory_space<vmem>>, vector<1x16xf32>,
    %swap3A_501 = arith.constant 10 : i32
    %swap3A_502 = arith.index_cast %swap3A_501 : i32 to index
    %swap3A_503 = arith.constant 48 : index
    %swap3A_504 = tpu.vector_load %arg9[%swap3A_502, %swap3A_503] {strides = array<i32>} : memref<16x128xf32, #tpu.memory_space<vmem>>, vector<1x16xf32>,
    %swap3A_505 = vector.shape_cast %swap3A_504 : vector<1x16xf32> to vector<16xf32>
    %swap3A_506 = vector.shape_cast %broadcast_in_dim3A_3 : vector<16xf32> to vector<1x16xf32>
    tpu.vector_store %arg9[%swap3A_502, %swap3A_503], %swap3A_506 {strides = array<i32>} : memref<16x128xf32, #tpu.memory_space<vmem>>, vector<1x16xf32>,
    %swap3A_507 = arith.constant 10 : i32
    %swap3A_508 = arith.index_cast %swap3A_507 : i32 to index
    %swap3A_509 = arith.constant 64 : index
    %swap3A_510 = tpu.vector_load %arg9[%swap3A_508, %swap3A_509] {strides = array<i32>} : memref<16x128xf32, #tpu.memory_space<vmem>>, vector<1x16xf32>,
    %swap3A_511 = vector.shape_cast %swap3A_510 : vector<1x16xf32> to vector<16xf32>
    %swap3A_512 = vector.shape_cast %broadcast_in_dim3A_3 : vector<16xf32> to vector<1x16xf32>
    tpu.vector_store %arg9[%swap3A_508, %swap3A_509], %swap3A_512 {strides = array<i32>} : memref<16x128xf32, #tpu.memory_space<vmem>>, vector<1x16xf32>,
    %swap3A_513 = arith.constant 10 : i32
    %swap3A_514 = arith.index_cast %swap3A_513 : i32 to index
    %swap3A_515 = arith.constant 80 : index
    %swap3A_516 = tpu.vector_load %arg9[%swap3A_514, %swap3A_515] {strides = array<i32>} : memref<16x128xf32, #tpu.memory_space<vmem>>, vector<1x16xf32>,
    %swap3A_517 = vector.shape_cast %swap3A_516 : vector<1x16xf32> to vector<16xf32>
    %swap3A_518 = vector.shape_cast %broadcast_in_dim3A_3 : vector<16xf32> to vector<1x16xf32>
    tpu.vector_store %arg9[%swap3A_514, %swap3A_515], %swap3A_518 {strides = array<i32>} : memref<16x128xf32, #tpu.memory_space<vmem>>, vector<1x16xf32>,
    %swap3A_519 = arith.constant 10 : i32
    %swap3A_520 = arith.index_cast %swap3A_519 : i32 to index
    %swap3A_521 = arith.constant 96 : index
    %swap3A_522 = tpu.vector_load %arg9[%swap3A_520, %swap3A_521] {strides = array<i32>} : memref<16x128xf32, #tpu.memory_space<vmem>>, vector<1x16xf32>,
    %swap3A_523 = vector.shape_cast %swap3A_522 : vector<1x16xf32> to vector<16xf32>
    %swap3A_524 = vector.shape_cast %broadcast_in_dim3A_3 : vector<16xf32> to vector<1x16xf32>
    tpu.vector_store %arg9[%swap3A_520, %swap3A_521], %swap3A_524 {strides = array<i32>} : memref<16x128xf32, #tpu.memory_space<vmem>>, vector<1x16xf32>,
    %swap3A_525 = arith.constant 10 : i32
    %swap3A_526 = arith.index_cast %swap3A_525 : i32 to index
    %swap3A_527 = arith.constant 112 : index
    %swap3A_528 = tpu.vector_load %arg9[%swap3A_526, %swap3A_527] {strides = array<i32>} : memref<16x128xf32, #tpu.memory_space<vmem>>, vector<1x16xf32>,
    %swap3A_529 = vector.shape_cast %swap3A_528 : vector<1x16xf32> to vector<16xf32>
    %swap3A_530 = vector.shape_cast %broadcast_in_dim3A_3 : vector<16xf32> to vector<1x16xf32>
    tpu.vector_store %arg9[%swap3A_526, %swap3A_527], %swap3A_530 {strides = array<i32>} : memref<16x128xf32, #tpu.memory_space<vmem>>, vector<1x16xf32>,
    %swap3A_531 = arith.constant 11 : i32
    %swap3A_532 = arith.index_cast %swap3A_531 : i32 to index
    %swap3A_533 = arith.constant 0 : index
    %swap3A_534 = tpu.vector_load %arg9[%swap3A_532, %swap3A_533] {strides = array<i32>} : memref<16x128xf32, #tpu.memory_space<vmem>>, vector<1x16xf32>,
    %swap3A_535 = vector.shape_cast %swap3A_534 : vector<1x16xf32> to vector<16xf32>
    %swap3A_536 = vector.shape_cast %broadcast_in_dim3A_3 : vector<16xf32> to vector<1x16xf32>
    tpu.vector_store %arg9[%swap3A_532, %swap3A_533], %swap3A_536 {strides = array<i32>} : memref<16x128xf32, #tpu.memory_space<vmem>>, vector<1x16xf32>,
    %swap3A_537 = arith.constant 11 : i32
    %swap3A_538 = arith.index_cast %swap3A_537 : i32 to index
    %swap3A_539 = arith.constant 16 : index
    %swap3A_540 = tpu.vector_load %arg9[%swap3A_538, %swap3A_539] {strides = array<i32>} : memref<16x128xf32, #tpu.memory_space<vmem>>, vector<1x16xf32>,
    %swap3A_541 = vector.shape_cast %swap3A_540 : vector<1x16xf32> to vector<16xf32>
    %swap3A_542 = vector.shape_cast %broadcast_in_dim3A_3 : vector<16xf32> to vector<1x16xf32>
    tpu.vector_store %arg9[%swap3A_538, %swap3A_539], %swap3A_542 {strides = array<i32>} : memref<16x128xf32, #tpu.memory_space<vmem>>, vector<1x16xf32>,
    %swap3A_543 = arith.constant 11 : i32
    %swap3A_544 = arith.index_cast %swap3A_543 : i32 to index
    %swap3A_545 = arith.constant 32 : index
    %swap3A_546 = tpu.vector_load %arg9[%swap3A_544, %swap3A_545] {strides = array<i32>} : memref<16x128xf32, #tpu.memory_space<vmem>>, vector<1x16xf32>,
    %swap3A_547 = vector.shape_cast %swap3A_546 : vector<1x16xf32> to vector<16xf32>
    %swap3A_548 = vector.shape_cast %broadcast_in_dim3A_3 : vector<16xf32> to vector<1x16xf32>
    tpu.vector_store %arg9[%swap3A_544, %swap3A_545], %swap3A_548 {strides = array<i32>} : memref<16x128xf32, #tpu.memory_space<vmem>>, vector<1x16xf32>,
    %swap3A_549 = arith.constant 11 : i32
    %swap3A_550 = arith.index_cast %swap3A_549 : i32 to index
    %swap3A_551 = arith.constant 48 : index
    %swap3A_552 = tpu.vector_load %arg9[%swap3A_550, %swap3A_551] {strides = array<i32>} : memref<16x128xf32, #tpu.memory_space<vmem>>, vector<1x16xf32>,
    %swap3A_553 = vector.shape_cast %swap3A_552 : vector<1x16xf32> to vector<16xf32>
    %swap3A_554 = vector.shape_cast %broadcast_in_dim3A_3 : vector<16xf32> to vector<1x16xf32>
    tpu.vector_store %arg9[%swap3A_550, %swap3A_551], %swap3A_554 {strides = array<i32>} : memref<16x128xf32, #tpu.memory_space<vmem>>, vector<1x16xf32>,
    %swap3A_555 = arith.constant 11 : i32
    %swap3A_556 = arith.index_cast %swap3A_555 : i32 to index
    %swap3A_557 = arith.constant 64 : index
    %swap3A_558 = tpu.vector_load %arg9[%swap3A_556, %swap3A_557] {strides = array<i32>} : memref<16x128xf32, #tpu.memory_space<vmem>>, vector<1x16xf32>,
    %swap3A_559 = vector.shape_cast %swap3A_558 : vector<1x16xf32> to vector<16xf32>
    %swap3A_560 = vector.shape_cast %broadcast_in_dim3A_3 : vector<16xf32> to vector<1x16xf32>
    tpu.vector_store %arg9[%swap3A_556, %swap3A_557], %swap3A_560 {strides = array<i32>} : memref<16x128xf32, #tpu.memory_space<vmem>>, vector<1x16xf32>,
    %swap3A_561 = arith.constant 11 : i32
    %swap3A_562 = arith.index_cast %swap3A_561 : i32 to index
    %swap3A_563 = arith.constant 80 : index
    %swap3A_564 = tpu.vector_load %arg9[%swap3A_562, %swap3A_563] {strides = array<i32>} : memref<16x128xf32, #tpu.memory_space<vmem>>, vector<1x16xf32>,
    %swap3A_565 = vector.shape_cast %swap3A_564 : vector<1x16xf32> to vector<16xf32>
    %swap3A_566 = vector.shape_cast %broadcast_in_dim3A_3 : vector<16xf32> to vector<1x16xf32>
    tpu.vector_store %arg9[%swap3A_562, %swap3A_563], %swap3A_566 {strides = array<i32>} : memref<16x128xf32, #tpu.memory_space<vmem>>, vector<1x16xf32>,
    %swap3A_567 = arith.constant 11 : i32
    %swap3A_568 = arith.index_cast %swap3A_567 : i32 to index
    %swap3A_569 = arith.constant 96 : index
    %swap3A_570 = tpu.vector_load %arg9[%swap3A_568, %swap3A_569] {strides = array<i32>} : memref<16x128xf32, #tpu.memory_space<vmem>>, vector<1x16xf32>,
    %swap3A_571 = vector.shape_cast %swap3A_570 : vector<1x16xf32> to vector<16xf32>
    %swap3A_572 = vector.shape_cast %broadcast_in_dim3A_3 : vector<16xf32> to vector<1x16xf32>
    tpu.vector_store %arg9[%swap3A_568, %swap3A_569], %swap3A_572 {strides = array<i32>} : memref<16x128xf32, #tpu.memory_space<vmem>>, vector<1x16xf32>,
    %swap3A_573 = arith.constant 11 : i32
    %swap3A_574 = arith.index_cast %swap3A_573 : i32 to index
    %swap3A_575 = arith.constant 112 : index
    %swap3A_576 = tpu.vector_load %arg9[%swap3A_574, %swap3A_575] {strides = array<i32>} : memref<16x128xf32, #tpu.memory_space<vmem>>, vector<1x16xf32>,
    %swap3A_577 = vector.shape_cast %swap3A_576 : vector<1x16xf32> to vector<16xf32>
    %swap3A_578 = vector.shape_cast %broadcast_in_dim3A_3 : vector<16xf32> to vector<1x16xf32>
    tpu.vector_store %arg9[%swap3A_574, %swap3A_575], %swap3A_578 {strides = array<i32>} : memref<16x128xf32, #tpu.memory_space<vmem>>, vector<1x16xf32>,
    %swap3A_579 = arith.constant 12 : i32
    %swap3A_580 = arith.index_cast %swap3A_579 : i32 to index
    %swap3A_581 = arith.constant 0 : index
    %swap3A_582 = tpu.vector_load %arg9[%swap3A_580, %swap3A_581] {strides = array<i32>} : memref<16x128xf32, #tpu.memory_space<vmem>>, vector<1x16xf32>,
    %swap3A_583 = vector.shape_cast %swap3A_582 : vector<1x16xf32> to vector<16xf32>
    %swap3A_584 = vector.shape_cast %broadcast_in_dim3A_3 : vector<16xf32> to vector<1x16xf32>
    tpu.vector_store %arg9[%swap3A_580, %swap3A_581], %swap3A_584 {strides = array<i32>} : memref<16x128xf32, #tpu.memory_space<vmem>>, vector<1x16xf32>,
    %swap3A_585 = arith.constant 12 : i32
    %swap3A_586 = arith.index_cast %swap3A_585 : i32 to index
    %swap3A_587 = arith.constant 16 : index
    %swap3A_588 = tpu.vector_load %arg9[%swap3A_586, %swap3A_587] {strides = array<i32>} : memref<16x128xf32, #tpu.memory_space<vmem>>, vector<1x16xf32>,
    %swap3A_589 = vector.shape_cast %swap3A_588 : vector<1x16xf32> to vector<16xf32>
    %swap3A_590 = vector.shape_cast %broadcast_in_dim3A_3 : vector<16xf32> to vector<1x16xf32>
    tpu.vector_store %arg9[%swap3A_586, %swap3A_587], %swap3A_590 {strides = array<i32>} : memref<16x128xf32, #tpu.memory_space<vmem>>, vector<1x16xf32>,
    %swap3A_591 = arith.constant 12 : i32
    %swap3A_592 = arith.index_cast %swap3A_591 : i32 to index
    %swap3A_593 = arith.constant 32 : index
    %swap3A_594 = tpu.vector_load %arg9[%swap3A_592, %swap3A_593] {strides = array<i32>} : memref<16x128xf32, #tpu.memory_space<vmem>>, vector<1x16xf32>,
    %swap3A_595 = vector.shape_cast %swap3A_594 : vector<1x16xf32> to vector<16xf32>
    %swap3A_596 = vector.shape_cast %broadcast_in_dim3A_3 : vector<16xf32> to vector<1x16xf32>
    tpu.vector_store %arg9[%swap3A_592, %swap3A_593], %swap3A_596 {strides = array<i32>} : memref<16x128xf32, #tpu.memory_space<vmem>>, vector<1x16xf32>,
    %swap3A_597 = arith.constant 12 : i32
    %swap3A_598 = arith.index_cast %swap3A_597 : i32 to index
    %swap3A_599 = arith.constant 48 : index
    %swap3A_600 = tpu.vector_load %arg9[%swap3A_598, %swap3A_599] {strides = array<i32>} : memref<16x128xf32, #tpu.memory_space<vmem>>, vector<1x16xf32>,
    %swap3A_601 = vector.shape_cast %swap3A_600 : vector<1x16xf32> to vector<16xf32>
    %swap3A_602 = vector.shape_cast %broadcast_in_dim3A_3 : vector<16xf32> to vector<1x16xf32>
    tpu.vector_store %arg9[%swap3A_598, %swap3A_599], %swap3A_602 {strides = array<i32>} : memref<16x128xf32, #tpu.memory_space<vmem>>, vector<1x16xf32>,
    %swap3A_603 = arith.constant 12 : i32
    %swap3A_604 = arith.index_cast %swap3A_603 : i32 to index
    %swap3A_605 = arith.constant 64 : index
    %swap3A_606 = tpu.vector_load %arg9[%swap3A_604, %swap3A_605] {strides = array<i32>} : memref<16x128xf32, #tpu.memory_space<vmem>>, vector<1x16xf32>,
    %swap3A_607 = vector.shape_cast %swap3A_606 : vector<1x16xf32> to vector<16xf32>
    %swap3A_608 = vector.shape_cast %broadcast_in_dim3A_3 : vector<16xf32> to vector<1x16xf32>
    tpu.vector_store %arg9[%swap3A_604, %swap3A_605], %swap3A_608 {strides = array<i32>} : memref<16x128xf32, #tpu.memory_space<vmem>>, vector<1x16xf32>,
    %swap3A_609 = arith.constant 12 : i32
    %swap3A_610 = arith.index_cast %swap3A_609 : i32 to index
    %swap3A_611 = arith.constant 80 : index
    %swap3A_612 = tpu.vector_load %arg9[%swap3A_610, %swap3A_611] {strides = array<i32>} : memref<16x128xf32, #tpu.memory_space<vmem>>, vector<1x16xf32>,
    %swap3A_613 = vector.shape_cast %swap3A_612 : vector<1x16xf32> to vector<16xf32>
    %swap3A_614 = vector.shape_cast %broadcast_in_dim3A_3 : vector<16xf32> to vector<1x16xf32>
    tpu.vector_store %arg9[%swap3A_610, %swap3A_611], %swap3A_614 {strides = array<i32>} : memref<16x128xf32, #tpu.memory_space<vmem>>, vector<1x16xf32>,
    %swap3A_615 = arith.constant 12 : i32
    %swap3A_616 = arith.index_cast %swap3A_615 : i32 to index
    %swap3A_617 = arith.constant 96 : index
    %swap3A_618 = tpu.vector_load %arg9[%swap3A_616, %swap3A_617] {strides = array<i32>} : memref<16x128xf32, #tpu.memory_space<vmem>>, vector<1x16xf32>,
    %swap3A_619 = vector.shape_cast %swap3A_618 : vector<1x16xf32> to vector<16xf32>
    %swap3A_620 = vector.shape_cast %broadcast_in_dim3A_3 : vector<16xf32> to vector<1x16xf32>
    tpu.vector_store %arg9[%swap3A_616, %swap3A_617], %swap3A_620 {strides = array<i32>} : memref<16x128xf32, #tpu.memory_space<vmem>>, vector<1x16xf32>,
    %swap3A_621 = arith.constant 12 : i32
    %swap3A_622 = arith.index_cast %swap3A_621 : i32 to index
    %swap3A_623 = arith.constant 112 : index
    %swap3A_624 = tpu.vector_load %arg9[%swap3A_622, %swap3A_623] {strides = array<i32>} : memref<16x128xf32, #tpu.memory_space<vmem>>, vector<1x16xf32>,
    %swap3A_625 = vector.shape_cast %swap3A_624 : vector<1x16xf32> to vector<16xf32>
    %swap3A_626 = vector.shape_cast %broadcast_in_dim3A_3 : vector<16xf32> to vector<1x16xf32>
    tpu.vector_store %arg9[%swap3A_622, %swap3A_623], %swap3A_626 {strides = array<i32>} : memref<16x128xf32, #tpu.memory_space<vmem>>, vector<1x16xf32>,
    %swap3A_627 = arith.constant 13 : i32
    %swap3A_628 = arith.index_cast %swap3A_627 : i32 to index
    %swap3A_629 = arith.constant 0 : index
    %swap3A_630 = tpu.vector_load %arg9[%swap3A_628, %swap3A_629] {strides = array<i32>} : memref<16x128xf32, #tpu.memory_space<vmem>>, vector<1x16xf32>,
    %swap3A_631 = vector.shape_cast %swap3A_630 : vector<1x16xf32> to vector<16xf32>
    %swap3A_632 = vector.shape_cast %broadcast_in_dim3A_3 : vector<16xf32> to vector<1x16xf32>
    tpu.vector_store %arg9[%swap3A_628, %swap3A_629], %swap3A_632 {strides = array<i32>} : memref<16x128xf32, #tpu.memory_space<vmem>>, vector<1x16xf32>,
    %swap3A_633 = arith.constant 13 : i32
    %swap3A_634 = arith.index_cast %swap3A_633 : i32 to index
    %swap3A_635 = arith.constant 16 : index
    %swap3A_636 = tpu.vector_load %arg9[%swap3A_634, %swap3A_635] {strides = array<i32>} : memref<16x128xf32, #tpu.memory_space<vmem>>, vector<1x16xf32>,
    %swap3A_637 = vector.shape_cast %swap3A_636 : vector<1x16xf32> to vector<16xf32>
    %swap3A_638 = vector.shape_cast %broadcast_in_dim3A_3 : vector<16xf32> to vector<1x16xf32>
    tpu.vector_store %arg9[%swap3A_634, %swap3A_635], %swap3A_638 {strides = array<i32>} : memref<16x128xf32, #tpu.memory_space<vmem>>, vector<1x16xf32>,
    %swap3A_639 = arith.constant 13 : i32
    %swap3A_640 = arith.index_cast %swap3A_639 : i32 to index
    %swap3A_641 = arith.constant 32 : index
    %swap3A_642 = tpu.vector_load %arg9[%swap3A_640, %swap3A_641] {strides = array<i32>} : memref<16x128xf32, #tpu.memory_space<vmem>>, vector<1x16xf32>,
    %swap3A_643 = vector.shape_cast %swap3A_642 : vector<1x16xf32> to vector<16xf32>
    %swap3A_644 = vector.shape_cast %broadcast_in_dim3A_3 : vector<16xf32> to vector<1x16xf32>
    tpu.vector_store %arg9[%swap3A_640, %swap3A_641], %swap3A_644 {strides = array<i32>} : memref<16x128xf32, #tpu.memory_space<vmem>>, vector<1x16xf32>,
    %swap3A_645 = arith.constant 13 : i32
    %swap3A_646 = arith.index_cast %swap3A_645 : i32 to index
    %swap3A_647 = arith.constant 48 : index
    %swap3A_648 = tpu.vector_load %arg9[%swap3A_646, %swap3A_647] {strides = array<i32>} : memref<16x128xf32, #tpu.memory_space<vmem>>, vector<1x16xf32>,
    %swap3A_649 = vector.shape_cast %swap3A_648 : vector<1x16xf32> to vector<16xf32>
    %swap3A_650 = vector.shape_cast %broadcast_in_dim3A_3 : vector<16xf32> to vector<1x16xf32>
    tpu.vector_store %arg9[%swap3A_646, %swap3A_647], %swap3A_650 {strides = array<i32>} : memref<16x128xf32, #tpu.memory_space<vmem>>, vector<1x16xf32>,
    %swap3A_651 = arith.constant 13 : i32
    %swap3A_652 = arith.index_cast %swap3A_651 : i32 to index
    %swap3A_653 = arith.constant 64 : index
    %swap3A_654 = tpu.vector_load %arg9[%swap3A_652, %swap3A_653] {strides = array<i32>} : memref<16x128xf32, #tpu.memory_space<vmem>>, vector<1x16xf32>,
    %swap3A_655 = vector.shape_cast %swap3A_654 : vector<1x16xf32> to vector<16xf32>
    %swap3A_656 = vector.shape_cast %broadcast_in_dim3A_3 : vector<16xf32> to vector<1x16xf32>
    tpu.vector_store %arg9[%swap3A_652, %swap3A_653], %swap3A_656 {strides = array<i32>} : memref<16x128xf32, #tpu.memory_space<vmem>>, vector<1x16xf32>,
    %swap3A_657 = arith.constant 13 : i32
    %swap3A_658 = arith.index_cast %swap3A_657 : i32 to index
    %swap3A_659 = arith.constant 80 : index
    %swap3A_660 = tpu.vector_load %arg9[%swap3A_658, %swap3A_659] {strides = array<i32>} : memref<16x128xf32, #tpu.memory_space<vmem>>, vector<1x16xf32>,
    %swap3A_661 = vector.shape_cast %swap3A_660 : vector<1x16xf32> to vector<16xf32>
    %swap3A_662 = vector.shape_cast %broadcast_in_dim3A_3 : vector<16xf32> to vector<1x16xf32>
    tpu.vector_store %arg9[%swap3A_658, %swap3A_659], %swap3A_662 {strides = array<i32>} : memref<16x128xf32, #tpu.memory_space<vmem>>, vector<1x16xf32>,
    %swap3A_663 = arith.constant 13 : i32
    %swap3A_664 = arith.index_cast %swap3A_663 : i32 to index
    %swap3A_665 = arith.constant 96 : index
    %swap3A_666 = tpu.vector_load %arg9[%swap3A_664, %swap3A_665] {strides = array<i32>} : memref<16x128xf32, #tpu.memory_space<vmem>>, vector<1x16xf32>,
    %swap3A_667 = vector.shape_cast %swap3A_666 : vector<1x16xf32> to vector<16xf32>
    %swap3A_668 = vector.shape_cast %broadcast_in_dim3A_3 : vector<16xf32> to vector<1x16xf32>
    tpu.vector_store %arg9[%swap3A_664, %swap3A_665], %swap3A_668 {strides = array<i32>} : memref<16x128xf32, #tpu.memory_space<vmem>>, vector<1x16xf32>,
    %swap3A_669 = arith.constant 13 : i32
    %swap3A_670 = arith.index_cast %swap3A_669 : i32 to index
    %swap3A_671 = arith.constant 112 : index
    %swap3A_672 = tpu.vector_load %arg9[%swap3A_670, %swap3A_671] {strides = array<i32>} : memref<16x128xf32, #tpu.memory_space<vmem>>, vector<1x16xf32>,
    %swap3A_673 = vector.shape_cast %swap3A_672 : vector<1x16xf32> to vector<16xf32>
    %swap3A_674 = vector.shape_cast %broadcast_in_dim3A_3 : vector<16xf32> to vector<1x16xf32>
    tpu.vector_store %arg9[%swap3A_670, %swap3A_671], %swap3A_674 {strides = array<i32>} : memref<16x128xf32, #tpu.memory_space<vmem>>, vector<1x16xf32>,
    %swap3A_675 = arith.constant 14 : i32
    %swap3A_676 = arith.index_cast %swap3A_675 : i32 to index
    %swap3A_677 = arith.constant 0 : index
    %swap3A_678 = tpu.vector_load %arg9[%swap3A_676, %swap3A_677] {strides = array<i32>} : memref<16x128xf32, #tpu.memory_space<vmem>>, vector<1x16xf32>,
    %swap3A_679 = vector.shape_cast %swap3A_678 : vector<1x16xf32> to vector<16xf32>
    %swap3A_680 = vector.shape_cast %broadcast_in_dim3A_3 : vector<16xf32> to vector<1x16xf32>
    tpu.vector_store %arg9[%swap3A_676, %swap3A_677], %swap3A_680 {strides = array<i32>} : memref<16x128xf32, #tpu.memory_space<vmem>>, vector<1x16xf32>,
    %swap3A_681 = arith.constant 14 : i32
    %swap3A_682 = arith.index_cast %swap3A_681 : i32 to index
    %swap3A_683 = arith.constant 16 : index
    %swap3A_684 = tpu.vector_load %arg9[%swap3A_682, %swap3A_683] {strides = array<i32>} : memref<16x128xf32, #tpu.memory_space<vmem>>, vector<1x16xf32>,
    %swap3A_685 = vector.shape_cast %swap3A_684 : vector<1x16xf32> to vector<16xf32>
    %swap3A_686 = vector.shape_cast %broadcast_in_dim3A_3 : vector<16xf32> to vector<1x16xf32>
    tpu.vector_store %arg9[%swap3A_682, %swap3A_683], %swap3A_686 {strides = array<i32>} : memref<16x128xf32, #tpu.memory_space<vmem>>, vector<1x16xf32>,
    %swap3A_687 = arith.constant 14 : i32
    %swap3A_688 = arith.index_cast %swap3A_687 : i32 to index
    %swap3A_689 = arith.constant 32 : index
    %swap3A_690 = tpu.vector_load %arg9[%swap3A_688, %swap3A_689] {strides = array<i32>} : memref<16x128xf32, #tpu.memory_space<vmem>>, vector<1x16xf32>,
    %swap3A_691 = vector.shape_cast %swap3A_690 : vector<1x16xf32> to vector<16xf32>
    %swap3A_692 = vector.shape_cast %broadcast_in_dim3A_3 : vector<16xf32> to vector<1x16xf32>
    tpu.vector_store %arg9[%swap3A_688, %swap3A_689], %swap3A_692 {strides = array<i32>} : memref<16x128xf32, #tpu.memory_space<vmem>>, vector<1x16xf32>,
    %swap3A_693 = arith.constant 14 : i32
    %swap3A_694 = arith.index_cast %swap3A_693 : i32 to index
    %swap3A_695 = arith.constant 48 : index
    %swap3A_696 = tpu.vector_load %arg9[%swap3A_694, %swap3A_695] {strides = array<i32>} : memref<16x128xf32, #tpu.memory_space<vmem>>, vector<1x16xf32>,
    %swap3A_697 = vector.shape_cast %swap3A_696 : vector<1x16xf32> to vector<16xf32>
    %swap3A_698 = vector.shape_cast %broadcast_in_dim3A_3 : vector<16xf32> to vector<1x16xf32>
    tpu.vector_store %arg9[%swap3A_694, %swap3A_695], %swap3A_698 {strides = array<i32>} : memref<16x128xf32, #tpu.memory_space<vmem>>, vector<1x16xf32>,
    %swap3A_699 = arith.constant 14 : i32
    %swap3A_700 = arith.index_cast %swap3A_699 : i32 to index
    %swap3A_701 = arith.constant 64 : index
    %swap3A_702 = tpu.vector_load %arg9[%swap3A_700, %swap3A_701] {strides = array<i32>} : memref<16x128xf32, #tpu.memory_space<vmem>>, vector<1x16xf32>,
    %swap3A_703 = vector.shape_cast %swap3A_702 : vector<1x16xf32> to vector<16xf32>
    %swap3A_704 = vector.shape_cast %broadcast_in_dim3A_3 : vector<16xf32> to vector<1x16xf32>
    tpu.vector_store %arg9[%swap3A_700, %swap3A_701], %swap3A_704 {strides = array<i32>} : memref<16x128xf32, #tpu.memory_space<vmem>>, vector<1x16xf32>,
    %swap3A_705 = arith.constant 14 : i32
    %swap3A_706 = arith.index_cast %swap3A_705 : i32 to index
    %swap3A_707 = arith.constant 80 : index
    %swap3A_708 = tpu.vector_load %arg9[%swap3A_706, %swap3A_707] {strides = array<i32>} : memref<16x128xf32, #tpu.memory_space<vmem>>, vector<1x16xf32>,
    %swap3A_709 = vector.shape_cast %swap3A_708 : vector<1x16xf32> to vector<16xf32>
    %swap3A_710 = vector.shape_cast %broadcast_in_dim3A_3 : vector<16xf32> to vector<1x16xf32>
    tpu.vector_store %arg9[%swap3A_706, %swap3A_707], %swap3A_710 {strides = array<i32>} : memref<16x128xf32, #tpu.memory_space<vmem>>, vector<1x16xf32>,
    %swap3A_711 = arith.constant 14 : i32
    %swap3A_712 = arith.index_cast %swap3A_711 : i32 to index
    %swap3A_713 = arith.constant 96 : index
    %swap3A_714 = tpu.vector_load %arg9[%swap3A_712, %swap3A_713] {strides = array<i32>} : memref<16x128xf32, #tpu.memory_space<vmem>>, vector<1x16xf32>,
    %swap3A_715 = vector.shape_cast %swap3A_714 : vector<1x16xf32> to vector<16xf32>
    %swap3A_716 = vector.shape_cast %broadcast_in_dim3A_3 : vector<16xf32> to vector<1x16xf32>
    tpu.vector_store %arg9[%swap3A_712, %swap3A_713], %swap3A_716 {strides = array<i32>} : memref<16x128xf32, #tpu.memory_space<vmem>>, vector<1x16xf32>,
    %swap3A_717 = arith.constant 14 : i32
    %swap3A_718 = arith.index_cast %swap3A_717 : i32 to index
    %swap3A_719 = arith.constant 112 : index
    %swap3A_720 = tpu.vector_load %arg9[%swap3A_718, %swap3A_719] {strides = array<i32>} : memref<16x128xf32, #tpu.memory_space<vmem>>, vector<1x16xf32>,
    %swap3A_721 = vector.shape_cast %swap3A_720 : vector<1x16xf32> to vector<16xf32>
    %swap3A_722 = vector.shape_cast %broadcast_in_dim3A_3 : vector<16xf32> to vector<1x16xf32>
    tpu.vector_store %arg9[%swap3A_718, %swap3A_719], %swap3A_722 {strides = array<i32>} : memref<16x128xf32, #tpu.memory_space<vmem>>, vector<1x16xf32>,
    %swap3A_723 = arith.constant 15 : i32
    %swap3A_724 = arith.index_cast %swap3A_723 : i32 to index
    %swap3A_725 = arith.constant 0 : index
    %swap3A_726 = tpu.vector_load %arg9[%swap3A_724, %swap3A_725] {strides = array<i32>} : memref<16x128xf32, #tpu.memory_space<vmem>>, vector<1x16xf32>,
    %swap3A_727 = vector.shape_cast %swap3A_726 : vector<1x16xf32> to vector<16xf32>
    %swap3A_728 = vector.shape_cast %broadcast_in_dim3A_3 : vector<16xf32> to vector<1x16xf32>
    tpu.vector_store %arg9[%swap3A_724, %swap3A_725], %swap3A_728 {strides = array<i32>} : memref<16x128xf32, #tpu.memory_space<vmem>>, vector<1x16xf32>,
    %swap3A_729 = arith.constant 15 : i32
    %swap3A_730 = arith.index_cast %swap3A_729 : i32 to index
    %swap3A_731 = arith.constant 16 : index
    %swap3A_732 = tpu.vector_load %arg9[%swap3A_730, %swap3A_731] {strides = array<i32>} : memref<16x128xf32, #tpu.memory_space<vmem>>, vector<1x16xf32>,
    %swap3A_733 = vector.shape_cast %swap3A_732 : vector<1x16xf32> to vector<16xf32>
    %swap3A_734 = vector.shape_cast %broadcast_in_dim3A_3 : vector<16xf32> to vector<1x16xf32>
    tpu.vector_store %arg9[%swap3A_730, %swap3A_731], %swap3A_734 {strides = array<i32>} : memref<16x128xf32, #tpu.memory_space<vmem>>, vector<1x16xf32>,
    %swap3A_735 = arith.constant 15 : i32
    %swap3A_736 = arith.index_cast %swap3A_735 : i32 to index
    %swap3A_737 = arith.constant 32 : index
    %swap3A_738 = tpu.vector_load %arg9[%swap3A_736, %swap3A_737] {strides = array<i32>} : memref<16x128xf32, #tpu.memory_space<vmem>>, vector<1x16xf32>,
    %swap3A_739 = vector.shape_cast %swap3A_738 : vector<1x16xf32> to vector<16xf32>
    %swap3A_740 = vector.shape_cast %broadcast_in_dim3A_3 : vector<16xf32> to vector<1x16xf32>
    tpu.vector_store %arg9[%swap3A_736, %swap3A_737], %swap3A_740 {strides = array<i32>} : memref<16x128xf32, #tpu.memory_space<vmem>>, vector<1x16xf32>,
    %swap3A_741 = arith.constant 15 : i32
    %swap3A_742 = arith.index_cast %swap3A_741 : i32 to index
    %swap3A_743 = arith.constant 48 : index
    %swap3A_744 = tpu.vector_load %arg9[%swap3A_742, %swap3A_743] {strides = array<i32>} : memref<16x128xf32, #tpu.memory_space<vmem>>, vector<1x16xf32>,
    %swap3A_745 = vector.shape_cast %swap3A_744 : vector<1x16xf32> to vector<16xf32>
    %swap3A_746 = vector.shape_cast %broadcast_in_dim3A_3 : vector<16xf32> to vector<1x16xf32>
    tpu.vector_store %arg9[%swap3A_742, %swap3A_743], %swap3A_746 {strides = array<i32>} : memref<16x128xf32, #tpu.memory_space<vmem>>, vector<1x16xf32>,
    %swap3A_747 = arith.constant 15 : i32
    %swap3A_748 = arith.index_cast %swap3A_747 : i32 to index
    %swap3A_749 = arith.constant 64 : index
    %swap3A_750 = tpu.vector_load %arg9[%swap3A_748, %swap3A_749] {strides = array<i32>} : memref<16x128xf32, #tpu.memory_space<vmem>>, vector<1x16xf32>,
    %swap3A_751 = vector.shape_cast %swap3A_750 : vector<1x16xf32> to vector<16xf32>
    %swap3A_752 = vector.shape_cast %broadcast_in_dim3A_3 : vector<16xf32> to vector<1x16xf32>
    tpu.vector_store %arg9[%swap3A_748, %swap3A_749], %swap3A_752 {strides = array<i32>} : memref<16x128xf32, #tpu.memory_space<vmem>>, vector<1x16xf32>,
    %swap3A_753 = arith.constant 15 : i32
    %swap3A_754 = arith.index_cast %swap3A_753 : i32 to index
    %swap3A_755 = arith.constant 80 : index
    %swap3A_756 = tpu.vector_load %arg9[%swap3A_754, %swap3A_755] {strides = array<i32>} : memref<16x128xf32, #tpu.memory_space<vmem>>, vector<1x16xf32>,
    %swap3A_757 = vector.shape_cast %swap3A_756 : vector<1x16xf32> to vector<16xf32>
    %swap3A_758 = vector.shape_cast %broadcast_in_dim3A_3 : vector<16xf32> to vector<1x16xf32>
    tpu.vector_store %arg9[%swap3A_754, %swap3A_755], %swap3A_758 {strides = array<i32>} : memref<16x128xf32, #tpu.memory_space<vmem>>, vector<1x16xf32>,
    %swap3A_759 = arith.constant 15 : i32
    %swap3A_760 = arith.index_cast %swap3A_759 : i32 to index
    %swap3A_761 = arith.constant 96 : index
    %swap3A_762 = tpu.vector_load %arg9[%swap3A_760, %swap3A_761] {strides = array<i32>} : memref<16x128xf32, #tpu.memory_space<vmem>>, vector<1x16xf32>,
    %swap3A_763 = vector.shape_cast %swap3A_762 : vector<1x16xf32> to vector<16xf32>
    %swap3A_764 = vector.shape_cast %broadcast_in_dim3A_3 : vector<16xf32> to vector<1x16xf32>
    tpu.vector_store %arg9[%swap3A_760, %swap3A_761], %swap3A_764 {strides = array<i32>} : memref<16x128xf32, #tpu.memory_space<vmem>>, vector<1x16xf32>,
    %swap3A_765 = arith.constant 15 : i32
    %swap3A_766 = arith.index_cast %swap3A_765 : i32 to index
    %swap3A_767 = arith.constant 112 : index
    %swap3A_768 = tpu.vector_load %arg9[%swap3A_766, %swap3A_767] {strides = array<i32>} : memref<16x128xf32, #tpu.memory_space<vmem>>, vector<1x16xf32>,
    %swap3A_769 = vector.shape_cast %swap3A_768 : vector<1x16xf32> to vector<16xf32>
    %swap3A_770 = vector.shape_cast %broadcast_in_dim3A_3 : vector<16xf32> to vector<1x16xf32>
    tpu.vector_store %arg9[%swap3A_766, %swap3A_767], %swap3A_770 {strides = array<i32>} : memref<16x128xf32, #tpu.memory_space<vmem>>, vector<1x16xf32>,
    %scan3A = arith.constant 0 : i32
    %scan3A_771 = arith.constant 40 : i32
    %scan3A_772 = arith.addi %scan3A, %scan3A_771 : i32
    %scan3A_773 = arith.constant 1 : i32
    scf.for %scan3A_833 = %scan3A to %scan3A_772 step %scan3A_773  : i32 {
      %mul3A_834 = arith.constant 1 : i32
      %mul3A_835 = arith.muli %scan3A_833, %mul3A_834 : i32
      %add3A_836 = arith.constant 0 : i32
      %add3A_837 = arith.addi %add3A_836, %mul3A_835 : i32
      %mul3A_838 = arith.constant 640 : i32
      %mul3A_839 = arith.muli %arg1, %mul3A_838 : i32
      %mul3A_840 = arith.constant 16 : i32
      %mul3A_841 = arith.muli %add3A_837, %mul3A_840 : i32
      %add3A_842 = arith.addi %mul3A_839, %mul3A_841 : i32
      "tpu.region"() ({
        %run_scoped3A = tpu.sem_alloc : memref<!tpu.dma_semaphore, #tpu.memory_space<semaphore_mem>>
        %dma_start3A_843 = arith.constant 0 : i32
        %dma_start3A_844 = tpu.memref_slice %arg10[%add3A_842, %dma_start3A_843] : memref<10240x128xf32, #tpu.memory_space<vmem_shared>> -> memref<16x128xf32, #tpu.memory_space<vmem_shared>>
        %dma_start3A_845 = arith.constant 0 : i32
        %dma_start3A_846 = tpu.memref_slice %arg10[%add3A_842, %dma_start3A_845] : memref<10240x128xf32, #tpu.memory_space<vmem_shared>> -> memref<16x128xf32, #tpu.memory_space<vmem_shared>>
        tpu.enqueue_dma source(%arg9 : memref<16x128xf32, #tpu.memory_space<vmem>>) target(%dma_start3A_846 : memref<16x128xf32, #tpu.memory_space<vmem_shared>>) target_semaphore(%run_scoped3A : memref<!tpu.dma_semaphore, #tpu.memory_space<semaphore_mem>>)
        %dma_wait3A = arith.constant 0 : i32
        %dma_wait3A_847 = tpu.memref_slice %arg10[%add3A_842, %dma_wait3A] : memref<10240x128xf32, #tpu.memory_space<vmem_shared>> -> memref<16x128xf32, #tpu.memory_space<vmem_shared>>
        %dma_wait3A_848 = arith.constant 0 : i32
        %dma_wait3A_849 = tpu.memref_slice %arg10[%add3A_842, %dma_wait3A_848] : memref<10240x128xf32, #tpu.memory_space<vmem_shared>> -> memref<16x128xf32, #tpu.memory_space<vmem_shared>>
        tpu.wait_dma2 semaphore(%run_scoped3A : memref<!tpu.dma_semaphore, #tpu.memory_space<semaphore_mem>>) src(%arg9 : memref<16x128xf32, #tpu.memory_space<vmem>>) dst(%dma_wait3A_849 : memref<16x128xf32, #tpu.memory_space<vmem_shared>>)
        tpu.yield
      }) : () -> ()
    }
    %scan3A_774 = arith.constant 40 : i32
    %dma_start3A = arith.constant 0 : i32
    %dma_start3A_775 = arith.constant 0 : i32
    %dma_start3A_776 = arith.constant 0 : i32
    %dma_start3A_777 = tpu.memref_slice %arg6[%dma_start3A, %dma_start3A_775, %dma_start3A_776] : memref<2x8x128xi32, #tpu.memory_space<vmem>> -> memref<1x8x128xi32, #tpu.memory_space<vmem>>
    %dma_start3A_778 = tpu.memref_squeeze %dma_start3A_777 : memref<1x8x128xi32, #tpu.memory_space<vmem>> -> memref<8x128xi32, #tpu.memory_space<vmem>>
    %dma_start3A_779 = arith.constant 0 : i32
    %dma_start3A_780 = arith.constant 0 : i32
    %dma_start3A_781 = tpu.memref_slice %arg2[%add3A, %dma_start3A_779, %dma_start3A_780] : memref<32x80x128xi32, #tpu.memory_space<hbm>> -> memref<1x8x128xi32, #tpu.memory_space<hbm>>
    %dma_start3A_782 = tpu.memref_squeeze %dma_start3A_781 : memref<1x8x128xi32, #tpu.memory_space<hbm>> -> memref<8x128xi32, #tpu.memory_space<hbm>>
    %dma_start3A_783 = arith.constant 0 : i32
    %dma_start3A_784 = arith.constant 0 : i32
    %dma_start3A_785 = tpu.memref_slice %arg6[%dma_start3A, %dma_start3A_783, %dma_start3A_784] : memref<2x8x128xi32, #tpu.memory_space<vmem>> -> memref<1x8x128xi32, #tpu.memory_space<vmem>>
    %dma_start3A_786 = tpu.memref_squeeze %dma_start3A_785 : memref<1x8x128xi32, #tpu.memory_space<vmem>> -> memref<8x128xi32, #tpu.memory_space<vmem>>
    %dma_start3A_787 = arith.constant 0 : i32
    %dma_start3A_788 = arith.constant 0 : i32
    %dma_start3A_789 = tpu.memref_slice %arg2[%add3A, %dma_start3A_787, %dma_start3A_788] : memref<32x80x128xi32, #tpu.memory_space<hbm>> -> memref<1x8x128xi32, #tpu.memory_space<hbm>>
    %dma_start3A_790 = tpu.memref_squeeze %dma_start3A_789 : memref<1x8x128xi32, #tpu.memory_space<hbm>> -> memref<8x128xi32, #tpu.memory_space<hbm>>
    tpu.enqueue_dma source(%dma_start3A_790 : memref<8x128xi32, #tpu.memory_space<hbm>>) target(%dma_start3A_786 : memref<8x128xi32, #tpu.memory_space<vmem>>) target_semaphore(%arg12 : memref<!tpu.dma_semaphore, #tpu.memory_space<semaphore_mem>>)
    %dma_start3A_791 = arith.constant 0 : i32
    %dma_start3A_792 = arith.constant 0 : i32
    %dma_start3A_793 = arith.constant 0 : i32
    %dma_start3A_794 = tpu.memref_slice %arg7[%dma_start3A_791, %dma_start3A_792, %dma_start3A_793] : memref<2x8x128xi32, #tpu.memory_space<vmem>> -> memref<1x8x128xi32, #tpu.memory_space<vmem>>
    %dma_start3A_795 = tpu.memref_squeeze %dma_start3A_794 : memref<1x8x128xi32, #tpu.memory_space<vmem>> -> memref<8x128xi32, #tpu.memory_space<vmem>>
    %dma_start3A_796 = arith.constant 0 : i32
    %dma_start3A_797 = arith.constant 0 : i32
    %dma_start3A_798 = tpu.memref_slice %arg3[%add3A, %dma_start3A_796, %dma_start3A_797] : memref<32x80x128xi32, #tpu.memory_space<hbm>> -> memref<1x8x128xi32, #tpu.memory_space<hbm>>
    %dma_start3A_799 = tpu.memref_squeeze %dma_start3A_798 : memref<1x8x128xi32, #tpu.memory_space<hbm>> -> memref<8x128xi32, #tpu.memory_space<hbm>>
    %dma_start3A_800 = arith.constant 0 : i32
    %dma_start3A_801 = arith.constant 0 : i32
    %dma_start3A_802 = tpu.memref_slice %arg7[%dma_start3A_791, %dma_start3A_800, %dma_start3A_801] : memref<2x8x128xi32, #tpu.memory_space<vmem>> -> memref<1x8x128xi32, #tpu.memory_space<vmem>>
    %dma_start3A_803 = tpu.memref_squeeze %dma_start3A_802 : memref<1x8x128xi32, #tpu.memory_space<vmem>> -> memref<8x128xi32, #tpu.memory_space<vmem>>
    %dma_start3A_804 = arith.constant 0 : i32
    %dma_start3A_805 = arith.constant 0 : i32
    %dma_start3A_806 = tpu.memref_slice %arg3[%add3A, %dma_start3A_804, %dma_start3A_805] : memref<32x80x128xi32, #tpu.memory_space<hbm>> -> memref<1x8x128xi32, #tpu.memory_space<hbm>>
    %dma_start3A_807 = tpu.memref_squeeze %dma_start3A_806 : memref<1x8x128xi32, #tpu.memory_space<hbm>> -> memref<8x128xi32, #tpu.memory_space<hbm>>
    tpu.enqueue_dma source(%dma_start3A_807 : memref<8x128xi32, #tpu.memory_space<hbm>>) target(%dma_start3A_803 : memref<8x128xi32, #tpu.memory_space<vmem>>) target_semaphore(%arg12 : memref<!tpu.dma_semaphore, #tpu.memory_space<semaphore_mem>>)
    %barrier3A = arith.constant 0 : index
    tpu.barrier barrier_id(%barrier3A)
    %add3A_808 = arith.constant 1 : i32
    %add3A_809 = arith.addi %select_n3A, %add3A_808 : i32
    %sub3A = arith.constant 0 : i32
    %sub3A_810 = arith.subi %add3A_809, %sub3A : i32
    %sub3A_811 = arith.constant 1 : i32
    %sub3A_812 = arith.constant 1 : i32
    %sub3A_813 = arith.subi %sub3A_811, %sub3A_812 : i32
    %add3A_814 = arith.addi %sub3A_810, %sub3A_813 : i32
    %div3A = arith.constant 1 : i32
    %div3A_815 = arith.divsi %add3A_814, %div3A : i32
    %while3A = arith.constant 1 : i32
    %while3A_816 = arith.constant 0 : i32
    %while3A_817 = arith.constant 0 : i32
    %while3A_818 = arith.subi %div3A_815, %while3A_817 : i32
    %while3A_819 = arith.addi %while3A_817, %while3A_818 : i32
    %while3A_820 = arith.constant 1 : i32
    %while3A_821 = arith.divsi %while3A_818, %while3A_820 : i32
    %while3A_822 = arith.muli %while3A_821, %while3A_820 : i32
    %while3A_823 = arith.addi %while3A_817, %while3A_822 : i32
    %while3A_824 = arith.constant 1 : i32
    scf.for %while3A_833 = %while3A_817 to %while3A_823 step %while3A_824  : i32 {
      %mul3A_834 = arith.muli %while3A_833, %while3A : i32
      %add3A_835 = arith.addi %while3A_816, %mul3A_834 : i32
      %jit3A_836 = arith.constant 8 : i32
      %div3A_837 = arith.divsi %add3A_835, %jit3A_836 : i32
      %sign3A = arith.constant 0 : i32
      %sign3A_838 = arith.cmpi sgt, %add3A_835, %sign3A : i32
      %sign3A_839 = arith.extui %sign3A_838 : i1 to i32
      %sign3A_840 = arith.constant 0 : i32
      %sign3A_841 = arith.cmpi slt, %add3A_835, %sign3A_840 : i32
      %sign3A_842 = arith.extui %sign3A_841 : i1 to i32
      %sign3A_843 = arith.subi %sign3A_839, %sign3A_842 : i32
      %sign3A_844 = arith.constant 0 : i32
      %sign3A_845 = arith.cmpi sgt, %jit3A_836, %sign3A_844 : i32
      %sign3A_846 = arith.extui %sign3A_845 : i1 to i32
      %sign3A_847 = arith.constant 0 : i32
      %sign3A_848 = arith.cmpi slt, %jit3A_836, %sign3A_847 : i32
      %sign3A_849 = arith.extui %sign3A_848 : i1 to i32
      %sign3A_850 = arith.subi %sign3A_846, %sign3A_849 : i32
      %ne3A = arith.cmpi ne, %sign3A_843, %sign3A_850 : i32
      %rem3A = arith.remsi %add3A_835, %jit3A_836 : i32
      %ne3A_851 = arith.constant 0 : i32
      %ne3A_852 = arith.cmpi ne, %rem3A, %ne3A_851 : i32
      %and3A = arith.andi %ne3A, %ne3A_852 : i1
      %sub3A_853 = arith.constant 1 : i32
      %sub3A_854 = arith.subi %div3A_837, %sub3A_853 : i32
      %select_n3A_855 = arith.select %and3A, %sub3A_854, %div3A_837 : i32
      %rem3A_856 = arith.constant 2 : i32
      %rem3A_857 = arith.remsi %select_n3A_855, %rem3A_856 : i32
      %rem3A_858 = arith.constant 8 : i32
      %rem3A_859 = arith.remsi %add3A_835, %rem3A_858 : i32
      %lt3A = arith.cmpi slt, %add3A_835, %select_n3A : i32
      %convert_element_type3A = arith.extui %lt3A : i1 to i32
      %cond3A = arith.constant 0 : i32
      %cond3A_860 = arith.cmpi ne, %convert_element_type3A, %cond3A : i32
      scf.if %cond3A_860 {
        %eq3A_874 = arith.constant 0 : i32
        %eq3A_875 = arith.cmpi eq, %rem3A_859, %eq3A_874 : i32
        %convert_element_type3A_876 = arith.extui %eq3A_875 : i1 to i32
        %cond3A_877 = arith.constant 0 : i32
        %cond3A_878 = arith.cmpi ne, %convert_element_type3A_876, %cond3A_877 : i32
        scf.if %cond3A_878 {
          %mul3A_891 = arith.constant 8 : i32
          %mul3A_892 = arith.muli %select_n3A_855, %mul3A_891 : i32
          %dma_wait3A = arith.constant 0 : i32
          %dma_wait3A_893 = arith.constant 0 : i32
          %dma_wait3A_894 = tpu.memref_slice %arg6[%rem3A_857, %dma_wait3A, %dma_wait3A_893] : memref<2x8x128xi32, #tpu.memory_space<vmem>> -> memref<1x8x128xi32, #tpu.memory_space<vmem>>
          %dma_wait3A_895 = tpu.memref_squeeze %dma_wait3A_894 : memref<1x8x128xi32, #tpu.memory_space<vmem>> -> memref<8x128xi32, #tpu.memory_space<vmem>>
          %dma_wait3A_896 = arith.constant 0 : i32
          %dma_wait3A_897 = tpu.memref_slice %arg2[%add3A, %mul3A_892, %dma_wait3A_896] : memref<32x80x128xi32, #tpu.memory_space<hbm>> -> memref<1x8x128xi32, #tpu.memory_space<hbm>>
          %dma_wait3A_898 = tpu.memref_squeeze %dma_wait3A_897 : memref<1x8x128xi32, #tpu.memory_space<hbm>> -> memref<8x128xi32, #tpu.memory_space<hbm>>
          %dma_wait3A_899 = arith.constant 0 : i32
          %dma_wait3A_900 = arith.constant 0 : i32
          %dma_wait3A_901 = tpu.memref_slice %arg6[%rem3A_857, %dma_wait3A_899, %dma_wait3A_900] : memref<2x8x128xi32, #tpu.memory_space<vmem>> -> memref<1x8x128xi32, #tpu.memory_space<vmem>>
          %dma_wait3A_902 = tpu.memref_squeeze %dma_wait3A_901 : memref<1x8x128xi32, #tpu.memory_space<vmem>> -> memref<8x128xi32, #tpu.memory_space<vmem>>
          %dma_wait3A_903 = arith.constant 0 : i32
          %dma_wait3A_904 = tpu.memref_slice %arg2[%add3A, %mul3A_892, %dma_wait3A_903] : memref<32x80x128xi32, #tpu.memory_space<hbm>> -> memref<1x8x128xi32, #tpu.memory_space<hbm>>
          %dma_wait3A_905 = tpu.memref_squeeze %dma_wait3A_904 : memref<1x8x128xi32, #tpu.memory_space<hbm>> -> memref<8x128xi32, #tpu.memory_space<hbm>>
          tpu.wait_dma2 semaphore(%arg12 : memref<!tpu.dma_semaphore, #tpu.memory_space<semaphore_mem>>) src(%dma_wait3A_905 : memref<8x128xi32, #tpu.memory_space<hbm>>) dst(%dma_wait3A_902 : memref<8x128xi32, #tpu.memory_space<vmem>>)
          %mul3A_906 = arith.constant 8 : i32
          %mul3A_907 = arith.muli %select_n3A_855, %mul3A_906 : i32
          %dma_wait3A_908 = arith.constant 0 : i32
          %dma_wait3A_909 = arith.constant 0 : i32
          %dma_wait3A_910 = tpu.memref_slice %arg7[%rem3A_857, %dma_wait3A_908, %dma_wait3A_909] : memref<2x8x128xi32, #tpu.memory_space<vmem>> -> memref<1x8x128xi32, #tpu.memory_space<vmem>>
          %dma_wait3A_911 = tpu.memref_squeeze %dma_wait3A_910 : memref<1x8x128xi32, #tpu.memory_space<vmem>> -> memref<8x128xi32, #tpu.memory_space<vmem>>
          %dma_wait3A_912 = arith.constant 0 : i32
          %dma_wait3A_913 = tpu.memref_slice %arg3[%add3A, %mul3A_907, %dma_wait3A_912] : memref<32x80x128xi32, #tpu.memory_space<hbm>> -> memref<1x8x128xi32, #tpu.memory_space<hbm>>
          %dma_wait3A_914 = tpu.memref_squeeze %dma_wait3A_913 : memref<1x8x128xi32, #tpu.memory_space<hbm>> -> memref<8x128xi32, #tpu.memory_space<hbm>>
          %dma_wait3A_915 = arith.constant 0 : i32
          %dma_wait3A_916 = arith.constant 0 : i32
          %dma_wait3A_917 = tpu.memref_slice %arg7[%rem3A_857, %dma_wait3A_915, %dma_wait3A_916] : memref<2x8x128xi32, #tpu.memory_space<vmem>> -> memref<1x8x128xi32, #tpu.memory_space<vmem>>
          %dma_wait3A_918 = tpu.memref_squeeze %dma_wait3A_917 : memref<1x8x128xi32, #tpu.memory_space<vmem>> -> memref<8x128xi32, #tpu.memory_space<vmem>>
          %dma_wait3A_919 = arith.constant 0 : i32
          %dma_wait3A_920 = tpu.memref_slice %arg3[%add3A, %mul3A_907, %dma_wait3A_919] : memref<32x80x128xi32, #tpu.memory_space<hbm>> -> memref<1x8x128xi32, #tpu.memory_space<hbm>>
          %dma_wait3A_921 = tpu.memref_squeeze %dma_wait3A_920 : memref<1x8x128xi32, #tpu.memory_space<hbm>> -> memref<8x128xi32, #tpu.memory_space<hbm>>
          tpu.wait_dma2 semaphore(%arg12 : memref<!tpu.dma_semaphore, #tpu.memory_space<semaphore_mem>>) src(%dma_wait3A_921 : memref<8x128xi32, #tpu.memory_space<hbm>>) dst(%dma_wait3A_918 : memref<8x128xi32, #tpu.memory_space<vmem>>)
        } else {
        }
        %rem3A_879 = arith.constant 2 : i32
        %rem3A_880 = arith.remsi %add3A_835, %rem3A_879 : i32
        %dma_start3A_881 = arith.constant 0 : i32
        %dma_start3A_882 = arith.constant 0 : i32
        %dma_start3A_883 = tpu.memref_slice %arg8[%rem3A_880, %dma_start3A_881, %dma_start3A_882] : memref<2x128x128xf32, #tpu.memory_space<vmem>> -> memref<1x128x128xf32, #tpu.memory_space<vmem>>
        %dma_start3A_884 = tpu.memref_squeeze %dma_start3A_883 : memref<1x128x128xf32, #tpu.memory_space<vmem>> -> memref<128x128xf32, #tpu.memory_space<vmem>>
        %dma_start3A_885 = arith.constant 0 : i32
        %dma_start3A_886 = tpu.memref_slice %arg6[%rem3A_857, %rem3A_859, %dma_start3A_885] : memref<2x8x128xi32, #tpu.memory_space<vmem>> -> memref<1x1x128xi32, #tpu.memory_space<vmem>>
        %dma_start3A_887 = tpu.memref_squeeze %dma_start3A_886 : memref<1x1x128xi32, #tpu.memory_space<vmem>> -> memref<128xi32, #tpu.memory_space<vmem>>
        %dma_start3A_888 = arith.constant 0 : i32
        %dma_start3A_889 = arith.constant 0 : i32
        %dma_start3A_890 = tpu.memref_slice %arg4[%dma_start3A_888, %dma_start3A_889] : memref<10240x128xf32, #tpu.memory_space<hbm>> -> memref<10240x128xf32, #tpu.memory_space<hbm>>
        tpu.enqueue_indirect_dma source(%dma_start3A_890 : memref<10240x128xf32, #tpu.memory_space<hbm>>) target(%dma_start3A_884 : memref<128x128xf32, #tpu.memory_space<vmem>>) offsets(%dma_start3A_887 : memref<128xi32, #tpu.memory_space<vmem>>) semaphore(%arg11 : memref<!tpu.dma_semaphore, #tpu.memory_space<semaphore_mem>>)
      } else {
      }
      %ge3A = arith.constant 1 : i32
      %ge3A_861 = arith.cmpi sge, %add3A_835, %ge3A : i32
      %convert_element_type3A_862 = arith.extui %ge3A_861 : i1 to i32
      %cond3A_863 = arith.constant 0 : i32
      %cond3A_864 = arith.cmpi ne, %convert_element_type3A_862, %cond3A_863 : i32
      scf.if %cond3A_864 {
        %sub3A_874 = arith.constant 1 : i32
        %sub3A_875 = arith.subi %add3A_835, %sub3A_874 : i32
        %jit3A_876 = arith.constant 8 : i32
        %div3A_877 = arith.divsi %sub3A_875, %jit3A_876 : i32
        %sign3A_878 = arith.constant 0 : i32
        %sign3A_879 = arith.cmpi sgt, %sub3A_875, %sign3A_878 : i32
        %sign3A_880 = arith.extui %sign3A_879 : i1 to i32
        %sign3A_881 = arith.constant 0 : i32
        %sign3A_882 = arith.cmpi slt, %sub3A_875, %sign3A_881 : i32
        %sign3A_883 = arith.extui %sign3A_882 : i1 to i32
        %sign3A_884 = arith.subi %sign3A_880, %sign3A_883 : i32
        %sign3A_885 = arith.constant 0 : i32
        %sign3A_886 = arith.cmpi sgt, %jit3A_876, %sign3A_885 : i32
        %sign3A_887 = arith.extui %sign3A_886 : i1 to i32
        %sign3A_888 = arith.constant 0 : i32
        %sign3A_889 = arith.cmpi slt, %jit3A_876, %sign3A_888 : i32
        %sign3A_890 = arith.extui %sign3A_889 : i1 to i32
        %sign3A_891 = arith.subi %sign3A_887, %sign3A_890 : i32
        %ne3A_892 = arith.cmpi ne, %sign3A_884, %sign3A_891 : i32
        %rem3A_893 = arith.remsi %sub3A_875, %jit3A_876 : i32
        %ne3A_894 = arith.constant 0 : i32
        %ne3A_895 = arith.cmpi ne, %rem3A_893, %ne3A_894 : i32
        %and3A_896 = arith.andi %ne3A_892, %ne3A_895 : i1
        %sub3A_897 = arith.constant 1 : i32
        %sub3A_898 = arith.subi %div3A_877, %sub3A_897 : i32
        %select_n3A_899 = arith.select %and3A_896, %sub3A_898, %div3A_877 : i32
        %rem3A_900 = arith.constant 2 : i32
        %rem3A_901 = arith.remsi %select_n3A_899, %rem3A_900 : i32
        %rem3A_902 = arith.constant 2 : i32
        %rem3A_903 = arith.remsi %sub3A_875, %rem3A_902 : i32
        %rem3A_904 = arith.constant 8 : i32
        %rem3A_905 = arith.remsi %sub3A_875, %rem3A_904 : i32
        %dma_wait3A = arith.constant 0 : i32
        %dma_wait3A_906 = arith.constant 0 : i32
        %dma_wait3A_907 = tpu.memref_slice %arg8[%rem3A_903, %dma_wait3A, %dma_wait3A_906] : memref<2x128x128xf32, #tpu.memory_space<vmem>> -> memref<1x128x128xf32, #tpu.memory_space<vmem>>
        %dma_wait3A_908 = tpu.memref_squeeze %dma_wait3A_907 : memref<1x128x128xf32, #tpu.memory_space<vmem>> -> memref<128x128xf32, #tpu.memory_space<vmem>>
        %dma_wait3A_909 = arith.constant 0 : i32
        %dma_wait3A_910 = tpu.memref_slice %arg6[%rem3A_901, %rem3A_905, %dma_wait3A_909] : memref<2x8x128xi32, #tpu.memory_space<vmem>> -> memref<1x1x128xi32, #tpu.memory_space<vmem>>
        %dma_wait3A_911 = tpu.memref_squeeze %dma_wait3A_910 : memref<1x1x128xi32, #tpu.memory_space<vmem>> -> memref<128xi32, #tpu.memory_space<vmem>>
        %dma_wait3A_912 = arith.constant 0 : i32
        %dma_wait3A_913 = arith.constant 0 : i32
        %dma_wait3A_914 = tpu.memref_slice %arg4[%dma_wait3A_912, %dma_wait3A_913] : memref<10240x128xf32, #tpu.memory_space<hbm>> -> memref<10240x128xf32, #tpu.memory_space<hbm>>
        tpu.wait_indirect_dma semaphore(%arg11 : memref<!tpu.dma_semaphore, #tpu.memory_space<semaphore_mem>>) src(%dma_wait3A_914 : memref<10240x128xf32, #tpu.memory_space<hbm>>) dst(%dma_wait3A_908 : memref<128x128xf32, #tpu.memory_space<vmem>>)
        %rem3A_915 = arith.constant 8 : i32
        %rem3A_916 = arith.remsi %sub3A_875, %rem3A_915 : i32
        "tpu.region"() ({
          %run_scoped3A = tpu.sem_alloc : memref<!tpu.dma_semaphore, #tpu.memory_space<semaphore_mem>>
          %dma_start3A_917 = arith.constant 0 : i32
          %dma_start3A_918 = arith.constant 0 : i32
          %dma_start3A_919 = tpu.memref_slice %arg8[%rem3A_903, %dma_start3A_917, %dma_start3A_918] : memref<2x128x128xf32, #tpu.memory_space<vmem>> -> memref<1x128x128xf32, #tpu.memory_space<vmem>>
          %dma_start3A_920 = tpu.memref_squeeze %dma_start3A_919 : memref<1x128x128xf32, #tpu.memory_space<vmem>> -> memref<128x128xf32, #tpu.memory_space<vmem>>
          %dma_start3A_921 = arith.constant 0 : i32
          %dma_start3A_922 = tpu.memref_slice %arg7[%rem3A_901, %rem3A_916, %dma_start3A_921] : memref<2x8x128xi32, #tpu.memory_space<vmem>> -> memref<1x1x128xi32, #tpu.memory_space<vmem>>
          %dma_start3A_923 = tpu.memref_squeeze %dma_start3A_922 : memref<1x1x128xi32, #tpu.memory_space<vmem>> -> memref<128xi32, #tpu.memory_space<vmem>>
          %dma_start3A_924 = arith.constant 0 : i32
          %dma_start3A_925 = arith.constant 0 : i32
          %dma_start3A_926 = tpu.memref_slice %arg10[%dma_start3A_924, %dma_start3A_925] : memref<10240x128xf32, #tpu.memory_space<vmem_shared>> -> memref<10240x128xf32, #tpu.memory_space<vmem_shared>>
          tpu.enqueue_indirect_dma source(%dma_start3A_920 : memref<128x128xf32, #tpu.memory_space<vmem>>) target(%dma_start3A_926 : memref<10240x128xf32, #tpu.memory_space<vmem_shared>>) offsets(%dma_start3A_923 : memref<128xi32, #tpu.memory_space<vmem>>) semaphore(%run_scoped3A : memref<!tpu.dma_semaphore, #tpu.memory_space<semaphore_mem>>) {add = true}
          %dma_wait3A_927 = arith.constant 0 : i32
          %dma_wait3A_928 = arith.constant 0 : i32
          %dma_wait3A_929 = tpu.memref_slice %arg8[%rem3A_903, %dma_wait3A_927, %dma_wait3A_928] : memref<2x128x128xf32, #tpu.memory_space<vmem>> -> memref<1x128x128xf32, #tpu.memory_space<vmem>>
          %dma_wait3A_930 = tpu.memref_squeeze %dma_wait3A_929 : memref<1x128x128xf32, #tpu.memory_space<vmem>> -> memref<128x128xf32, #tpu.memory_space<vmem>>
          %dma_wait3A_931 = arith.constant 0 : i32
          %dma_wait3A_932 = tpu.memref_slice %arg7[%rem3A_901, %rem3A_916, %dma_wait3A_931] : memref<2x8x128xi32, #tpu.memory_space<vmem>> -> memref<1x1x128xi32, #tpu.memory_space<vmem>>
          %dma_wait3A_933 = tpu.memref_squeeze %dma_wait3A_932 : memref<1x1x128xi32, #tpu.memory_space<vmem>> -> memref<128xi32, #tpu.memory_space<vmem>>
          %dma_wait3A_934 = arith.constant 0 : i32
          %dma_wait3A_935 = arith.constant 0 : i32
          %dma_wait3A_936 = tpu.memref_slice %arg10[%dma_wait3A_934, %dma_wait3A_935] : memref<10240x128xf32, #tpu.memory_space<vmem_shared>> -> memref<10240x128xf32, #tpu.memory_space<vmem_shared>>
          tpu.wait_indirect_dma semaphore(%run_scoped3A : memref<!tpu.dma_semaphore, #tpu.memory_space<semaphore_mem>>) src(%dma_wait3A_930 : memref<128x128xf32, #tpu.memory_space<vmem>>) dst(%dma_wait3A_936 : memref<10240x128xf32, #tpu.memory_space<vmem_shared>>)
          tpu.yield
        }) : () -> ()
      } else {
      }
      %eq3A_865 = arith.constant 0 : i32
      %eq3A_866 = arith.cmpi eq, %rem3A_859, %eq3A_865 : i32
      %add3A_867 = arith.constant 8 : i32
      %add3A_868 = arith.addi %add3A_835, %add3A_867 : i32
      %lt3A_869 = arith.cmpi slt, %add3A_868, %select_n3A : i32
      %and3A_870 = arith.andi %eq3A_866, %lt3A_869 : i1
      %convert_element_type3A_871 = arith.extui %and3A_870 : i1 to i32
      %cond3A_872 = arith.constant 0 : i32
      %cond3A_873 = arith.cmpi ne, %convert_element_type3A_871, %cond3A_872 : i32
      scf.if %cond3A_873 {
        %add3A_874 = arith.constant 1 : i32
        %add3A_875 = arith.addi %select_n3A_855, %add3A_874 : i32
        %rem3A_876 = arith.constant 2 : i32
        %rem3A_877 = arith.remsi %add3A_875, %rem3A_876 : i32
        %add3A_878 = arith.constant 1 : i32
        %add3A_879 = arith.addi %select_n3A_855, %add3A_878 : i32
        %mul3A_880 = arith.constant 8 : i32
        %mul3A_881 = arith.muli %add3A_879, %mul3A_880 : i32
        %dma_start3A_882 = arith.constant 0 : i32
        %dma_start3A_883 = arith.constant 0 : i32
        %dma_start3A_884 = tpu.memref_slice %arg6[%rem3A_877, %dma_start3A_882, %dma_start3A_883] : memref<2x8x128xi32, #tpu.memory_space<vmem>> -> memref<1x8x128xi32, #tpu.memory_space<vmem>>
        %dma_start3A_885 = tpu.memref_squeeze %dma_start3A_884 : memref<1x8x128xi32, #tpu.memory_space<vmem>> -> memref<8x128xi32, #tpu.memory_space<vmem>>
        %dma_start3A_886 = arith.constant 0 : i32
        %dma_start3A_887 = tpu.memref_slice %arg2[%add3A, %mul3A_881, %dma_start3A_886] : memref<32x80x128xi32, #tpu.memory_space<hbm>> -> memref<1x8x128xi32, #tpu.memory_space<hbm>>
        %dma_start3A_888 = tpu.memref_squeeze %dma_start3A_887 : memref<1x8x128xi32, #tpu.memory_space<hbm>> -> memref<8x128xi32, #tpu.memory_space<hbm>>
        %dma_start3A_889 = arith.constant 0 : i32
        %dma_start3A_890 = arith.constant 0 : i32
        %dma_start3A_891 = tpu.memref_slice %arg6[%rem3A_877, %dma_start3A_889, %dma_start3A_890] : memref<2x8x128xi32, #tpu.memory_space<vmem>> -> memref<1x8x128xi32, #tpu.memory_space<vmem>>
        %dma_start3A_892 = tpu.memref_squeeze %dma_start3A_891 : memref<1x8x128xi32, #tpu.memory_space<vmem>> -> memref<8x128xi32, #tpu.memory_space<vmem>>
        %dma_start3A_893 = arith.constant 0 : i32
        %dma_start3A_894 = tpu.memref_slice %arg2[%add3A, %mul3A_881, %dma_start3A_893] : memref<32x80x128xi32, #tpu.memory_space<hbm>> -> memref<1x8x128xi32, #tpu.memory_space<hbm>>
        %dma_start3A_895 = tpu.memref_squeeze %dma_start3A_894 : memref<1x8x128xi32, #tpu.memory_space<hbm>> -> memref<8x128xi32, #tpu.memory_space<hbm>>
        tpu.enqueue_dma source(%dma_start3A_895 : memref<8x128xi32, #tpu.memory_space<hbm>>) target(%dma_start3A_892 : memref<8x128xi32, #tpu.memory_space<vmem>>) target_semaphore(%arg12 : memref<!tpu.dma_semaphore, #tpu.memory_space<semaphore_mem>>)
        %add3A_896 = arith.constant 1 : i32
        %add3A_897 = arith.addi %select_n3A_855, %add3A_896 : i32
        %mul3A_898 = arith.constant 8 : i32
        %mul3A_899 = arith.muli %add3A_897, %mul3A_898 : i32
        %dma_start3A_900 = arith.constant 0 : i32
        %dma_start3A_901 = arith.constant 0 : i32
        %dma_start3A_902 = tpu.memref_slice %arg7[%rem3A_877, %dma_start3A_900, %dma_start3A_901] : memref<2x8x128xi32, #tpu.memory_space<vmem>> -> memref<1x8x128xi32, #tpu.memory_space<vmem>>
        %dma_start3A_903 = tpu.memref_squeeze %dma_start3A_902 : memref<1x8x128xi32, #tpu.memory_space<vmem>> -> memref<8x128xi32, #tpu.memory_space<vmem>>
        %dma_start3A_904 = arith.constant 0 : i32
        %dma_start3A_905 = tpu.memref_slice %arg3[%add3A, %mul3A_899, %dma_start3A_904] : memref<32x80x128xi32, #tpu.memory_space<hbm>> -> memref<1x8x128xi32, #tpu.memory_space<hbm>>
        %dma_start3A_906 = tpu.memref_squeeze %dma_start3A_905 : memref<1x8x128xi32, #tpu.memory_space<hbm>> -> memref<8x128xi32, #tpu.memory_space<hbm>>
        %dma_start3A_907 = arith.constant 0 : i32
        %dma_start3A_908 = arith.constant 0 : i32
        %dma_start3A_909 = tpu.memref_slice %arg7[%rem3A_877, %dma_start3A_907, %dma_start3A_908] : memref<2x8x128xi32, #tpu.memory_space<vmem>> -> memref<1x8x128xi32, #tpu.memory_space<vmem>>
        %dma_start3A_910 = tpu.memref_squeeze %dma_start3A_909 : memref<1x8x128xi32, #tpu.memory_space<vmem>> -> memref<8x128xi32, #tpu.memory_space<vmem>>
        %dma_start3A_911 = arith.constant 0 : i32
        %dma_start3A_912 = tpu.memref_slice %arg3[%add3A, %mul3A_899, %dma_start3A_911] : memref<32x80x128xi32, #tpu.memory_space<hbm>> -> memref<1x8x128xi32, #tpu.memory_space<hbm>>
        %dma_start3A_913 = tpu.memref_squeeze %dma_start3A_912 : memref<1x8x128xi32, #tpu.memory_space<hbm>> -> memref<8x128xi32, #tpu.memory_space<hbm>>
        tpu.enqueue_dma source(%dma_start3A_913 : memref<8x128xi32, #tpu.memory_space<hbm>>) target(%dma_start3A_910 : memref<8x128xi32, #tpu.memory_space<vmem>>) target_semaphore(%arg12 : memref<!tpu.dma_semaphore, #tpu.memory_space<semaphore_mem>>)
      } else {
      }
    }
    %while3A_825 = arith.constant 1 : i32
    scf.for %while3A_833 = %while3A_823 to %while3A_819 step %while3A_825  : i32 {
      %mul3A_834 = arith.muli %while3A_833, %while3A : i32
      %add3A_835 = arith.addi %while3A_816, %mul3A_834 : i32
      %jit3A_836 = arith.constant 8 : i32
      %div3A_837 = arith.divsi %add3A_835, %jit3A_836 : i32
      %sign3A = arith.constant 0 : i32
      %sign3A_838 = arith.cmpi sgt, %add3A_835, %sign3A : i32
      %sign3A_839 = arith.extui %sign3A_838 : i1 to i32
      %sign3A_840 = arith.constant 0 : i32
      %sign3A_841 = arith.cmpi slt, %add3A_835, %sign3A_840 : i32
      %sign3A_842 = arith.extui %sign3A_841 : i1 to i32
      %sign3A_843 = arith.subi %sign3A_839, %sign3A_842 : i32
      %sign3A_844 = arith.constant 0 : i32
      %sign3A_845 = arith.cmpi sgt, %jit3A_836, %sign3A_844 : i32
      %sign3A_846 = arith.extui %sign3A_845 : i1 to i32
      %sign3A_847 = arith.constant 0 : i32
      %sign3A_848 = arith.cmpi slt, %jit3A_836, %sign3A_847 : i32
      %sign3A_849 = arith.extui %sign3A_848 : i1 to i32
      %sign3A_850 = arith.subi %sign3A_846, %sign3A_849 : i32
      %ne3A = arith.cmpi ne, %sign3A_843, %sign3A_850 : i32
      %rem3A = arith.remsi %add3A_835, %jit3A_836 : i32
      %ne3A_851 = arith.constant 0 : i32
      %ne3A_852 = arith.cmpi ne, %rem3A, %ne3A_851 : i32
      %and3A = arith.andi %ne3A, %ne3A_852 : i1
      %sub3A_853 = arith.constant 1 : i32
      %sub3A_854 = arith.subi %div3A_837, %sub3A_853 : i32
      %select_n3A_855 = arith.select %and3A, %sub3A_854, %div3A_837 : i32
      %rem3A_856 = arith.constant 2 : i32
      %rem3A_857 = arith.remsi %select_n3A_855, %rem3A_856 : i32
      %rem3A_858 = arith.constant 8 : i32
      %rem3A_859 = arith.remsi %add3A_835, %rem3A_858 : i32
      %lt3A = arith.cmpi slt, %add3A_835, %select_n3A : i32
      %convert_element_type3A = arith.extui %lt3A : i1 to i32
      %cond3A = arith.constant 0 : i32
      %cond3A_860 = arith.cmpi ne, %convert_element_type3A, %cond3A : i32
      scf.if %cond3A_860 {
        %eq3A_874 = arith.constant 0 : i32
        %eq3A_875 = arith.cmpi eq, %rem3A_859, %eq3A_874 : i32
        %convert_element_type3A_876 = arith.extui %eq3A_875 : i1 to i32
        %cond3A_877 = arith.constant 0 : i32
        %cond3A_878 = arith.cmpi ne, %convert_element_type3A_876, %cond3A_877 : i32
        scf.if %cond3A_878 {
          %mul3A_891 = arith.constant 8 : i32
          %mul3A_892 = arith.muli %select_n3A_855, %mul3A_891 : i32
          %dma_wait3A = arith.constant 0 : i32
          %dma_wait3A_893 = arith.constant 0 : i32
          %dma_wait3A_894 = tpu.memref_slice %arg6[%rem3A_857, %dma_wait3A, %dma_wait3A_893] : memref<2x8x128xi32, #tpu.memory_space<vmem>> -> memref<1x8x128xi32, #tpu.memory_space<vmem>>
          %dma_wait3A_895 = tpu.memref_squeeze %dma_wait3A_894 : memref<1x8x128xi32, #tpu.memory_space<vmem>> -> memref<8x128xi32, #tpu.memory_space<vmem>>
          %dma_wait3A_896 = arith.constant 0 : i32
          %dma_wait3A_897 = tpu.memref_slice %arg2[%add3A, %mul3A_892, %dma_wait3A_896] : memref<32x80x128xi32, #tpu.memory_space<hbm>> -> memref<1x8x128xi32, #tpu.memory_space<hbm>>
          %dma_wait3A_898 = tpu.memref_squeeze %dma_wait3A_897 : memref<1x8x128xi32, #tpu.memory_space<hbm>> -> memref<8x128xi32, #tpu.memory_space<hbm>>
          %dma_wait3A_899 = arith.constant 0 : i32
          %dma_wait3A_900 = arith.constant 0 : i32
          %dma_wait3A_901 = tpu.memref_slice %arg6[%rem3A_857, %dma_wait3A_899, %dma_wait3A_900] : memref<2x8x128xi32, #tpu.memory_space<vmem>> -> memref<1x8x128xi32, #tpu.memory_space<vmem>>
          %dma_wait3A_902 = tpu.memref_squeeze %dma_wait3A_901 : memref<1x8x128xi32, #tpu.memory_space<vmem>> -> memref<8x128xi32, #tpu.memory_space<vmem>>
          %dma_wait3A_903 = arith.constant 0 : i32
          %dma_wait3A_904 = tpu.memref_slice %arg2[%add3A, %mul3A_892, %dma_wait3A_903] : memref<32x80x128xi32, #tpu.memory_space<hbm>> -> memref<1x8x128xi32, #tpu.memory_space<hbm>>
          %dma_wait3A_905 = tpu.memref_squeeze %dma_wait3A_904 : memref<1x8x128xi32, #tpu.memory_space<hbm>> -> memref<8x128xi32, #tpu.memory_space<hbm>>
          tpu.wait_dma2 semaphore(%arg12 : memref<!tpu.dma_semaphore, #tpu.memory_space<semaphore_mem>>) src(%dma_wait3A_905 : memref<8x128xi32, #tpu.memory_space<hbm>>) dst(%dma_wait3A_902 : memref<8x128xi32, #tpu.memory_space<vmem>>)
          %mul3A_906 = arith.constant 8 : i32
          %mul3A_907 = arith.muli %select_n3A_855, %mul3A_906 : i32
          %dma_wait3A_908 = arith.constant 0 : i32
          %dma_wait3A_909 = arith.constant 0 : i32
          %dma_wait3A_910 = tpu.memref_slice %arg7[%rem3A_857, %dma_wait3A_908, %dma_wait3A_909] : memref<2x8x128xi32, #tpu.memory_space<vmem>> -> memref<1x8x128xi32, #tpu.memory_space<vmem>>
          %dma_wait3A_911 = tpu.memref_squeeze %dma_wait3A_910 : memref<1x8x128xi32, #tpu.memory_space<vmem>> -> memref<8x128xi32, #tpu.memory_space<vmem>>
          %dma_wait3A_912 = arith.constant 0 : i32
          %dma_wait3A_913 = tpu.memref_slice %arg3[%add3A, %mul3A_907, %dma_wait3A_912] : memref<32x80x128xi32, #tpu.memory_space<hbm>> -> memref<1x8x128xi32, #tpu.memory_space<hbm>>
          %dma_wait3A_914 = tpu.memref_squeeze %dma_wait3A_913 : memref<1x8x128xi32, #tpu.memory_space<hbm>> -> memref<8x128xi32, #tpu.memory_space<hbm>>
          %dma_wait3A_915 = arith.constant 0 : i32
          %dma_wait3A_916 = arith.constant 0 : i32
          %dma_wait3A_917 = tpu.memref_slice %arg7[%rem3A_857, %dma_wait3A_915, %dma_wait3A_916] : memref<2x8x128xi32, #tpu.memory_space<vmem>> -> memref<1x8x128xi32, #tpu.memory_space<vmem>>
          %dma_wait3A_918 = tpu.memref_squeeze %dma_wait3A_917 : memref<1x8x128xi32, #tpu.memory_space<vmem>> -> memref<8x128xi32, #tpu.memory_space<vmem>>
          %dma_wait3A_919 = arith.constant 0 : i32
          %dma_wait3A_920 = tpu.memref_slice %arg3[%add3A, %mul3A_907, %dma_wait3A_919] : memref<32x80x128xi32, #tpu.memory_space<hbm>> -> memref<1x8x128xi32, #tpu.memory_space<hbm>>
          %dma_wait3A_921 = tpu.memref_squeeze %dma_wait3A_920 : memref<1x8x128xi32, #tpu.memory_space<hbm>> -> memref<8x128xi32, #tpu.memory_space<hbm>>
          tpu.wait_dma2 semaphore(%arg12 : memref<!tpu.dma_semaphore, #tpu.memory_space<semaphore_mem>>) src(%dma_wait3A_921 : memref<8x128xi32, #tpu.memory_space<hbm>>) dst(%dma_wait3A_918 : memref<8x128xi32, #tpu.memory_space<vmem>>)
        } else {
        }
        %rem3A_879 = arith.constant 2 : i32
        %rem3A_880 = arith.remsi %add3A_835, %rem3A_879 : i32
        %dma_start3A_881 = arith.constant 0 : i32
        %dma_start3A_882 = arith.constant 0 : i32
        %dma_start3A_883 = tpu.memref_slice %arg8[%rem3A_880, %dma_start3A_881, %dma_start3A_882] : memref<2x128x128xf32, #tpu.memory_space<vmem>> -> memref<1x128x128xf32, #tpu.memory_space<vmem>>
        %dma_start3A_884 = tpu.memref_squeeze %dma_start3A_883 : memref<1x128x128xf32, #tpu.memory_space<vmem>> -> memref<128x128xf32, #tpu.memory_space<vmem>>
        %dma_start3A_885 = arith.constant 0 : i32
        %dma_start3A_886 = tpu.memref_slice %arg6[%rem3A_857, %rem3A_859, %dma_start3A_885] : memref<2x8x128xi32, #tpu.memory_space<vmem>> -> memref<1x1x128xi32, #tpu.memory_space<vmem>>
        %dma_start3A_887 = tpu.memref_squeeze %dma_start3A_886 : memref<1x1x128xi32, #tpu.memory_space<vmem>> -> memref<128xi32, #tpu.memory_space<vmem>>
        %dma_start3A_888 = arith.constant 0 : i32
        %dma_start3A_889 = arith.constant 0 : i32
        %dma_start3A_890 = tpu.memref_slice %arg4[%dma_start3A_888, %dma_start3A_889] : memref<10240x128xf32, #tpu.memory_space<hbm>> -> memref<10240x128xf32, #tpu.memory_space<hbm>>
        tpu.enqueue_indirect_dma source(%dma_start3A_890 : memref<10240x128xf32, #tpu.memory_space<hbm>>) target(%dma_start3A_884 : memref<128x128xf32, #tpu.memory_space<vmem>>) offsets(%dma_start3A_887 : memref<128xi32, #tpu.memory_space<vmem>>) semaphore(%arg11 : memref<!tpu.dma_semaphore, #tpu.memory_space<semaphore_mem>>)
      } else {
      }
      %ge3A = arith.constant 1 : i32
      %ge3A_861 = arith.cmpi sge, %add3A_835, %ge3A : i32
      %convert_element_type3A_862 = arith.extui %ge3A_861 : i1 to i32
      %cond3A_863 = arith.constant 0 : i32
      %cond3A_864 = arith.cmpi ne, %convert_element_type3A_862, %cond3A_863 : i32
      scf.if %cond3A_864 {
        %sub3A_874 = arith.constant 1 : i32
        %sub3A_875 = arith.subi %add3A_835, %sub3A_874 : i32
        %jit3A_876 = arith.constant 8 : i32
        %div3A_877 = arith.divsi %sub3A_875, %jit3A_876 : i32
        %sign3A_878 = arith.constant 0 : i32
        %sign3A_879 = arith.cmpi sgt, %sub3A_875, %sign3A_878 : i32
        %sign3A_880 = arith.extui %sign3A_879 : i1 to i32
        %sign3A_881 = arith.constant 0 : i32
        %sign3A_882 = arith.cmpi slt, %sub3A_875, %sign3A_881 : i32
        %sign3A_883 = arith.extui %sign3A_882 : i1 to i32
        %sign3A_884 = arith.subi %sign3A_880, %sign3A_883 : i32
        %sign3A_885 = arith.constant 0 : i32
        %sign3A_886 = arith.cmpi sgt, %jit3A_876, %sign3A_885 : i32
        %sign3A_887 = arith.extui %sign3A_886 : i1 to i32
        %sign3A_888 = arith.constant 0 : i32
        %sign3A_889 = arith.cmpi slt, %jit3A_876, %sign3A_888 : i32
        %sign3A_890 = arith.extui %sign3A_889 : i1 to i32
        %sign3A_891 = arith.subi %sign3A_887, %sign3A_890 : i32
        %ne3A_892 = arith.cmpi ne, %sign3A_884, %sign3A_891 : i32
        %rem3A_893 = arith.remsi %sub3A_875, %jit3A_876 : i32
        %ne3A_894 = arith.constant 0 : i32
        %ne3A_895 = arith.cmpi ne, %rem3A_893, %ne3A_894 : i32
        %and3A_896 = arith.andi %ne3A_892, %ne3A_895 : i1
        %sub3A_897 = arith.constant 1 : i32
        %sub3A_898 = arith.subi %div3A_877, %sub3A_897 : i32
        %select_n3A_899 = arith.select %and3A_896, %sub3A_898, %div3A_877 : i32
        %rem3A_900 = arith.constant 2 : i32
        %rem3A_901 = arith.remsi %select_n3A_899, %rem3A_900 : i32
        %rem3A_902 = arith.constant 2 : i32
        %rem3A_903 = arith.remsi %sub3A_875, %rem3A_902 : i32
        %rem3A_904 = arith.constant 8 : i32
        %rem3A_905 = arith.remsi %sub3A_875, %rem3A_904 : i32
        %dma_wait3A = arith.constant 0 : i32
        %dma_wait3A_906 = arith.constant 0 : i32
        %dma_wait3A_907 = tpu.memref_slice %arg8[%rem3A_903, %dma_wait3A, %dma_wait3A_906] : memref<2x128x128xf32, #tpu.memory_space<vmem>> -> memref<1x128x128xf32, #tpu.memory_space<vmem>>
        %dma_wait3A_908 = tpu.memref_squeeze %dma_wait3A_907 : memref<1x128x128xf32, #tpu.memory_space<vmem>> -> memref<128x128xf32, #tpu.memory_space<vmem>>
        %dma_wait3A_909 = arith.constant 0 : i32
        %dma_wait3A_910 = tpu.memref_slice %arg6[%rem3A_901, %rem3A_905, %dma_wait3A_909] : memref<2x8x128xi32, #tpu.memory_space<vmem>> -> memref<1x1x128xi32, #tpu.memory_space<vmem>>
        %dma_wait3A_911 = tpu.memref_squeeze %dma_wait3A_910 : memref<1x1x128xi32, #tpu.memory_space<vmem>> -> memref<128xi32, #tpu.memory_space<vmem>>
        %dma_wait3A_912 = arith.constant 0 : i32
        %dma_wait3A_913 = arith.constant 0 : i32
        %dma_wait3A_914 = tpu.memref_slice %arg4[%dma_wait3A_912, %dma_wait3A_913] : memref<10240x128xf32, #tpu.memory_space<hbm>> -> memref<10240x128xf32, #tpu.memory_space<hbm>>
        tpu.wait_indirect_dma semaphore(%arg11 : memref<!tpu.dma_semaphore, #tpu.memory_space<semaphore_mem>>) src(%dma_wait3A_914 : memref<10240x128xf32, #tpu.memory_space<hbm>>) dst(%dma_wait3A_908 : memref<128x128xf32, #tpu.memory_space<vmem>>)
        %rem3A_915 = arith.constant 8 : i32
        %rem3A_916 = arith.remsi %sub3A_875, %rem3A_915 : i32
        "tpu.region"() ({
          %run_scoped3A = tpu.sem_alloc : memref<!tpu.dma_semaphore, #tpu.memory_space<semaphore_mem>>
          %dma_start3A_917 = arith.constant 0 : i32
          %dma_start3A_918 = arith.constant 0 : i32
          %dma_start3A_919 = tpu.memref_slice %arg8[%rem3A_903, %dma_start3A_917, %dma_start3A_918] : memref<2x128x128xf32, #tpu.memory_space<vmem>> -> memref<1x128x128xf32, #tpu.memory_space<vmem>>
          %dma_start3A_920 = tpu.memref_squeeze %dma_start3A_919 : memref<1x128x128xf32, #tpu.memory_space<vmem>> -> memref<128x128xf32, #tpu.memory_space<vmem>>
          %dma_start3A_921 = arith.constant 0 : i32
          %dma_start3A_922 = tpu.memref_slice %arg7[%rem3A_901, %rem3A_916, %dma_start3A_921] : memref<2x8x128xi32, #tpu.memory_space<vmem>> -> memref<1x1x128xi32, #tpu.memory_space<vmem>>
          %dma_start3A_923 = tpu.memref_squeeze %dma_start3A_922 : memref<1x1x128xi32, #tpu.memory_space<vmem>> -> memref<128xi32, #tpu.memory_space<vmem>>
          %dma_start3A_924 = arith.constant 0 : i32
          %dma_start3A_925 = arith.constant 0 : i32
          %dma_start3A_926 = tpu.memref_slice %arg10[%dma_start3A_924, %dma_start3A_925] : memref<10240x128xf32, #tpu.memory_space<vmem_shared>> -> memref<10240x128xf32, #tpu.memory_space<vmem_shared>>
          tpu.enqueue_indirect_dma source(%dma_start3A_920 : memref<128x128xf32, #tpu.memory_space<vmem>>) target(%dma_start3A_926 : memref<10240x128xf32, #tpu.memory_space<vmem_shared>>) offsets(%dma_start3A_923 : memref<128xi32, #tpu.memory_space<vmem>>) semaphore(%run_scoped3A : memref<!tpu.dma_semaphore, #tpu.memory_space<semaphore_mem>>) {add = true}
          %dma_wait3A_927 = arith.constant 0 : i32
          %dma_wait3A_928 = arith.constant 0 : i32
          %dma_wait3A_929 = tpu.memref_slice %arg8[%rem3A_903, %dma_wait3A_927, %dma_wait3A_928] : memref<2x128x128xf32, #tpu.memory_space<vmem>> -> memref<1x128x128xf32, #tpu.memory_space<vmem>>
          %dma_wait3A_930 = tpu.memref_squeeze %dma_wait3A_929 : memref<1x128x128xf32, #tpu.memory_space<vmem>> -> memref<128x128xf32, #tpu.memory_space<vmem>>
          %dma_wait3A_931 = arith.constant 0 : i32
          %dma_wait3A_932 = tpu.memref_slice %arg7[%rem3A_901, %rem3A_916, %dma_wait3A_931] : memref<2x8x128xi32, #tpu.memory_space<vmem>> -> memref<1x1x128xi32, #tpu.memory_space<vmem>>
          %dma_wait3A_933 = tpu.memref_squeeze %dma_wait3A_932 : memref<1x1x128xi32, #tpu.memory_space<vmem>> -> memref<128xi32, #tpu.memory_space<vmem>>
          %dma_wait3A_934 = arith.constant 0 : i32
          %dma_wait3A_935 = arith.constant 0 : i32
          %dma_wait3A_936 = tpu.memref_slice %arg10[%dma_wait3A_934, %dma_wait3A_935] : memref<10240x128xf32, #tpu.memory_space<vmem_shared>> -> memref<10240x128xf32, #tpu.memory_space<vmem_shared>>
          tpu.wait_indirect_dma semaphore(%run_scoped3A : memref<!tpu.dma_semaphore, #tpu.memory_space<semaphore_mem>>) src(%dma_wait3A_930 : memref<128x128xf32, #tpu.memory_space<vmem>>) dst(%dma_wait3A_936 : memref<10240x128xf32, #tpu.memory_space<vmem_shared>>)
          tpu.yield
        }) : () -> ()
      } else {
      }
      %eq3A_865 = arith.constant 0 : i32
      %eq3A_866 = arith.cmpi eq, %rem3A_859, %eq3A_865 : i32
      %add3A_867 = arith.constant 8 : i32
      %add3A_868 = arith.addi %add3A_835, %add3A_867 : i32
      %lt3A_869 = arith.cmpi slt, %add3A_868, %select_n3A : i32
      %and3A_870 = arith.andi %eq3A_866, %lt3A_869 : i1
      %convert_element_type3A_871 = arith.extui %and3A_870 : i1 to i32
      %cond3A_872 = arith.constant 0 : i32
      %cond3A_873 = arith.cmpi ne, %convert_element_type3A_871, %cond3A_872 : i32
      scf.if %cond3A_873 {
        %add3A_874 = arith.constant 1 : i32
        %add3A_875 = arith.addi %select_n3A_855, %add3A_874 : i32
        %rem3A_876 = arith.constant 2 : i32
        %rem3A_877 = arith.remsi %add3A_875, %rem3A_876 : i32
        %add3A_878 = arith.constant 1 : i32
        %add3A_879 = arith.addi %select_n3A_855, %add3A_878 : i32
        %mul3A_880 = arith.constant 8 : i32
        %mul3A_881 = arith.muli %add3A_879, %mul3A_880 : i32
        %dma_start3A_882 = arith.constant 0 : i32
        %dma_start3A_883 = arith.constant 0 : i32
        %dma_start3A_884 = tpu.memref_slice %arg6[%rem3A_877, %dma_start3A_882, %dma_start3A_883] : memref<2x8x128xi32, #tpu.memory_space<vmem>> -> memref<1x8x128xi32, #tpu.memory_space<vmem>>
        %dma_start3A_885 = tpu.memref_squeeze %dma_start3A_884 : memref<1x8x128xi32, #tpu.memory_space<vmem>> -> memref<8x128xi32, #tpu.memory_space<vmem>>
        %dma_start3A_886 = arith.constant 0 : i32
        %dma_start3A_887 = tpu.memref_slice %arg2[%add3A, %mul3A_881, %dma_start3A_886] : memref<32x80x128xi32, #tpu.memory_space<hbm>> -> memref<1x8x128xi32, #tpu.memory_space<hbm>>
        %dma_start3A_888 = tpu.memref_squeeze %dma_start3A_887 : memref<1x8x128xi32, #tpu.memory_space<hbm>> -> memref<8x128xi32, #tpu.memory_space<hbm>>
        %dma_start3A_889 = arith.constant 0 : i32
        %dma_start3A_890 = arith.constant 0 : i32
        %dma_start3A_891 = tpu.memref_slice %arg6[%rem3A_877, %dma_start3A_889, %dma_start3A_890] : memref<2x8x128xi32, #tpu.memory_space<vmem>> -> memref<1x8x128xi32, #tpu.memory_space<vmem>>
        %dma_start3A_892 = tpu.memref_squeeze %dma_start3A_891 : memref<1x8x128xi32, #tpu.memory_space<vmem>> -> memref<8x128xi32, #tpu.memory_space<vmem>>
        %dma_start3A_893 = arith.constant 0 : i32
        %dma_start3A_894 = tpu.memref_slice %arg2[%add3A, %mul3A_881, %dma_start3A_893] : memref<32x80x128xi32, #tpu.memory_space<hbm>> -> memref<1x8x128xi32, #tpu.memory_space<hbm>>
        %dma_start3A_895 = tpu.memref_squeeze %dma_start3A_894 : memref<1x8x128xi32, #tpu.memory_space<hbm>> -> memref<8x128xi32, #tpu.memory_space<hbm>>
        tpu.enqueue_dma source(%dma_start3A_895 : memref<8x128xi32, #tpu.memory_space<hbm>>) target(%dma_start3A_892 : memref<8x128xi32, #tpu.memory_space<vmem>>) target_semaphore(%arg12 : memref<!tpu.dma_semaphore, #tpu.memory_space<semaphore_mem>>)
        %add3A_896 = arith.constant 1 : i32
        %add3A_897 = arith.addi %select_n3A_855, %add3A_896 : i32
        %mul3A_898 = arith.constant 8 : i32
        %mul3A_899 = arith.muli %add3A_897, %mul3A_898 : i32
        %dma_start3A_900 = arith.constant 0 : i32
        %dma_start3A_901 = arith.constant 0 : i32
        %dma_start3A_902 = tpu.memref_slice %arg7[%rem3A_877, %dma_start3A_900, %dma_start3A_901] : memref<2x8x128xi32, #tpu.memory_space<vmem>> -> memref<1x8x128xi32, #tpu.memory_space<vmem>>
        %dma_start3A_903 = tpu.memref_squeeze %dma_start3A_902 : memref<1x8x128xi32, #tpu.memory_space<vmem>> -> memref<8x128xi32, #tpu.memory_space<vmem>>
        %dma_start3A_904 = arith.constant 0 : i32
        %dma_start3A_905 = tpu.memref_slice %arg3[%add3A, %mul3A_899, %dma_start3A_904] : memref<32x80x128xi32, #tpu.memory_space<hbm>> -> memref<1x8x128xi32, #tpu.memory_space<hbm>>
        %dma_start3A_906 = tpu.memref_squeeze %dma_start3A_905 : memref<1x8x128xi32, #tpu.memory_space<hbm>> -> memref<8x128xi32, #tpu.memory_space<hbm>>
        %dma_start3A_907 = arith.constant 0 : i32
        %dma_start3A_908 = arith.constant 0 : i32
        %dma_start3A_909 = tpu.memref_slice %arg7[%rem3A_877, %dma_start3A_907, %dma_start3A_908] : memref<2x8x128xi32, #tpu.memory_space<vmem>> -> memref<1x8x128xi32, #tpu.memory_space<vmem>>
        %dma_start3A_910 = tpu.memref_squeeze %dma_start3A_909 : memref<1x8x128xi32, #tpu.memory_space<vmem>> -> memref<8x128xi32, #tpu.memory_space<vmem>>
        %dma_start3A_911 = arith.constant 0 : i32
        %dma_start3A_912 = tpu.memref_slice %arg3[%add3A, %mul3A_899, %dma_start3A_911] : memref<32x80x128xi32, #tpu.memory_space<hbm>> -> memref<1x8x128xi32, #tpu.memory_space<hbm>>
        %dma_start3A_913 = tpu.memref_squeeze %dma_start3A_912 : memref<1x8x128xi32, #tpu.memory_space<hbm>> -> memref<8x128xi32, #tpu.memory_space<hbm>>
        tpu.enqueue_dma source(%dma_start3A_913 : memref<8x128xi32, #tpu.memory_space<hbm>>) target(%dma_start3A_910 : memref<8x128xi32, #tpu.memory_space<vmem>>) target_semaphore(%arg12 : memref<!tpu.dma_semaphore, #tpu.memory_space<semaphore_mem>>)
      } else {
      }
    }
    %barrier3A_826 = arith.constant 0 : index
    tpu.barrier barrier_id(%barrier3A_826)
    %scan3A_827 = arith.constant 0 : i32
    %scan3A_828 = arith.constant 0 : i32
    %scan3A_829 = arith.constant 5 : i32
    %scan3A_830 = arith.addi %scan3A_828, %scan3A_829 : i32
    %scan3A_831 = arith.constant 1 : i32
    scf.for %scan3A_833 = %scan3A_828 to %scan3A_830 step %scan3A_831  : i32 {
      %mul3A_834 = arith.constant 1 : i32
      %mul3A_835 = arith.muli %scan3A_833, %mul3A_834 : i32
      %add3A_836 = arith.constant 0 : i32
      %add3A_837 = arith.addi %add3A_836, %mul3A_835 : i32
      %mul3A_838 = arith.constant 640 : i32
      %mul3A_839 = arith.muli %arg1, %mul3A_838 : i32
      %mul3A_840 = arith.constant 128 : i32
      %mul3A_841 = arith.muli %add3A_837, %mul3A_840 : i32
      %add3A_842 = arith.addi %mul3A_839, %mul3A_841 : i32
      "tpu.region"() ({
        %run_scoped3A = tpu.sem_alloc : memref<!tpu.dma_semaphore, #tpu.memory_space<semaphore_mem>>
        %dma_start3A_848 = arith.constant 0 : i32
        %dma_start3A_849 = arith.constant 0 : i32
        %dma_start3A_850 = tpu.memref_slice %arg8[%scan3A_827, %dma_start3A_848, %dma_start3A_849] : memref<2x128x128xf32, #tpu.memory_space<vmem>> -> memref<1x128x128xf32, #tpu.memory_space<vmem>>
        %dma_start3A_851 = tpu.memref_squeeze %dma_start3A_850 : memref<1x128x128xf32, #tpu.memory_space<vmem>> -> memref<128x128xf32, #tpu.memory_space<vmem>>
        %dma_start3A_852 = arith.constant 0 : i32
        %dma_start3A_853 = tpu.memref_slice %arg10[%add3A_842, %dma_start3A_852] : memref<10240x128xf32, #tpu.memory_space<vmem_shared>> -> memref<128x128xf32, #tpu.memory_space<vmem_shared>>
        %dma_start3A_854 = arith.constant 0 : i32
        %dma_start3A_855 = arith.constant 0 : i32
        %dma_start3A_856 = tpu.memref_slice %arg8[%scan3A_827, %dma_start3A_854, %dma_start3A_855] : memref<2x128x128xf32, #tpu.memory_space<vmem>> -> memref<1x128x128xf32, #tpu.memory_space<vmem>>
        %dma_start3A_857 = tpu.memref_squeeze %dma_start3A_856 : memref<1x128x128xf32, #tpu.memory_space<vmem>> -> memref<128x128xf32, #tpu.memory_space<vmem>>
        %dma_start3A_858 = arith.constant 0 : i32
        %dma_start3A_859 = tpu.memref_slice %arg10[%add3A_842, %dma_start3A_858] : memref<10240x128xf32, #tpu.memory_space<vmem_shared>> -> memref<128x128xf32, #tpu.memory_space<vmem_shared>>
        tpu.enqueue_dma source(%dma_start3A_859 : memref<128x128xf32, #tpu.memory_space<vmem_shared>>) target(%dma_start3A_857 : memref<128x128xf32, #tpu.memory_space<vmem>>) target_semaphore(%run_scoped3A : memref<!tpu.dma_semaphore, #tpu.memory_space<semaphore_mem>>)
        %dma_wait3A = arith.constant 0 : i32
        %dma_wait3A_860 = arith.constant 0 : i32
        %dma_wait3A_861 = tpu.memref_slice %arg8[%scan3A_827, %dma_wait3A, %dma_wait3A_860] : memref<2x128x128xf32, #tpu.memory_space<vmem>> -> memref<1x128x128xf32, #tpu.memory_space<vmem>>
        %dma_wait3A_862 = tpu.memref_squeeze %dma_wait3A_861 : memref<1x128x128xf32, #tpu.memory_space<vmem>> -> memref<128x128xf32, #tpu.memory_space<vmem>>
        %dma_wait3A_863 = arith.constant 0 : i32
        %dma_wait3A_864 = tpu.memref_slice %arg10[%add3A_842, %dma_wait3A_863] : memref<10240x128xf32, #tpu.memory_space<vmem_shared>> -> memref<128x128xf32, #tpu.memory_space<vmem_shared>>
        %dma_wait3A_865 = arith.constant 0 : i32
        %dma_wait3A_866 = arith.constant 0 : i32
        %dma_wait3A_867 = tpu.memref_slice %arg8[%scan3A_827, %dma_wait3A_865, %dma_wait3A_866] : memref<2x128x128xf32, #tpu.memory_space<vmem>> -> memref<1x128x128xf32, #tpu.memory_space<vmem>>
        %dma_wait3A_868 = tpu.memref_squeeze %dma_wait3A_867 : memref<1x128x128xf32, #tpu.memory_space<vmem>> -> memref<128x128xf32, #tpu.memory_space<vmem>>
        %dma_wait3A_869 = arith.constant 0 : i32
        %dma_wait3A_870 = tpu.memref_slice %arg10[%add3A_842, %dma_wait3A_869] : memref<10240x128xf32, #tpu.memory_space<vmem_shared>> -> memref<128x128xf32, #tpu.memory_space<vmem_shared>>
        tpu.wait_dma2 semaphore(%run_scoped3A : memref<!tpu.dma_semaphore, #tpu.memory_space<semaphore_mem>>) src(%dma_wait3A_870 : memref<128x128xf32, #tpu.memory_space<vmem_shared>>) dst(%dma_wait3A_868 : memref<128x128xf32, #tpu.memory_space<vmem>>)
        tpu.yield
      }) : () -> ()
      %mul3A_843 = arith.constant 640 : i32
      %mul3A_844 = arith.muli %arg1, %mul3A_843 : i32
      %mul3A_845 = arith.constant 128 : i32
      %mul3A_846 = arith.muli %add3A_837, %mul3A_845 : i32
      %add3A_847 = arith.addi %mul3A_844, %mul3A_846 : i32
      "tpu.region"() ({
        %run_scoped3A = tpu.sem_alloc : memref<!tpu.dma_semaphore, #tpu.memory_space<semaphore_mem>>
        %dma_start3A_848 = arith.constant 0 : i32
        %dma_start3A_849 = arith.constant 0 : i32
        %dma_start3A_850 = tpu.memref_slice %arg8[%scan3A_827, %dma_start3A_848, %dma_start3A_849] : memref<2x128x128xf32, #tpu.memory_space<vmem>> -> memref<1x128x128xf32, #tpu.memory_space<vmem>>
        %dma_start3A_851 = tpu.memref_squeeze %dma_start3A_850 : memref<1x128x128xf32, #tpu.memory_space<vmem>> -> memref<128x128xf32, #tpu.memory_space<vmem>>
        %dma_start3A_852 = arith.constant 0 : i32
        %dma_start3A_853 = tpu.memref_slice %arg5[%arg0, %add3A_847, %dma_start3A_852] : memref<2x10240x128xf32, #tpu.memory_space<hbm>> -> memref<1x128x128xf32, #tpu.memory_space<hbm>>
        %dma_start3A_854 = tpu.memref_squeeze %dma_start3A_853 : memref<1x128x128xf32, #tpu.memory_space<hbm>> -> memref<128x128xf32, #tpu.memory_space<hbm>>
        %dma_start3A_855 = arith.constant 0 : i32
        %dma_start3A_856 = tpu.memref_slice %arg5[%arg0, %add3A_847, %dma_start3A_855] : memref<2x10240x128xf32, #tpu.memory_space<hbm>> -> memref<1x128x128xf32, #tpu.memory_space<hbm>>
        %dma_start3A_857 = tpu.memref_squeeze %dma_start3A_856 : memref<1x128x128xf32, #tpu.memory_space<hbm>> -> memref<128x128xf32, #tpu.memory_space<hbm>>
        %dma_start3A_858 = arith.constant 0 : i32
        %dma_start3A_859 = arith.constant 0 : i32
        %dma_start3A_860 = tpu.memref_slice %arg8[%scan3A_827, %dma_start3A_858, %dma_start3A_859] : memref<2x128x128xf32, #tpu.memory_space<vmem>> -> memref<1x128x128xf32, #tpu.memory_space<vmem>>
        %dma_start3A_861 = tpu.memref_squeeze %dma_start3A_860 : memref<1x128x128xf32, #tpu.memory_space<vmem>> -> memref<128x128xf32, #tpu.memory_space<vmem>>
        tpu.enqueue_dma source(%dma_start3A_861 : memref<128x128xf32, #tpu.memory_space<vmem>>) target(%dma_start3A_857 : memref<128x128xf32, #tpu.memory_space<hbm>>) target_semaphore(%run_scoped3A : memref<!tpu.dma_semaphore, #tpu.memory_space<semaphore_mem>>)
        %dma_wait3A = arith.constant 0 : i32
        %dma_wait3A_862 = arith.constant 0 : i32
        %dma_wait3A_863 = tpu.memref_slice %arg8[%scan3A_827, %dma_wait3A, %dma_wait3A_862] : memref<2x128x128xf32, #tpu.memory_space<vmem>> -> memref<1x128x128xf32, #tpu.memory_space<vmem>>
        %dma_wait3A_864 = tpu.memref_squeeze %dma_wait3A_863 : memref<1x128x128xf32, #tpu.memory_space<vmem>> -> memref<128x128xf32, #tpu.memory_space<vmem>>
        %dma_wait3A_865 = arith.constant 0 : i32
        %dma_wait3A_866 = tpu.memref_slice %arg5[%arg0, %add3A_847, %dma_wait3A_865] : memref<2x10240x128xf32, #tpu.memory_space<hbm>> -> memref<1x128x128xf32, #tpu.memory_space<hbm>>
        %dma_wait3A_867 = tpu.memref_squeeze %dma_wait3A_866 : memref<1x128x128xf32, #tpu.memory_space<hbm>> -> memref<128x128xf32, #tpu.memory_space<hbm>>
        %dma_wait3A_868 = arith.constant 0 : i32
        %dma_wait3A_869 = tpu.memref_slice %arg5[%arg0, %add3A_847, %dma_wait3A_868] : memref<2x10240x128xf32, #tpu.memory_space<hbm>> -> memref<1x128x128xf32, #tpu.memory_space<hbm>>
        %dma_wait3A_870 = tpu.memref_squeeze %dma_wait3A_869 : memref<1x128x128xf32, #tpu.memory_space<hbm>> -> memref<128x128xf32, #tpu.memory_space<hbm>>
        %dma_wait3A_871 = arith.constant 0 : i32
        %dma_wait3A_872 = arith.constant 0 : i32
        %dma_wait3A_873 = tpu.memref_slice %arg8[%scan3A_827, %dma_wait3A_871, %dma_wait3A_872] : memref<2x128x128xf32, #tpu.memory_space<vmem>> -> memref<1x128x128xf32, #tpu.memory_space<vmem>>
        %dma_wait3A_874 = tpu.memref_squeeze %dma_wait3A_873 : memref<1x128x128xf32, #tpu.memory_space<vmem>> -> memref<128x128xf32, #tpu.memory_space<vmem>>
        tpu.wait_dma2 semaphore(%run_scoped3A : memref<!tpu.dma_semaphore, #tpu.memory_space<semaphore_mem>>) src(%dma_wait3A_874 : memref<128x128xf32, #tpu.memory_space<vmem>>) dst(%dma_wait3A_870 : memref<128x128xf32, #tpu.memory_space<hbm>>)
        tpu.yield
      }) : () -> ()
    }
    %scan3A_832 = arith.constant 5 : i32
    return
  }
}

#map = affine_map<(d0, d1) -> (0, 0, 0)>
module attributes {stable_mosaic.version = 14 : i64} {
  func.func @sc_degree(%arg0: i32, %arg1: i32, %arg2: memref<32x80x128xi32, #tpu.memory_space<hbm>>, %arg3: memref<2x10240x16xf32, #tpu.memory_space<hbm>>, %arg4: memref<80x128xi32, #tpu.memory_space<vmem>>, %arg5: memref<128x16xf32, #tpu.memory_space<vmem>>, %arg6: memref<16x16xf32, #tpu.memory_space<vmem>>, %arg7: memref<10240x16xf32, #tpu.memory_space<vmem_shared>>, %arg8: memref<!tpu.dma_semaphore, #tpu.memory_space<semaphore_mem>>) attributes {dimension_semantics = [#tpu.dimension_semantics<core_parallel>, #tpu.dimension_semantics<subcore_parallel>], iteration_bounds = array<i64: 2, 16>, scalar_prefetch = 0 : i64, scratch_operands = 5 : i64, tpu.core_type = #tpu.core_type<sc_vector_subcore>, window_params = [{transform_indices = #map}, {transform_indices = #map}]} {
    %mul3A = arith.constant 16 : i32
    %mul3A_0 = arith.muli %arg0, %mul3A : i32
    %add3A = arith.addi %mul3A_0, %arg1 : i32
    %broadcast_in_dim3A = arith.constant 0.000000e+00 : f32
    %broadcast_in_dim3A_1 = vector.broadcast %broadcast_in_dim3A : f32 to vector<16xf32>
    %swap3A = arith.constant 0 : i32
    %swap3A_2 = arith.index_cast %swap3A : i32 to index
    %swap3A_3 = arith.constant 0 : index
    %swap3A_4 = tpu.vector_load %arg6[%swap3A_2, %swap3A_3] {strides = array<i32>} : memref<16x16xf32, #tpu.memory_space<vmem>>, vector<1x16xf32>,
    %swap3A_5 = vector.shape_cast %swap3A_4 : vector<1x16xf32> to vector<16xf32>
    %swap3A_6 = vector.shape_cast %broadcast_in_dim3A_1 : vector<16xf32> to vector<1x16xf32>
    tpu.vector_store %arg6[%swap3A_2, %swap3A_3], %swap3A_6 {strides = array<i32>} : memref<16x16xf32, #tpu.memory_space<vmem>>, vector<1x16xf32>,
    %swap3A_7 = arith.constant 1 : i32
    %swap3A_8 = arith.index_cast %swap3A_7 : i32 to index
    %swap3A_9 = arith.constant 0 : index
    %swap3A_10 = tpu.vector_load %arg6[%swap3A_8, %swap3A_9] {strides = array<i32>} : memref<16x16xf32, #tpu.memory_space<vmem>>, vector<1x16xf32>,
    %swap3A_11 = vector.shape_cast %swap3A_10 : vector<1x16xf32> to vector<16xf32>
    %swap3A_12 = vector.shape_cast %broadcast_in_dim3A_1 : vector<16xf32> to vector<1x16xf32>
    tpu.vector_store %arg6[%swap3A_8, %swap3A_9], %swap3A_12 {strides = array<i32>} : memref<16x16xf32, #tpu.memory_space<vmem>>, vector<1x16xf32>,
    %swap3A_13 = arith.constant 2 : i32
    %swap3A_14 = arith.index_cast %swap3A_13 : i32 to index
    %swap3A_15 = arith.constant 0 : index
    %swap3A_16 = tpu.vector_load %arg6[%swap3A_14, %swap3A_15] {strides = array<i32>} : memref<16x16xf32, #tpu.memory_space<vmem>>, vector<1x16xf32>,
    %swap3A_17 = vector.shape_cast %swap3A_16 : vector<1x16xf32> to vector<16xf32>
    %swap3A_18 = vector.shape_cast %broadcast_in_dim3A_1 : vector<16xf32> to vector<1x16xf32>
    tpu.vector_store %arg6[%swap3A_14, %swap3A_15], %swap3A_18 {strides = array<i32>} : memref<16x16xf32, #tpu.memory_space<vmem>>, vector<1x16xf32>,
    %swap3A_19 = arith.constant 3 : i32
    %swap3A_20 = arith.index_cast %swap3A_19 : i32 to index
    %swap3A_21 = arith.constant 0 : index
    %swap3A_22 = tpu.vector_load %arg6[%swap3A_20, %swap3A_21] {strides = array<i32>} : memref<16x16xf32, #tpu.memory_space<vmem>>, vector<1x16xf32>,
    %swap3A_23 = vector.shape_cast %swap3A_22 : vector<1x16xf32> to vector<16xf32>
    %swap3A_24 = vector.shape_cast %broadcast_in_dim3A_1 : vector<16xf32> to vector<1x16xf32>
    tpu.vector_store %arg6[%swap3A_20, %swap3A_21], %swap3A_24 {strides = array<i32>} : memref<16x16xf32, #tpu.memory_space<vmem>>, vector<1x16xf32>,
    %swap3A_25 = arith.constant 4 : i32
    %swap3A_26 = arith.index_cast %swap3A_25 : i32 to index
    %swap3A_27 = arith.constant 0 : index
    %swap3A_28 = tpu.vector_load %arg6[%swap3A_26, %swap3A_27] {strides = array<i32>} : memref<16x16xf32, #tpu.memory_space<vmem>>, vector<1x16xf32>,
    %swap3A_29 = vector.shape_cast %swap3A_28 : vector<1x16xf32> to vector<16xf32>
    %swap3A_30 = vector.shape_cast %broadcast_in_dim3A_1 : vector<16xf32> to vector<1x16xf32>
    tpu.vector_store %arg6[%swap3A_26, %swap3A_27], %swap3A_30 {strides = array<i32>} : memref<16x16xf32, #tpu.memory_space<vmem>>, vector<1x16xf32>,
    %swap3A_31 = arith.constant 5 : i32
    %swap3A_32 = arith.index_cast %swap3A_31 : i32 to index
    %swap3A_33 = arith.constant 0 : index
    %swap3A_34 = tpu.vector_load %arg6[%swap3A_32, %swap3A_33] {strides = array<i32>} : memref<16x16xf32, #tpu.memory_space<vmem>>, vector<1x16xf32>,
    %swap3A_35 = vector.shape_cast %swap3A_34 : vector<1x16xf32> to vector<16xf32>
    %swap3A_36 = vector.shape_cast %broadcast_in_dim3A_1 : vector<16xf32> to vector<1x16xf32>
    tpu.vector_store %arg6[%swap3A_32, %swap3A_33], %swap3A_36 {strides = array<i32>} : memref<16x16xf32, #tpu.memory_space<vmem>>, vector<1x16xf32>,
    %swap3A_37 = arith.constant 6 : i32
    %swap3A_38 = arith.index_cast %swap3A_37 : i32 to index
    %swap3A_39 = arith.constant 0 : index
    %swap3A_40 = tpu.vector_load %arg6[%swap3A_38, %swap3A_39] {strides = array<i32>} : memref<16x16xf32, #tpu.memory_space<vmem>>, vector<1x16xf32>,
    %swap3A_41 = vector.shape_cast %swap3A_40 : vector<1x16xf32> to vector<16xf32>
    %swap3A_42 = vector.shape_cast %broadcast_in_dim3A_1 : vector<16xf32> to vector<1x16xf32>
    tpu.vector_store %arg6[%swap3A_38, %swap3A_39], %swap3A_42 {strides = array<i32>} : memref<16x16xf32, #tpu.memory_space<vmem>>, vector<1x16xf32>,
    %swap3A_43 = arith.constant 7 : i32
    %swap3A_44 = arith.index_cast %swap3A_43 : i32 to index
    %swap3A_45 = arith.constant 0 : index
    %swap3A_46 = tpu.vector_load %arg6[%swap3A_44, %swap3A_45] {strides = array<i32>} : memref<16x16xf32, #tpu.memory_space<vmem>>, vector<1x16xf32>,
    %swap3A_47 = vector.shape_cast %swap3A_46 : vector<1x16xf32> to vector<16xf32>
    %swap3A_48 = vector.shape_cast %broadcast_in_dim3A_1 : vector<16xf32> to vector<1x16xf32>
    tpu.vector_store %arg6[%swap3A_44, %swap3A_45], %swap3A_48 {strides = array<i32>} : memref<16x16xf32, #tpu.memory_space<vmem>>, vector<1x16xf32>,
    %swap3A_49 = arith.constant 8 : i32
    %swap3A_50 = arith.index_cast %swap3A_49 : i32 to index
    %swap3A_51 = arith.constant 0 : index
    %swap3A_52 = tpu.vector_load %arg6[%swap3A_50, %swap3A_51] {strides = array<i32>} : memref<16x16xf32, #tpu.memory_space<vmem>>, vector<1x16xf32>,
    %swap3A_53 = vector.shape_cast %swap3A_52 : vector<1x16xf32> to vector<16xf32>
    %swap3A_54 = vector.shape_cast %broadcast_in_dim3A_1 : vector<16xf32> to vector<1x16xf32>
    tpu.vector_store %arg6[%swap3A_50, %swap3A_51], %swap3A_54 {strides = array<i32>} : memref<16x16xf32, #tpu.memory_space<vmem>>, vector<1x16xf32>,
    %swap3A_55 = arith.constant 9 : i32
    %swap3A_56 = arith.index_cast %swap3A_55 : i32 to index
    %swap3A_57 = arith.constant 0 : index
    %swap3A_58 = tpu.vector_load %arg6[%swap3A_56, %swap3A_57] {strides = array<i32>} : memref<16x16xf32, #tpu.memory_space<vmem>>, vector<1x16xf32>,
    %swap3A_59 = vector.shape_cast %swap3A_58 : vector<1x16xf32> to vector<16xf32>
    %swap3A_60 = vector.shape_cast %broadcast_in_dim3A_1 : vector<16xf32> to vector<1x16xf32>
    tpu.vector_store %arg6[%swap3A_56, %swap3A_57], %swap3A_60 {strides = array<i32>} : memref<16x16xf32, #tpu.memory_space<vmem>>, vector<1x16xf32>,
    %swap3A_61 = arith.constant 10 : i32
    %swap3A_62 = arith.index_cast %swap3A_61 : i32 to index
    %swap3A_63 = arith.constant 0 : index
    %swap3A_64 = tpu.vector_load %arg6[%swap3A_62, %swap3A_63] {strides = array<i32>} : memref<16x16xf32, #tpu.memory_space<vmem>>, vector<1x16xf32>,
    %swap3A_65 = vector.shape_cast %swap3A_64 : vector<1x16xf32> to vector<16xf32>
    %swap3A_66 = vector.shape_cast %broadcast_in_dim3A_1 : vector<16xf32> to vector<1x16xf32>
    tpu.vector_store %arg6[%swap3A_62, %swap3A_63], %swap3A_66 {strides = array<i32>} : memref<16x16xf32, #tpu.memory_space<vmem>>, vector<1x16xf32>,
    %swap3A_67 = arith.constant 11 : i32
    %swap3A_68 = arith.index_cast %swap3A_67 : i32 to index
    %swap3A_69 = arith.constant 0 : index
    %swap3A_70 = tpu.vector_load %arg6[%swap3A_68, %swap3A_69] {strides = array<i32>} : memref<16x16xf32, #tpu.memory_space<vmem>>, vector<1x16xf32>,
    %swap3A_71 = vector.shape_cast %swap3A_70 : vector<1x16xf32> to vector<16xf32>
    %swap3A_72 = vector.shape_cast %broadcast_in_dim3A_1 : vector<16xf32> to vector<1x16xf32>
    tpu.vector_store %arg6[%swap3A_68, %swap3A_69], %swap3A_72 {strides = array<i32>} : memref<16x16xf32, #tpu.memory_space<vmem>>, vector<1x16xf32>,
    %swap3A_73 = arith.constant 12 : i32
    %swap3A_74 = arith.index_cast %swap3A_73 : i32 to index
    %swap3A_75 = arith.constant 0 : index
    %swap3A_76 = tpu.vector_load %arg6[%swap3A_74, %swap3A_75] {strides = array<i32>} : memref<16x16xf32, #tpu.memory_space<vmem>>, vector<1x16xf32>,
    %swap3A_77 = vector.shape_cast %swap3A_76 : vector<1x16xf32> to vector<16xf32>
    %swap3A_78 = vector.shape_cast %broadcast_in_dim3A_1 : vector<16xf32> to vector<1x16xf32>
    tpu.vector_store %arg6[%swap3A_74, %swap3A_75], %swap3A_78 {strides = array<i32>} : memref<16x16xf32, #tpu.memory_space<vmem>>, vector<1x16xf32>,
    %swap3A_79 = arith.constant 13 : i32
    %swap3A_80 = arith.index_cast %swap3A_79 : i32 to index
    %swap3A_81 = arith.constant 0 : index
    %swap3A_82 = tpu.vector_load %arg6[%swap3A_80, %swap3A_81] {strides = array<i32>} : memref<16x16xf32, #tpu.memory_space<vmem>>, vector<1x16xf32>,
    %swap3A_83 = vector.shape_cast %swap3A_82 : vector<1x16xf32> to vector<16xf32>
    %swap3A_84 = vector.shape_cast %broadcast_in_dim3A_1 : vector<16xf32> to vector<1x16xf32>
    tpu.vector_store %arg6[%swap3A_80, %swap3A_81], %swap3A_84 {strides = array<i32>} : memref<16x16xf32, #tpu.memory_space<vmem>>, vector<1x16xf32>,
    %swap3A_85 = arith.constant 14 : i32
    %swap3A_86 = arith.index_cast %swap3A_85 : i32 to index
    %swap3A_87 = arith.constant 0 : index
    %swap3A_88 = tpu.vector_load %arg6[%swap3A_86, %swap3A_87] {strides = array<i32>} : memref<16x16xf32, #tpu.memory_space<vmem>>, vector<1x16xf32>,
    %swap3A_89 = vector.shape_cast %swap3A_88 : vector<1x16xf32> to vector<16xf32>
    %swap3A_90 = vector.shape_cast %broadcast_in_dim3A_1 : vector<16xf32> to vector<1x16xf32>
    tpu.vector_store %arg6[%swap3A_86, %swap3A_87], %swap3A_90 {strides = array<i32>} : memref<16x16xf32, #tpu.memory_space<vmem>>, vector<1x16xf32>,
    %swap3A_91 = arith.constant 15 : i32
    %swap3A_92 = arith.index_cast %swap3A_91 : i32 to index
    %swap3A_93 = arith.constant 0 : index
    %swap3A_94 = tpu.vector_load %arg6[%swap3A_92, %swap3A_93] {strides = array<i32>} : memref<16x16xf32, #tpu.memory_space<vmem>>, vector<1x16xf32>,
    %swap3A_95 = vector.shape_cast %swap3A_94 : vector<1x16xf32> to vector<16xf32>
    %swap3A_96 = vector.shape_cast %broadcast_in_dim3A_1 : vector<16xf32> to vector<1x16xf32>
    tpu.vector_store %arg6[%swap3A_92, %swap3A_93], %swap3A_96 {strides = array<i32>} : memref<16x16xf32, #tpu.memory_space<vmem>>, vector<1x16xf32>,
    %scan3A = arith.constant 0 : i32
    %scan3A_97 = arith.constant 40 : i32
    %scan3A_98 = arith.addi %scan3A, %scan3A_97 : i32
    %scan3A_99 = arith.constant 1 : i32
    scf.for %scan3A_882 = %scan3A to %scan3A_98 step %scan3A_99  : i32 {
      %mul3A_883 = arith.constant 1 : i32
      %mul3A_884 = arith.muli %scan3A_882, %mul3A_883 : i32
      %add3A_885 = arith.constant 0 : i32
      %add3A_886 = arith.addi %add3A_885, %mul3A_884 : i32
      %mul3A_887 = arith.constant 640 : i32
      %mul3A_888 = arith.muli %arg1, %mul3A_887 : i32
      %mul3A_889 = arith.constant 16 : i32
      %mul3A_890 = arith.muli %add3A_886, %mul3A_889 : i32
      %add3A_891 = arith.addi %mul3A_888, %mul3A_890 : i32
      "tpu.region"() ({
        %run_scoped3A = tpu.sem_alloc : memref<!tpu.dma_semaphore, #tpu.memory_space<semaphore_mem>>
        %dma_start3A = arith.constant 0 : i32
        %dma_start3A_892 = tpu.memref_slice %arg7[%add3A_891, %dma_start3A] : memref<10240x16xf32, #tpu.memory_space<vmem_shared>> -> memref<16x16xf32, #tpu.memory_space<vmem_shared>>
        %dma_start3A_893 = arith.constant 0 : i32
        %dma_start3A_894 = tpu.memref_slice %arg7[%add3A_891, %dma_start3A_893] : memref<10240x16xf32, #tpu.memory_space<vmem_shared>> -> memref<16x16xf32, #tpu.memory_space<vmem_shared>>
        tpu.enqueue_dma source(%arg6 : memref<16x16xf32, #tpu.memory_space<vmem>>) target(%dma_start3A_894 : memref<16x16xf32, #tpu.memory_space<vmem_shared>>) target_semaphore(%run_scoped3A : memref<!tpu.dma_semaphore, #tpu.memory_space<semaphore_mem>>)
        %dma_wait3A = arith.constant 0 : i32
        %dma_wait3A_895 = tpu.memref_slice %arg7[%add3A_891, %dma_wait3A] : memref<10240x16xf32, #tpu.memory_space<vmem_shared>> -> memref<16x16xf32, #tpu.memory_space<vmem_shared>>
        %dma_wait3A_896 = arith.constant 0 : i32
        %dma_wait3A_897 = tpu.memref_slice %arg7[%add3A_891, %dma_wait3A_896] : memref<10240x16xf32, #tpu.memory_space<vmem_shared>> -> memref<16x16xf32, #tpu.memory_space<vmem_shared>>
        tpu.wait_dma2 semaphore(%run_scoped3A : memref<!tpu.dma_semaphore, #tpu.memory_space<semaphore_mem>>) src(%arg6 : memref<16x16xf32, #tpu.memory_space<vmem>>) dst(%dma_wait3A_897 : memref<16x16xf32, #tpu.memory_space<vmem_shared>>)
        tpu.yield
      }) : () -> ()
    }
    %scan3A_100 = arith.constant 40 : i32
    %broadcast_in_dim3A_101 = arith.constant 1.000000e+00 : f32
    %broadcast_in_dim3A_102 = vector.broadcast %broadcast_in_dim3A_101 : f32 to vector<16xf32>
    %swap3A_103 = arith.constant 0 : i32
    %swap3A_104 = arith.index_cast %swap3A_103 : i32 to index
    %swap3A_105 = arith.constant 0 : index
    %swap3A_106 = tpu.vector_load %arg5[%swap3A_104, %swap3A_105] {strides = array<i32>} : memref<128x16xf32, #tpu.memory_space<vmem>>, vector<1x16xf32>,
    %swap3A_107 = vector.shape_cast %swap3A_106 : vector<1x16xf32> to vector<16xf32>
    %swap3A_108 = vector.shape_cast %broadcast_in_dim3A_102 : vector<16xf32> to vector<1x16xf32>
    tpu.vector_store %arg5[%swap3A_104, %swap3A_105], %swap3A_108 {strides = array<i32>} : memref<128x16xf32, #tpu.memory_space<vmem>>, vector<1x16xf32>,
    %swap3A_109 = arith.constant 1 : i32
    %swap3A_110 = arith.index_cast %swap3A_109 : i32 to index
    %swap3A_111 = arith.constant 0 : index
    %swap3A_112 = tpu.vector_load %arg5[%swap3A_110, %swap3A_111] {strides = array<i32>} : memref<128x16xf32, #tpu.memory_space<vmem>>, vector<1x16xf32>,
    %swap3A_113 = vector.shape_cast %swap3A_112 : vector<1x16xf32> to vector<16xf32>
    %swap3A_114 = vector.shape_cast %broadcast_in_dim3A_102 : vector<16xf32> to vector<1x16xf32>
    tpu.vector_store %arg5[%swap3A_110, %swap3A_111], %swap3A_114 {strides = array<i32>} : memref<128x16xf32, #tpu.memory_space<vmem>>, vector<1x16xf32>,
    %swap3A_115 = arith.constant 2 : i32
    %swap3A_116 = arith.index_cast %swap3A_115 : i32 to index
    %swap3A_117 = arith.constant 0 : index
    %swap3A_118 = tpu.vector_load %arg5[%swap3A_116, %swap3A_117] {strides = array<i32>} : memref<128x16xf32, #tpu.memory_space<vmem>>, vector<1x16xf32>,
    %swap3A_119 = vector.shape_cast %swap3A_118 : vector<1x16xf32> to vector<16xf32>
    %swap3A_120 = vector.shape_cast %broadcast_in_dim3A_102 : vector<16xf32> to vector<1x16xf32>
    tpu.vector_store %arg5[%swap3A_116, %swap3A_117], %swap3A_120 {strides = array<i32>} : memref<128x16xf32, #tpu.memory_space<vmem>>, vector<1x16xf32>,
    %swap3A_121 = arith.constant 3 : i32
    %swap3A_122 = arith.index_cast %swap3A_121 : i32 to index
    %swap3A_123 = arith.constant 0 : index
    %swap3A_124 = tpu.vector_load %arg5[%swap3A_122, %swap3A_123] {strides = array<i32>} : memref<128x16xf32, #tpu.memory_space<vmem>>, vector<1x16xf32>,
    %swap3A_125 = vector.shape_cast %swap3A_124 : vector<1x16xf32> to vector<16xf32>
    %swap3A_126 = vector.shape_cast %broadcast_in_dim3A_102 : vector<16xf32> to vector<1x16xf32>
    tpu.vector_store %arg5[%swap3A_122, %swap3A_123], %swap3A_126 {strides = array<i32>} : memref<128x16xf32, #tpu.memory_space<vmem>>, vector<1x16xf32>,
    %swap3A_127 = arith.constant 4 : i32
    %swap3A_128 = arith.index_cast %swap3A_127 : i32 to index
    %swap3A_129 = arith.constant 0 : index
    %swap3A_130 = tpu.vector_load %arg5[%swap3A_128, %swap3A_129] {strides = array<i32>} : memref<128x16xf32, #tpu.memory_space<vmem>>, vector<1x16xf32>,
    %swap3A_131 = vector.shape_cast %swap3A_130 : vector<1x16xf32> to vector<16xf32>
    %swap3A_132 = vector.shape_cast %broadcast_in_dim3A_102 : vector<16xf32> to vector<1x16xf32>
    tpu.vector_store %arg5[%swap3A_128, %swap3A_129], %swap3A_132 {strides = array<i32>} : memref<128x16xf32, #tpu.memory_space<vmem>>, vector<1x16xf32>,
    %swap3A_133 = arith.constant 5 : i32
    %swap3A_134 = arith.index_cast %swap3A_133 : i32 to index
    %swap3A_135 = arith.constant 0 : index
    %swap3A_136 = tpu.vector_load %arg5[%swap3A_134, %swap3A_135] {strides = array<i32>} : memref<128x16xf32, #tpu.memory_space<vmem>>, vector<1x16xf32>,
    %swap3A_137 = vector.shape_cast %swap3A_136 : vector<1x16xf32> to vector<16xf32>
    %swap3A_138 = vector.shape_cast %broadcast_in_dim3A_102 : vector<16xf32> to vector<1x16xf32>
    tpu.vector_store %arg5[%swap3A_134, %swap3A_135], %swap3A_138 {strides = array<i32>} : memref<128x16xf32, #tpu.memory_space<vmem>>, vector<1x16xf32>,
    %swap3A_139 = arith.constant 6 : i32
    %swap3A_140 = arith.index_cast %swap3A_139 : i32 to index
    %swap3A_141 = arith.constant 0 : index
    %swap3A_142 = tpu.vector_load %arg5[%swap3A_140, %swap3A_141] {strides = array<i32>} : memref<128x16xf32, #tpu.memory_space<vmem>>, vector<1x16xf32>,
    %swap3A_143 = vector.shape_cast %swap3A_142 : vector<1x16xf32> to vector<16xf32>
    %swap3A_144 = vector.shape_cast %broadcast_in_dim3A_102 : vector<16xf32> to vector<1x16xf32>
    tpu.vector_store %arg5[%swap3A_140, %swap3A_141], %swap3A_144 {strides = array<i32>} : memref<128x16xf32, #tpu.memory_space<vmem>>, vector<1x16xf32>,
    %swap3A_145 = arith.constant 7 : i32
    %swap3A_146 = arith.index_cast %swap3A_145 : i32 to index
    %swap3A_147 = arith.constant 0 : index
    %swap3A_148 = tpu.vector_load %arg5[%swap3A_146, %swap3A_147] {strides = array<i32>} : memref<128x16xf32, #tpu.memory_space<vmem>>, vector<1x16xf32>,
    %swap3A_149 = vector.shape_cast %swap3A_148 : vector<1x16xf32> to vector<16xf32>
    %swap3A_150 = vector.shape_cast %broadcast_in_dim3A_102 : vector<16xf32> to vector<1x16xf32>
    tpu.vector_store %arg5[%swap3A_146, %swap3A_147], %swap3A_150 {strides = array<i32>} : memref<128x16xf32, #tpu.memory_space<vmem>>, vector<1x16xf32>,
    %swap3A_151 = arith.constant 8 : i32
    %swap3A_152 = arith.index_cast %swap3A_151 : i32 to index
    %swap3A_153 = arith.constant 0 : index
    %swap3A_154 = tpu.vector_load %arg5[%swap3A_152, %swap3A_153] {strides = array<i32>} : memref<128x16xf32, #tpu.memory_space<vmem>>, vector<1x16xf32>,
    %swap3A_155 = vector.shape_cast %swap3A_154 : vector<1x16xf32> to vector<16xf32>
    %swap3A_156 = vector.shape_cast %broadcast_in_dim3A_102 : vector<16xf32> to vector<1x16xf32>
    tpu.vector_store %arg5[%swap3A_152, %swap3A_153], %swap3A_156 {strides = array<i32>} : memref<128x16xf32, #tpu.memory_space<vmem>>, vector<1x16xf32>,
    %swap3A_157 = arith.constant 9 : i32
    %swap3A_158 = arith.index_cast %swap3A_157 : i32 to index
    %swap3A_159 = arith.constant 0 : index
    %swap3A_160 = tpu.vector_load %arg5[%swap3A_158, %swap3A_159] {strides = array<i32>} : memref<128x16xf32, #tpu.memory_space<vmem>>, vector<1x16xf32>,
    %swap3A_161 = vector.shape_cast %swap3A_160 : vector<1x16xf32> to vector<16xf32>
    %swap3A_162 = vector.shape_cast %broadcast_in_dim3A_102 : vector<16xf32> to vector<1x16xf32>
    tpu.vector_store %arg5[%swap3A_158, %swap3A_159], %swap3A_162 {strides = array<i32>} : memref<128x16xf32, #tpu.memory_space<vmem>>, vector<1x16xf32>,
    %swap3A_163 = arith.constant 10 : i32
    %swap3A_164 = arith.index_cast %swap3A_163 : i32 to index
    %swap3A_165 = arith.constant 0 : index
    %swap3A_166 = tpu.vector_load %arg5[%swap3A_164, %swap3A_165] {strides = array<i32>} : memref<128x16xf32, #tpu.memory_space<vmem>>, vector<1x16xf32>,
    %swap3A_167 = vector.shape_cast %swap3A_166 : vector<1x16xf32> to vector<16xf32>
    %swap3A_168 = vector.shape_cast %broadcast_in_dim3A_102 : vector<16xf32> to vector<1x16xf32>
    tpu.vector_store %arg5[%swap3A_164, %swap3A_165], %swap3A_168 {strides = array<i32>} : memref<128x16xf32, #tpu.memory_space<vmem>>, vector<1x16xf32>,
    %swap3A_169 = arith.constant 11 : i32
    %swap3A_170 = arith.index_cast %swap3A_169 : i32 to index
    %swap3A_171 = arith.constant 0 : index
    %swap3A_172 = tpu.vector_load %arg5[%swap3A_170, %swap3A_171] {strides = array<i32>} : memref<128x16xf32, #tpu.memory_space<vmem>>, vector<1x16xf32>,
    %swap3A_173 = vector.shape_cast %swap3A_172 : vector<1x16xf32> to vector<16xf32>
    %swap3A_174 = vector.shape_cast %broadcast_in_dim3A_102 : vector<16xf32> to vector<1x16xf32>
    tpu.vector_store %arg5[%swap3A_170, %swap3A_171], %swap3A_174 {strides = array<i32>} : memref<128x16xf32, #tpu.memory_space<vmem>>, vector<1x16xf32>,
    %swap3A_175 = arith.constant 12 : i32
    %swap3A_176 = arith.index_cast %swap3A_175 : i32 to index
    %swap3A_177 = arith.constant 0 : index
    %swap3A_178 = tpu.vector_load %arg5[%swap3A_176, %swap3A_177] {strides = array<i32>} : memref<128x16xf32, #tpu.memory_space<vmem>>, vector<1x16xf32>,
    %swap3A_179 = vector.shape_cast %swap3A_178 : vector<1x16xf32> to vector<16xf32>
    %swap3A_180 = vector.shape_cast %broadcast_in_dim3A_102 : vector<16xf32> to vector<1x16xf32>
    tpu.vector_store %arg5[%swap3A_176, %swap3A_177], %swap3A_180 {strides = array<i32>} : memref<128x16xf32, #tpu.memory_space<vmem>>, vector<1x16xf32>,
    %swap3A_181 = arith.constant 13 : i32
    %swap3A_182 = arith.index_cast %swap3A_181 : i32 to index
    %swap3A_183 = arith.constant 0 : index
    %swap3A_184 = tpu.vector_load %arg5[%swap3A_182, %swap3A_183] {strides = array<i32>} : memref<128x16xf32, #tpu.memory_space<vmem>>, vector<1x16xf32>,
    %swap3A_185 = vector.shape_cast %swap3A_184 : vector<1x16xf32> to vector<16xf32>
    %swap3A_186 = vector.shape_cast %broadcast_in_dim3A_102 : vector<16xf32> to vector<1x16xf32>
    tpu.vector_store %arg5[%swap3A_182, %swap3A_183], %swap3A_186 {strides = array<i32>} : memref<128x16xf32, #tpu.memory_space<vmem>>, vector<1x16xf32>,
    %swap3A_187 = arith.constant 14 : i32
    %swap3A_188 = arith.index_cast %swap3A_187 : i32 to index
    %swap3A_189 = arith.constant 0 : index
    %swap3A_190 = tpu.vector_load %arg5[%swap3A_188, %swap3A_189] {strides = array<i32>} : memref<128x16xf32, #tpu.memory_space<vmem>>, vector<1x16xf32>,
    %swap3A_191 = vector.shape_cast %swap3A_190 : vector<1x16xf32> to vector<16xf32>
    %swap3A_192 = vector.shape_cast %broadcast_in_dim3A_102 : vector<16xf32> to vector<1x16xf32>
    tpu.vector_store %arg5[%swap3A_188, %swap3A_189], %swap3A_192 {strides = array<i32>} : memref<128x16xf32, #tpu.memory_space<vmem>>, vector<1x16xf32>,
    %swap3A_193 = arith.constant 15 : i32
    %swap3A_194 = arith.index_cast %swap3A_193 : i32 to index
    %swap3A_195 = arith.constant 0 : index
    %swap3A_196 = tpu.vector_load %arg5[%swap3A_194, %swap3A_195] {strides = array<i32>} : memref<128x16xf32, #tpu.memory_space<vmem>>, vector<1x16xf32>,
    %swap3A_197 = vector.shape_cast %swap3A_196 : vector<1x16xf32> to vector<16xf32>
    %swap3A_198 = vector.shape_cast %broadcast_in_dim3A_102 : vector<16xf32> to vector<1x16xf32>
    tpu.vector_store %arg5[%swap3A_194, %swap3A_195], %swap3A_198 {strides = array<i32>} : memref<128x16xf32, #tpu.memory_space<vmem>>, vector<1x16xf32>,
    %swap3A_199 = arith.constant 16 : i32
    %swap3A_200 = arith.index_cast %swap3A_199 : i32 to index
    %swap3A_201 = arith.constant 0 : index
    %swap3A_202 = tpu.vector_load %arg5[%swap3A_200, %swap3A_201] {strides = array<i32>} : memref<128x16xf32, #tpu.memory_space<vmem>>, vector<1x16xf32>,
    %swap3A_203 = vector.shape_cast %swap3A_202 : vector<1x16xf32> to vector<16xf32>
    %swap3A_204 = vector.shape_cast %broadcast_in_dim3A_102 : vector<16xf32> to vector<1x16xf32>
    tpu.vector_store %arg5[%swap3A_200, %swap3A_201], %swap3A_204 {strides = array<i32>} : memref<128x16xf32, #tpu.memory_space<vmem>>, vector<1x16xf32>,
    %swap3A_205 = arith.constant 17 : i32
    %swap3A_206 = arith.index_cast %swap3A_205 : i32 to index
    %swap3A_207 = arith.constant 0 : index
    %swap3A_208 = tpu.vector_load %arg5[%swap3A_206, %swap3A_207] {strides = array<i32>} : memref<128x16xf32, #tpu.memory_space<vmem>>, vector<1x16xf32>,
    %swap3A_209 = vector.shape_cast %swap3A_208 : vector<1x16xf32> to vector<16xf32>
    %swap3A_210 = vector.shape_cast %broadcast_in_dim3A_102 : vector<16xf32> to vector<1x16xf32>
    tpu.vector_store %arg5[%swap3A_206, %swap3A_207], %swap3A_210 {strides = array<i32>} : memref<128x16xf32, #tpu.memory_space<vmem>>, vector<1x16xf32>,
    %swap3A_211 = arith.constant 18 : i32
    %swap3A_212 = arith.index_cast %swap3A_211 : i32 to index
    %swap3A_213 = arith.constant 0 : index
    %swap3A_214 = tpu.vector_load %arg5[%swap3A_212, %swap3A_213] {strides = array<i32>} : memref<128x16xf32, #tpu.memory_space<vmem>>, vector<1x16xf32>,
    %swap3A_215 = vector.shape_cast %swap3A_214 : vector<1x16xf32> to vector<16xf32>
    %swap3A_216 = vector.shape_cast %broadcast_in_dim3A_102 : vector<16xf32> to vector<1x16xf32>
    tpu.vector_store %arg5[%swap3A_212, %swap3A_213], %swap3A_216 {strides = array<i32>} : memref<128x16xf32, #tpu.memory_space<vmem>>, vector<1x16xf32>,
    %swap3A_217 = arith.constant 19 : i32
    %swap3A_218 = arith.index_cast %swap3A_217 : i32 to index
    %swap3A_219 = arith.constant 0 : index
    %swap3A_220 = tpu.vector_load %arg5[%swap3A_218, %swap3A_219] {strides = array<i32>} : memref<128x16xf32, #tpu.memory_space<vmem>>, vector<1x16xf32>,
    %swap3A_221 = vector.shape_cast %swap3A_220 : vector<1x16xf32> to vector<16xf32>
    %swap3A_222 = vector.shape_cast %broadcast_in_dim3A_102 : vector<16xf32> to vector<1x16xf32>
    tpu.vector_store %arg5[%swap3A_218, %swap3A_219], %swap3A_222 {strides = array<i32>} : memref<128x16xf32, #tpu.memory_space<vmem>>, vector<1x16xf32>,
    %swap3A_223 = arith.constant 20 : i32
    %swap3A_224 = arith.index_cast %swap3A_223 : i32 to index
    %swap3A_225 = arith.constant 0 : index
    %swap3A_226 = tpu.vector_load %arg5[%swap3A_224, %swap3A_225] {strides = array<i32>} : memref<128x16xf32, #tpu.memory_space<vmem>>, vector<1x16xf32>,
    %swap3A_227 = vector.shape_cast %swap3A_226 : vector<1x16xf32> to vector<16xf32>
    %swap3A_228 = vector.shape_cast %broadcast_in_dim3A_102 : vector<16xf32> to vector<1x16xf32>
    tpu.vector_store %arg5[%swap3A_224, %swap3A_225], %swap3A_228 {strides = array<i32>} : memref<128x16xf32, #tpu.memory_space<vmem>>, vector<1x16xf32>,
    %swap3A_229 = arith.constant 21 : i32
    %swap3A_230 = arith.index_cast %swap3A_229 : i32 to index
    %swap3A_231 = arith.constant 0 : index
    %swap3A_232 = tpu.vector_load %arg5[%swap3A_230, %swap3A_231] {strides = array<i32>} : memref<128x16xf32, #tpu.memory_space<vmem>>, vector<1x16xf32>,
    %swap3A_233 = vector.shape_cast %swap3A_232 : vector<1x16xf32> to vector<16xf32>
    %swap3A_234 = vector.shape_cast %broadcast_in_dim3A_102 : vector<16xf32> to vector<1x16xf32>
    tpu.vector_store %arg5[%swap3A_230, %swap3A_231], %swap3A_234 {strides = array<i32>} : memref<128x16xf32, #tpu.memory_space<vmem>>, vector<1x16xf32>,
    %swap3A_235 = arith.constant 22 : i32
    %swap3A_236 = arith.index_cast %swap3A_235 : i32 to index
    %swap3A_237 = arith.constant 0 : index
    %swap3A_238 = tpu.vector_load %arg5[%swap3A_236, %swap3A_237] {strides = array<i32>} : memref<128x16xf32, #tpu.memory_space<vmem>>, vector<1x16xf32>,
    %swap3A_239 = vector.shape_cast %swap3A_238 : vector<1x16xf32> to vector<16xf32>
    %swap3A_240 = vector.shape_cast %broadcast_in_dim3A_102 : vector<16xf32> to vector<1x16xf32>
    tpu.vector_store %arg5[%swap3A_236, %swap3A_237], %swap3A_240 {strides = array<i32>} : memref<128x16xf32, #tpu.memory_space<vmem>>, vector<1x16xf32>,
    %swap3A_241 = arith.constant 23 : i32
    %swap3A_242 = arith.index_cast %swap3A_241 : i32 to index
    %swap3A_243 = arith.constant 0 : index
    %swap3A_244 = tpu.vector_load %arg5[%swap3A_242, %swap3A_243] {strides = array<i32>} : memref<128x16xf32, #tpu.memory_space<vmem>>, vector<1x16xf32>,
    %swap3A_245 = vector.shape_cast %swap3A_244 : vector<1x16xf32> to vector<16xf32>
    %swap3A_246 = vector.shape_cast %broadcast_in_dim3A_102 : vector<16xf32> to vector<1x16xf32>
    tpu.vector_store %arg5[%swap3A_242, %swap3A_243], %swap3A_246 {strides = array<i32>} : memref<128x16xf32, #tpu.memory_space<vmem>>, vector<1x16xf32>,
    %swap3A_247 = arith.constant 24 : i32
    %swap3A_248 = arith.index_cast %swap3A_247 : i32 to index
    %swap3A_249 = arith.constant 0 : index
    %swap3A_250 = tpu.vector_load %arg5[%swap3A_248, %swap3A_249] {strides = array<i32>} : memref<128x16xf32, #tpu.memory_space<vmem>>, vector<1x16xf32>,
    %swap3A_251 = vector.shape_cast %swap3A_250 : vector<1x16xf32> to vector<16xf32>
    %swap3A_252 = vector.shape_cast %broadcast_in_dim3A_102 : vector<16xf32> to vector<1x16xf32>
    tpu.vector_store %arg5[%swap3A_248, %swap3A_249], %swap3A_252 {strides = array<i32>} : memref<128x16xf32, #tpu.memory_space<vmem>>, vector<1x16xf32>,
    %swap3A_253 = arith.constant 25 : i32
    %swap3A_254 = arith.index_cast %swap3A_253 : i32 to index
    %swap3A_255 = arith.constant 0 : index
    %swap3A_256 = tpu.vector_load %arg5[%swap3A_254, %swap3A_255] {strides = array<i32>} : memref<128x16xf32, #tpu.memory_space<vmem>>, vector<1x16xf32>,
    %swap3A_257 = vector.shape_cast %swap3A_256 : vector<1x16xf32> to vector<16xf32>
    %swap3A_258 = vector.shape_cast %broadcast_in_dim3A_102 : vector<16xf32> to vector<1x16xf32>
    tpu.vector_store %arg5[%swap3A_254, %swap3A_255], %swap3A_258 {strides = array<i32>} : memref<128x16xf32, #tpu.memory_space<vmem>>, vector<1x16xf32>,
    %swap3A_259 = arith.constant 26 : i32
    %swap3A_260 = arith.index_cast %swap3A_259 : i32 to index
    %swap3A_261 = arith.constant 0 : index
    %swap3A_262 = tpu.vector_load %arg5[%swap3A_260, %swap3A_261] {strides = array<i32>} : memref<128x16xf32, #tpu.memory_space<vmem>>, vector<1x16xf32>,
    %swap3A_263 = vector.shape_cast %swap3A_262 : vector<1x16xf32> to vector<16xf32>
    %swap3A_264 = vector.shape_cast %broadcast_in_dim3A_102 : vector<16xf32> to vector<1x16xf32>
    tpu.vector_store %arg5[%swap3A_260, %swap3A_261], %swap3A_264 {strides = array<i32>} : memref<128x16xf32, #tpu.memory_space<vmem>>, vector<1x16xf32>,
    %swap3A_265 = arith.constant 27 : i32
    %swap3A_266 = arith.index_cast %swap3A_265 : i32 to index
    %swap3A_267 = arith.constant 0 : index
    %swap3A_268 = tpu.vector_load %arg5[%swap3A_266, %swap3A_267] {strides = array<i32>} : memref<128x16xf32, #tpu.memory_space<vmem>>, vector<1x16xf32>,
    %swap3A_269 = vector.shape_cast %swap3A_268 : vector<1x16xf32> to vector<16xf32>
    %swap3A_270 = vector.shape_cast %broadcast_in_dim3A_102 : vector<16xf32> to vector<1x16xf32>
    tpu.vector_store %arg5[%swap3A_266, %swap3A_267], %swap3A_270 {strides = array<i32>} : memref<128x16xf32, #tpu.memory_space<vmem>>, vector<1x16xf32>,
    %swap3A_271 = arith.constant 28 : i32
    %swap3A_272 = arith.index_cast %swap3A_271 : i32 to index
    %swap3A_273 = arith.constant 0 : index
    %swap3A_274 = tpu.vector_load %arg5[%swap3A_272, %swap3A_273] {strides = array<i32>} : memref<128x16xf32, #tpu.memory_space<vmem>>, vector<1x16xf32>,
    %swap3A_275 = vector.shape_cast %swap3A_274 : vector<1x16xf32> to vector<16xf32>
    %swap3A_276 = vector.shape_cast %broadcast_in_dim3A_102 : vector<16xf32> to vector<1x16xf32>
    tpu.vector_store %arg5[%swap3A_272, %swap3A_273], %swap3A_276 {strides = array<i32>} : memref<128x16xf32, #tpu.memory_space<vmem>>, vector<1x16xf32>,
    %swap3A_277 = arith.constant 29 : i32
    %swap3A_278 = arith.index_cast %swap3A_277 : i32 to index
    %swap3A_279 = arith.constant 0 : index
    %swap3A_280 = tpu.vector_load %arg5[%swap3A_278, %swap3A_279] {strides = array<i32>} : memref<128x16xf32, #tpu.memory_space<vmem>>, vector<1x16xf32>,
    %swap3A_281 = vector.shape_cast %swap3A_280 : vector<1x16xf32> to vector<16xf32>
    %swap3A_282 = vector.shape_cast %broadcast_in_dim3A_102 : vector<16xf32> to vector<1x16xf32>
    tpu.vector_store %arg5[%swap3A_278, %swap3A_279], %swap3A_282 {strides = array<i32>} : memref<128x16xf32, #tpu.memory_space<vmem>>, vector<1x16xf32>,
    %swap3A_283 = arith.constant 30 : i32
    %swap3A_284 = arith.index_cast %swap3A_283 : i32 to index
    %swap3A_285 = arith.constant 0 : index
    %swap3A_286 = tpu.vector_load %arg5[%swap3A_284, %swap3A_285] {strides = array<i32>} : memref<128x16xf32, #tpu.memory_space<vmem>>, vector<1x16xf32>,
    %swap3A_287 = vector.shape_cast %swap3A_286 : vector<1x16xf32> to vector<16xf32>
    %swap3A_288 = vector.shape_cast %broadcast_in_dim3A_102 : vector<16xf32> to vector<1x16xf32>
    tpu.vector_store %arg5[%swap3A_284, %swap3A_285], %swap3A_288 {strides = array<i32>} : memref<128x16xf32, #tpu.memory_space<vmem>>, vector<1x16xf32>,
    %swap3A_289 = arith.constant 31 : i32
    %swap3A_290 = arith.index_cast %swap3A_289 : i32 to index
    %swap3A_291 = arith.constant 0 : index
    %swap3A_292 = tpu.vector_load %arg5[%swap3A_290, %swap3A_291] {strides = array<i32>} : memref<128x16xf32, #tpu.memory_space<vmem>>, vector<1x16xf32>,
    %swap3A_293 = vector.shape_cast %swap3A_292 : vector<1x16xf32> to vector<16xf32>
    %swap3A_294 = vector.shape_cast %broadcast_in_dim3A_102 : vector<16xf32> to vector<1x16xf32>
    tpu.vector_store %arg5[%swap3A_290, %swap3A_291], %swap3A_294 {strides = array<i32>} : memref<128x16xf32, #tpu.memory_space<vmem>>, vector<1x16xf32>,
    %swap3A_295 = arith.constant 32 : i32
    %swap3A_296 = arith.index_cast %swap3A_295 : i32 to index
    %swap3A_297 = arith.constant 0 : index
    %swap3A_298 = tpu.vector_load %arg5[%swap3A_296, %swap3A_297] {strides = array<i32>} : memref<128x16xf32, #tpu.memory_space<vmem>>, vector<1x16xf32>,
    %swap3A_299 = vector.shape_cast %swap3A_298 : vector<1x16xf32> to vector<16xf32>
    %swap3A_300 = vector.shape_cast %broadcast_in_dim3A_102 : vector<16xf32> to vector<1x16xf32>
    tpu.vector_store %arg5[%swap3A_296, %swap3A_297], %swap3A_300 {strides = array<i32>} : memref<128x16xf32, #tpu.memory_space<vmem>>, vector<1x16xf32>,
    %swap3A_301 = arith.constant 33 : i32
    %swap3A_302 = arith.index_cast %swap3A_301 : i32 to index
    %swap3A_303 = arith.constant 0 : index
    %swap3A_304 = tpu.vector_load %arg5[%swap3A_302, %swap3A_303] {strides = array<i32>} : memref<128x16xf32, #tpu.memory_space<vmem>>, vector<1x16xf32>,
    %swap3A_305 = vector.shape_cast %swap3A_304 : vector<1x16xf32> to vector<16xf32>
    %swap3A_306 = vector.shape_cast %broadcast_in_dim3A_102 : vector<16xf32> to vector<1x16xf32>
    tpu.vector_store %arg5[%swap3A_302, %swap3A_303], %swap3A_306 {strides = array<i32>} : memref<128x16xf32, #tpu.memory_space<vmem>>, vector<1x16xf32>,
    %swap3A_307 = arith.constant 34 : i32
    %swap3A_308 = arith.index_cast %swap3A_307 : i32 to index
    %swap3A_309 = arith.constant 0 : index
    %swap3A_310 = tpu.vector_load %arg5[%swap3A_308, %swap3A_309] {strides = array<i32>} : memref<128x16xf32, #tpu.memory_space<vmem>>, vector<1x16xf32>,
    %swap3A_311 = vector.shape_cast %swap3A_310 : vector<1x16xf32> to vector<16xf32>
    %swap3A_312 = vector.shape_cast %broadcast_in_dim3A_102 : vector<16xf32> to vector<1x16xf32>
    tpu.vector_store %arg5[%swap3A_308, %swap3A_309], %swap3A_312 {strides = array<i32>} : memref<128x16xf32, #tpu.memory_space<vmem>>, vector<1x16xf32>,
    %swap3A_313 = arith.constant 35 : i32
    %swap3A_314 = arith.index_cast %swap3A_313 : i32 to index
    %swap3A_315 = arith.constant 0 : index
    %swap3A_316 = tpu.vector_load %arg5[%swap3A_314, %swap3A_315] {strides = array<i32>} : memref<128x16xf32, #tpu.memory_space<vmem>>, vector<1x16xf32>,
    %swap3A_317 = vector.shape_cast %swap3A_316 : vector<1x16xf32> to vector<16xf32>
    %swap3A_318 = vector.shape_cast %broadcast_in_dim3A_102 : vector<16xf32> to vector<1x16xf32>
    tpu.vector_store %arg5[%swap3A_314, %swap3A_315], %swap3A_318 {strides = array<i32>} : memref<128x16xf32, #tpu.memory_space<vmem>>, vector<1x16xf32>,
    %swap3A_319 = arith.constant 36 : i32
    %swap3A_320 = arith.index_cast %swap3A_319 : i32 to index
    %swap3A_321 = arith.constant 0 : index
    %swap3A_322 = tpu.vector_load %arg5[%swap3A_320, %swap3A_321] {strides = array<i32>} : memref<128x16xf32, #tpu.memory_space<vmem>>, vector<1x16xf32>,
    %swap3A_323 = vector.shape_cast %swap3A_322 : vector<1x16xf32> to vector<16xf32>
    %swap3A_324 = vector.shape_cast %broadcast_in_dim3A_102 : vector<16xf32> to vector<1x16xf32>
    tpu.vector_store %arg5[%swap3A_320, %swap3A_321], %swap3A_324 {strides = array<i32>} : memref<128x16xf32, #tpu.memory_space<vmem>>, vector<1x16xf32>,
    %swap3A_325 = arith.constant 37 : i32
    %swap3A_326 = arith.index_cast %swap3A_325 : i32 to index
    %swap3A_327 = arith.constant 0 : index
    %swap3A_328 = tpu.vector_load %arg5[%swap3A_326, %swap3A_327] {strides = array<i32>} : memref<128x16xf32, #tpu.memory_space<vmem>>, vector<1x16xf32>,
    %swap3A_329 = vector.shape_cast %swap3A_328 : vector<1x16xf32> to vector<16xf32>
    %swap3A_330 = vector.shape_cast %broadcast_in_dim3A_102 : vector<16xf32> to vector<1x16xf32>
    tpu.vector_store %arg5[%swap3A_326, %swap3A_327], %swap3A_330 {strides = array<i32>} : memref<128x16xf32, #tpu.memory_space<vmem>>, vector<1x16xf32>,
    %swap3A_331 = arith.constant 38 : i32
    %swap3A_332 = arith.index_cast %swap3A_331 : i32 to index
    %swap3A_333 = arith.constant 0 : index
    %swap3A_334 = tpu.vector_load %arg5[%swap3A_332, %swap3A_333] {strides = array<i32>} : memref<128x16xf32, #tpu.memory_space<vmem>>, vector<1x16xf32>,
    %swap3A_335 = vector.shape_cast %swap3A_334 : vector<1x16xf32> to vector<16xf32>
    %swap3A_336 = vector.shape_cast %broadcast_in_dim3A_102 : vector<16xf32> to vector<1x16xf32>
    tpu.vector_store %arg5[%swap3A_332, %swap3A_333], %swap3A_336 {strides = array<i32>} : memref<128x16xf32, #tpu.memory_space<vmem>>, vector<1x16xf32>,
    %swap3A_337 = arith.constant 39 : i32
    %swap3A_338 = arith.index_cast %swap3A_337 : i32 to index
    %swap3A_339 = arith.constant 0 : index
    %swap3A_340 = tpu.vector_load %arg5[%swap3A_338, %swap3A_339] {strides = array<i32>} : memref<128x16xf32, #tpu.memory_space<vmem>>, vector<1x16xf32>,
    %swap3A_341 = vector.shape_cast %swap3A_340 : vector<1x16xf32> to vector<16xf32>
    %swap3A_342 = vector.shape_cast %broadcast_in_dim3A_102 : vector<16xf32> to vector<1x16xf32>
    tpu.vector_store %arg5[%swap3A_338, %swap3A_339], %swap3A_342 {strides = array<i32>} : memref<128x16xf32, #tpu.memory_space<vmem>>, vector<1x16xf32>,
    %swap3A_343 = arith.constant 40 : i32
    %swap3A_344 = arith.index_cast %swap3A_343 : i32 to index
    %swap3A_345 = arith.constant 0 : index
    %swap3A_346 = tpu.vector_load %arg5[%swap3A_344, %swap3A_345] {strides = array<i32>} : memref<128x16xf32, #tpu.memory_space<vmem>>, vector<1x16xf32>,
    %swap3A_347 = vector.shape_cast %swap3A_346 : vector<1x16xf32> to vector<16xf32>
    %swap3A_348 = vector.shape_cast %broadcast_in_dim3A_102 : vector<16xf32> to vector<1x16xf32>
    tpu.vector_store %arg5[%swap3A_344, %swap3A_345], %swap3A_348 {strides = array<i32>} : memref<128x16xf32, #tpu.memory_space<vmem>>, vector<1x16xf32>,
    %swap3A_349 = arith.constant 41 : i32
    %swap3A_350 = arith.index_cast %swap3A_349 : i32 to index
    %swap3A_351 = arith.constant 0 : index
    %swap3A_352 = tpu.vector_load %arg5[%swap3A_350, %swap3A_351] {strides = array<i32>} : memref<128x16xf32, #tpu.memory_space<vmem>>, vector<1x16xf32>,
    %swap3A_353 = vector.shape_cast %swap3A_352 : vector<1x16xf32> to vector<16xf32>
    %swap3A_354 = vector.shape_cast %broadcast_in_dim3A_102 : vector<16xf32> to vector<1x16xf32>
    tpu.vector_store %arg5[%swap3A_350, %swap3A_351], %swap3A_354 {strides = array<i32>} : memref<128x16xf32, #tpu.memory_space<vmem>>, vector<1x16xf32>,
    %swap3A_355 = arith.constant 42 : i32
    %swap3A_356 = arith.index_cast %swap3A_355 : i32 to index
    %swap3A_357 = arith.constant 0 : index
    %swap3A_358 = tpu.vector_load %arg5[%swap3A_356, %swap3A_357] {strides = array<i32>} : memref<128x16xf32, #tpu.memory_space<vmem>>, vector<1x16xf32>,
    %swap3A_359 = vector.shape_cast %swap3A_358 : vector<1x16xf32> to vector<16xf32>
    %swap3A_360 = vector.shape_cast %broadcast_in_dim3A_102 : vector<16xf32> to vector<1x16xf32>
    tpu.vector_store %arg5[%swap3A_356, %swap3A_357], %swap3A_360 {strides = array<i32>} : memref<128x16xf32, #tpu.memory_space<vmem>>, vector<1x16xf32>,
    %swap3A_361 = arith.constant 43 : i32
    %swap3A_362 = arith.index_cast %swap3A_361 : i32 to index
    %swap3A_363 = arith.constant 0 : index
    %swap3A_364 = tpu.vector_load %arg5[%swap3A_362, %swap3A_363] {strides = array<i32>} : memref<128x16xf32, #tpu.memory_space<vmem>>, vector<1x16xf32>,
    %swap3A_365 = vector.shape_cast %swap3A_364 : vector<1x16xf32> to vector<16xf32>
    %swap3A_366 = vector.shape_cast %broadcast_in_dim3A_102 : vector<16xf32> to vector<1x16xf32>
    tpu.vector_store %arg5[%swap3A_362, %swap3A_363], %swap3A_366 {strides = array<i32>} : memref<128x16xf32, #tpu.memory_space<vmem>>, vector<1x16xf32>,
    %swap3A_367 = arith.constant 44 : i32
    %swap3A_368 = arith.index_cast %swap3A_367 : i32 to index
    %swap3A_369 = arith.constant 0 : index
    %swap3A_370 = tpu.vector_load %arg5[%swap3A_368, %swap3A_369] {strides = array<i32>} : memref<128x16xf32, #tpu.memory_space<vmem>>, vector<1x16xf32>,
    %swap3A_371 = vector.shape_cast %swap3A_370 : vector<1x16xf32> to vector<16xf32>
    %swap3A_372 = vector.shape_cast %broadcast_in_dim3A_102 : vector<16xf32> to vector<1x16xf32>
    tpu.vector_store %arg5[%swap3A_368, %swap3A_369], %swap3A_372 {strides = array<i32>} : memref<128x16xf32, #tpu.memory_space<vmem>>, vector<1x16xf32>,
    %swap3A_373 = arith.constant 45 : i32
    %swap3A_374 = arith.index_cast %swap3A_373 : i32 to index
    %swap3A_375 = arith.constant 0 : index
    %swap3A_376 = tpu.vector_load %arg5[%swap3A_374, %swap3A_375] {strides = array<i32>} : memref<128x16xf32, #tpu.memory_space<vmem>>, vector<1x16xf32>,
    %swap3A_377 = vector.shape_cast %swap3A_376 : vector<1x16xf32> to vector<16xf32>
    %swap3A_378 = vector.shape_cast %broadcast_in_dim3A_102 : vector<16xf32> to vector<1x16xf32>
    tpu.vector_store %arg5[%swap3A_374, %swap3A_375], %swap3A_378 {strides = array<i32>} : memref<128x16xf32, #tpu.memory_space<vmem>>, vector<1x16xf32>,
    %swap3A_379 = arith.constant 46 : i32
    %swap3A_380 = arith.index_cast %swap3A_379 : i32 to index
    %swap3A_381 = arith.constant 0 : index
    %swap3A_382 = tpu.vector_load %arg5[%swap3A_380, %swap3A_381] {strides = array<i32>} : memref<128x16xf32, #tpu.memory_space<vmem>>, vector<1x16xf32>,
    %swap3A_383 = vector.shape_cast %swap3A_382 : vector<1x16xf32> to vector<16xf32>
    %swap3A_384 = vector.shape_cast %broadcast_in_dim3A_102 : vector<16xf32> to vector<1x16xf32>
    tpu.vector_store %arg5[%swap3A_380, %swap3A_381], %swap3A_384 {strides = array<i32>} : memref<128x16xf32, #tpu.memory_space<vmem>>, vector<1x16xf32>,
    %swap3A_385 = arith.constant 47 : i32
    %swap3A_386 = arith.index_cast %swap3A_385 : i32 to index
    %swap3A_387 = arith.constant 0 : index
    %swap3A_388 = tpu.vector_load %arg5[%swap3A_386, %swap3A_387] {strides = array<i32>} : memref<128x16xf32, #tpu.memory_space<vmem>>, vector<1x16xf32>,
    %swap3A_389 = vector.shape_cast %swap3A_388 : vector<1x16xf32> to vector<16xf32>
    %swap3A_390 = vector.shape_cast %broadcast_in_dim3A_102 : vector<16xf32> to vector<1x16xf32>
    tpu.vector_store %arg5[%swap3A_386, %swap3A_387], %swap3A_390 {strides = array<i32>} : memref<128x16xf32, #tpu.memory_space<vmem>>, vector<1x16xf32>,
    %swap3A_391 = arith.constant 48 : i32
    %swap3A_392 = arith.index_cast %swap3A_391 : i32 to index
    %swap3A_393 = arith.constant 0 : index
    %swap3A_394 = tpu.vector_load %arg5[%swap3A_392, %swap3A_393] {strides = array<i32>} : memref<128x16xf32, #tpu.memory_space<vmem>>, vector<1x16xf32>,
    %swap3A_395 = vector.shape_cast %swap3A_394 : vector<1x16xf32> to vector<16xf32>
    %swap3A_396 = vector.shape_cast %broadcast_in_dim3A_102 : vector<16xf32> to vector<1x16xf32>
    tpu.vector_store %arg5[%swap3A_392, %swap3A_393], %swap3A_396 {strides = array<i32>} : memref<128x16xf32, #tpu.memory_space<vmem>>, vector<1x16xf32>,
    %swap3A_397 = arith.constant 49 : i32
    %swap3A_398 = arith.index_cast %swap3A_397 : i32 to index
    %swap3A_399 = arith.constant 0 : index
    %swap3A_400 = tpu.vector_load %arg5[%swap3A_398, %swap3A_399] {strides = array<i32>} : memref<128x16xf32, #tpu.memory_space<vmem>>, vector<1x16xf32>,
    %swap3A_401 = vector.shape_cast %swap3A_400 : vector<1x16xf32> to vector<16xf32>
    %swap3A_402 = vector.shape_cast %broadcast_in_dim3A_102 : vector<16xf32> to vector<1x16xf32>
    tpu.vector_store %arg5[%swap3A_398, %swap3A_399], %swap3A_402 {strides = array<i32>} : memref<128x16xf32, #tpu.memory_space<vmem>>, vector<1x16xf32>,
    %swap3A_403 = arith.constant 50 : i32
    %swap3A_404 = arith.index_cast %swap3A_403 : i32 to index
    %swap3A_405 = arith.constant 0 : index
    %swap3A_406 = tpu.vector_load %arg5[%swap3A_404, %swap3A_405] {strides = array<i32>} : memref<128x16xf32, #tpu.memory_space<vmem>>, vector<1x16xf32>,
    %swap3A_407 = vector.shape_cast %swap3A_406 : vector<1x16xf32> to vector<16xf32>
    %swap3A_408 = vector.shape_cast %broadcast_in_dim3A_102 : vector<16xf32> to vector<1x16xf32>
    tpu.vector_store %arg5[%swap3A_404, %swap3A_405], %swap3A_408 {strides = array<i32>} : memref<128x16xf32, #tpu.memory_space<vmem>>, vector<1x16xf32>,
    %swap3A_409 = arith.constant 51 : i32
    %swap3A_410 = arith.index_cast %swap3A_409 : i32 to index
    %swap3A_411 = arith.constant 0 : index
    %swap3A_412 = tpu.vector_load %arg5[%swap3A_410, %swap3A_411] {strides = array<i32>} : memref<128x16xf32, #tpu.memory_space<vmem>>, vector<1x16xf32>,
    %swap3A_413 = vector.shape_cast %swap3A_412 : vector<1x16xf32> to vector<16xf32>
    %swap3A_414 = vector.shape_cast %broadcast_in_dim3A_102 : vector<16xf32> to vector<1x16xf32>
    tpu.vector_store %arg5[%swap3A_410, %swap3A_411], %swap3A_414 {strides = array<i32>} : memref<128x16xf32, #tpu.memory_space<vmem>>, vector<1x16xf32>,
    %swap3A_415 = arith.constant 52 : i32
    %swap3A_416 = arith.index_cast %swap3A_415 : i32 to index
    %swap3A_417 = arith.constant 0 : index
    %swap3A_418 = tpu.vector_load %arg5[%swap3A_416, %swap3A_417] {strides = array<i32>} : memref<128x16xf32, #tpu.memory_space<vmem>>, vector<1x16xf32>,
    %swap3A_419 = vector.shape_cast %swap3A_418 : vector<1x16xf32> to vector<16xf32>
    %swap3A_420 = vector.shape_cast %broadcast_in_dim3A_102 : vector<16xf32> to vector<1x16xf32>
    tpu.vector_store %arg5[%swap3A_416, %swap3A_417], %swap3A_420 {strides = array<i32>} : memref<128x16xf32, #tpu.memory_space<vmem>>, vector<1x16xf32>,
    %swap3A_421 = arith.constant 53 : i32
    %swap3A_422 = arith.index_cast %swap3A_421 : i32 to index
    %swap3A_423 = arith.constant 0 : index
    %swap3A_424 = tpu.vector_load %arg5[%swap3A_422, %swap3A_423] {strides = array<i32>} : memref<128x16xf32, #tpu.memory_space<vmem>>, vector<1x16xf32>,
    %swap3A_425 = vector.shape_cast %swap3A_424 : vector<1x16xf32> to vector<16xf32>
    %swap3A_426 = vector.shape_cast %broadcast_in_dim3A_102 : vector<16xf32> to vector<1x16xf32>
    tpu.vector_store %arg5[%swap3A_422, %swap3A_423], %swap3A_426 {strides = array<i32>} : memref<128x16xf32, #tpu.memory_space<vmem>>, vector<1x16xf32>,
    %swap3A_427 = arith.constant 54 : i32
    %swap3A_428 = arith.index_cast %swap3A_427 : i32 to index
    %swap3A_429 = arith.constant 0 : index
    %swap3A_430 = tpu.vector_load %arg5[%swap3A_428, %swap3A_429] {strides = array<i32>} : memref<128x16xf32, #tpu.memory_space<vmem>>, vector<1x16xf32>,
    %swap3A_431 = vector.shape_cast %swap3A_430 : vector<1x16xf32> to vector<16xf32>
    %swap3A_432 = vector.shape_cast %broadcast_in_dim3A_102 : vector<16xf32> to vector<1x16xf32>
    tpu.vector_store %arg5[%swap3A_428, %swap3A_429], %swap3A_432 {strides = array<i32>} : memref<128x16xf32, #tpu.memory_space<vmem>>, vector<1x16xf32>,
    %swap3A_433 = arith.constant 55 : i32
    %swap3A_434 = arith.index_cast %swap3A_433 : i32 to index
    %swap3A_435 = arith.constant 0 : index
    %swap3A_436 = tpu.vector_load %arg5[%swap3A_434, %swap3A_435] {strides = array<i32>} : memref<128x16xf32, #tpu.memory_space<vmem>>, vector<1x16xf32>,
    %swap3A_437 = vector.shape_cast %swap3A_436 : vector<1x16xf32> to vector<16xf32>
    %swap3A_438 = vector.shape_cast %broadcast_in_dim3A_102 : vector<16xf32> to vector<1x16xf32>
    tpu.vector_store %arg5[%swap3A_434, %swap3A_435], %swap3A_438 {strides = array<i32>} : memref<128x16xf32, #tpu.memory_space<vmem>>, vector<1x16xf32>,
    %swap3A_439 = arith.constant 56 : i32
    %swap3A_440 = arith.index_cast %swap3A_439 : i32 to index
    %swap3A_441 = arith.constant 0 : index
    %swap3A_442 = tpu.vector_load %arg5[%swap3A_440, %swap3A_441] {strides = array<i32>} : memref<128x16xf32, #tpu.memory_space<vmem>>, vector<1x16xf32>,
    %swap3A_443 = vector.shape_cast %swap3A_442 : vector<1x16xf32> to vector<16xf32>
    %swap3A_444 = vector.shape_cast %broadcast_in_dim3A_102 : vector<16xf32> to vector<1x16xf32>
    tpu.vector_store %arg5[%swap3A_440, %swap3A_441], %swap3A_444 {strides = array<i32>} : memref<128x16xf32, #tpu.memory_space<vmem>>, vector<1x16xf32>,
    %swap3A_445 = arith.constant 57 : i32
    %swap3A_446 = arith.index_cast %swap3A_445 : i32 to index
    %swap3A_447 = arith.constant 0 : index
    %swap3A_448 = tpu.vector_load %arg5[%swap3A_446, %swap3A_447] {strides = array<i32>} : memref<128x16xf32, #tpu.memory_space<vmem>>, vector<1x16xf32>,
    %swap3A_449 = vector.shape_cast %swap3A_448 : vector<1x16xf32> to vector<16xf32>
    %swap3A_450 = vector.shape_cast %broadcast_in_dim3A_102 : vector<16xf32> to vector<1x16xf32>
    tpu.vector_store %arg5[%swap3A_446, %swap3A_447], %swap3A_450 {strides = array<i32>} : memref<128x16xf32, #tpu.memory_space<vmem>>, vector<1x16xf32>,
    %swap3A_451 = arith.constant 58 : i32
    %swap3A_452 = arith.index_cast %swap3A_451 : i32 to index
    %swap3A_453 = arith.constant 0 : index
    %swap3A_454 = tpu.vector_load %arg5[%swap3A_452, %swap3A_453] {strides = array<i32>} : memref<128x16xf32, #tpu.memory_space<vmem>>, vector<1x16xf32>,
    %swap3A_455 = vector.shape_cast %swap3A_454 : vector<1x16xf32> to vector<16xf32>
    %swap3A_456 = vector.shape_cast %broadcast_in_dim3A_102 : vector<16xf32> to vector<1x16xf32>
    tpu.vector_store %arg5[%swap3A_452, %swap3A_453], %swap3A_456 {strides = array<i32>} : memref<128x16xf32, #tpu.memory_space<vmem>>, vector<1x16xf32>,
    %swap3A_457 = arith.constant 59 : i32
    %swap3A_458 = arith.index_cast %swap3A_457 : i32 to index
    %swap3A_459 = arith.constant 0 : index
    %swap3A_460 = tpu.vector_load %arg5[%swap3A_458, %swap3A_459] {strides = array<i32>} : memref<128x16xf32, #tpu.memory_space<vmem>>, vector<1x16xf32>,
    %swap3A_461 = vector.shape_cast %swap3A_460 : vector<1x16xf32> to vector<16xf32>
    %swap3A_462 = vector.shape_cast %broadcast_in_dim3A_102 : vector<16xf32> to vector<1x16xf32>
    tpu.vector_store %arg5[%swap3A_458, %swap3A_459], %swap3A_462 {strides = array<i32>} : memref<128x16xf32, #tpu.memory_space<vmem>>, vector<1x16xf32>,
    %swap3A_463 = arith.constant 60 : i32
    %swap3A_464 = arith.index_cast %swap3A_463 : i32 to index
    %swap3A_465 = arith.constant 0 : index
    %swap3A_466 = tpu.vector_load %arg5[%swap3A_464, %swap3A_465] {strides = array<i32>} : memref<128x16xf32, #tpu.memory_space<vmem>>, vector<1x16xf32>,
    %swap3A_467 = vector.shape_cast %swap3A_466 : vector<1x16xf32> to vector<16xf32>
    %swap3A_468 = vector.shape_cast %broadcast_in_dim3A_102 : vector<16xf32> to vector<1x16xf32>
    tpu.vector_store %arg5[%swap3A_464, %swap3A_465], %swap3A_468 {strides = array<i32>} : memref<128x16xf32, #tpu.memory_space<vmem>>, vector<1x16xf32>,
    %swap3A_469 = arith.constant 61 : i32
    %swap3A_470 = arith.index_cast %swap3A_469 : i32 to index
    %swap3A_471 = arith.constant 0 : index
    %swap3A_472 = tpu.vector_load %arg5[%swap3A_470, %swap3A_471] {strides = array<i32>} : memref<128x16xf32, #tpu.memory_space<vmem>>, vector<1x16xf32>,
    %swap3A_473 = vector.shape_cast %swap3A_472 : vector<1x16xf32> to vector<16xf32>
    %swap3A_474 = vector.shape_cast %broadcast_in_dim3A_102 : vector<16xf32> to vector<1x16xf32>
    tpu.vector_store %arg5[%swap3A_470, %swap3A_471], %swap3A_474 {strides = array<i32>} : memref<128x16xf32, #tpu.memory_space<vmem>>, vector<1x16xf32>,
    %swap3A_475 = arith.constant 62 : i32
    %swap3A_476 = arith.index_cast %swap3A_475 : i32 to index
    %swap3A_477 = arith.constant 0 : index
    %swap3A_478 = tpu.vector_load %arg5[%swap3A_476, %swap3A_477] {strides = array<i32>} : memref<128x16xf32, #tpu.memory_space<vmem>>, vector<1x16xf32>,
    %swap3A_479 = vector.shape_cast %swap3A_478 : vector<1x16xf32> to vector<16xf32>
    %swap3A_480 = vector.shape_cast %broadcast_in_dim3A_102 : vector<16xf32> to vector<1x16xf32>
    tpu.vector_store %arg5[%swap3A_476, %swap3A_477], %swap3A_480 {strides = array<i32>} : memref<128x16xf32, #tpu.memory_space<vmem>>, vector<1x16xf32>,
    %swap3A_481 = arith.constant 63 : i32
    %swap3A_482 = arith.index_cast %swap3A_481 : i32 to index
    %swap3A_483 = arith.constant 0 : index
    %swap3A_484 = tpu.vector_load %arg5[%swap3A_482, %swap3A_483] {strides = array<i32>} : memref<128x16xf32, #tpu.memory_space<vmem>>, vector<1x16xf32>,
    %swap3A_485 = vector.shape_cast %swap3A_484 : vector<1x16xf32> to vector<16xf32>
    %swap3A_486 = vector.shape_cast %broadcast_in_dim3A_102 : vector<16xf32> to vector<1x16xf32>
    tpu.vector_store %arg5[%swap3A_482, %swap3A_483], %swap3A_486 {strides = array<i32>} : memref<128x16xf32, #tpu.memory_space<vmem>>, vector<1x16xf32>,
    %swap3A_487 = arith.constant 64 : i32
    %swap3A_488 = arith.index_cast %swap3A_487 : i32 to index
    %swap3A_489 = arith.constant 0 : index
    %swap3A_490 = tpu.vector_load %arg5[%swap3A_488, %swap3A_489] {strides = array<i32>} : memref<128x16xf32, #tpu.memory_space<vmem>>, vector<1x16xf32>,
    %swap3A_491 = vector.shape_cast %swap3A_490 : vector<1x16xf32> to vector<16xf32>
    %swap3A_492 = vector.shape_cast %broadcast_in_dim3A_102 : vector<16xf32> to vector<1x16xf32>
    tpu.vector_store %arg5[%swap3A_488, %swap3A_489], %swap3A_492 {strides = array<i32>} : memref<128x16xf32, #tpu.memory_space<vmem>>, vector<1x16xf32>,
    %swap3A_493 = arith.constant 65 : i32
    %swap3A_494 = arith.index_cast %swap3A_493 : i32 to index
    %swap3A_495 = arith.constant 0 : index
    %swap3A_496 = tpu.vector_load %arg5[%swap3A_494, %swap3A_495] {strides = array<i32>} : memref<128x16xf32, #tpu.memory_space<vmem>>, vector<1x16xf32>,
    %swap3A_497 = vector.shape_cast %swap3A_496 : vector<1x16xf32> to vector<16xf32>
    %swap3A_498 = vector.shape_cast %broadcast_in_dim3A_102 : vector<16xf32> to vector<1x16xf32>
    tpu.vector_store %arg5[%swap3A_494, %swap3A_495], %swap3A_498 {strides = array<i32>} : memref<128x16xf32, #tpu.memory_space<vmem>>, vector<1x16xf32>,
    %swap3A_499 = arith.constant 66 : i32
    %swap3A_500 = arith.index_cast %swap3A_499 : i32 to index
    %swap3A_501 = arith.constant 0 : index
    %swap3A_502 = tpu.vector_load %arg5[%swap3A_500, %swap3A_501] {strides = array<i32>} : memref<128x16xf32, #tpu.memory_space<vmem>>, vector<1x16xf32>,
    %swap3A_503 = vector.shape_cast %swap3A_502 : vector<1x16xf32> to vector<16xf32>
    %swap3A_504 = vector.shape_cast %broadcast_in_dim3A_102 : vector<16xf32> to vector<1x16xf32>
    tpu.vector_store %arg5[%swap3A_500, %swap3A_501], %swap3A_504 {strides = array<i32>} : memref<128x16xf32, #tpu.memory_space<vmem>>, vector<1x16xf32>,
    %swap3A_505 = arith.constant 67 : i32
    %swap3A_506 = arith.index_cast %swap3A_505 : i32 to index
    %swap3A_507 = arith.constant 0 : index
    %swap3A_508 = tpu.vector_load %arg5[%swap3A_506, %swap3A_507] {strides = array<i32>} : memref<128x16xf32, #tpu.memory_space<vmem>>, vector<1x16xf32>,
    %swap3A_509 = vector.shape_cast %swap3A_508 : vector<1x16xf32> to vector<16xf32>
    %swap3A_510 = vector.shape_cast %broadcast_in_dim3A_102 : vector<16xf32> to vector<1x16xf32>
    tpu.vector_store %arg5[%swap3A_506, %swap3A_507], %swap3A_510 {strides = array<i32>} : memref<128x16xf32, #tpu.memory_space<vmem>>, vector<1x16xf32>,
    %swap3A_511 = arith.constant 68 : i32
    %swap3A_512 = arith.index_cast %swap3A_511 : i32 to index
    %swap3A_513 = arith.constant 0 : index
    %swap3A_514 = tpu.vector_load %arg5[%swap3A_512, %swap3A_513] {strides = array<i32>} : memref<128x16xf32, #tpu.memory_space<vmem>>, vector<1x16xf32>,
    %swap3A_515 = vector.shape_cast %swap3A_514 : vector<1x16xf32> to vector<16xf32>
    %swap3A_516 = vector.shape_cast %broadcast_in_dim3A_102 : vector<16xf32> to vector<1x16xf32>
    tpu.vector_store %arg5[%swap3A_512, %swap3A_513], %swap3A_516 {strides = array<i32>} : memref<128x16xf32, #tpu.memory_space<vmem>>, vector<1x16xf32>,
    %swap3A_517 = arith.constant 69 : i32
    %swap3A_518 = arith.index_cast %swap3A_517 : i32 to index
    %swap3A_519 = arith.constant 0 : index
    %swap3A_520 = tpu.vector_load %arg5[%swap3A_518, %swap3A_519] {strides = array<i32>} : memref<128x16xf32, #tpu.memory_space<vmem>>, vector<1x16xf32>,
    %swap3A_521 = vector.shape_cast %swap3A_520 : vector<1x16xf32> to vector<16xf32>
    %swap3A_522 = vector.shape_cast %broadcast_in_dim3A_102 : vector<16xf32> to vector<1x16xf32>
    tpu.vector_store %arg5[%swap3A_518, %swap3A_519], %swap3A_522 {strides = array<i32>} : memref<128x16xf32, #tpu.memory_space<vmem>>, vector<1x16xf32>,
    %swap3A_523 = arith.constant 70 : i32
    %swap3A_524 = arith.index_cast %swap3A_523 : i32 to index
    %swap3A_525 = arith.constant 0 : index
    %swap3A_526 = tpu.vector_load %arg5[%swap3A_524, %swap3A_525] {strides = array<i32>} : memref<128x16xf32, #tpu.memory_space<vmem>>, vector<1x16xf32>,
    %swap3A_527 = vector.shape_cast %swap3A_526 : vector<1x16xf32> to vector<16xf32>
    %swap3A_528 = vector.shape_cast %broadcast_in_dim3A_102 : vector<16xf32> to vector<1x16xf32>
    tpu.vector_store %arg5[%swap3A_524, %swap3A_525], %swap3A_528 {strides = array<i32>} : memref<128x16xf32, #tpu.memory_space<vmem>>, vector<1x16xf32>,
    %swap3A_529 = arith.constant 71 : i32
    %swap3A_530 = arith.index_cast %swap3A_529 : i32 to index
    %swap3A_531 = arith.constant 0 : index
    %swap3A_532 = tpu.vector_load %arg5[%swap3A_530, %swap3A_531] {strides = array<i32>} : memref<128x16xf32, #tpu.memory_space<vmem>>, vector<1x16xf32>,
    %swap3A_533 = vector.shape_cast %swap3A_532 : vector<1x16xf32> to vector<16xf32>
    %swap3A_534 = vector.shape_cast %broadcast_in_dim3A_102 : vector<16xf32> to vector<1x16xf32>
    tpu.vector_store %arg5[%swap3A_530, %swap3A_531], %swap3A_534 {strides = array<i32>} : memref<128x16xf32, #tpu.memory_space<vmem>>, vector<1x16xf32>,
    %swap3A_535 = arith.constant 72 : i32
    %swap3A_536 = arith.index_cast %swap3A_535 : i32 to index
    %swap3A_537 = arith.constant 0 : index
    %swap3A_538 = tpu.vector_load %arg5[%swap3A_536, %swap3A_537] {strides = array<i32>} : memref<128x16xf32, #tpu.memory_space<vmem>>, vector<1x16xf32>,
    %swap3A_539 = vector.shape_cast %swap3A_538 : vector<1x16xf32> to vector<16xf32>
    %swap3A_540 = vector.shape_cast %broadcast_in_dim3A_102 : vector<16xf32> to vector<1x16xf32>
    tpu.vector_store %arg5[%swap3A_536, %swap3A_537], %swap3A_540 {strides = array<i32>} : memref<128x16xf32, #tpu.memory_space<vmem>>, vector<1x16xf32>,
    %swap3A_541 = arith.constant 73 : i32
    %swap3A_542 = arith.index_cast %swap3A_541 : i32 to index
    %swap3A_543 = arith.constant 0 : index
    %swap3A_544 = tpu.vector_load %arg5[%swap3A_542, %swap3A_543] {strides = array<i32>} : memref<128x16xf32, #tpu.memory_space<vmem>>, vector<1x16xf32>,
    %swap3A_545 = vector.shape_cast %swap3A_544 : vector<1x16xf32> to vector<16xf32>
    %swap3A_546 = vector.shape_cast %broadcast_in_dim3A_102 : vector<16xf32> to vector<1x16xf32>
    tpu.vector_store %arg5[%swap3A_542, %swap3A_543], %swap3A_546 {strides = array<i32>} : memref<128x16xf32, #tpu.memory_space<vmem>>, vector<1x16xf32>,
    %swap3A_547 = arith.constant 74 : i32
    %swap3A_548 = arith.index_cast %swap3A_547 : i32 to index
    %swap3A_549 = arith.constant 0 : index
    %swap3A_550 = tpu.vector_load %arg5[%swap3A_548, %swap3A_549] {strides = array<i32>} : memref<128x16xf32, #tpu.memory_space<vmem>>, vector<1x16xf32>,
    %swap3A_551 = vector.shape_cast %swap3A_550 : vector<1x16xf32> to vector<16xf32>
    %swap3A_552 = vector.shape_cast %broadcast_in_dim3A_102 : vector<16xf32> to vector<1x16xf32>
    tpu.vector_store %arg5[%swap3A_548, %swap3A_549], %swap3A_552 {strides = array<i32>} : memref<128x16xf32, #tpu.memory_space<vmem>>, vector<1x16xf32>,
    %swap3A_553 = arith.constant 75 : i32
    %swap3A_554 = arith.index_cast %swap3A_553 : i32 to index
    %swap3A_555 = arith.constant 0 : index
    %swap3A_556 = tpu.vector_load %arg5[%swap3A_554, %swap3A_555] {strides = array<i32>} : memref<128x16xf32, #tpu.memory_space<vmem>>, vector<1x16xf32>,
    %swap3A_557 = vector.shape_cast %swap3A_556 : vector<1x16xf32> to vector<16xf32>
    %swap3A_558 = vector.shape_cast %broadcast_in_dim3A_102 : vector<16xf32> to vector<1x16xf32>
    tpu.vector_store %arg5[%swap3A_554, %swap3A_555], %swap3A_558 {strides = array<i32>} : memref<128x16xf32, #tpu.memory_space<vmem>>, vector<1x16xf32>,
    %swap3A_559 = arith.constant 76 : i32
    %swap3A_560 = arith.index_cast %swap3A_559 : i32 to index
    %swap3A_561 = arith.constant 0 : index
    %swap3A_562 = tpu.vector_load %arg5[%swap3A_560, %swap3A_561] {strides = array<i32>} : memref<128x16xf32, #tpu.memory_space<vmem>>, vector<1x16xf32>,
    %swap3A_563 = vector.shape_cast %swap3A_562 : vector<1x16xf32> to vector<16xf32>
    %swap3A_564 = vector.shape_cast %broadcast_in_dim3A_102 : vector<16xf32> to vector<1x16xf32>
    tpu.vector_store %arg5[%swap3A_560, %swap3A_561], %swap3A_564 {strides = array<i32>} : memref<128x16xf32, #tpu.memory_space<vmem>>, vector<1x16xf32>,
    %swap3A_565 = arith.constant 77 : i32
    %swap3A_566 = arith.index_cast %swap3A_565 : i32 to index
    %swap3A_567 = arith.constant 0 : index
    %swap3A_568 = tpu.vector_load %arg5[%swap3A_566, %swap3A_567] {strides = array<i32>} : memref<128x16xf32, #tpu.memory_space<vmem>>, vector<1x16xf32>,
    %swap3A_569 = vector.shape_cast %swap3A_568 : vector<1x16xf32> to vector<16xf32>
    %swap3A_570 = vector.shape_cast %broadcast_in_dim3A_102 : vector<16xf32> to vector<1x16xf32>
    tpu.vector_store %arg5[%swap3A_566, %swap3A_567], %swap3A_570 {strides = array<i32>} : memref<128x16xf32, #tpu.memory_space<vmem>>, vector<1x16xf32>,
    %swap3A_571 = arith.constant 78 : i32
    %swap3A_572 = arith.index_cast %swap3A_571 : i32 to index
    %swap3A_573 = arith.constant 0 : index
    %swap3A_574 = tpu.vector_load %arg5[%swap3A_572, %swap3A_573] {strides = array<i32>} : memref<128x16xf32, #tpu.memory_space<vmem>>, vector<1x16xf32>,
    %swap3A_575 = vector.shape_cast %swap3A_574 : vector<1x16xf32> to vector<16xf32>
    %swap3A_576 = vector.shape_cast %broadcast_in_dim3A_102 : vector<16xf32> to vector<1x16xf32>
    tpu.vector_store %arg5[%swap3A_572, %swap3A_573], %swap3A_576 {strides = array<i32>} : memref<128x16xf32, #tpu.memory_space<vmem>>, vector<1x16xf32>,
    %swap3A_577 = arith.constant 79 : i32
    %swap3A_578 = arith.index_cast %swap3A_577 : i32 to index
    %swap3A_579 = arith.constant 0 : index
    %swap3A_580 = tpu.vector_load %arg5[%swap3A_578, %swap3A_579] {strides = array<i32>} : memref<128x16xf32, #tpu.memory_space<vmem>>, vector<1x16xf32>,
    %swap3A_581 = vector.shape_cast %swap3A_580 : vector<1x16xf32> to vector<16xf32>
    %swap3A_582 = vector.shape_cast %broadcast_in_dim3A_102 : vector<16xf32> to vector<1x16xf32>
    tpu.vector_store %arg5[%swap3A_578, %swap3A_579], %swap3A_582 {strides = array<i32>} : memref<128x16xf32, #tpu.memory_space<vmem>>, vector<1x16xf32>,
    %swap3A_583 = arith.constant 80 : i32
    %swap3A_584 = arith.index_cast %swap3A_583 : i32 to index
    %swap3A_585 = arith.constant 0 : index
    %swap3A_586 = tpu.vector_load %arg5[%swap3A_584, %swap3A_585] {strides = array<i32>} : memref<128x16xf32, #tpu.memory_space<vmem>>, vector<1x16xf32>,
    %swap3A_587 = vector.shape_cast %swap3A_586 : vector<1x16xf32> to vector<16xf32>
    %swap3A_588 = vector.shape_cast %broadcast_in_dim3A_102 : vector<16xf32> to vector<1x16xf32>
    tpu.vector_store %arg5[%swap3A_584, %swap3A_585], %swap3A_588 {strides = array<i32>} : memref<128x16xf32, #tpu.memory_space<vmem>>, vector<1x16xf32>,
    %swap3A_589 = arith.constant 81 : i32
    %swap3A_590 = arith.index_cast %swap3A_589 : i32 to index
    %swap3A_591 = arith.constant 0 : index
    %swap3A_592 = tpu.vector_load %arg5[%swap3A_590, %swap3A_591] {strides = array<i32>} : memref<128x16xf32, #tpu.memory_space<vmem>>, vector<1x16xf32>,
    %swap3A_593 = vector.shape_cast %swap3A_592 : vector<1x16xf32> to vector<16xf32>
    %swap3A_594 = vector.shape_cast %broadcast_in_dim3A_102 : vector<16xf32> to vector<1x16xf32>
    tpu.vector_store %arg5[%swap3A_590, %swap3A_591], %swap3A_594 {strides = array<i32>} : memref<128x16xf32, #tpu.memory_space<vmem>>, vector<1x16xf32>,
    %swap3A_595 = arith.constant 82 : i32
    %swap3A_596 = arith.index_cast %swap3A_595 : i32 to index
    %swap3A_597 = arith.constant 0 : index
    %swap3A_598 = tpu.vector_load %arg5[%swap3A_596, %swap3A_597] {strides = array<i32>} : memref<128x16xf32, #tpu.memory_space<vmem>>, vector<1x16xf32>,
    %swap3A_599 = vector.shape_cast %swap3A_598 : vector<1x16xf32> to vector<16xf32>
    %swap3A_600 = vector.shape_cast %broadcast_in_dim3A_102 : vector<16xf32> to vector<1x16xf32>
    tpu.vector_store %arg5[%swap3A_596, %swap3A_597], %swap3A_600 {strides = array<i32>} : memref<128x16xf32, #tpu.memory_space<vmem>>, vector<1x16xf32>,
    %swap3A_601 = arith.constant 83 : i32
    %swap3A_602 = arith.index_cast %swap3A_601 : i32 to index
    %swap3A_603 = arith.constant 0 : index
    %swap3A_604 = tpu.vector_load %arg5[%swap3A_602, %swap3A_603] {strides = array<i32>} : memref<128x16xf32, #tpu.memory_space<vmem>>, vector<1x16xf32>,
    %swap3A_605 = vector.shape_cast %swap3A_604 : vector<1x16xf32> to vector<16xf32>
    %swap3A_606 = vector.shape_cast %broadcast_in_dim3A_102 : vector<16xf32> to vector<1x16xf32>
    tpu.vector_store %arg5[%swap3A_602, %swap3A_603], %swap3A_606 {strides = array<i32>} : memref<128x16xf32, #tpu.memory_space<vmem>>, vector<1x16xf32>,
    %swap3A_607 = arith.constant 84 : i32
    %swap3A_608 = arith.index_cast %swap3A_607 : i32 to index
    %swap3A_609 = arith.constant 0 : index
    %swap3A_610 = tpu.vector_load %arg5[%swap3A_608, %swap3A_609] {strides = array<i32>} : memref<128x16xf32, #tpu.memory_space<vmem>>, vector<1x16xf32>,
    %swap3A_611 = vector.shape_cast %swap3A_610 : vector<1x16xf32> to vector<16xf32>
    %swap3A_612 = vector.shape_cast %broadcast_in_dim3A_102 : vector<16xf32> to vector<1x16xf32>
    tpu.vector_store %arg5[%swap3A_608, %swap3A_609], %swap3A_612 {strides = array<i32>} : memref<128x16xf32, #tpu.memory_space<vmem>>, vector<1x16xf32>,
    %swap3A_613 = arith.constant 85 : i32
    %swap3A_614 = arith.index_cast %swap3A_613 : i32 to index
    %swap3A_615 = arith.constant 0 : index
    %swap3A_616 = tpu.vector_load %arg5[%swap3A_614, %swap3A_615] {strides = array<i32>} : memref<128x16xf32, #tpu.memory_space<vmem>>, vector<1x16xf32>,
    %swap3A_617 = vector.shape_cast %swap3A_616 : vector<1x16xf32> to vector<16xf32>
    %swap3A_618 = vector.shape_cast %broadcast_in_dim3A_102 : vector<16xf32> to vector<1x16xf32>
    tpu.vector_store %arg5[%swap3A_614, %swap3A_615], %swap3A_618 {strides = array<i32>} : memref<128x16xf32, #tpu.memory_space<vmem>>, vector<1x16xf32>,
    %swap3A_619 = arith.constant 86 : i32
    %swap3A_620 = arith.index_cast %swap3A_619 : i32 to index
    %swap3A_621 = arith.constant 0 : index
    %swap3A_622 = tpu.vector_load %arg5[%swap3A_620, %swap3A_621] {strides = array<i32>} : memref<128x16xf32, #tpu.memory_space<vmem>>, vector<1x16xf32>,
    %swap3A_623 = vector.shape_cast %swap3A_622 : vector<1x16xf32> to vector<16xf32>
    %swap3A_624 = vector.shape_cast %broadcast_in_dim3A_102 : vector<16xf32> to vector<1x16xf32>
    tpu.vector_store %arg5[%swap3A_620, %swap3A_621], %swap3A_624 {strides = array<i32>} : memref<128x16xf32, #tpu.memory_space<vmem>>, vector<1x16xf32>,
    %swap3A_625 = arith.constant 87 : i32
    %swap3A_626 = arith.index_cast %swap3A_625 : i32 to index
    %swap3A_627 = arith.constant 0 : index
    %swap3A_628 = tpu.vector_load %arg5[%swap3A_626, %swap3A_627] {strides = array<i32>} : memref<128x16xf32, #tpu.memory_space<vmem>>, vector<1x16xf32>,
    %swap3A_629 = vector.shape_cast %swap3A_628 : vector<1x16xf32> to vector<16xf32>
    %swap3A_630 = vector.shape_cast %broadcast_in_dim3A_102 : vector<16xf32> to vector<1x16xf32>
    tpu.vector_store %arg5[%swap3A_626, %swap3A_627], %swap3A_630 {strides = array<i32>} : memref<128x16xf32, #tpu.memory_space<vmem>>, vector<1x16xf32>,
    %swap3A_631 = arith.constant 88 : i32
    %swap3A_632 = arith.index_cast %swap3A_631 : i32 to index
    %swap3A_633 = arith.constant 0 : index
    %swap3A_634 = tpu.vector_load %arg5[%swap3A_632, %swap3A_633] {strides = array<i32>} : memref<128x16xf32, #tpu.memory_space<vmem>>, vector<1x16xf32>,
    %swap3A_635 = vector.shape_cast %swap3A_634 : vector<1x16xf32> to vector<16xf32>
    %swap3A_636 = vector.shape_cast %broadcast_in_dim3A_102 : vector<16xf32> to vector<1x16xf32>
    tpu.vector_store %arg5[%swap3A_632, %swap3A_633], %swap3A_636 {strides = array<i32>} : memref<128x16xf32, #tpu.memory_space<vmem>>, vector<1x16xf32>,
    %swap3A_637 = arith.constant 89 : i32
    %swap3A_638 = arith.index_cast %swap3A_637 : i32 to index
    %swap3A_639 = arith.constant 0 : index
    %swap3A_640 = tpu.vector_load %arg5[%swap3A_638, %swap3A_639] {strides = array<i32>} : memref<128x16xf32, #tpu.memory_space<vmem>>, vector<1x16xf32>,
    %swap3A_641 = vector.shape_cast %swap3A_640 : vector<1x16xf32> to vector<16xf32>
    %swap3A_642 = vector.shape_cast %broadcast_in_dim3A_102 : vector<16xf32> to vector<1x16xf32>
    tpu.vector_store %arg5[%swap3A_638, %swap3A_639], %swap3A_642 {strides = array<i32>} : memref<128x16xf32, #tpu.memory_space<vmem>>, vector<1x16xf32>,
    %swap3A_643 = arith.constant 90 : i32
    %swap3A_644 = arith.index_cast %swap3A_643 : i32 to index
    %swap3A_645 = arith.constant 0 : index
    %swap3A_646 = tpu.vector_load %arg5[%swap3A_644, %swap3A_645] {strides = array<i32>} : memref<128x16xf32, #tpu.memory_space<vmem>>, vector<1x16xf32>,
    %swap3A_647 = vector.shape_cast %swap3A_646 : vector<1x16xf32> to vector<16xf32>
    %swap3A_648 = vector.shape_cast %broadcast_in_dim3A_102 : vector<16xf32> to vector<1x16xf32>
    tpu.vector_store %arg5[%swap3A_644, %swap3A_645], %swap3A_648 {strides = array<i32>} : memref<128x16xf32, #tpu.memory_space<vmem>>, vector<1x16xf32>,
    %swap3A_649 = arith.constant 91 : i32
    %swap3A_650 = arith.index_cast %swap3A_649 : i32 to index
    %swap3A_651 = arith.constant 0 : index
    %swap3A_652 = tpu.vector_load %arg5[%swap3A_650, %swap3A_651] {strides = array<i32>} : memref<128x16xf32, #tpu.memory_space<vmem>>, vector<1x16xf32>,
    %swap3A_653 = vector.shape_cast %swap3A_652 : vector<1x16xf32> to vector<16xf32>
    %swap3A_654 = vector.shape_cast %broadcast_in_dim3A_102 : vector<16xf32> to vector<1x16xf32>
    tpu.vector_store %arg5[%swap3A_650, %swap3A_651], %swap3A_654 {strides = array<i32>} : memref<128x16xf32, #tpu.memory_space<vmem>>, vector<1x16xf32>,
    %swap3A_655 = arith.constant 92 : i32
    %swap3A_656 = arith.index_cast %swap3A_655 : i32 to index
    %swap3A_657 = arith.constant 0 : index
    %swap3A_658 = tpu.vector_load %arg5[%swap3A_656, %swap3A_657] {strides = array<i32>} : memref<128x16xf32, #tpu.memory_space<vmem>>, vector<1x16xf32>,
    %swap3A_659 = vector.shape_cast %swap3A_658 : vector<1x16xf32> to vector<16xf32>
    %swap3A_660 = vector.shape_cast %broadcast_in_dim3A_102 : vector<16xf32> to vector<1x16xf32>
    tpu.vector_store %arg5[%swap3A_656, %swap3A_657], %swap3A_660 {strides = array<i32>} : memref<128x16xf32, #tpu.memory_space<vmem>>, vector<1x16xf32>,
    %swap3A_661 = arith.constant 93 : i32
    %swap3A_662 = arith.index_cast %swap3A_661 : i32 to index
    %swap3A_663 = arith.constant 0 : index
    %swap3A_664 = tpu.vector_load %arg5[%swap3A_662, %swap3A_663] {strides = array<i32>} : memref<128x16xf32, #tpu.memory_space<vmem>>, vector<1x16xf32>,
    %swap3A_665 = vector.shape_cast %swap3A_664 : vector<1x16xf32> to vector<16xf32>
    %swap3A_666 = vector.shape_cast %broadcast_in_dim3A_102 : vector<16xf32> to vector<1x16xf32>
    tpu.vector_store %arg5[%swap3A_662, %swap3A_663], %swap3A_666 {strides = array<i32>} : memref<128x16xf32, #tpu.memory_space<vmem>>, vector<1x16xf32>,
    %swap3A_667 = arith.constant 94 : i32
    %swap3A_668 = arith.index_cast %swap3A_667 : i32 to index
    %swap3A_669 = arith.constant 0 : index
    %swap3A_670 = tpu.vector_load %arg5[%swap3A_668, %swap3A_669] {strides = array<i32>} : memref<128x16xf32, #tpu.memory_space<vmem>>, vector<1x16xf32>,
    %swap3A_671 = vector.shape_cast %swap3A_670 : vector<1x16xf32> to vector<16xf32>
    %swap3A_672 = vector.shape_cast %broadcast_in_dim3A_102 : vector<16xf32> to vector<1x16xf32>
    tpu.vector_store %arg5[%swap3A_668, %swap3A_669], %swap3A_672 {strides = array<i32>} : memref<128x16xf32, #tpu.memory_space<vmem>>, vector<1x16xf32>,
    %swap3A_673 = arith.constant 95 : i32
    %swap3A_674 = arith.index_cast %swap3A_673 : i32 to index
    %swap3A_675 = arith.constant 0 : index
    %swap3A_676 = tpu.vector_load %arg5[%swap3A_674, %swap3A_675] {strides = array<i32>} : memref<128x16xf32, #tpu.memory_space<vmem>>, vector<1x16xf32>,
    %swap3A_677 = vector.shape_cast %swap3A_676 : vector<1x16xf32> to vector<16xf32>
    %swap3A_678 = vector.shape_cast %broadcast_in_dim3A_102 : vector<16xf32> to vector<1x16xf32>
    tpu.vector_store %arg5[%swap3A_674, %swap3A_675], %swap3A_678 {strides = array<i32>} : memref<128x16xf32, #tpu.memory_space<vmem>>, vector<1x16xf32>,
    %swap3A_679 = arith.constant 96 : i32
    %swap3A_680 = arith.index_cast %swap3A_679 : i32 to index
    %swap3A_681 = arith.constant 0 : index
    %swap3A_682 = tpu.vector_load %arg5[%swap3A_680, %swap3A_681] {strides = array<i32>} : memref<128x16xf32, #tpu.memory_space<vmem>>, vector<1x16xf32>,
    %swap3A_683 = vector.shape_cast %swap3A_682 : vector<1x16xf32> to vector<16xf32>
    %swap3A_684 = vector.shape_cast %broadcast_in_dim3A_102 : vector<16xf32> to vector<1x16xf32>
    tpu.vector_store %arg5[%swap3A_680, %swap3A_681], %swap3A_684 {strides = array<i32>} : memref<128x16xf32, #tpu.memory_space<vmem>>, vector<1x16xf32>,
    %swap3A_685 = arith.constant 97 : i32
    %swap3A_686 = arith.index_cast %swap3A_685 : i32 to index
    %swap3A_687 = arith.constant 0 : index
    %swap3A_688 = tpu.vector_load %arg5[%swap3A_686, %swap3A_687] {strides = array<i32>} : memref<128x16xf32, #tpu.memory_space<vmem>>, vector<1x16xf32>,
    %swap3A_689 = vector.shape_cast %swap3A_688 : vector<1x16xf32> to vector<16xf32>
    %swap3A_690 = vector.shape_cast %broadcast_in_dim3A_102 : vector<16xf32> to vector<1x16xf32>
    tpu.vector_store %arg5[%swap3A_686, %swap3A_687], %swap3A_690 {strides = array<i32>} : memref<128x16xf32, #tpu.memory_space<vmem>>, vector<1x16xf32>,
    %swap3A_691 = arith.constant 98 : i32
    %swap3A_692 = arith.index_cast %swap3A_691 : i32 to index
    %swap3A_693 = arith.constant 0 : index
    %swap3A_694 = tpu.vector_load %arg5[%swap3A_692, %swap3A_693] {strides = array<i32>} : memref<128x16xf32, #tpu.memory_space<vmem>>, vector<1x16xf32>,
    %swap3A_695 = vector.shape_cast %swap3A_694 : vector<1x16xf32> to vector<16xf32>
    %swap3A_696 = vector.shape_cast %broadcast_in_dim3A_102 : vector<16xf32> to vector<1x16xf32>
    tpu.vector_store %arg5[%swap3A_692, %swap3A_693], %swap3A_696 {strides = array<i32>} : memref<128x16xf32, #tpu.memory_space<vmem>>, vector<1x16xf32>,
    %swap3A_697 = arith.constant 99 : i32
    %swap3A_698 = arith.index_cast %swap3A_697 : i32 to index
    %swap3A_699 = arith.constant 0 : index
    %swap3A_700 = tpu.vector_load %arg5[%swap3A_698, %swap3A_699] {strides = array<i32>} : memref<128x16xf32, #tpu.memory_space<vmem>>, vector<1x16xf32>,
    %swap3A_701 = vector.shape_cast %swap3A_700 : vector<1x16xf32> to vector<16xf32>
    %swap3A_702 = vector.shape_cast %broadcast_in_dim3A_102 : vector<16xf32> to vector<1x16xf32>
    tpu.vector_store %arg5[%swap3A_698, %swap3A_699], %swap3A_702 {strides = array<i32>} : memref<128x16xf32, #tpu.memory_space<vmem>>, vector<1x16xf32>,
    %swap3A_703 = arith.constant 100 : i32
    %swap3A_704 = arith.index_cast %swap3A_703 : i32 to index
    %swap3A_705 = arith.constant 0 : index
    %swap3A_706 = tpu.vector_load %arg5[%swap3A_704, %swap3A_705] {strides = array<i32>} : memref<128x16xf32, #tpu.memory_space<vmem>>, vector<1x16xf32>,
    %swap3A_707 = vector.shape_cast %swap3A_706 : vector<1x16xf32> to vector<16xf32>
    %swap3A_708 = vector.shape_cast %broadcast_in_dim3A_102 : vector<16xf32> to vector<1x16xf32>
    tpu.vector_store %arg5[%swap3A_704, %swap3A_705], %swap3A_708 {strides = array<i32>} : memref<128x16xf32, #tpu.memory_space<vmem>>, vector<1x16xf32>,
    %swap3A_709 = arith.constant 101 : i32
    %swap3A_710 = arith.index_cast %swap3A_709 : i32 to index
    %swap3A_711 = arith.constant 0 : index
    %swap3A_712 = tpu.vector_load %arg5[%swap3A_710, %swap3A_711] {strides = array<i32>} : memref<128x16xf32, #tpu.memory_space<vmem>>, vector<1x16xf32>,
    %swap3A_713 = vector.shape_cast %swap3A_712 : vector<1x16xf32> to vector<16xf32>
    %swap3A_714 = vector.shape_cast %broadcast_in_dim3A_102 : vector<16xf32> to vector<1x16xf32>
    tpu.vector_store %arg5[%swap3A_710, %swap3A_711], %swap3A_714 {strides = array<i32>} : memref<128x16xf32, #tpu.memory_space<vmem>>, vector<1x16xf32>,
    %swap3A_715 = arith.constant 102 : i32
    %swap3A_716 = arith.index_cast %swap3A_715 : i32 to index
    %swap3A_717 = arith.constant 0 : index
    %swap3A_718 = tpu.vector_load %arg5[%swap3A_716, %swap3A_717] {strides = array<i32>} : memref<128x16xf32, #tpu.memory_space<vmem>>, vector<1x16xf32>,
    %swap3A_719 = vector.shape_cast %swap3A_718 : vector<1x16xf32> to vector<16xf32>
    %swap3A_720 = vector.shape_cast %broadcast_in_dim3A_102 : vector<16xf32> to vector<1x16xf32>
    tpu.vector_store %arg5[%swap3A_716, %swap3A_717], %swap3A_720 {strides = array<i32>} : memref<128x16xf32, #tpu.memory_space<vmem>>, vector<1x16xf32>,
    %swap3A_721 = arith.constant 103 : i32
    %swap3A_722 = arith.index_cast %swap3A_721 : i32 to index
    %swap3A_723 = arith.constant 0 : index
    %swap3A_724 = tpu.vector_load %arg5[%swap3A_722, %swap3A_723] {strides = array<i32>} : memref<128x16xf32, #tpu.memory_space<vmem>>, vector<1x16xf32>,
    %swap3A_725 = vector.shape_cast %swap3A_724 : vector<1x16xf32> to vector<16xf32>
    %swap3A_726 = vector.shape_cast %broadcast_in_dim3A_102 : vector<16xf32> to vector<1x16xf32>
    tpu.vector_store %arg5[%swap3A_722, %swap3A_723], %swap3A_726 {strides = array<i32>} : memref<128x16xf32, #tpu.memory_space<vmem>>, vector<1x16xf32>,
    %swap3A_727 = arith.constant 104 : i32
    %swap3A_728 = arith.index_cast %swap3A_727 : i32 to index
    %swap3A_729 = arith.constant 0 : index
    %swap3A_730 = tpu.vector_load %arg5[%swap3A_728, %swap3A_729] {strides = array<i32>} : memref<128x16xf32, #tpu.memory_space<vmem>>, vector<1x16xf32>,
    %swap3A_731 = vector.shape_cast %swap3A_730 : vector<1x16xf32> to vector<16xf32>
    %swap3A_732 = vector.shape_cast %broadcast_in_dim3A_102 : vector<16xf32> to vector<1x16xf32>
    tpu.vector_store %arg5[%swap3A_728, %swap3A_729], %swap3A_732 {strides = array<i32>} : memref<128x16xf32, #tpu.memory_space<vmem>>, vector<1x16xf32>,
    %swap3A_733 = arith.constant 105 : i32
    %swap3A_734 = arith.index_cast %swap3A_733 : i32 to index
    %swap3A_735 = arith.constant 0 : index
    %swap3A_736 = tpu.vector_load %arg5[%swap3A_734, %swap3A_735] {strides = array<i32>} : memref<128x16xf32, #tpu.memory_space<vmem>>, vector<1x16xf32>,
    %swap3A_737 = vector.shape_cast %swap3A_736 : vector<1x16xf32> to vector<16xf32>
    %swap3A_738 = vector.shape_cast %broadcast_in_dim3A_102 : vector<16xf32> to vector<1x16xf32>
    tpu.vector_store %arg5[%swap3A_734, %swap3A_735], %swap3A_738 {strides = array<i32>} : memref<128x16xf32, #tpu.memory_space<vmem>>, vector<1x16xf32>,
    %swap3A_739 = arith.constant 106 : i32
    %swap3A_740 = arith.index_cast %swap3A_739 : i32 to index
    %swap3A_741 = arith.constant 0 : index
    %swap3A_742 = tpu.vector_load %arg5[%swap3A_740, %swap3A_741] {strides = array<i32>} : memref<128x16xf32, #tpu.memory_space<vmem>>, vector<1x16xf32>,
    %swap3A_743 = vector.shape_cast %swap3A_742 : vector<1x16xf32> to vector<16xf32>
    %swap3A_744 = vector.shape_cast %broadcast_in_dim3A_102 : vector<16xf32> to vector<1x16xf32>
    tpu.vector_store %arg5[%swap3A_740, %swap3A_741], %swap3A_744 {strides = array<i32>} : memref<128x16xf32, #tpu.memory_space<vmem>>, vector<1x16xf32>,
    %swap3A_745 = arith.constant 107 : i32
    %swap3A_746 = arith.index_cast %swap3A_745 : i32 to index
    %swap3A_747 = arith.constant 0 : index
    %swap3A_748 = tpu.vector_load %arg5[%swap3A_746, %swap3A_747] {strides = array<i32>} : memref<128x16xf32, #tpu.memory_space<vmem>>, vector<1x16xf32>,
    %swap3A_749 = vector.shape_cast %swap3A_748 : vector<1x16xf32> to vector<16xf32>
    %swap3A_750 = vector.shape_cast %broadcast_in_dim3A_102 : vector<16xf32> to vector<1x16xf32>
    tpu.vector_store %arg5[%swap3A_746, %swap3A_747], %swap3A_750 {strides = array<i32>} : memref<128x16xf32, #tpu.memory_space<vmem>>, vector<1x16xf32>,
    %swap3A_751 = arith.constant 108 : i32
    %swap3A_752 = arith.index_cast %swap3A_751 : i32 to index
    %swap3A_753 = arith.constant 0 : index
    %swap3A_754 = tpu.vector_load %arg5[%swap3A_752, %swap3A_753] {strides = array<i32>} : memref<128x16xf32, #tpu.memory_space<vmem>>, vector<1x16xf32>,
    %swap3A_755 = vector.shape_cast %swap3A_754 : vector<1x16xf32> to vector<16xf32>
    %swap3A_756 = vector.shape_cast %broadcast_in_dim3A_102 : vector<16xf32> to vector<1x16xf32>
    tpu.vector_store %arg5[%swap3A_752, %swap3A_753], %swap3A_756 {strides = array<i32>} : memref<128x16xf32, #tpu.memory_space<vmem>>, vector<1x16xf32>,
    %swap3A_757 = arith.constant 109 : i32
    %swap3A_758 = arith.index_cast %swap3A_757 : i32 to index
    %swap3A_759 = arith.constant 0 : index
    %swap3A_760 = tpu.vector_load %arg5[%swap3A_758, %swap3A_759] {strides = array<i32>} : memref<128x16xf32, #tpu.memory_space<vmem>>, vector<1x16xf32>,
    %swap3A_761 = vector.shape_cast %swap3A_760 : vector<1x16xf32> to vector<16xf32>
    %swap3A_762 = vector.shape_cast %broadcast_in_dim3A_102 : vector<16xf32> to vector<1x16xf32>
    tpu.vector_store %arg5[%swap3A_758, %swap3A_759], %swap3A_762 {strides = array<i32>} : memref<128x16xf32, #tpu.memory_space<vmem>>, vector<1x16xf32>,
    %swap3A_763 = arith.constant 110 : i32
    %swap3A_764 = arith.index_cast %swap3A_763 : i32 to index
    %swap3A_765 = arith.constant 0 : index
    %swap3A_766 = tpu.vector_load %arg5[%swap3A_764, %swap3A_765] {strides = array<i32>} : memref<128x16xf32, #tpu.memory_space<vmem>>, vector<1x16xf32>,
    %swap3A_767 = vector.shape_cast %swap3A_766 : vector<1x16xf32> to vector<16xf32>
    %swap3A_768 = vector.shape_cast %broadcast_in_dim3A_102 : vector<16xf32> to vector<1x16xf32>
    tpu.vector_store %arg5[%swap3A_764, %swap3A_765], %swap3A_768 {strides = array<i32>} : memref<128x16xf32, #tpu.memory_space<vmem>>, vector<1x16xf32>,
    %swap3A_769 = arith.constant 111 : i32
    %swap3A_770 = arith.index_cast %swap3A_769 : i32 to index
    %swap3A_771 = arith.constant 0 : index
    %swap3A_772 = tpu.vector_load %arg5[%swap3A_770, %swap3A_771] {strides = array<i32>} : memref<128x16xf32, #tpu.memory_space<vmem>>, vector<1x16xf32>,
    %swap3A_773 = vector.shape_cast %swap3A_772 : vector<1x16xf32> to vector<16xf32>
    %swap3A_774 = vector.shape_cast %broadcast_in_dim3A_102 : vector<16xf32> to vector<1x16xf32>
    tpu.vector_store %arg5[%swap3A_770, %swap3A_771], %swap3A_774 {strides = array<i32>} : memref<128x16xf32, #tpu.memory_space<vmem>>, vector<1x16xf32>,
    %swap3A_775 = arith.constant 112 : i32
    %swap3A_776 = arith.index_cast %swap3A_775 : i32 to index
    %swap3A_777 = arith.constant 0 : index
    %swap3A_778 = tpu.vector_load %arg5[%swap3A_776, %swap3A_777] {strides = array<i32>} : memref<128x16xf32, #tpu.memory_space<vmem>>, vector<1x16xf32>,
    %swap3A_779 = vector.shape_cast %swap3A_778 : vector<1x16xf32> to vector<16xf32>
    %swap3A_780 = vector.shape_cast %broadcast_in_dim3A_102 : vector<16xf32> to vector<1x16xf32>
    tpu.vector_store %arg5[%swap3A_776, %swap3A_777], %swap3A_780 {strides = array<i32>} : memref<128x16xf32, #tpu.memory_space<vmem>>, vector<1x16xf32>,
    %swap3A_781 = arith.constant 113 : i32
    %swap3A_782 = arith.index_cast %swap3A_781 : i32 to index
    %swap3A_783 = arith.constant 0 : index
    %swap3A_784 = tpu.vector_load %arg5[%swap3A_782, %swap3A_783] {strides = array<i32>} : memref<128x16xf32, #tpu.memory_space<vmem>>, vector<1x16xf32>,
    %swap3A_785 = vector.shape_cast %swap3A_784 : vector<1x16xf32> to vector<16xf32>
    %swap3A_786 = vector.shape_cast %broadcast_in_dim3A_102 : vector<16xf32> to vector<1x16xf32>
    tpu.vector_store %arg5[%swap3A_782, %swap3A_783], %swap3A_786 {strides = array<i32>} : memref<128x16xf32, #tpu.memory_space<vmem>>, vector<1x16xf32>,
    %swap3A_787 = arith.constant 114 : i32
    %swap3A_788 = arith.index_cast %swap3A_787 : i32 to index
    %swap3A_789 = arith.constant 0 : index
    %swap3A_790 = tpu.vector_load %arg5[%swap3A_788, %swap3A_789] {strides = array<i32>} : memref<128x16xf32, #tpu.memory_space<vmem>>, vector<1x16xf32>,
    %swap3A_791 = vector.shape_cast %swap3A_790 : vector<1x16xf32> to vector<16xf32>
    %swap3A_792 = vector.shape_cast %broadcast_in_dim3A_102 : vector<16xf32> to vector<1x16xf32>
    tpu.vector_store %arg5[%swap3A_788, %swap3A_789], %swap3A_792 {strides = array<i32>} : memref<128x16xf32, #tpu.memory_space<vmem>>, vector<1x16xf32>,
    %swap3A_793 = arith.constant 115 : i32
    %swap3A_794 = arith.index_cast %swap3A_793 : i32 to index
    %swap3A_795 = arith.constant 0 : index
    %swap3A_796 = tpu.vector_load %arg5[%swap3A_794, %swap3A_795] {strides = array<i32>} : memref<128x16xf32, #tpu.memory_space<vmem>>, vector<1x16xf32>,
    %swap3A_797 = vector.shape_cast %swap3A_796 : vector<1x16xf32> to vector<16xf32>
    %swap3A_798 = vector.shape_cast %broadcast_in_dim3A_102 : vector<16xf32> to vector<1x16xf32>
    tpu.vector_store %arg5[%swap3A_794, %swap3A_795], %swap3A_798 {strides = array<i32>} : memref<128x16xf32, #tpu.memory_space<vmem>>, vector<1x16xf32>,
    %swap3A_799 = arith.constant 116 : i32
    %swap3A_800 = arith.index_cast %swap3A_799 : i32 to index
    %swap3A_801 = arith.constant 0 : index
    %swap3A_802 = tpu.vector_load %arg5[%swap3A_800, %swap3A_801] {strides = array<i32>} : memref<128x16xf32, #tpu.memory_space<vmem>>, vector<1x16xf32>,
    %swap3A_803 = vector.shape_cast %swap3A_802 : vector<1x16xf32> to vector<16xf32>
    %swap3A_804 = vector.shape_cast %broadcast_in_dim3A_102 : vector<16xf32> to vector<1x16xf32>
    tpu.vector_store %arg5[%swap3A_800, %swap3A_801], %swap3A_804 {strides = array<i32>} : memref<128x16xf32, #tpu.memory_space<vmem>>, vector<1x16xf32>,
    %swap3A_805 = arith.constant 117 : i32
    %swap3A_806 = arith.index_cast %swap3A_805 : i32 to index
    %swap3A_807 = arith.constant 0 : index
    %swap3A_808 = tpu.vector_load %arg5[%swap3A_806, %swap3A_807] {strides = array<i32>} : memref<128x16xf32, #tpu.memory_space<vmem>>, vector<1x16xf32>,
    %swap3A_809 = vector.shape_cast %swap3A_808 : vector<1x16xf32> to vector<16xf32>
    %swap3A_810 = vector.shape_cast %broadcast_in_dim3A_102 : vector<16xf32> to vector<1x16xf32>
    tpu.vector_store %arg5[%swap3A_806, %swap3A_807], %swap3A_810 {strides = array<i32>} : memref<128x16xf32, #tpu.memory_space<vmem>>, vector<1x16xf32>,
    %swap3A_811 = arith.constant 118 : i32
    %swap3A_812 = arith.index_cast %swap3A_811 : i32 to index
    %swap3A_813 = arith.constant 0 : index
    %swap3A_814 = tpu.vector_load %arg5[%swap3A_812, %swap3A_813] {strides = array<i32>} : memref<128x16xf32, #tpu.memory_space<vmem>>, vector<1x16xf32>,
    %swap3A_815 = vector.shape_cast %swap3A_814 : vector<1x16xf32> to vector<16xf32>
    %swap3A_816 = vector.shape_cast %broadcast_in_dim3A_102 : vector<16xf32> to vector<1x16xf32>
    tpu.vector_store %arg5[%swap3A_812, %swap3A_813], %swap3A_816 {strides = array<i32>} : memref<128x16xf32, #tpu.memory_space<vmem>>, vector<1x16xf32>,
    %swap3A_817 = arith.constant 119 : i32
    %swap3A_818 = arith.index_cast %swap3A_817 : i32 to index
    %swap3A_819 = arith.constant 0 : index
    %swap3A_820 = tpu.vector_load %arg5[%swap3A_818, %swap3A_819] {strides = array<i32>} : memref<128x16xf32, #tpu.memory_space<vmem>>, vector<1x16xf32>,
    %swap3A_821 = vector.shape_cast %swap3A_820 : vector<1x16xf32> to vector<16xf32>
    %swap3A_822 = vector.shape_cast %broadcast_in_dim3A_102 : vector<16xf32> to vector<1x16xf32>
    tpu.vector_store %arg5[%swap3A_818, %swap3A_819], %swap3A_822 {strides = array<i32>} : memref<128x16xf32, #tpu.memory_space<vmem>>, vector<1x16xf32>,
    %swap3A_823 = arith.constant 120 : i32
    %swap3A_824 = arith.index_cast %swap3A_823 : i32 to index
    %swap3A_825 = arith.constant 0 : index
    %swap3A_826 = tpu.vector_load %arg5[%swap3A_824, %swap3A_825] {strides = array<i32>} : memref<128x16xf32, #tpu.memory_space<vmem>>, vector<1x16xf32>,
    %swap3A_827 = vector.shape_cast %swap3A_826 : vector<1x16xf32> to vector<16xf32>
    %swap3A_828 = vector.shape_cast %broadcast_in_dim3A_102 : vector<16xf32> to vector<1x16xf32>
    tpu.vector_store %arg5[%swap3A_824, %swap3A_825], %swap3A_828 {strides = array<i32>} : memref<128x16xf32, #tpu.memory_space<vmem>>, vector<1x16xf32>,
    %swap3A_829 = arith.constant 121 : i32
    %swap3A_830 = arith.index_cast %swap3A_829 : i32 to index
    %swap3A_831 = arith.constant 0 : index
    %swap3A_832 = tpu.vector_load %arg5[%swap3A_830, %swap3A_831] {strides = array<i32>} : memref<128x16xf32, #tpu.memory_space<vmem>>, vector<1x16xf32>,
    %swap3A_833 = vector.shape_cast %swap3A_832 : vector<1x16xf32> to vector<16xf32>
    %swap3A_834 = vector.shape_cast %broadcast_in_dim3A_102 : vector<16xf32> to vector<1x16xf32>
    tpu.vector_store %arg5[%swap3A_830, %swap3A_831], %swap3A_834 {strides = array<i32>} : memref<128x16xf32, #tpu.memory_space<vmem>>, vector<1x16xf32>,
    %swap3A_835 = arith.constant 122 : i32
    %swap3A_836 = arith.index_cast %swap3A_835 : i32 to index
    %swap3A_837 = arith.constant 0 : index
    %swap3A_838 = tpu.vector_load %arg5[%swap3A_836, %swap3A_837] {strides = array<i32>} : memref<128x16xf32, #tpu.memory_space<vmem>>, vector<1x16xf32>,
    %swap3A_839 = vector.shape_cast %swap3A_838 : vector<1x16xf32> to vector<16xf32>
    %swap3A_840 = vector.shape_cast %broadcast_in_dim3A_102 : vector<16xf32> to vector<1x16xf32>
    tpu.vector_store %arg5[%swap3A_836, %swap3A_837], %swap3A_840 {strides = array<i32>} : memref<128x16xf32, #tpu.memory_space<vmem>>, vector<1x16xf32>,
    %swap3A_841 = arith.constant 123 : i32
    %swap3A_842 = arith.index_cast %swap3A_841 : i32 to index
    %swap3A_843 = arith.constant 0 : index
    %swap3A_844 = tpu.vector_load %arg5[%swap3A_842, %swap3A_843] {strides = array<i32>} : memref<128x16xf32, #tpu.memory_space<vmem>>, vector<1x16xf32>,
    %swap3A_845 = vector.shape_cast %swap3A_844 : vector<1x16xf32> to vector<16xf32>
    %swap3A_846 = vector.shape_cast %broadcast_in_dim3A_102 : vector<16xf32> to vector<1x16xf32>
    tpu.vector_store %arg5[%swap3A_842, %swap3A_843], %swap3A_846 {strides = array<i32>} : memref<128x16xf32, #tpu.memory_space<vmem>>, vector<1x16xf32>,
    %swap3A_847 = arith.constant 124 : i32
    %swap3A_848 = arith.index_cast %swap3A_847 : i32 to index
    %swap3A_849 = arith.constant 0 : index
    %swap3A_850 = tpu.vector_load %arg5[%swap3A_848, %swap3A_849] {strides = array<i32>} : memref<128x16xf32, #tpu.memory_space<vmem>>, vector<1x16xf32>,
    %swap3A_851 = vector.shape_cast %swap3A_850 : vector<1x16xf32> to vector<16xf32>
    %swap3A_852 = vector.shape_cast %broadcast_in_dim3A_102 : vector<16xf32> to vector<1x16xf32>
    tpu.vector_store %arg5[%swap3A_848, %swap3A_849], %swap3A_852 {strides = array<i32>} : memref<128x16xf32, #tpu.memory_space<vmem>>, vector<1x16xf32>,
    %swap3A_853 = arith.constant 125 : i32
    %swap3A_854 = arith.index_cast %swap3A_853 : i32 to index
    %swap3A_855 = arith.constant 0 : index
    %swap3A_856 = tpu.vector_load %arg5[%swap3A_854, %swap3A_855] {strides = array<i32>} : memref<128x16xf32, #tpu.memory_space<vmem>>, vector<1x16xf32>,
    %swap3A_857 = vector.shape_cast %swap3A_856 : vector<1x16xf32> to vector<16xf32>
    %swap3A_858 = vector.shape_cast %broadcast_in_dim3A_102 : vector<16xf32> to vector<1x16xf32>
    tpu.vector_store %arg5[%swap3A_854, %swap3A_855], %swap3A_858 {strides = array<i32>} : memref<128x16xf32, #tpu.memory_space<vmem>>, vector<1x16xf32>,
    %swap3A_859 = arith.constant 126 : i32
    %swap3A_860 = arith.index_cast %swap3A_859 : i32 to index
    %swap3A_861 = arith.constant 0 : index
    %swap3A_862 = tpu.vector_load %arg5[%swap3A_860, %swap3A_861] {strides = array<i32>} : memref<128x16xf32, #tpu.memory_space<vmem>>, vector<1x16xf32>,
    %swap3A_863 = vector.shape_cast %swap3A_862 : vector<1x16xf32> to vector<16xf32>
    %swap3A_864 = vector.shape_cast %broadcast_in_dim3A_102 : vector<16xf32> to vector<1x16xf32>
    tpu.vector_store %arg5[%swap3A_860, %swap3A_861], %swap3A_864 {strides = array<i32>} : memref<128x16xf32, #tpu.memory_space<vmem>>, vector<1x16xf32>,
    %swap3A_865 = arith.constant 127 : i32
    %swap3A_866 = arith.index_cast %swap3A_865 : i32 to index
    %swap3A_867 = arith.constant 0 : index
    %swap3A_868 = tpu.vector_load %arg5[%swap3A_866, %swap3A_867] {strides = array<i32>} : memref<128x16xf32, #tpu.memory_space<vmem>>, vector<1x16xf32>,
    %swap3A_869 = vector.shape_cast %swap3A_868 : vector<1x16xf32> to vector<16xf32>
    %swap3A_870 = vector.shape_cast %broadcast_in_dim3A_102 : vector<16xf32> to vector<1x16xf32>
    tpu.vector_store %arg5[%swap3A_866, %swap3A_867], %swap3A_870 {strides = array<i32>} : memref<128x16xf32, #tpu.memory_space<vmem>>, vector<1x16xf32>,
    "tpu.region"() ({
      %run_scoped3A = tpu.sem_alloc : memref<!tpu.dma_semaphore, #tpu.memory_space<semaphore_mem>>
      %dma_start3A = arith.constant 0 : i32
      %dma_start3A_882 = arith.constant 0 : i32
      %dma_start3A_883 = tpu.memref_slice %arg2[%add3A, %dma_start3A, %dma_start3A_882] : memref<32x80x128xi32, #tpu.memory_space<hbm>> -> memref<1x80x128xi32, #tpu.memory_space<hbm>>
      %dma_start3A_884 = tpu.memref_squeeze %dma_start3A_883 : memref<1x80x128xi32, #tpu.memory_space<hbm>> -> memref<80x128xi32, #tpu.memory_space<hbm>>
      %dma_start3A_885 = arith.constant 0 : i32
      %dma_start3A_886 = arith.constant 0 : i32
      %dma_start3A_887 = tpu.memref_slice %arg2[%add3A, %dma_start3A_885, %dma_start3A_886] : memref<32x80x128xi32, #tpu.memory_space<hbm>> -> memref<1x80x128xi32, #tpu.memory_space<hbm>>
      %dma_start3A_888 = tpu.memref_squeeze %dma_start3A_887 : memref<1x80x128xi32, #tpu.memory_space<hbm>> -> memref<80x128xi32, #tpu.memory_space<hbm>>
      tpu.enqueue_dma source(%dma_start3A_888 : memref<80x128xi32, #tpu.memory_space<hbm>>) target(%arg4 : memref<80x128xi32, #tpu.memory_space<vmem>>) target_semaphore(%run_scoped3A : memref<!tpu.dma_semaphore, #tpu.memory_space<semaphore_mem>>)
      %dma_wait3A = arith.constant 0 : i32
      %dma_wait3A_889 = arith.constant 0 : i32
      %dma_wait3A_890 = tpu.memref_slice %arg2[%add3A, %dma_wait3A, %dma_wait3A_889] : memref<32x80x128xi32, #tpu.memory_space<hbm>> -> memref<1x80x128xi32, #tpu.memory_space<hbm>>
      %dma_wait3A_891 = tpu.memref_squeeze %dma_wait3A_890 : memref<1x80x128xi32, #tpu.memory_space<hbm>> -> memref<80x128xi32, #tpu.memory_space<hbm>>
      %dma_wait3A_892 = arith.constant 0 : i32
      %dma_wait3A_893 = arith.constant 0 : i32
      %dma_wait3A_894 = tpu.memref_slice %arg2[%add3A, %dma_wait3A_892, %dma_wait3A_893] : memref<32x80x128xi32, #tpu.memory_space<hbm>> -> memref<1x80x128xi32, #tpu.memory_space<hbm>>
      %dma_wait3A_895 = tpu.memref_squeeze %dma_wait3A_894 : memref<1x80x128xi32, #tpu.memory_space<hbm>> -> memref<80x128xi32, #tpu.memory_space<hbm>>
      tpu.wait_dma2 semaphore(%run_scoped3A : memref<!tpu.dma_semaphore, #tpu.memory_space<semaphore_mem>>) src(%dma_wait3A_895 : memref<80x128xi32, #tpu.memory_space<hbm>>) dst(%arg4 : memref<80x128xi32, #tpu.memory_space<vmem>>)
      tpu.yield
    }) : () -> ()
    %barrier3A = arith.constant 0 : index
    tpu.barrier barrier_id(%barrier3A)
    %scan3A_871 = arith.constant 0 : i32
    %scan3A_872 = arith.constant 80 : i32
    %scan3A_873 = arith.addi %scan3A_871, %scan3A_872 : i32
    %scan3A_874 = arith.constant 1 : i32
    scf.for %scan3A_882 = %scan3A_871 to %scan3A_873 step %scan3A_874  : i32 {
      %mul3A_883 = arith.constant 1 : i32
      %mul3A_884 = arith.muli %scan3A_882, %mul3A_883 : i32
      %add3A_885 = arith.constant 0 : i32
      %add3A_886 = arith.addi %add3A_885, %mul3A_884 : i32
      "tpu.region"() ({
        %run_scoped3A = tpu.sem_alloc : memref<!tpu.dma_semaphore, #tpu.memory_space<semaphore_mem>>
        %dma_start3A = arith.constant 0 : i32
        %dma_start3A_887 = tpu.memref_slice %arg4[%add3A_886, %dma_start3A] : memref<80x128xi32, #tpu.memory_space<vmem>> -> memref<1x128xi32, #tpu.memory_space<vmem>>
        %dma_start3A_888 = tpu.memref_squeeze %dma_start3A_887 : memref<1x128xi32, #tpu.memory_space<vmem>> -> memref<128xi32, #tpu.memory_space<vmem>>
        %dma_start3A_889 = arith.constant 0 : i32
        %dma_start3A_890 = arith.constant 0 : i32
        %dma_start3A_891 = tpu.memref_slice %arg7[%dma_start3A_889, %dma_start3A_890] : memref<10240x16xf32, #tpu.memory_space<vmem_shared>> -> memref<10240x16xf32, #tpu.memory_space<vmem_shared>>
        tpu.enqueue_indirect_dma source(%arg5 : memref<128x16xf32, #tpu.memory_space<vmem>>) target(%dma_start3A_891 : memref<10240x16xf32, #tpu.memory_space<vmem_shared>>) offsets(%dma_start3A_888 : memref<128xi32, #tpu.memory_space<vmem>>) semaphore(%run_scoped3A : memref<!tpu.dma_semaphore, #tpu.memory_space<semaphore_mem>>) {add = true}
        %dma_wait3A = arith.constant 0 : i32
        %dma_wait3A_892 = tpu.memref_slice %arg4[%add3A_886, %dma_wait3A] : memref<80x128xi32, #tpu.memory_space<vmem>> -> memref<1x128xi32, #tpu.memory_space<vmem>>
        %dma_wait3A_893 = tpu.memref_squeeze %dma_wait3A_892 : memref<1x128xi32, #tpu.memory_space<vmem>> -> memref<128xi32, #tpu.memory_space<vmem>>
        %dma_wait3A_894 = arith.constant 0 : i32
        %dma_wait3A_895 = arith.constant 0 : i32
        %dma_wait3A_896 = tpu.memref_slice %arg7[%dma_wait3A_894, %dma_wait3A_895] : memref<10240x16xf32, #tpu.memory_space<vmem_shared>> -> memref<10240x16xf32, #tpu.memory_space<vmem_shared>>
        tpu.wait_indirect_dma semaphore(%run_scoped3A : memref<!tpu.dma_semaphore, #tpu.memory_space<semaphore_mem>>) src(%arg5 : memref<128x16xf32, #tpu.memory_space<vmem>>) dst(%dma_wait3A_896 : memref<10240x16xf32, #tpu.memory_space<vmem_shared>>)
        tpu.yield
      }) : () -> ()
    }
    %scan3A_875 = arith.constant 80 : i32
    %barrier3A_876 = arith.constant 0 : index
    tpu.barrier barrier_id(%barrier3A_876)
    %scan3A_877 = arith.constant 0 : i32
    %scan3A_878 = arith.constant 5 : i32
    %scan3A_879 = arith.addi %scan3A_877, %scan3A_878 : i32
    %scan3A_880 = arith.constant 1 : i32
    scf.for %scan3A_882 = %scan3A_877 to %scan3A_879 step %scan3A_880  : i32 {
      %mul3A_883 = arith.constant 1 : i32
      %mul3A_884 = arith.muli %scan3A_882, %mul3A_883 : i32
      %add3A_885 = arith.constant 0 : i32
      %add3A_886 = arith.addi %add3A_885, %mul3A_884 : i32
      %mul3A_887 = arith.constant 640 : i32
      %mul3A_888 = arith.muli %arg1, %mul3A_887 : i32
      %mul3A_889 = arith.constant 128 : i32
      %mul3A_890 = arith.muli %add3A_886, %mul3A_889 : i32
      %add3A_891 = arith.addi %mul3A_888, %mul3A_890 : i32
      "tpu.region"() ({
        %run_scoped3A = tpu.sem_alloc : memref<!tpu.dma_semaphore, #tpu.memory_space<semaphore_mem>>
        %dma_start3A = arith.constant 0 : i32
        %dma_start3A_897 = tpu.memref_slice %arg7[%add3A_891, %dma_start3A] : memref<10240x16xf32, #tpu.memory_space<vmem_shared>> -> memref<128x16xf32, #tpu.memory_space<vmem_shared>>
        %dma_start3A_898 = arith.constant 0 : i32
        %dma_start3A_899 = tpu.memref_slice %arg7[%add3A_891, %dma_start3A_898] : memref<10240x16xf32, #tpu.memory_space<vmem_shared>> -> memref<128x16xf32, #tpu.memory_space<vmem_shared>>
        tpu.enqueue_dma source(%dma_start3A_899 : memref<128x16xf32, #tpu.memory_space<vmem_shared>>) target(%arg5 : memref<128x16xf32, #tpu.memory_space<vmem>>) target_semaphore(%run_scoped3A : memref<!tpu.dma_semaphore, #tpu.memory_space<semaphore_mem>>)
        %dma_wait3A = arith.constant 0 : i32
        %dma_wait3A_900 = tpu.memref_slice %arg7[%add3A_891, %dma_wait3A] : memref<10240x16xf32, #tpu.memory_space<vmem_shared>> -> memref<128x16xf32, #tpu.memory_space<vmem_shared>>
        %dma_wait3A_901 = arith.constant 0 : i32
        %dma_wait3A_902 = tpu.memref_slice %arg7[%add3A_891, %dma_wait3A_901] : memref<10240x16xf32, #tpu.memory_space<vmem_shared>> -> memref<128x16xf32, #tpu.memory_space<vmem_shared>>
        tpu.wait_dma2 semaphore(%run_scoped3A : memref<!tpu.dma_semaphore, #tpu.memory_space<semaphore_mem>>) src(%dma_wait3A_902 : memref<128x16xf32, #tpu.memory_space<vmem_shared>>) dst(%arg5 : memref<128x16xf32, #tpu.memory_space<vmem>>)
        tpu.yield
      }) : () -> ()
      %mul3A_892 = arith.constant 640 : i32
      %mul3A_893 = arith.muli %arg1, %mul3A_892 : i32
      %mul3A_894 = arith.constant 128 : i32
      %mul3A_895 = arith.muli %add3A_886, %mul3A_894 : i32
      %add3A_896 = arith.addi %mul3A_893, %mul3A_895 : i32
      "tpu.region"() ({
        %run_scoped3A = tpu.sem_alloc : memref<!tpu.dma_semaphore, #tpu.memory_space<semaphore_mem>>
        %dma_start3A = arith.constant 0 : i32
        %dma_start3A_897 = tpu.memref_slice %arg3[%arg0, %add3A_896, %dma_start3A] : memref<2x10240x16xf32, #tpu.memory_space<hbm>> -> memref<1x128x16xf32, #tpu.memory_space<hbm>>
        %dma_start3A_898 = tpu.memref_squeeze %dma_start3A_897 : memref<1x128x16xf32, #tpu.memory_space<hbm>> -> memref<128x16xf32, #tpu.memory_space<hbm>>
        %dma_start3A_899 = arith.constant 0 : i32
        %dma_start3A_900 = tpu.memref_slice %arg3[%arg0, %add3A_896, %dma_start3A_899] : memref<2x10240x16xf32, #tpu.memory_space<hbm>> -> memref<1x128x16xf32, #tpu.memory_space<hbm>>
        %dma_start3A_901 = tpu.memref_squeeze %dma_start3A_900 : memref<1x128x16xf32, #tpu.memory_space<hbm>> -> memref<128x16xf32, #tpu.memory_space<hbm>>
        tpu.enqueue_dma source(%arg5 : memref<128x16xf32, #tpu.memory_space<vmem>>) target(%dma_start3A_901 : memref<128x16xf32, #tpu.memory_space<hbm>>) target_semaphore(%run_scoped3A : memref<!tpu.dma_semaphore, #tpu.memory_space<semaphore_mem>>)
        %dma_wait3A = arith.constant 0 : i32
        %dma_wait3A_902 = tpu.memref_slice %arg3[%arg0, %add3A_896, %dma_wait3A] : memref<2x10240x16xf32, #tpu.memory_space<hbm>> -> memref<1x128x16xf32, #tpu.memory_space<hbm>>
        %dma_wait3A_903 = tpu.memref_squeeze %dma_wait3A_902 : memref<1x128x16xf32, #tpu.memory_space<hbm>> -> memref<128x16xf32, #tpu.memory_space<hbm>>
        %dma_wait3A_904 = arith.constant 0 : i32
        %dma_wait3A_905 = tpu.memref_slice %arg3[%arg0, %add3A_896, %dma_wait3A_904] : memref<2x10240x16xf32, #tpu.memory_space<hbm>> -> memref<1x128x16xf32, #tpu.memory_space<hbm>>
        %dma_wait3A_906 = tpu.memref_squeeze %dma_wait3A_905 : memref<1x128x16xf32, #tpu.memory_space<hbm>> -> memref<128x16xf32, #tpu.memory_space<hbm>>
        tpu.wait_dma2 semaphore(%run_scoped3A : memref<!tpu.dma_semaphore, #tpu.memory_space<semaphore_mem>>) src(%arg5 : memref<128x16xf32, #tpu.memory_space<vmem>>) dst(%dma_wait3A_906 : memref<128x16xf32, #tpu.memory_space<hbm>>)
        tpu.yield
      }) : () -> ()
    }
    %scan3A_881 = arith.constant 5 : i32
    return
  }
}

#map = affine_map<(d0, d1) -> (0, 0, 0)>
#map1 = affine_map<(d0, d1) -> (0, 0)>
module attributes {stable_mosaic.version = 14 : i64} {
  func.func @sc_spmm_f16(%arg0: i32, %arg1: i32, %arg2: memref<32x80x128xi32, #tpu.memory_space<hbm>>, %arg3: memref<32x80x128xi32, #tpu.memory_space<hbm>>, %arg4: memref<10240x16xf32, #tpu.memory_space<hbm>>, %arg5: memref<2x10240x16xf32, #tpu.memory_space<hbm>>, %arg6: memref<80x128xi32, #tpu.memory_space<vmem>>, %arg7: memref<80x128xi32, #tpu.memory_space<vmem>>, %arg8: memref<6x128x16xf32, #tpu.memory_space<vmem>>, %arg9: memref<16x16xf32, #tpu.memory_space<vmem>>, %arg10: memref<10240x16xf32, #tpu.memory_space<vmem_shared>>, %arg11: memref<!tpu.dma_semaphore, #tpu.memory_space<semaphore_mem>>, %arg12: memref<!tpu.dma_semaphore, #tpu.memory_space<semaphore_mem>>) attributes {dimension_semantics = [#tpu.dimension_semantics<core_parallel>, #tpu.dimension_semantics<subcore_parallel>], iteration_bounds = array<i64: 2, 16>, scalar_prefetch = 0 : i64, scratch_operands = 7 : i64, tpu.core_type = #tpu.core_type<sc_vector_subcore>, window_params = [{transform_indices = #map}, {transform_indices = #map}, {transform_indices = #map1}, {transform_indices = #map}]} {
    %mul3A = arith.constant 16 : i32
    %mul3A_0 = arith.muli %arg0, %mul3A : i32
    %add3A = arith.addi %mul3A_0, %arg1 : i32
    %broadcast_in_dim3A = arith.constant 0.000000e+00 : f32
    %broadcast_in_dim3A_1 = vector.broadcast %broadcast_in_dim3A : f32 to vector<16xf32>
    %swap3A = arith.constant 0 : i32
    %swap3A_2 = arith.index_cast %swap3A : i32 to index
    %swap3A_3 = arith.constant 0 : index
    %swap3A_4 = tpu.vector_load %arg9[%swap3A_2, %swap3A_3] {strides = array<i32>} : memref<16x16xf32, #tpu.memory_space<vmem>>, vector<1x16xf32>,
    %swap3A_5 = vector.shape_cast %swap3A_4 : vector<1x16xf32> to vector<16xf32>
    %swap3A_6 = vector.shape_cast %broadcast_in_dim3A_1 : vector<16xf32> to vector<1x16xf32>
    tpu.vector_store %arg9[%swap3A_2, %swap3A_3], %swap3A_6 {strides = array<i32>} : memref<16x16xf32, #tpu.memory_space<vmem>>, vector<1x16xf32>,
    %swap3A_7 = arith.constant 1 : i32
    %swap3A_8 = arith.index_cast %swap3A_7 : i32 to index
    %swap3A_9 = arith.constant 0 : index
    %swap3A_10 = tpu.vector_load %arg9[%swap3A_8, %swap3A_9] {strides = array<i32>} : memref<16x16xf32, #tpu.memory_space<vmem>>, vector<1x16xf32>,
    %swap3A_11 = vector.shape_cast %swap3A_10 : vector<1x16xf32> to vector<16xf32>
    %swap3A_12 = vector.shape_cast %broadcast_in_dim3A_1 : vector<16xf32> to vector<1x16xf32>
    tpu.vector_store %arg9[%swap3A_8, %swap3A_9], %swap3A_12 {strides = array<i32>} : memref<16x16xf32, #tpu.memory_space<vmem>>, vector<1x16xf32>,
    %swap3A_13 = arith.constant 2 : i32
    %swap3A_14 = arith.index_cast %swap3A_13 : i32 to index
    %swap3A_15 = arith.constant 0 : index
    %swap3A_16 = tpu.vector_load %arg9[%swap3A_14, %swap3A_15] {strides = array<i32>} : memref<16x16xf32, #tpu.memory_space<vmem>>, vector<1x16xf32>,
    %swap3A_17 = vector.shape_cast %swap3A_16 : vector<1x16xf32> to vector<16xf32>
    %swap3A_18 = vector.shape_cast %broadcast_in_dim3A_1 : vector<16xf32> to vector<1x16xf32>
    tpu.vector_store %arg9[%swap3A_14, %swap3A_15], %swap3A_18 {strides = array<i32>} : memref<16x16xf32, #tpu.memory_space<vmem>>, vector<1x16xf32>,
    %swap3A_19 = arith.constant 3 : i32
    %swap3A_20 = arith.index_cast %swap3A_19 : i32 to index
    %swap3A_21 = arith.constant 0 : index
    %swap3A_22 = tpu.vector_load %arg9[%swap3A_20, %swap3A_21] {strides = array<i32>} : memref<16x16xf32, #tpu.memory_space<vmem>>, vector<1x16xf32>,
    %swap3A_23 = vector.shape_cast %swap3A_22 : vector<1x16xf32> to vector<16xf32>
    %swap3A_24 = vector.shape_cast %broadcast_in_dim3A_1 : vector<16xf32> to vector<1x16xf32>
    tpu.vector_store %arg9[%swap3A_20, %swap3A_21], %swap3A_24 {strides = array<i32>} : memref<16x16xf32, #tpu.memory_space<vmem>>, vector<1x16xf32>,
    %swap3A_25 = arith.constant 4 : i32
    %swap3A_26 = arith.index_cast %swap3A_25 : i32 to index
    %swap3A_27 = arith.constant 0 : index
    %swap3A_28 = tpu.vector_load %arg9[%swap3A_26, %swap3A_27] {strides = array<i32>} : memref<16x16xf32, #tpu.memory_space<vmem>>, vector<1x16xf32>,
    %swap3A_29 = vector.shape_cast %swap3A_28 : vector<1x16xf32> to vector<16xf32>
    %swap3A_30 = vector.shape_cast %broadcast_in_dim3A_1 : vector<16xf32> to vector<1x16xf32>
    tpu.vector_store %arg9[%swap3A_26, %swap3A_27], %swap3A_30 {strides = array<i32>} : memref<16x16xf32, #tpu.memory_space<vmem>>, vector<1x16xf32>,
    %swap3A_31 = arith.constant 5 : i32
    %swap3A_32 = arith.index_cast %swap3A_31 : i32 to index
    %swap3A_33 = arith.constant 0 : index
    %swap3A_34 = tpu.vector_load %arg9[%swap3A_32, %swap3A_33] {strides = array<i32>} : memref<16x16xf32, #tpu.memory_space<vmem>>, vector<1x16xf32>,
    %swap3A_35 = vector.shape_cast %swap3A_34 : vector<1x16xf32> to vector<16xf32>
    %swap3A_36 = vector.shape_cast %broadcast_in_dim3A_1 : vector<16xf32> to vector<1x16xf32>
    tpu.vector_store %arg9[%swap3A_32, %swap3A_33], %swap3A_36 {strides = array<i32>} : memref<16x16xf32, #tpu.memory_space<vmem>>, vector<1x16xf32>,
    %swap3A_37 = arith.constant 6 : i32
    %swap3A_38 = arith.index_cast %swap3A_37 : i32 to index
    %swap3A_39 = arith.constant 0 : index
    %swap3A_40 = tpu.vector_load %arg9[%swap3A_38, %swap3A_39] {strides = array<i32>} : memref<16x16xf32, #tpu.memory_space<vmem>>, vector<1x16xf32>,
    %swap3A_41 = vector.shape_cast %swap3A_40 : vector<1x16xf32> to vector<16xf32>
    %swap3A_42 = vector.shape_cast %broadcast_in_dim3A_1 : vector<16xf32> to vector<1x16xf32>
    tpu.vector_store %arg9[%swap3A_38, %swap3A_39], %swap3A_42 {strides = array<i32>} : memref<16x16xf32, #tpu.memory_space<vmem>>, vector<1x16xf32>,
    %swap3A_43 = arith.constant 7 : i32
    %swap3A_44 = arith.index_cast %swap3A_43 : i32 to index
    %swap3A_45 = arith.constant 0 : index
    %swap3A_46 = tpu.vector_load %arg9[%swap3A_44, %swap3A_45] {strides = array<i32>} : memref<16x16xf32, #tpu.memory_space<vmem>>, vector<1x16xf32>,
    %swap3A_47 = vector.shape_cast %swap3A_46 : vector<1x16xf32> to vector<16xf32>
    %swap3A_48 = vector.shape_cast %broadcast_in_dim3A_1 : vector<16xf32> to vector<1x16xf32>
    tpu.vector_store %arg9[%swap3A_44, %swap3A_45], %swap3A_48 {strides = array<i32>} : memref<16x16xf32, #tpu.memory_space<vmem>>, vector<1x16xf32>,
    %swap3A_49 = arith.constant 8 : i32
    %swap3A_50 = arith.index_cast %swap3A_49 : i32 to index
    %swap3A_51 = arith.constant 0 : index
    %swap3A_52 = tpu.vector_load %arg9[%swap3A_50, %swap3A_51] {strides = array<i32>} : memref<16x16xf32, #tpu.memory_space<vmem>>, vector<1x16xf32>,
    %swap3A_53 = vector.shape_cast %swap3A_52 : vector<1x16xf32> to vector<16xf32>
    %swap3A_54 = vector.shape_cast %broadcast_in_dim3A_1 : vector<16xf32> to vector<1x16xf32>
    tpu.vector_store %arg9[%swap3A_50, %swap3A_51], %swap3A_54 {strides = array<i32>} : memref<16x16xf32, #tpu.memory_space<vmem>>, vector<1x16xf32>,
    %swap3A_55 = arith.constant 9 : i32
    %swap3A_56 = arith.index_cast %swap3A_55 : i32 to index
    %swap3A_57 = arith.constant 0 : index
    %swap3A_58 = tpu.vector_load %arg9[%swap3A_56, %swap3A_57] {strides = array<i32>} : memref<16x16xf32, #tpu.memory_space<vmem>>, vector<1x16xf32>,
    %swap3A_59 = vector.shape_cast %swap3A_58 : vector<1x16xf32> to vector<16xf32>
    %swap3A_60 = vector.shape_cast %broadcast_in_dim3A_1 : vector<16xf32> to vector<1x16xf32>
    tpu.vector_store %arg9[%swap3A_56, %swap3A_57], %swap3A_60 {strides = array<i32>} : memref<16x16xf32, #tpu.memory_space<vmem>>, vector<1x16xf32>,
    %swap3A_61 = arith.constant 10 : i32
    %swap3A_62 = arith.index_cast %swap3A_61 : i32 to index
    %swap3A_63 = arith.constant 0 : index
    %swap3A_64 = tpu.vector_load %arg9[%swap3A_62, %swap3A_63] {strides = array<i32>} : memref<16x16xf32, #tpu.memory_space<vmem>>, vector<1x16xf32>,
    %swap3A_65 = vector.shape_cast %swap3A_64 : vector<1x16xf32> to vector<16xf32>
    %swap3A_66 = vector.shape_cast %broadcast_in_dim3A_1 : vector<16xf32> to vector<1x16xf32>
    tpu.vector_store %arg9[%swap3A_62, %swap3A_63], %swap3A_66 {strides = array<i32>} : memref<16x16xf32, #tpu.memory_space<vmem>>, vector<1x16xf32>,
    %swap3A_67 = arith.constant 11 : i32
    %swap3A_68 = arith.index_cast %swap3A_67 : i32 to index
    %swap3A_69 = arith.constant 0 : index
    %swap3A_70 = tpu.vector_load %arg9[%swap3A_68, %swap3A_69] {strides = array<i32>} : memref<16x16xf32, #tpu.memory_space<vmem>>, vector<1x16xf32>,
    %swap3A_71 = vector.shape_cast %swap3A_70 : vector<1x16xf32> to vector<16xf32>
    %swap3A_72 = vector.shape_cast %broadcast_in_dim3A_1 : vector<16xf32> to vector<1x16xf32>
    tpu.vector_store %arg9[%swap3A_68, %swap3A_69], %swap3A_72 {strides = array<i32>} : memref<16x16xf32, #tpu.memory_space<vmem>>, vector<1x16xf32>,
    %swap3A_73 = arith.constant 12 : i32
    %swap3A_74 = arith.index_cast %swap3A_73 : i32 to index
    %swap3A_75 = arith.constant 0 : index
    %swap3A_76 = tpu.vector_load %arg9[%swap3A_74, %swap3A_75] {strides = array<i32>} : memref<16x16xf32, #tpu.memory_space<vmem>>, vector<1x16xf32>,
    %swap3A_77 = vector.shape_cast %swap3A_76 : vector<1x16xf32> to vector<16xf32>
    %swap3A_78 = vector.shape_cast %broadcast_in_dim3A_1 : vector<16xf32> to vector<1x16xf32>
    tpu.vector_store %arg9[%swap3A_74, %swap3A_75], %swap3A_78 {strides = array<i32>} : memref<16x16xf32, #tpu.memory_space<vmem>>, vector<1x16xf32>,
    %swap3A_79 = arith.constant 13 : i32
    %swap3A_80 = arith.index_cast %swap3A_79 : i32 to index
    %swap3A_81 = arith.constant 0 : index
    %swap3A_82 = tpu.vector_load %arg9[%swap3A_80, %swap3A_81] {strides = array<i32>} : memref<16x16xf32, #tpu.memory_space<vmem>>, vector<1x16xf32>,
    %swap3A_83 = vector.shape_cast %swap3A_82 : vector<1x16xf32> to vector<16xf32>
    %swap3A_84 = vector.shape_cast %broadcast_in_dim3A_1 : vector<16xf32> to vector<1x16xf32>
    tpu.vector_store %arg9[%swap3A_80, %swap3A_81], %swap3A_84 {strides = array<i32>} : memref<16x16xf32, #tpu.memory_space<vmem>>, vector<1x16xf32>,
    %swap3A_85 = arith.constant 14 : i32
    %swap3A_86 = arith.index_cast %swap3A_85 : i32 to index
    %swap3A_87 = arith.constant 0 : index
    %swap3A_88 = tpu.vector_load %arg9[%swap3A_86, %swap3A_87] {strides = array<i32>} : memref<16x16xf32, #tpu.memory_space<vmem>>, vector<1x16xf32>,
    %swap3A_89 = vector.shape_cast %swap3A_88 : vector<1x16xf32> to vector<16xf32>
    %swap3A_90 = vector.shape_cast %broadcast_in_dim3A_1 : vector<16xf32> to vector<1x16xf32>
    tpu.vector_store %arg9[%swap3A_86, %swap3A_87], %swap3A_90 {strides = array<i32>} : memref<16x16xf32, #tpu.memory_space<vmem>>, vector<1x16xf32>,
    %swap3A_91 = arith.constant 15 : i32
    %swap3A_92 = arith.index_cast %swap3A_91 : i32 to index
    %swap3A_93 = arith.constant 0 : index
    %swap3A_94 = tpu.vector_load %arg9[%swap3A_92, %swap3A_93] {strides = array<i32>} : memref<16x16xf32, #tpu.memory_space<vmem>>, vector<1x16xf32>,
    %swap3A_95 = vector.shape_cast %swap3A_94 : vector<1x16xf32> to vector<16xf32>
    %swap3A_96 = vector.shape_cast %broadcast_in_dim3A_1 : vector<16xf32> to vector<1x16xf32>
    tpu.vector_store %arg9[%swap3A_92, %swap3A_93], %swap3A_96 {strides = array<i32>} : memref<16x16xf32, #tpu.memory_space<vmem>>, vector<1x16xf32>,
    %scan3A = arith.constant 0 : i32
    %scan3A_97 = arith.constant 40 : i32
    %scan3A_98 = arith.addi %scan3A, %scan3A_97 : i32
    %scan3A_99 = arith.constant 1 : i32
    scf.for %scan3A_172 = %scan3A to %scan3A_98 step %scan3A_99  : i32 {
      %mul3A_173 = arith.constant 1 : i32
      %mul3A_174 = arith.muli %scan3A_172, %mul3A_173 : i32
      %add3A_175 = arith.constant 0 : i32
      %add3A_176 = arith.addi %add3A_175, %mul3A_174 : i32
      %mul3A_177 = arith.constant 640 : i32
      %mul3A_178 = arith.muli %arg1, %mul3A_177 : i32
      %mul3A_179 = arith.constant 16 : i32
      %mul3A_180 = arith.muli %add3A_176, %mul3A_179 : i32
      %add3A_181 = arith.addi %mul3A_178, %mul3A_180 : i32
      "tpu.region"() ({
        %run_scoped3A = tpu.sem_alloc : memref<!tpu.dma_semaphore, #tpu.memory_space<semaphore_mem>>
        %dma_start3A_182 = arith.constant 0 : i32
        %dma_start3A_183 = tpu.memref_slice %arg10[%add3A_181, %dma_start3A_182] : memref<10240x16xf32, #tpu.memory_space<vmem_shared>> -> memref<16x16xf32, #tpu.memory_space<vmem_shared>>
        %dma_start3A_184 = arith.constant 0 : i32
        %dma_start3A_185 = tpu.memref_slice %arg10[%add3A_181, %dma_start3A_184] : memref<10240x16xf32, #tpu.memory_space<vmem_shared>> -> memref<16x16xf32, #tpu.memory_space<vmem_shared>>
        tpu.enqueue_dma source(%arg9 : memref<16x16xf32, #tpu.memory_space<vmem>>) target(%dma_start3A_185 : memref<16x16xf32, #tpu.memory_space<vmem_shared>>) target_semaphore(%run_scoped3A : memref<!tpu.dma_semaphore, #tpu.memory_space<semaphore_mem>>)
        %dma_wait3A = arith.constant 0 : i32
        %dma_wait3A_186 = tpu.memref_slice %arg10[%add3A_181, %dma_wait3A] : memref<10240x16xf32, #tpu.memory_space<vmem_shared>> -> memref<16x16xf32, #tpu.memory_space<vmem_shared>>
        %dma_wait3A_187 = arith.constant 0 : i32
        %dma_wait3A_188 = tpu.memref_slice %arg10[%add3A_181, %dma_wait3A_187] : memref<10240x16xf32, #tpu.memory_space<vmem_shared>> -> memref<16x16xf32, #tpu.memory_space<vmem_shared>>
        tpu.wait_dma2 semaphore(%run_scoped3A : memref<!tpu.dma_semaphore, #tpu.memory_space<semaphore_mem>>) src(%arg9 : memref<16x16xf32, #tpu.memory_space<vmem>>) dst(%dma_wait3A_188 : memref<16x16xf32, #tpu.memory_space<vmem_shared>>)
        tpu.yield
      }) : () -> ()
    }
    %scan3A_100 = arith.constant 40 : i32
    "tpu.region"() ({
      %run_scoped3A = tpu.sem_alloc : memref<!tpu.dma_semaphore, #tpu.memory_space<semaphore_mem>>
      %dma_start3A_172 = arith.constant 0 : i32
      %dma_start3A_173 = arith.constant 0 : i32
      %dma_start3A_174 = tpu.memref_slice %arg2[%add3A, %dma_start3A_172, %dma_start3A_173] : memref<32x80x128xi32, #tpu.memory_space<hbm>> -> memref<1x80x128xi32, #tpu.memory_space<hbm>>
      %dma_start3A_175 = tpu.memref_squeeze %dma_start3A_174 : memref<1x80x128xi32, #tpu.memory_space<hbm>> -> memref<80x128xi32, #tpu.memory_space<hbm>>
      %dma_start3A_176 = arith.constant 0 : i32
      %dma_start3A_177 = arith.constant 0 : i32
      %dma_start3A_178 = tpu.memref_slice %arg2[%add3A, %dma_start3A_176, %dma_start3A_177] : memref<32x80x128xi32, #tpu.memory_space<hbm>> -> memref<1x80x128xi32, #tpu.memory_space<hbm>>
      %dma_start3A_179 = tpu.memref_squeeze %dma_start3A_178 : memref<1x80x128xi32, #tpu.memory_space<hbm>> -> memref<80x128xi32, #tpu.memory_space<hbm>>
      tpu.enqueue_dma source(%dma_start3A_179 : memref<80x128xi32, #tpu.memory_space<hbm>>) target(%arg6 : memref<80x128xi32, #tpu.memory_space<vmem>>) target_semaphore(%run_scoped3A : memref<!tpu.dma_semaphore, #tpu.memory_space<semaphore_mem>>)
      %dma_wait3A = arith.constant 0 : i32
      %dma_wait3A_180 = arith.constant 0 : i32
      %dma_wait3A_181 = tpu.memref_slice %arg2[%add3A, %dma_wait3A, %dma_wait3A_180] : memref<32x80x128xi32, #tpu.memory_space<hbm>> -> memref<1x80x128xi32, #tpu.memory_space<hbm>>
      %dma_wait3A_182 = tpu.memref_squeeze %dma_wait3A_181 : memref<1x80x128xi32, #tpu.memory_space<hbm>> -> memref<80x128xi32, #tpu.memory_space<hbm>>
      %dma_wait3A_183 = arith.constant 0 : i32
      %dma_wait3A_184 = arith.constant 0 : i32
      %dma_wait3A_185 = tpu.memref_slice %arg2[%add3A, %dma_wait3A_183, %dma_wait3A_184] : memref<32x80x128xi32, #tpu.memory_space<hbm>> -> memref<1x80x128xi32, #tpu.memory_space<hbm>>
      %dma_wait3A_186 = tpu.memref_squeeze %dma_wait3A_185 : memref<1x80x128xi32, #tpu.memory_space<hbm>> -> memref<80x128xi32, #tpu.memory_space<hbm>>
      tpu.wait_dma2 semaphore(%run_scoped3A : memref<!tpu.dma_semaphore, #tpu.memory_space<semaphore_mem>>) src(%dma_wait3A_186 : memref<80x128xi32, #tpu.memory_space<hbm>>) dst(%arg6 : memref<80x128xi32, #tpu.memory_space<vmem>>)
      tpu.yield
    }) : () -> ()
    "tpu.region"() ({
      %run_scoped3A = tpu.sem_alloc : memref<!tpu.dma_semaphore, #tpu.memory_space<semaphore_mem>>
      %dma_start3A_172 = arith.constant 0 : i32
      %dma_start3A_173 = arith.constant 0 : i32
      %dma_start3A_174 = tpu.memref_slice %arg3[%add3A, %dma_start3A_172, %dma_start3A_173] : memref<32x80x128xi32, #tpu.memory_space<hbm>> -> memref<1x80x128xi32, #tpu.memory_space<hbm>>
      %dma_start3A_175 = tpu.memref_squeeze %dma_start3A_174 : memref<1x80x128xi32, #tpu.memory_space<hbm>> -> memref<80x128xi32, #tpu.memory_space<hbm>>
      %dma_start3A_176 = arith.constant 0 : i32
      %dma_start3A_177 = arith.constant 0 : i32
      %dma_start3A_178 = tpu.memref_slice %arg3[%add3A, %dma_start3A_176, %dma_start3A_177] : memref<32x80x128xi32, #tpu.memory_space<hbm>> -> memref<1x80x128xi32, #tpu.memory_space<hbm>>
      %dma_start3A_179 = tpu.memref_squeeze %dma_start3A_178 : memref<1x80x128xi32, #tpu.memory_space<hbm>> -> memref<80x128xi32, #tpu.memory_space<hbm>>
      tpu.enqueue_dma source(%dma_start3A_179 : memref<80x128xi32, #tpu.memory_space<hbm>>) target(%arg7 : memref<80x128xi32, #tpu.memory_space<vmem>>) target_semaphore(%run_scoped3A : memref<!tpu.dma_semaphore, #tpu.memory_space<semaphore_mem>>)
      %dma_wait3A = arith.constant 0 : i32
      %dma_wait3A_180 = arith.constant 0 : i32
      %dma_wait3A_181 = tpu.memref_slice %arg3[%add3A, %dma_wait3A, %dma_wait3A_180] : memref<32x80x128xi32, #tpu.memory_space<hbm>> -> memref<1x80x128xi32, #tpu.memory_space<hbm>>
      %dma_wait3A_182 = tpu.memref_squeeze %dma_wait3A_181 : memref<1x80x128xi32, #tpu.memory_space<hbm>> -> memref<80x128xi32, #tpu.memory_space<hbm>>
      %dma_wait3A_183 = arith.constant 0 : i32
      %dma_wait3A_184 = arith.constant 0 : i32
      %dma_wait3A_185 = tpu.memref_slice %arg3[%add3A, %dma_wait3A_183, %dma_wait3A_184] : memref<32x80x128xi32, #tpu.memory_space<hbm>> -> memref<1x80x128xi32, #tpu.memory_space<hbm>>
      %dma_wait3A_186 = tpu.memref_squeeze %dma_wait3A_185 : memref<1x80x128xi32, #tpu.memory_space<hbm>> -> memref<80x128xi32, #tpu.memory_space<hbm>>
      tpu.wait_dma2 semaphore(%run_scoped3A : memref<!tpu.dma_semaphore, #tpu.memory_space<semaphore_mem>>) src(%dma_wait3A_186 : memref<80x128xi32, #tpu.memory_space<hbm>>) dst(%arg7 : memref<80x128xi32, #tpu.memory_space<vmem>>)
      tpu.yield
    }) : () -> ()
    %barrier3A = arith.constant 0 : index
    tpu.barrier barrier_id(%barrier3A)
    %dma_start3A = arith.constant 0 : i32
    %dma_start3A_101 = arith.constant 0 : i32
    %dma_start3A_102 = arith.constant 0 : i32
    %dma_start3A_103 = arith.constant 0 : i32
    %dma_start3A_104 = tpu.memref_slice %arg8[%dma_start3A_101, %dma_start3A_102, %dma_start3A_103] : memref<6x128x16xf32, #tpu.memory_space<vmem>> -> memref<1x128x16xf32, #tpu.memory_space<vmem>>
    %dma_start3A_105 = tpu.memref_squeeze %dma_start3A_104 : memref<1x128x16xf32, #tpu.memory_space<vmem>> -> memref<128x16xf32, #tpu.memory_space<vmem>>
    %dma_start3A_106 = arith.constant 0 : i32
    %dma_start3A_107 = tpu.memref_slice %arg6[%dma_start3A, %dma_start3A_106] : memref<80x128xi32, #tpu.memory_space<vmem>> -> memref<1x128xi32, #tpu.memory_space<vmem>>
    %dma_start3A_108 = tpu.memref_squeeze %dma_start3A_107 : memref<1x128xi32, #tpu.memory_space<vmem>> -> memref<128xi32, #tpu.memory_space<vmem>>
    %dma_start3A_109 = arith.constant 0 : i32
    %dma_start3A_110 = arith.constant 0 : i32
    %dma_start3A_111 = tpu.memref_slice %arg4[%dma_start3A_109, %dma_start3A_110] : memref<10240x16xf32, #tpu.memory_space<hbm>> -> memref<10240x16xf32, #tpu.memory_space<hbm>>
    tpu.enqueue_indirect_dma source(%dma_start3A_111 : memref<10240x16xf32, #tpu.memory_space<hbm>>) target(%dma_start3A_105 : memref<128x16xf32, #tpu.memory_space<vmem>>) offsets(%dma_start3A_108 : memref<128xi32, #tpu.memory_space<vmem>>) semaphore(%arg11 : memref<!tpu.dma_semaphore, #tpu.memory_space<semaphore_mem>>)
    %dma_start3A_112 = arith.constant 1 : i32
    %dma_start3A_113 = arith.constant 1 : i32
    %dma_start3A_114 = arith.constant 0 : i32
    %dma_start3A_115 = arith.constant 0 : i32
    %dma_start3A_116 = tpu.memref_slice %arg8[%dma_start3A_113, %dma_start3A_114, %dma_start3A_115] : memref<6x128x16xf32, #tpu.memory_space<vmem>> -> memref<1x128x16xf32, #tpu.memory_space<vmem>>
    %dma_start3A_117 = tpu.memref_squeeze %dma_start3A_116 : memref<1x128x16xf32, #tpu.memory_space<vmem>> -> memref<128x16xf32, #tpu.memory_space<vmem>>
    %dma_start3A_118 = arith.constant 0 : i32
    %dma_start3A_119 = tpu.memref_slice %arg6[%dma_start3A_112, %dma_start3A_118] : memref<80x128xi32, #tpu.memory_space<vmem>> -> memref<1x128xi32, #tpu.memory_space<vmem>>
    %dma_start3A_120 = tpu.memref_squeeze %dma_start3A_119 : memref<1x128xi32, #tpu.memory_space<vmem>> -> memref<128xi32, #tpu.memory_space<vmem>>
    %dma_start3A_121 = arith.constant 0 : i32
    %dma_start3A_122 = arith.constant 0 : i32
    %dma_start3A_123 = tpu.memref_slice %arg4[%dma_start3A_121, %dma_start3A_122] : memref<10240x16xf32, #tpu.memory_space<hbm>> -> memref<10240x16xf32, #tpu.memory_space<hbm>>
    tpu.enqueue_indirect_dma source(%dma_start3A_123 : memref<10240x16xf32, #tpu.memory_space<hbm>>) target(%dma_start3A_117 : memref<128x16xf32, #tpu.memory_space<vmem>>) offsets(%dma_start3A_120 : memref<128xi32, #tpu.memory_space<vmem>>) semaphore(%arg11 : memref<!tpu.dma_semaphore, #tpu.memory_space<semaphore_mem>>)
    %dma_start3A_124 = arith.constant 2 : i32
    %dma_start3A_125 = arith.constant 2 : i32
    %dma_start3A_126 = arith.constant 0 : i32
    %dma_start3A_127 = arith.constant 0 : i32
    %dma_start3A_128 = tpu.memref_slice %arg8[%dma_start3A_125, %dma_start3A_126, %dma_start3A_127] : memref<6x128x16xf32, #tpu.memory_space<vmem>> -> memref<1x128x16xf32, #tpu.memory_space<vmem>>
    %dma_start3A_129 = tpu.memref_squeeze %dma_start3A_128 : memref<1x128x16xf32, #tpu.memory_space<vmem>> -> memref<128x16xf32, #tpu.memory_space<vmem>>
    %dma_start3A_130 = arith.constant 0 : i32
    %dma_start3A_131 = tpu.memref_slice %arg6[%dma_start3A_124, %dma_start3A_130] : memref<80x128xi32, #tpu.memory_space<vmem>> -> memref<1x128xi32, #tpu.memory_space<vmem>>
    %dma_start3A_132 = tpu.memref_squeeze %dma_start3A_131 : memref<1x128xi32, #tpu.memory_space<vmem>> -> memref<128xi32, #tpu.memory_space<vmem>>
    %dma_start3A_133 = arith.constant 0 : i32
    %dma_start3A_134 = arith.constant 0 : i32
    %dma_start3A_135 = tpu.memref_slice %arg4[%dma_start3A_133, %dma_start3A_134] : memref<10240x16xf32, #tpu.memory_space<hbm>> -> memref<10240x16xf32, #tpu.memory_space<hbm>>
    tpu.enqueue_indirect_dma source(%dma_start3A_135 : memref<10240x16xf32, #tpu.memory_space<hbm>>) target(%dma_start3A_129 : memref<128x16xf32, #tpu.memory_space<vmem>>) offsets(%dma_start3A_132 : memref<128xi32, #tpu.memory_space<vmem>>) semaphore(%arg11 : memref<!tpu.dma_semaphore, #tpu.memory_space<semaphore_mem>>)
    %dma_start3A_136 = arith.constant 3 : i32
    %dma_start3A_137 = arith.constant 3 : i32
    %dma_start3A_138 = arith.constant 0 : i32
    %dma_start3A_139 = arith.constant 0 : i32
    %dma_start3A_140 = tpu.memref_slice %arg8[%dma_start3A_137, %dma_start3A_138, %dma_start3A_139] : memref<6x128x16xf32, #tpu.memory_space<vmem>> -> memref<1x128x16xf32, #tpu.memory_space<vmem>>
    %dma_start3A_141 = tpu.memref_squeeze %dma_start3A_140 : memref<1x128x16xf32, #tpu.memory_space<vmem>> -> memref<128x16xf32, #tpu.memory_space<vmem>>
    %dma_start3A_142 = arith.constant 0 : i32
    %dma_start3A_143 = tpu.memref_slice %arg6[%dma_start3A_136, %dma_start3A_142] : memref<80x128xi32, #tpu.memory_space<vmem>> -> memref<1x128xi32, #tpu.memory_space<vmem>>
    %dma_start3A_144 = tpu.memref_squeeze %dma_start3A_143 : memref<1x128xi32, #tpu.memory_space<vmem>> -> memref<128xi32, #tpu.memory_space<vmem>>
    %dma_start3A_145 = arith.constant 0 : i32
    %dma_start3A_146 = arith.constant 0 : i32
    %dma_start3A_147 = tpu.memref_slice %arg4[%dma_start3A_145, %dma_start3A_146] : memref<10240x16xf32, #tpu.memory_space<hbm>> -> memref<10240x16xf32, #tpu.memory_space<hbm>>
    tpu.enqueue_indirect_dma source(%dma_start3A_147 : memref<10240x16xf32, #tpu.memory_space<hbm>>) target(%dma_start3A_141 : memref<128x16xf32, #tpu.memory_space<vmem>>) offsets(%dma_start3A_144 : memref<128xi32, #tpu.memory_space<vmem>>) semaphore(%arg11 : memref<!tpu.dma_semaphore, #tpu.memory_space<semaphore_mem>>)
    %dma_start3A_148 = arith.constant 4 : i32
    %dma_start3A_149 = arith.constant 4 : i32
    %dma_start3A_150 = arith.constant 0 : i32
    %dma_start3A_151 = arith.constant 0 : i32
    %dma_start3A_152 = tpu.memref_slice %arg8[%dma_start3A_149, %dma_start3A_150, %dma_start3A_151] : memref<6x128x16xf32, #tpu.memory_space<vmem>> -> memref<1x128x16xf32, #tpu.memory_space<vmem>>
    %dma_start3A_153 = tpu.memref_squeeze %dma_start3A_152 : memref<1x128x16xf32, #tpu.memory_space<vmem>> -> memref<128x16xf32, #tpu.memory_space<vmem>>
    %dma_start3A_154 = arith.constant 0 : i32
    %dma_start3A_155 = tpu.memref_slice %arg6[%dma_start3A_148, %dma_start3A_154] : memref<80x128xi32, #tpu.memory_space<vmem>> -> memref<1x128xi32, #tpu.memory_space<vmem>>
    %dma_start3A_156 = tpu.memref_squeeze %dma_start3A_155 : memref<1x128xi32, #tpu.memory_space<vmem>> -> memref<128xi32, #tpu.memory_space<vmem>>
    %dma_start3A_157 = arith.constant 0 : i32
    %dma_start3A_158 = arith.constant 0 : i32
    %dma_start3A_159 = tpu.memref_slice %arg4[%dma_start3A_157, %dma_start3A_158] : memref<10240x16xf32, #tpu.memory_space<hbm>> -> memref<10240x16xf32, #tpu.memory_space<hbm>>
    tpu.enqueue_indirect_dma source(%dma_start3A_159 : memref<10240x16xf32, #tpu.memory_space<hbm>>) target(%dma_start3A_153 : memref<128x16xf32, #tpu.memory_space<vmem>>) offsets(%dma_start3A_156 : memref<128xi32, #tpu.memory_space<vmem>>) semaphore(%arg11 : memref<!tpu.dma_semaphore, #tpu.memory_space<semaphore_mem>>)
    %scan3A_160 = arith.constant 0 : i32
    %scan3A_161 = arith.constant 80 : i32
    %scan3A_162 = arith.addi %scan3A_160, %scan3A_161 : i32
    %scan3A_163 = arith.constant 1 : i32
    scf.for %scan3A_172 = %scan3A_160 to %scan3A_162 step %scan3A_163  : i32 {
      %mul3A_173 = arith.constant 1 : i32
      %mul3A_174 = arith.muli %scan3A_172, %mul3A_173 : i32
      %add3A_175 = arith.constant 0 : i32
      %add3A_176 = arith.addi %add3A_175, %mul3A_174 : i32
      %rem3A = arith.constant 6 : i32
      %rem3A_177 = arith.remsi %add3A_176, %rem3A : i32
      %dma_wait3A = arith.constant 0 : i32
      %dma_wait3A_178 = arith.constant 0 : i32
      %dma_wait3A_179 = tpu.memref_slice %arg8[%rem3A_177, %dma_wait3A, %dma_wait3A_178] : memref<6x128x16xf32, #tpu.memory_space<vmem>> -> memref<1x128x16xf32, #tpu.memory_space<vmem>>
      %dma_wait3A_180 = tpu.memref_squeeze %dma_wait3A_179 : memref<1x128x16xf32, #tpu.memory_space<vmem>> -> memref<128x16xf32, #tpu.memory_space<vmem>>
      %dma_wait3A_181 = arith.constant 0 : i32
      %dma_wait3A_182 = tpu.memref_slice %arg6[%add3A_176, %dma_wait3A_181] : memref<80x128xi32, #tpu.memory_space<vmem>> -> memref<1x128xi32, #tpu.memory_space<vmem>>
      %dma_wait3A_183 = tpu.memref_squeeze %dma_wait3A_182 : memref<1x128xi32, #tpu.memory_space<vmem>> -> memref<128xi32, #tpu.memory_space<vmem>>
      %dma_wait3A_184 = arith.constant 0 : i32
      %dma_wait3A_185 = arith.constant 0 : i32
      %dma_wait3A_186 = tpu.memref_slice %arg4[%dma_wait3A_184, %dma_wait3A_185] : memref<10240x16xf32, #tpu.memory_space<hbm>> -> memref<10240x16xf32, #tpu.memory_space<hbm>>
      tpu.wait_indirect_dma semaphore(%arg11 : memref<!tpu.dma_semaphore, #tpu.memory_space<semaphore_mem>>) src(%dma_wait3A_186 : memref<10240x16xf32, #tpu.memory_space<hbm>>) dst(%dma_wait3A_180 : memref<128x16xf32, #tpu.memory_space<vmem>>)
      "tpu.region"() ({
        %run_scoped3A = tpu.sem_alloc : memref<!tpu.dma_semaphore, #tpu.memory_space<semaphore_mem>>
        %dma_start3A_191 = arith.constant 0 : i32
        %dma_start3A_192 = arith.constant 0 : i32
        %dma_start3A_193 = tpu.memref_slice %arg8[%rem3A_177, %dma_start3A_191, %dma_start3A_192] : memref<6x128x16xf32, #tpu.memory_space<vmem>> -> memref<1x128x16xf32, #tpu.memory_space<vmem>>
        %dma_start3A_194 = tpu.memref_squeeze %dma_start3A_193 : memref<1x128x16xf32, #tpu.memory_space<vmem>> -> memref<128x16xf32, #tpu.memory_space<vmem>>
        %dma_start3A_195 = arith.constant 0 : i32
        %dma_start3A_196 = tpu.memref_slice %arg7[%add3A_176, %dma_start3A_195] : memref<80x128xi32, #tpu.memory_space<vmem>> -> memref<1x128xi32, #tpu.memory_space<vmem>>
        %dma_start3A_197 = tpu.memref_squeeze %dma_start3A_196 : memref<1x128xi32, #tpu.memory_space<vmem>> -> memref<128xi32, #tpu.memory_space<vmem>>
        %dma_start3A_198 = arith.constant 0 : i32
        %dma_start3A_199 = arith.constant 0 : i32
        %dma_start3A_200 = tpu.memref_slice %arg10[%dma_start3A_198, %dma_start3A_199] : memref<10240x16xf32, #tpu.memory_space<vmem_shared>> -> memref<10240x16xf32, #tpu.memory_space<vmem_shared>>
        tpu.enqueue_indirect_dma source(%dma_start3A_194 : memref<128x16xf32, #tpu.memory_space<vmem>>) target(%dma_start3A_200 : memref<10240x16xf32, #tpu.memory_space<vmem_shared>>) offsets(%dma_start3A_197 : memref<128xi32, #tpu.memory_space<vmem>>) semaphore(%run_scoped3A : memref<!tpu.dma_semaphore, #tpu.memory_space<semaphore_mem>>) {add = true}
        %dma_wait3A_201 = arith.constant 0 : i32
        %dma_wait3A_202 = arith.constant 0 : i32
        %dma_wait3A_203 = tpu.memref_slice %arg8[%rem3A_177, %dma_wait3A_201, %dma_wait3A_202] : memref<6x128x16xf32, #tpu.memory_space<vmem>> -> memref<1x128x16xf32, #tpu.memory_space<vmem>>
        %dma_wait3A_204 = tpu.memref_squeeze %dma_wait3A_203 : memref<1x128x16xf32, #tpu.memory_space<vmem>> -> memref<128x16xf32, #tpu.memory_space<vmem>>
        %dma_wait3A_205 = arith.constant 0 : i32
        %dma_wait3A_206 = tpu.memref_slice %arg7[%add3A_176, %dma_wait3A_205] : memref<80x128xi32, #tpu.memory_space<vmem>> -> memref<1x128xi32, #tpu.memory_space<vmem>>
        %dma_wait3A_207 = tpu.memref_squeeze %dma_wait3A_206 : memref<1x128xi32, #tpu.memory_space<vmem>> -> memref<128xi32, #tpu.memory_space<vmem>>
        %dma_wait3A_208 = arith.constant 0 : i32
        %dma_wait3A_209 = arith.constant 0 : i32
        %dma_wait3A_210 = tpu.memref_slice %arg10[%dma_wait3A_208, %dma_wait3A_209] : memref<10240x16xf32, #tpu.memory_space<vmem_shared>> -> memref<10240x16xf32, #tpu.memory_space<vmem_shared>>
        tpu.wait_indirect_dma semaphore(%run_scoped3A : memref<!tpu.dma_semaphore, #tpu.memory_space<semaphore_mem>>) src(%dma_wait3A_204 : memref<128x16xf32, #tpu.memory_space<vmem>>) dst(%dma_wait3A_210 : memref<10240x16xf32, #tpu.memory_space<vmem_shared>>)
        tpu.yield
      }) : () -> ()
      %add3A_187 = arith.constant 5 : i32
      %add3A_188 = arith.addi %add3A_176, %add3A_187 : i32
      %lt3A = arith.constant 80 : i32
      %lt3A_189 = arith.cmpi slt, %add3A_188, %lt3A : i32
      %convert_element_type3A = arith.extui %lt3A_189 : i1 to i32
      %cond3A = arith.constant 0 : i32
      %cond3A_190 = arith.cmpi ne, %convert_element_type3A, %cond3A : i32
      scf.if %cond3A_190 {
        %add3A_191 = arith.constant 6 : i32
        %add3A_192 = arith.addi %add3A_176, %add3A_191 : i32
        %sub3A = arith.constant 1 : i32
        %sub3A_193 = arith.subi %add3A_192, %sub3A : i32
        %rem3A_194 = arith.constant 6 : i32
        %rem3A_195 = arith.remsi %sub3A_193, %rem3A_194 : i32
        %dma_start3A_196 = arith.constant 0 : i32
        %dma_start3A_197 = arith.constant 0 : i32
        %dma_start3A_198 = tpu.memref_slice %arg8[%rem3A_195, %dma_start3A_196, %dma_start3A_197] : memref<6x128x16xf32, #tpu.memory_space<vmem>> -> memref<1x128x16xf32, #tpu.memory_space<vmem>>
        %dma_start3A_199 = tpu.memref_squeeze %dma_start3A_198 : memref<1x128x16xf32, #tpu.memory_space<vmem>> -> memref<128x16xf32, #tpu.memory_space<vmem>>
        %dma_start3A_200 = arith.constant 0 : i32
        %dma_start3A_201 = tpu.memref_slice %arg6[%sub3A_193, %dma_start3A_200] : memref<80x128xi32, #tpu.memory_space<vmem>> -> memref<1x128xi32, #tpu.memory_space<vmem>>
        %dma_start3A_202 = tpu.memref_squeeze %dma_start3A_201 : memref<1x128xi32, #tpu.memory_space<vmem>> -> memref<128xi32, #tpu.memory_space<vmem>>
        %dma_start3A_203 = arith.constant 0 : i32
        %dma_start3A_204 = arith.constant 0 : i32
        %dma_start3A_205 = tpu.memref_slice %arg4[%dma_start3A_203, %dma_start3A_204] : memref<10240x16xf32, #tpu.memory_space<hbm>> -> memref<10240x16xf32, #tpu.memory_space<hbm>>
        tpu.enqueue_indirect_dma source(%dma_start3A_205 : memref<10240x16xf32, #tpu.memory_space<hbm>>) target(%dma_start3A_199 : memref<128x16xf32, #tpu.memory_space<vmem>>) offsets(%dma_start3A_202 : memref<128xi32, #tpu.memory_space<vmem>>) semaphore(%arg11 : memref<!tpu.dma_semaphore, #tpu.memory_space<semaphore_mem>>)
      } else {
      }
    }
    %scan3A_164 = arith.constant 80 : i32
    %barrier3A_165 = arith.constant 0 : index
    tpu.barrier barrier_id(%barrier3A_165)
    %scan3A_166 = arith.constant 0 : i32
    %scan3A_167 = arith.constant 0 : i32
    %scan3A_168 = arith.constant 5 : i32
    %scan3A_169 = arith.addi %scan3A_167, %scan3A_168 : i32
    %scan3A_170 = arith.constant 1 : i32
    scf.for %scan3A_172 = %scan3A_167 to %scan3A_169 step %scan3A_170  : i32 {
      %mul3A_173 = arith.constant 1 : i32
      %mul3A_174 = arith.muli %scan3A_172, %mul3A_173 : i32
      %add3A_175 = arith.constant 0 : i32
      %add3A_176 = arith.addi %add3A_175, %mul3A_174 : i32
      %mul3A_177 = arith.constant 640 : i32
      %mul3A_178 = arith.muli %arg1, %mul3A_177 : i32
      %mul3A_179 = arith.constant 128 : i32
      %mul3A_180 = arith.muli %add3A_176, %mul3A_179 : i32
      %add3A_181 = arith.addi %mul3A_178, %mul3A_180 : i32
      "tpu.region"() ({
        %run_scoped3A = tpu.sem_alloc : memref<!tpu.dma_semaphore, #tpu.memory_space<semaphore_mem>>
        %dma_start3A_187 = arith.constant 0 : i32
        %dma_start3A_188 = arith.constant 0 : i32
        %dma_start3A_189 = tpu.memref_slice %arg8[%scan3A_166, %dma_start3A_187, %dma_start3A_188] : memref<6x128x16xf32, #tpu.memory_space<vmem>> -> memref<1x128x16xf32, #tpu.memory_space<vmem>>
        %dma_start3A_190 = tpu.memref_squeeze %dma_start3A_189 : memref<1x128x16xf32, #tpu.memory_space<vmem>> -> memref<128x16xf32, #tpu.memory_space<vmem>>
        %dma_start3A_191 = arith.constant 0 : i32
        %dma_start3A_192 = tpu.memref_slice %arg10[%add3A_181, %dma_start3A_191] : memref<10240x16xf32, #tpu.memory_space<vmem_shared>> -> memref<128x16xf32, #tpu.memory_space<vmem_shared>>
        %dma_start3A_193 = arith.constant 0 : i32
        %dma_start3A_194 = arith.constant 0 : i32
        %dma_start3A_195 = tpu.memref_slice %arg8[%scan3A_166, %dma_start3A_193, %dma_start3A_194] : memref<6x128x16xf32, #tpu.memory_space<vmem>> -> memref<1x128x16xf32, #tpu.memory_space<vmem>>
        %dma_start3A_196 = tpu.memref_squeeze %dma_start3A_195 : memref<1x128x16xf32, #tpu.memory_space<vmem>> -> memref<128x16xf32, #tpu.memory_space<vmem>>
        %dma_start3A_197 = arith.constant 0 : i32
        %dma_start3A_198 = tpu.memref_slice %arg10[%add3A_181, %dma_start3A_197] : memref<10240x16xf32, #tpu.memory_space<vmem_shared>> -> memref<128x16xf32, #tpu.memory_space<vmem_shared>>
        tpu.enqueue_dma source(%dma_start3A_198 : memref<128x16xf32, #tpu.memory_space<vmem_shared>>) target(%dma_start3A_196 : memref<128x16xf32, #tpu.memory_space<vmem>>) target_semaphore(%run_scoped3A : memref<!tpu.dma_semaphore, #tpu.memory_space<semaphore_mem>>)
        %dma_wait3A = arith.constant 0 : i32
        %dma_wait3A_199 = arith.constant 0 : i32
        %dma_wait3A_200 = tpu.memref_slice %arg8[%scan3A_166, %dma_wait3A, %dma_wait3A_199] : memref<6x128x16xf32, #tpu.memory_space<vmem>> -> memref<1x128x16xf32, #tpu.memory_space<vmem>>
        %dma_wait3A_201 = tpu.memref_squeeze %dma_wait3A_200 : memref<1x128x16xf32, #tpu.memory_space<vmem>> -> memref<128x16xf32, #tpu.memory_space<vmem>>
        %dma_wait3A_202 = arith.constant 0 : i32
        %dma_wait3A_203 = tpu.memref_slice %arg10[%add3A_181, %dma_wait3A_202] : memref<10240x16xf32, #tpu.memory_space<vmem_shared>> -> memref<128x16xf32, #tpu.memory_space<vmem_shared>>
        %dma_wait3A_204 = arith.constant 0 : i32
        %dma_wait3A_205 = arith.constant 0 : i32
        %dma_wait3A_206 = tpu.memref_slice %arg8[%scan3A_166, %dma_wait3A_204, %dma_wait3A_205] : memref<6x128x16xf32, #tpu.memory_space<vmem>> -> memref<1x128x16xf32, #tpu.memory_space<vmem>>
        %dma_wait3A_207 = tpu.memref_squeeze %dma_wait3A_206 : memref<1x128x16xf32, #tpu.memory_space<vmem>> -> memref<128x16xf32, #tpu.memory_space<vmem>>
        %dma_wait3A_208 = arith.constant 0 : i32
        %dma_wait3A_209 = tpu.memref_slice %arg10[%add3A_181, %dma_wait3A_208] : memref<10240x16xf32, #tpu.memory_space<vmem_shared>> -> memref<128x16xf32, #tpu.memory_space<vmem_shared>>
        tpu.wait_dma2 semaphore(%run_scoped3A : memref<!tpu.dma_semaphore, #tpu.memory_space<semaphore_mem>>) src(%dma_wait3A_209 : memref<128x16xf32, #tpu.memory_space<vmem_shared>>) dst(%dma_wait3A_207 : memref<128x16xf32, #tpu.memory_space<vmem>>)
        tpu.yield
      }) : () -> ()
      %mul3A_182 = arith.constant 640 : i32
      %mul3A_183 = arith.muli %arg1, %mul3A_182 : i32
      %mul3A_184 = arith.constant 128 : i32
      %mul3A_185 = arith.muli %add3A_176, %mul3A_184 : i32
      %add3A_186 = arith.addi %mul3A_183, %mul3A_185 : i32
      "tpu.region"() ({
        %run_scoped3A = tpu.sem_alloc : memref<!tpu.dma_semaphore, #tpu.memory_space<semaphore_mem>>
        %dma_start3A_187 = arith.constant 0 : i32
        %dma_start3A_188 = arith.constant 0 : i32
        %dma_start3A_189 = tpu.memref_slice %arg8[%scan3A_166, %dma_start3A_187, %dma_start3A_188] : memref<6x128x16xf32, #tpu.memory_space<vmem>> -> memref<1x128x16xf32, #tpu.memory_space<vmem>>
        %dma_start3A_190 = tpu.memref_squeeze %dma_start3A_189 : memref<1x128x16xf32, #tpu.memory_space<vmem>> -> memref<128x16xf32, #tpu.memory_space<vmem>>
        %dma_start3A_191 = arith.constant 0 : i32
        %dma_start3A_192 = tpu.memref_slice %arg5[%arg0, %add3A_186, %dma_start3A_191] : memref<2x10240x16xf32, #tpu.memory_space<hbm>> -> memref<1x128x16xf32, #tpu.memory_space<hbm>>
        %dma_start3A_193 = tpu.memref_squeeze %dma_start3A_192 : memref<1x128x16xf32, #tpu.memory_space<hbm>> -> memref<128x16xf32, #tpu.memory_space<hbm>>
        %dma_start3A_194 = arith.constant 0 : i32
        %dma_start3A_195 = tpu.memref_slice %arg5[%arg0, %add3A_186, %dma_start3A_194] : memref<2x10240x16xf32, #tpu.memory_space<hbm>> -> memref<1x128x16xf32, #tpu.memory_space<hbm>>
        %dma_start3A_196 = tpu.memref_squeeze %dma_start3A_195 : memref<1x128x16xf32, #tpu.memory_space<hbm>> -> memref<128x16xf32, #tpu.memory_space<hbm>>
        %dma_start3A_197 = arith.constant 0 : i32
        %dma_start3A_198 = arith.constant 0 : i32
        %dma_start3A_199 = tpu.memref_slice %arg8[%scan3A_166, %dma_start3A_197, %dma_start3A_198] : memref<6x128x16xf32, #tpu.memory_space<vmem>> -> memref<1x128x16xf32, #tpu.memory_space<vmem>>
        %dma_start3A_200 = tpu.memref_squeeze %dma_start3A_199 : memref<1x128x16xf32, #tpu.memory_space<vmem>> -> memref<128x16xf32, #tpu.memory_space<vmem>>
        tpu.enqueue_dma source(%dma_start3A_200 : memref<128x16xf32, #tpu.memory_space<vmem>>) target(%dma_start3A_196 : memref<128x16xf32, #tpu.memory_space<hbm>>) target_semaphore(%run_scoped3A : memref<!tpu.dma_semaphore, #tpu.memory_space<semaphore_mem>>)
        %dma_wait3A = arith.constant 0 : i32
        %dma_wait3A_201 = arith.constant 0 : i32
        %dma_wait3A_202 = tpu.memref_slice %arg8[%scan3A_166, %dma_wait3A, %dma_wait3A_201] : memref<6x128x16xf32, #tpu.memory_space<vmem>> -> memref<1x128x16xf32, #tpu.memory_space<vmem>>
        %dma_wait3A_203 = tpu.memref_squeeze %dma_wait3A_202 : memref<1x128x16xf32, #tpu.memory_space<vmem>> -> memref<128x16xf32, #tpu.memory_space<vmem>>
        %dma_wait3A_204 = arith.constant 0 : i32
        %dma_wait3A_205 = tpu.memref_slice %arg5[%arg0, %add3A_186, %dma_wait3A_204] : memref<2x10240x16xf32, #tpu.memory_space<hbm>> -> memref<1x128x16xf32, #tpu.memory_space<hbm>>
        %dma_wait3A_206 = tpu.memref_squeeze %dma_wait3A_205 : memref<1x128x16xf32, #tpu.memory_space<hbm>> -> memref<128x16xf32, #tpu.memory_space<hbm>>
        %dma_wait3A_207 = arith.constant 0 : i32
        %dma_wait3A_208 = tpu.memref_slice %arg5[%arg0, %add3A_186, %dma_wait3A_207] : memref<2x10240x16xf32, #tpu.memory_space<hbm>> -> memref<1x128x16xf32, #tpu.memory_space<hbm>>
        %dma_wait3A_209 = tpu.memref_squeeze %dma_wait3A_208 : memref<1x128x16xf32, #tpu.memory_space<hbm>> -> memref<128x16xf32, #tpu.memory_space<hbm>>
        %dma_wait3A_210 = arith.constant 0 : i32
        %dma_wait3A_211 = arith.constant 0 : i32
        %dma_wait3A_212 = tpu.memref_slice %arg8[%scan3A_166, %dma_wait3A_210, %dma_wait3A_211] : memref<6x128x16xf32, #tpu.memory_space<vmem>> -> memref<1x128x16xf32, #tpu.memory_space<vmem>>
        %dma_wait3A_213 = tpu.memref_squeeze %dma_wait3A_212 : memref<1x128x16xf32, #tpu.memory_space<vmem>> -> memref<128x16xf32, #tpu.memory_space<vmem>>
        tpu.wait_dma2 semaphore(%run_scoped3A : memref<!tpu.dma_semaphore, #tpu.memory_space<semaphore_mem>>) src(%dma_wait3A_213 : memref<128x16xf32, #tpu.memory_space<vmem>>) dst(%dma_wait3A_209 : memref<128x16xf32, #tpu.memory_space<hbm>>)
        tpu.yield
      }) : () -> ()
    }
    %scan3A_171 = arith.constant 5 : i32
    return
  }
}

#map = affine_map<(d0, d1) -> (0, 0, 0)>
#map1 = affine_map<(d0, d1) -> (0, 0)>
module attributes {stable_mosaic.version = 14 : i64} {
  func.func @sc_spmm_f16(%arg0: i32, %arg1: i32, %arg2: memref<32x80x128xi32, #tpu.memory_space<hbm>>, %arg3: memref<32x80x128xi32, #tpu.memory_space<hbm>>, %arg4: memref<10240x16xf32, #tpu.memory_space<hbm>>, %arg5: memref<2x10240x16xf32, #tpu.memory_space<hbm>>, %arg6: memref<80x128xi32, #tpu.memory_space<vmem>>, %arg7: memref<80x128xi32, #tpu.memory_space<vmem>>, %arg8: memref<6x128x16xf32, #tpu.memory_space<vmem>>, %arg9: memref<16x16xf32, #tpu.memory_space<vmem>>, %arg10: memref<10240x16xf32, #tpu.memory_space<vmem_shared>>, %arg11: memref<!tpu.dma_semaphore, #tpu.memory_space<semaphore_mem>>, %arg12: memref<!tpu.dma_semaphore, #tpu.memory_space<semaphore_mem>>) attributes {dimension_semantics = [#tpu.dimension_semantics<core_parallel>, #tpu.dimension_semantics<subcore_parallel>], iteration_bounds = array<i64: 2, 16>, scalar_prefetch = 0 : i64, scratch_operands = 7 : i64, tpu.core_type = #tpu.core_type<sc_vector_subcore>, window_params = [{transform_indices = #map}, {transform_indices = #map}, {transform_indices = #map1}, {transform_indices = #map}]} {
    %mul3A = arith.constant 16 : i32
    %mul3A_0 = arith.muli %arg0, %mul3A : i32
    %add3A = arith.addi %mul3A_0, %arg1 : i32
    %broadcast_in_dim3A = arith.constant 0.000000e+00 : f32
    %broadcast_in_dim3A_1 = vector.broadcast %broadcast_in_dim3A : f32 to vector<16xf32>
    %swap3A = arith.constant 0 : i32
    %swap3A_2 = arith.index_cast %swap3A : i32 to index
    %swap3A_3 = arith.constant 0 : index
    %swap3A_4 = tpu.vector_load %arg9[%swap3A_2, %swap3A_3] {strides = array<i32>} : memref<16x16xf32, #tpu.memory_space<vmem>>, vector<1x16xf32>,
    %swap3A_5 = vector.shape_cast %swap3A_4 : vector<1x16xf32> to vector<16xf32>
    %swap3A_6 = vector.shape_cast %broadcast_in_dim3A_1 : vector<16xf32> to vector<1x16xf32>
    tpu.vector_store %arg9[%swap3A_2, %swap3A_3], %swap3A_6 {strides = array<i32>} : memref<16x16xf32, #tpu.memory_space<vmem>>, vector<1x16xf32>,
    %swap3A_7 = arith.constant 1 : i32
    %swap3A_8 = arith.index_cast %swap3A_7 : i32 to index
    %swap3A_9 = arith.constant 0 : index
    %swap3A_10 = tpu.vector_load %arg9[%swap3A_8, %swap3A_9] {strides = array<i32>} : memref<16x16xf32, #tpu.memory_space<vmem>>, vector<1x16xf32>,
    %swap3A_11 = vector.shape_cast %swap3A_10 : vector<1x16xf32> to vector<16xf32>
    %swap3A_12 = vector.shape_cast %broadcast_in_dim3A_1 : vector<16xf32> to vector<1x16xf32>
    tpu.vector_store %arg9[%swap3A_8, %swap3A_9], %swap3A_12 {strides = array<i32>} : memref<16x16xf32, #tpu.memory_space<vmem>>, vector<1x16xf32>,
    %swap3A_13 = arith.constant 2 : i32
    %swap3A_14 = arith.index_cast %swap3A_13 : i32 to index
    %swap3A_15 = arith.constant 0 : index
    %swap3A_16 = tpu.vector_load %arg9[%swap3A_14, %swap3A_15] {strides = array<i32>} : memref<16x16xf32, #tpu.memory_space<vmem>>, vector<1x16xf32>,
    %swap3A_17 = vector.shape_cast %swap3A_16 : vector<1x16xf32> to vector<16xf32>
    %swap3A_18 = vector.shape_cast %broadcast_in_dim3A_1 : vector<16xf32> to vector<1x16xf32>
    tpu.vector_store %arg9[%swap3A_14, %swap3A_15], %swap3A_18 {strides = array<i32>} : memref<16x16xf32, #tpu.memory_space<vmem>>, vector<1x16xf32>,
    %swap3A_19 = arith.constant 3 : i32
    %swap3A_20 = arith.index_cast %swap3A_19 : i32 to index
    %swap3A_21 = arith.constant 0 : index
    %swap3A_22 = tpu.vector_load %arg9[%swap3A_20, %swap3A_21] {strides = array<i32>} : memref<16x16xf32, #tpu.memory_space<vmem>>, vector<1x16xf32>,
    %swap3A_23 = vector.shape_cast %swap3A_22 : vector<1x16xf32> to vector<16xf32>
    %swap3A_24 = vector.shape_cast %broadcast_in_dim3A_1 : vector<16xf32> to vector<1x16xf32>
    tpu.vector_store %arg9[%swap3A_20, %swap3A_21], %swap3A_24 {strides = array<i32>} : memref<16x16xf32, #tpu.memory_space<vmem>>, vector<1x16xf32>,
    %swap3A_25 = arith.constant 4 : i32
    %swap3A_26 = arith.index_cast %swap3A_25 : i32 to index
    %swap3A_27 = arith.constant 0 : index
    %swap3A_28 = tpu.vector_load %arg9[%swap3A_26, %swap3A_27] {strides = array<i32>} : memref<16x16xf32, #tpu.memory_space<vmem>>, vector<1x16xf32>,
    %swap3A_29 = vector.shape_cast %swap3A_28 : vector<1x16xf32> to vector<16xf32>
    %swap3A_30 = vector.shape_cast %broadcast_in_dim3A_1 : vector<16xf32> to vector<1x16xf32>
    tpu.vector_store %arg9[%swap3A_26, %swap3A_27], %swap3A_30 {strides = array<i32>} : memref<16x16xf32, #tpu.memory_space<vmem>>, vector<1x16xf32>,
    %swap3A_31 = arith.constant 5 : i32
    %swap3A_32 = arith.index_cast %swap3A_31 : i32 to index
    %swap3A_33 = arith.constant 0 : index
    %swap3A_34 = tpu.vector_load %arg9[%swap3A_32, %swap3A_33] {strides = array<i32>} : memref<16x16xf32, #tpu.memory_space<vmem>>, vector<1x16xf32>,
    %swap3A_35 = vector.shape_cast %swap3A_34 : vector<1x16xf32> to vector<16xf32>
    %swap3A_36 = vector.shape_cast %broadcast_in_dim3A_1 : vector<16xf32> to vector<1x16xf32>
    tpu.vector_store %arg9[%swap3A_32, %swap3A_33], %swap3A_36 {strides = array<i32>} : memref<16x16xf32, #tpu.memory_space<vmem>>, vector<1x16xf32>,
    %swap3A_37 = arith.constant 6 : i32
    %swap3A_38 = arith.index_cast %swap3A_37 : i32 to index
    %swap3A_39 = arith.constant 0 : index
    %swap3A_40 = tpu.vector_load %arg9[%swap3A_38, %swap3A_39] {strides = array<i32>} : memref<16x16xf32, #tpu.memory_space<vmem>>, vector<1x16xf32>,
    %swap3A_41 = vector.shape_cast %swap3A_40 : vector<1x16xf32> to vector<16xf32>
    %swap3A_42 = vector.shape_cast %broadcast_in_dim3A_1 : vector<16xf32> to vector<1x16xf32>
    tpu.vector_store %arg9[%swap3A_38, %swap3A_39], %swap3A_42 {strides = array<i32>} : memref<16x16xf32, #tpu.memory_space<vmem>>, vector<1x16xf32>,
    %swap3A_43 = arith.constant 7 : i32
    %swap3A_44 = arith.index_cast %swap3A_43 : i32 to index
    %swap3A_45 = arith.constant 0 : index
    %swap3A_46 = tpu.vector_load %arg9[%swap3A_44, %swap3A_45] {strides = array<i32>} : memref<16x16xf32, #tpu.memory_space<vmem>>, vector<1x16xf32>,
    %swap3A_47 = vector.shape_cast %swap3A_46 : vector<1x16xf32> to vector<16xf32>
    %swap3A_48 = vector.shape_cast %broadcast_in_dim3A_1 : vector<16xf32> to vector<1x16xf32>
    tpu.vector_store %arg9[%swap3A_44, %swap3A_45], %swap3A_48 {strides = array<i32>} : memref<16x16xf32, #tpu.memory_space<vmem>>, vector<1x16xf32>,
    %swap3A_49 = arith.constant 8 : i32
    %swap3A_50 = arith.index_cast %swap3A_49 : i32 to index
    %swap3A_51 = arith.constant 0 : index
    %swap3A_52 = tpu.vector_load %arg9[%swap3A_50, %swap3A_51] {strides = array<i32>} : memref<16x16xf32, #tpu.memory_space<vmem>>, vector<1x16xf32>,
    %swap3A_53 = vector.shape_cast %swap3A_52 : vector<1x16xf32> to vector<16xf32>
    %swap3A_54 = vector.shape_cast %broadcast_in_dim3A_1 : vector<16xf32> to vector<1x16xf32>
    tpu.vector_store %arg9[%swap3A_50, %swap3A_51], %swap3A_54 {strides = array<i32>} : memref<16x16xf32, #tpu.memory_space<vmem>>, vector<1x16xf32>,
    %swap3A_55 = arith.constant 9 : i32
    %swap3A_56 = arith.index_cast %swap3A_55 : i32 to index
    %swap3A_57 = arith.constant 0 : index
    %swap3A_58 = tpu.vector_load %arg9[%swap3A_56, %swap3A_57] {strides = array<i32>} : memref<16x16xf32, #tpu.memory_space<vmem>>, vector<1x16xf32>,
    %swap3A_59 = vector.shape_cast %swap3A_58 : vector<1x16xf32> to vector<16xf32>
    %swap3A_60 = vector.shape_cast %broadcast_in_dim3A_1 : vector<16xf32> to vector<1x16xf32>
    tpu.vector_store %arg9[%swap3A_56, %swap3A_57], %swap3A_60 {strides = array<i32>} : memref<16x16xf32, #tpu.memory_space<vmem>>, vector<1x16xf32>,
    %swap3A_61 = arith.constant 10 : i32
    %swap3A_62 = arith.index_cast %swap3A_61 : i32 to index
    %swap3A_63 = arith.constant 0 : index
    %swap3A_64 = tpu.vector_load %arg9[%swap3A_62, %swap3A_63] {strides = array<i32>} : memref<16x16xf32, #tpu.memory_space<vmem>>, vector<1x16xf32>,
    %swap3A_65 = vector.shape_cast %swap3A_64 : vector<1x16xf32> to vector<16xf32>
    %swap3A_66 = vector.shape_cast %broadcast_in_dim3A_1 : vector<16xf32> to vector<1x16xf32>
    tpu.vector_store %arg9[%swap3A_62, %swap3A_63], %swap3A_66 {strides = array<i32>} : memref<16x16xf32, #tpu.memory_space<vmem>>, vector<1x16xf32>,
    %swap3A_67 = arith.constant 11 : i32
    %swap3A_68 = arith.index_cast %swap3A_67 : i32 to index
    %swap3A_69 = arith.constant 0 : index
    %swap3A_70 = tpu.vector_load %arg9[%swap3A_68, %swap3A_69] {strides = array<i32>} : memref<16x16xf32, #tpu.memory_space<vmem>>, vector<1x16xf32>,
    %swap3A_71 = vector.shape_cast %swap3A_70 : vector<1x16xf32> to vector<16xf32>
    %swap3A_72 = vector.shape_cast %broadcast_in_dim3A_1 : vector<16xf32> to vector<1x16xf32>
    tpu.vector_store %arg9[%swap3A_68, %swap3A_69], %swap3A_72 {strides = array<i32>} : memref<16x16xf32, #tpu.memory_space<vmem>>, vector<1x16xf32>,
    %swap3A_73 = arith.constant 12 : i32
    %swap3A_74 = arith.index_cast %swap3A_73 : i32 to index
    %swap3A_75 = arith.constant 0 : index
    %swap3A_76 = tpu.vector_load %arg9[%swap3A_74, %swap3A_75] {strides = array<i32>} : memref<16x16xf32, #tpu.memory_space<vmem>>, vector<1x16xf32>,
    %swap3A_77 = vector.shape_cast %swap3A_76 : vector<1x16xf32> to vector<16xf32>
    %swap3A_78 = vector.shape_cast %broadcast_in_dim3A_1 : vector<16xf32> to vector<1x16xf32>
    tpu.vector_store %arg9[%swap3A_74, %swap3A_75], %swap3A_78 {strides = array<i32>} : memref<16x16xf32, #tpu.memory_space<vmem>>, vector<1x16xf32>,
    %swap3A_79 = arith.constant 13 : i32
    %swap3A_80 = arith.index_cast %swap3A_79 : i32 to index
    %swap3A_81 = arith.constant 0 : index
    %swap3A_82 = tpu.vector_load %arg9[%swap3A_80, %swap3A_81] {strides = array<i32>} : memref<16x16xf32, #tpu.memory_space<vmem>>, vector<1x16xf32>,
    %swap3A_83 = vector.shape_cast %swap3A_82 : vector<1x16xf32> to vector<16xf32>
    %swap3A_84 = vector.shape_cast %broadcast_in_dim3A_1 : vector<16xf32> to vector<1x16xf32>
    tpu.vector_store %arg9[%swap3A_80, %swap3A_81], %swap3A_84 {strides = array<i32>} : memref<16x16xf32, #tpu.memory_space<vmem>>, vector<1x16xf32>,
    %swap3A_85 = arith.constant 14 : i32
    %swap3A_86 = arith.index_cast %swap3A_85 : i32 to index
    %swap3A_87 = arith.constant 0 : index
    %swap3A_88 = tpu.vector_load %arg9[%swap3A_86, %swap3A_87] {strides = array<i32>} : memref<16x16xf32, #tpu.memory_space<vmem>>, vector<1x16xf32>,
    %swap3A_89 = vector.shape_cast %swap3A_88 : vector<1x16xf32> to vector<16xf32>
    %swap3A_90 = vector.shape_cast %broadcast_in_dim3A_1 : vector<16xf32> to vector<1x16xf32>
    tpu.vector_store %arg9[%swap3A_86, %swap3A_87], %swap3A_90 {strides = array<i32>} : memref<16x16xf32, #tpu.memory_space<vmem>>, vector<1x16xf32>,
    %swap3A_91 = arith.constant 15 : i32
    %swap3A_92 = arith.index_cast %swap3A_91 : i32 to index
    %swap3A_93 = arith.constant 0 : index
    %swap3A_94 = tpu.vector_load %arg9[%swap3A_92, %swap3A_93] {strides = array<i32>} : memref<16x16xf32, #tpu.memory_space<vmem>>, vector<1x16xf32>,
    %swap3A_95 = vector.shape_cast %swap3A_94 : vector<1x16xf32> to vector<16xf32>
    %swap3A_96 = vector.shape_cast %broadcast_in_dim3A_1 : vector<16xf32> to vector<1x16xf32>
    tpu.vector_store %arg9[%swap3A_92, %swap3A_93], %swap3A_96 {strides = array<i32>} : memref<16x16xf32, #tpu.memory_space<vmem>>, vector<1x16xf32>,
    %scan3A = arith.constant 0 : i32
    %scan3A_97 = arith.constant 40 : i32
    %scan3A_98 = arith.addi %scan3A, %scan3A_97 : i32
    %scan3A_99 = arith.constant 1 : i32
    scf.for %scan3A_172 = %scan3A to %scan3A_98 step %scan3A_99  : i32 {
      %mul3A_173 = arith.constant 1 : i32
      %mul3A_174 = arith.muli %scan3A_172, %mul3A_173 : i32
      %add3A_175 = arith.constant 0 : i32
      %add3A_176 = arith.addi %add3A_175, %mul3A_174 : i32
      %mul3A_177 = arith.constant 640 : i32
      %mul3A_178 = arith.muli %arg1, %mul3A_177 : i32
      %mul3A_179 = arith.constant 16 : i32
      %mul3A_180 = arith.muli %add3A_176, %mul3A_179 : i32
      %add3A_181 = arith.addi %mul3A_178, %mul3A_180 : i32
      "tpu.region"() ({
        %run_scoped3A = tpu.sem_alloc : memref<!tpu.dma_semaphore, #tpu.memory_space<semaphore_mem>>
        %dma_start3A_182 = arith.constant 0 : i32
        %dma_start3A_183 = tpu.memref_slice %arg10[%add3A_181, %dma_start3A_182] : memref<10240x16xf32, #tpu.memory_space<vmem_shared>> -> memref<16x16xf32, #tpu.memory_space<vmem_shared>>
        %dma_start3A_184 = arith.constant 0 : i32
        %dma_start3A_185 = tpu.memref_slice %arg10[%add3A_181, %dma_start3A_184] : memref<10240x16xf32, #tpu.memory_space<vmem_shared>> -> memref<16x16xf32, #tpu.memory_space<vmem_shared>>
        tpu.enqueue_dma source(%arg9 : memref<16x16xf32, #tpu.memory_space<vmem>>) target(%dma_start3A_185 : memref<16x16xf32, #tpu.memory_space<vmem_shared>>) target_semaphore(%run_scoped3A : memref<!tpu.dma_semaphore, #tpu.memory_space<semaphore_mem>>)
        %dma_wait3A = arith.constant 0 : i32
        %dma_wait3A_186 = tpu.memref_slice %arg10[%add3A_181, %dma_wait3A] : memref<10240x16xf32, #tpu.memory_space<vmem_shared>> -> memref<16x16xf32, #tpu.memory_space<vmem_shared>>
        %dma_wait3A_187 = arith.constant 0 : i32
        %dma_wait3A_188 = tpu.memref_slice %arg10[%add3A_181, %dma_wait3A_187] : memref<10240x16xf32, #tpu.memory_space<vmem_shared>> -> memref<16x16xf32, #tpu.memory_space<vmem_shared>>
        tpu.wait_dma2 semaphore(%run_scoped3A : memref<!tpu.dma_semaphore, #tpu.memory_space<semaphore_mem>>) src(%arg9 : memref<16x16xf32, #tpu.memory_space<vmem>>) dst(%dma_wait3A_188 : memref<16x16xf32, #tpu.memory_space<vmem_shared>>)
        tpu.yield
      }) : () -> ()
    }
    %scan3A_100 = arith.constant 40 : i32
    "tpu.region"() ({
      %run_scoped3A = tpu.sem_alloc : memref<!tpu.dma_semaphore, #tpu.memory_space<semaphore_mem>>
      %dma_start3A_172 = arith.constant 0 : i32
      %dma_start3A_173 = arith.constant 0 : i32
      %dma_start3A_174 = tpu.memref_slice %arg2[%add3A, %dma_start3A_172, %dma_start3A_173] : memref<32x80x128xi32, #tpu.memory_space<hbm>> -> memref<1x80x128xi32, #tpu.memory_space<hbm>>
      %dma_start3A_175 = tpu.memref_squeeze %dma_start3A_174 : memref<1x80x128xi32, #tpu.memory_space<hbm>> -> memref<80x128xi32, #tpu.memory_space<hbm>>
      %dma_start3A_176 = arith.constant 0 : i32
      %dma_start3A_177 = arith.constant 0 : i32
      %dma_start3A_178 = tpu.memref_slice %arg2[%add3A, %dma_start3A_176, %dma_start3A_177] : memref<32x80x128xi32, #tpu.memory_space<hbm>> -> memref<1x80x128xi32, #tpu.memory_space<hbm>>
      %dma_start3A_179 = tpu.memref_squeeze %dma_start3A_178 : memref<1x80x128xi32, #tpu.memory_space<hbm>> -> memref<80x128xi32, #tpu.memory_space<hbm>>
      tpu.enqueue_dma source(%dma_start3A_179 : memref<80x128xi32, #tpu.memory_space<hbm>>) target(%arg6 : memref<80x128xi32, #tpu.memory_space<vmem>>) target_semaphore(%run_scoped3A : memref<!tpu.dma_semaphore, #tpu.memory_space<semaphore_mem>>)
      %dma_wait3A = arith.constant 0 : i32
      %dma_wait3A_180 = arith.constant 0 : i32
      %dma_wait3A_181 = tpu.memref_slice %arg2[%add3A, %dma_wait3A, %dma_wait3A_180] : memref<32x80x128xi32, #tpu.memory_space<hbm>> -> memref<1x80x128xi32, #tpu.memory_space<hbm>>
      %dma_wait3A_182 = tpu.memref_squeeze %dma_wait3A_181 : memref<1x80x128xi32, #tpu.memory_space<hbm>> -> memref<80x128xi32, #tpu.memory_space<hbm>>
      %dma_wait3A_183 = arith.constant 0 : i32
      %dma_wait3A_184 = arith.constant 0 : i32
      %dma_wait3A_185 = tpu.memref_slice %arg2[%add3A, %dma_wait3A_183, %dma_wait3A_184] : memref<32x80x128xi32, #tpu.memory_space<hbm>> -> memref<1x80x128xi32, #tpu.memory_space<hbm>>
      %dma_wait3A_186 = tpu.memref_squeeze %dma_wait3A_185 : memref<1x80x128xi32, #tpu.memory_space<hbm>> -> memref<80x128xi32, #tpu.memory_space<hbm>>
      tpu.wait_dma2 semaphore(%run_scoped3A : memref<!tpu.dma_semaphore, #tpu.memory_space<semaphore_mem>>) src(%dma_wait3A_186 : memref<80x128xi32, #tpu.memory_space<hbm>>) dst(%arg6 : memref<80x128xi32, #tpu.memory_space<vmem>>)
      tpu.yield
    }) : () -> ()
    "tpu.region"() ({
      %run_scoped3A = tpu.sem_alloc : memref<!tpu.dma_semaphore, #tpu.memory_space<semaphore_mem>>
      %dma_start3A_172 = arith.constant 0 : i32
      %dma_start3A_173 = arith.constant 0 : i32
      %dma_start3A_174 = tpu.memref_slice %arg3[%add3A, %dma_start3A_172, %dma_start3A_173] : memref<32x80x128xi32, #tpu.memory_space<hbm>> -> memref<1x80x128xi32, #tpu.memory_space<hbm>>
      %dma_start3A_175 = tpu.memref_squeeze %dma_start3A_174 : memref<1x80x128xi32, #tpu.memory_space<hbm>> -> memref<80x128xi32, #tpu.memory_space<hbm>>
      %dma_start3A_176 = arith.constant 0 : i32
      %dma_start3A_177 = arith.constant 0 : i32
      %dma_start3A_178 = tpu.memref_slice %arg3[%add3A, %dma_start3A_176, %dma_start3A_177] : memref<32x80x128xi32, #tpu.memory_space<hbm>> -> memref<1x80x128xi32, #tpu.memory_space<hbm>>
      %dma_start3A_179 = tpu.memref_squeeze %dma_start3A_178 : memref<1x80x128xi32, #tpu.memory_space<hbm>> -> memref<80x128xi32, #tpu.memory_space<hbm>>
      tpu.enqueue_dma source(%dma_start3A_179 : memref<80x128xi32, #tpu.memory_space<hbm>>) target(%arg7 : memref<80x128xi32, #tpu.memory_space<vmem>>) target_semaphore(%run_scoped3A : memref<!tpu.dma_semaphore, #tpu.memory_space<semaphore_mem>>)
      %dma_wait3A = arith.constant 0 : i32
      %dma_wait3A_180 = arith.constant 0 : i32
      %dma_wait3A_181 = tpu.memref_slice %arg3[%add3A, %dma_wait3A, %dma_wait3A_180] : memref<32x80x128xi32, #tpu.memory_space<hbm>> -> memref<1x80x128xi32, #tpu.memory_space<hbm>>
      %dma_wait3A_182 = tpu.memref_squeeze %dma_wait3A_181 : memref<1x80x128xi32, #tpu.memory_space<hbm>> -> memref<80x128xi32, #tpu.memory_space<hbm>>
      %dma_wait3A_183 = arith.constant 0 : i32
      %dma_wait3A_184 = arith.constant 0 : i32
      %dma_wait3A_185 = tpu.memref_slice %arg3[%add3A, %dma_wait3A_183, %dma_wait3A_184] : memref<32x80x128xi32, #tpu.memory_space<hbm>> -> memref<1x80x128xi32, #tpu.memory_space<hbm>>
      %dma_wait3A_186 = tpu.memref_squeeze %dma_wait3A_185 : memref<1x80x128xi32, #tpu.memory_space<hbm>> -> memref<80x128xi32, #tpu.memory_space<hbm>>
      tpu.wait_dma2 semaphore(%run_scoped3A : memref<!tpu.dma_semaphore, #tpu.memory_space<semaphore_mem>>) src(%dma_wait3A_186 : memref<80x128xi32, #tpu.memory_space<hbm>>) dst(%arg7 : memref<80x128xi32, #tpu.memory_space<vmem>>)
      tpu.yield
    }) : () -> ()
    %barrier3A = arith.constant 0 : index
    tpu.barrier barrier_id(%barrier3A)
    %dma_start3A = arith.constant 0 : i32
    %dma_start3A_101 = arith.constant 0 : i32
    %dma_start3A_102 = arith.constant 0 : i32
    %dma_start3A_103 = arith.constant 0 : i32
    %dma_start3A_104 = tpu.memref_slice %arg8[%dma_start3A_101, %dma_start3A_102, %dma_start3A_103] : memref<6x128x16xf32, #tpu.memory_space<vmem>> -> memref<1x128x16xf32, #tpu.memory_space<vmem>>
    %dma_start3A_105 = tpu.memref_squeeze %dma_start3A_104 : memref<1x128x16xf32, #tpu.memory_space<vmem>> -> memref<128x16xf32, #tpu.memory_space<vmem>>
    %dma_start3A_106 = arith.constant 0 : i32
    %dma_start3A_107 = tpu.memref_slice %arg6[%dma_start3A, %dma_start3A_106] : memref<80x128xi32, #tpu.memory_space<vmem>> -> memref<1x128xi32, #tpu.memory_space<vmem>>
    %dma_start3A_108 = tpu.memref_squeeze %dma_start3A_107 : memref<1x128xi32, #tpu.memory_space<vmem>> -> memref<128xi32, #tpu.memory_space<vmem>>
    %dma_start3A_109 = arith.constant 0 : i32
    %dma_start3A_110 = arith.constant 0 : i32
    %dma_start3A_111 = tpu.memref_slice %arg4[%dma_start3A_109, %dma_start3A_110] : memref<10240x16xf32, #tpu.memory_space<hbm>> -> memref<10240x16xf32, #tpu.memory_space<hbm>>
    tpu.enqueue_indirect_dma source(%dma_start3A_111 : memref<10240x16xf32, #tpu.memory_space<hbm>>) target(%dma_start3A_105 : memref<128x16xf32, #tpu.memory_space<vmem>>) offsets(%dma_start3A_108 : memref<128xi32, #tpu.memory_space<vmem>>) semaphore(%arg11 : memref<!tpu.dma_semaphore, #tpu.memory_space<semaphore_mem>>)
    %dma_start3A_112 = arith.constant 1 : i32
    %dma_start3A_113 = arith.constant 1 : i32
    %dma_start3A_114 = arith.constant 0 : i32
    %dma_start3A_115 = arith.constant 0 : i32
    %dma_start3A_116 = tpu.memref_slice %arg8[%dma_start3A_113, %dma_start3A_114, %dma_start3A_115] : memref<6x128x16xf32, #tpu.memory_space<vmem>> -> memref<1x128x16xf32, #tpu.memory_space<vmem>>
    %dma_start3A_117 = tpu.memref_squeeze %dma_start3A_116 : memref<1x128x16xf32, #tpu.memory_space<vmem>> -> memref<128x16xf32, #tpu.memory_space<vmem>>
    %dma_start3A_118 = arith.constant 0 : i32
    %dma_start3A_119 = tpu.memref_slice %arg6[%dma_start3A_112, %dma_start3A_118] : memref<80x128xi32, #tpu.memory_space<vmem>> -> memref<1x128xi32, #tpu.memory_space<vmem>>
    %dma_start3A_120 = tpu.memref_squeeze %dma_start3A_119 : memref<1x128xi32, #tpu.memory_space<vmem>> -> memref<128xi32, #tpu.memory_space<vmem>>
    %dma_start3A_121 = arith.constant 0 : i32
    %dma_start3A_122 = arith.constant 0 : i32
    %dma_start3A_123 = tpu.memref_slice %arg4[%dma_start3A_121, %dma_start3A_122] : memref<10240x16xf32, #tpu.memory_space<hbm>> -> memref<10240x16xf32, #tpu.memory_space<hbm>>
    tpu.enqueue_indirect_dma source(%dma_start3A_123 : memref<10240x16xf32, #tpu.memory_space<hbm>>) target(%dma_start3A_117 : memref<128x16xf32, #tpu.memory_space<vmem>>) offsets(%dma_start3A_120 : memref<128xi32, #tpu.memory_space<vmem>>) semaphore(%arg11 : memref<!tpu.dma_semaphore, #tpu.memory_space<semaphore_mem>>)
    %dma_start3A_124 = arith.constant 2 : i32
    %dma_start3A_125 = arith.constant 2 : i32
    %dma_start3A_126 = arith.constant 0 : i32
    %dma_start3A_127 = arith.constant 0 : i32
    %dma_start3A_128 = tpu.memref_slice %arg8[%dma_start3A_125, %dma_start3A_126, %dma_start3A_127] : memref<6x128x16xf32, #tpu.memory_space<vmem>> -> memref<1x128x16xf32, #tpu.memory_space<vmem>>
    %dma_start3A_129 = tpu.memref_squeeze %dma_start3A_128 : memref<1x128x16xf32, #tpu.memory_space<vmem>> -> memref<128x16xf32, #tpu.memory_space<vmem>>
    %dma_start3A_130 = arith.constant 0 : i32
    %dma_start3A_131 = tpu.memref_slice %arg6[%dma_start3A_124, %dma_start3A_130] : memref<80x128xi32, #tpu.memory_space<vmem>> -> memref<1x128xi32, #tpu.memory_space<vmem>>
    %dma_start3A_132 = tpu.memref_squeeze %dma_start3A_131 : memref<1x128xi32, #tpu.memory_space<vmem>> -> memref<128xi32, #tpu.memory_space<vmem>>
    %dma_start3A_133 = arith.constant 0 : i32
    %dma_start3A_134 = arith.constant 0 : i32
    %dma_start3A_135 = tpu.memref_slice %arg4[%dma_start3A_133, %dma_start3A_134] : memref<10240x16xf32, #tpu.memory_space<hbm>> -> memref<10240x16xf32, #tpu.memory_space<hbm>>
    tpu.enqueue_indirect_dma source(%dma_start3A_135 : memref<10240x16xf32, #tpu.memory_space<hbm>>) target(%dma_start3A_129 : memref<128x16xf32, #tpu.memory_space<vmem>>) offsets(%dma_start3A_132 : memref<128xi32, #tpu.memory_space<vmem>>) semaphore(%arg11 : memref<!tpu.dma_semaphore, #tpu.memory_space<semaphore_mem>>)
    %dma_start3A_136 = arith.constant 3 : i32
    %dma_start3A_137 = arith.constant 3 : i32
    %dma_start3A_138 = arith.constant 0 : i32
    %dma_start3A_139 = arith.constant 0 : i32
    %dma_start3A_140 = tpu.memref_slice %arg8[%dma_start3A_137, %dma_start3A_138, %dma_start3A_139] : memref<6x128x16xf32, #tpu.memory_space<vmem>> -> memref<1x128x16xf32, #tpu.memory_space<vmem>>
    %dma_start3A_141 = tpu.memref_squeeze %dma_start3A_140 : memref<1x128x16xf32, #tpu.memory_space<vmem>> -> memref<128x16xf32, #tpu.memory_space<vmem>>
    %dma_start3A_142 = arith.constant 0 : i32
    %dma_start3A_143 = tpu.memref_slice %arg6[%dma_start3A_136, %dma_start3A_142] : memref<80x128xi32, #tpu.memory_space<vmem>> -> memref<1x128xi32, #tpu.memory_space<vmem>>
    %dma_start3A_144 = tpu.memref_squeeze %dma_start3A_143 : memref<1x128xi32, #tpu.memory_space<vmem>> -> memref<128xi32, #tpu.memory_space<vmem>>
    %dma_start3A_145 = arith.constant 0 : i32
    %dma_start3A_146 = arith.constant 0 : i32
    %dma_start3A_147 = tpu.memref_slice %arg4[%dma_start3A_145, %dma_start3A_146] : memref<10240x16xf32, #tpu.memory_space<hbm>> -> memref<10240x16xf32, #tpu.memory_space<hbm>>
    tpu.enqueue_indirect_dma source(%dma_start3A_147 : memref<10240x16xf32, #tpu.memory_space<hbm>>) target(%dma_start3A_141 : memref<128x16xf32, #tpu.memory_space<vmem>>) offsets(%dma_start3A_144 : memref<128xi32, #tpu.memory_space<vmem>>) semaphore(%arg11 : memref<!tpu.dma_semaphore, #tpu.memory_space<semaphore_mem>>)
    %dma_start3A_148 = arith.constant 4 : i32
    %dma_start3A_149 = arith.constant 4 : i32
    %dma_start3A_150 = arith.constant 0 : i32
    %dma_start3A_151 = arith.constant 0 : i32
    %dma_start3A_152 = tpu.memref_slice %arg8[%dma_start3A_149, %dma_start3A_150, %dma_start3A_151] : memref<6x128x16xf32, #tpu.memory_space<vmem>> -> memref<1x128x16xf32, #tpu.memory_space<vmem>>
    %dma_start3A_153 = tpu.memref_squeeze %dma_start3A_152 : memref<1x128x16xf32, #tpu.memory_space<vmem>> -> memref<128x16xf32, #tpu.memory_space<vmem>>
    %dma_start3A_154 = arith.constant 0 : i32
    %dma_start3A_155 = tpu.memref_slice %arg6[%dma_start3A_148, %dma_start3A_154] : memref<80x128xi32, #tpu.memory_space<vmem>> -> memref<1x128xi32, #tpu.memory_space<vmem>>
    %dma_start3A_156 = tpu.memref_squeeze %dma_start3A_155 : memref<1x128xi32, #tpu.memory_space<vmem>> -> memref<128xi32, #tpu.memory_space<vmem>>
    %dma_start3A_157 = arith.constant 0 : i32
    %dma_start3A_158 = arith.constant 0 : i32
    %dma_start3A_159 = tpu.memref_slice %arg4[%dma_start3A_157, %dma_start3A_158] : memref<10240x16xf32, #tpu.memory_space<hbm>> -> memref<10240x16xf32, #tpu.memory_space<hbm>>
    tpu.enqueue_indirect_dma source(%dma_start3A_159 : memref<10240x16xf32, #tpu.memory_space<hbm>>) target(%dma_start3A_153 : memref<128x16xf32, #tpu.memory_space<vmem>>) offsets(%dma_start3A_156 : memref<128xi32, #tpu.memory_space<vmem>>) semaphore(%arg11 : memref<!tpu.dma_semaphore, #tpu.memory_space<semaphore_mem>>)
    %scan3A_160 = arith.constant 0 : i32
    %scan3A_161 = arith.constant 80 : i32
    %scan3A_162 = arith.addi %scan3A_160, %scan3A_161 : i32
    %scan3A_163 = arith.constant 1 : i32
    scf.for %scan3A_172 = %scan3A_160 to %scan3A_162 step %scan3A_163  : i32 {
      %mul3A_173 = arith.constant 1 : i32
      %mul3A_174 = arith.muli %scan3A_172, %mul3A_173 : i32
      %add3A_175 = arith.constant 0 : i32
      %add3A_176 = arith.addi %add3A_175, %mul3A_174 : i32
      %rem3A = arith.constant 6 : i32
      %rem3A_177 = arith.remsi %add3A_176, %rem3A : i32
      %dma_wait3A = arith.constant 0 : i32
      %dma_wait3A_178 = arith.constant 0 : i32
      %dma_wait3A_179 = tpu.memref_slice %arg8[%rem3A_177, %dma_wait3A, %dma_wait3A_178] : memref<6x128x16xf32, #tpu.memory_space<vmem>> -> memref<1x128x16xf32, #tpu.memory_space<vmem>>
      %dma_wait3A_180 = tpu.memref_squeeze %dma_wait3A_179 : memref<1x128x16xf32, #tpu.memory_space<vmem>> -> memref<128x16xf32, #tpu.memory_space<vmem>>
      %dma_wait3A_181 = arith.constant 0 : i32
      %dma_wait3A_182 = tpu.memref_slice %arg6[%add3A_176, %dma_wait3A_181] : memref<80x128xi32, #tpu.memory_space<vmem>> -> memref<1x128xi32, #tpu.memory_space<vmem>>
      %dma_wait3A_183 = tpu.memref_squeeze %dma_wait3A_182 : memref<1x128xi32, #tpu.memory_space<vmem>> -> memref<128xi32, #tpu.memory_space<vmem>>
      %dma_wait3A_184 = arith.constant 0 : i32
      %dma_wait3A_185 = arith.constant 0 : i32
      %dma_wait3A_186 = tpu.memref_slice %arg4[%dma_wait3A_184, %dma_wait3A_185] : memref<10240x16xf32, #tpu.memory_space<hbm>> -> memref<10240x16xf32, #tpu.memory_space<hbm>>
      tpu.wait_indirect_dma semaphore(%arg11 : memref<!tpu.dma_semaphore, #tpu.memory_space<semaphore_mem>>) src(%dma_wait3A_186 : memref<10240x16xf32, #tpu.memory_space<hbm>>) dst(%dma_wait3A_180 : memref<128x16xf32, #tpu.memory_space<vmem>>)
      "tpu.region"() ({
        %run_scoped3A = tpu.sem_alloc : memref<!tpu.dma_semaphore, #tpu.memory_space<semaphore_mem>>
        %dma_start3A_191 = arith.constant 0 : i32
        %dma_start3A_192 = arith.constant 0 : i32
        %dma_start3A_193 = tpu.memref_slice %arg8[%rem3A_177, %dma_start3A_191, %dma_start3A_192] : memref<6x128x16xf32, #tpu.memory_space<vmem>> -> memref<1x128x16xf32, #tpu.memory_space<vmem>>
        %dma_start3A_194 = tpu.memref_squeeze %dma_start3A_193 : memref<1x128x16xf32, #tpu.memory_space<vmem>> -> memref<128x16xf32, #tpu.memory_space<vmem>>
        %dma_start3A_195 = arith.constant 0 : i32
        %dma_start3A_196 = tpu.memref_slice %arg7[%add3A_176, %dma_start3A_195] : memref<80x128xi32, #tpu.memory_space<vmem>> -> memref<1x128xi32, #tpu.memory_space<vmem>>
        %dma_start3A_197 = tpu.memref_squeeze %dma_start3A_196 : memref<1x128xi32, #tpu.memory_space<vmem>> -> memref<128xi32, #tpu.memory_space<vmem>>
        %dma_start3A_198 = arith.constant 0 : i32
        %dma_start3A_199 = arith.constant 0 : i32
        %dma_start3A_200 = tpu.memref_slice %arg10[%dma_start3A_198, %dma_start3A_199] : memref<10240x16xf32, #tpu.memory_space<vmem_shared>> -> memref<10240x16xf32, #tpu.memory_space<vmem_shared>>
        tpu.enqueue_indirect_dma source(%dma_start3A_194 : memref<128x16xf32, #tpu.memory_space<vmem>>) target(%dma_start3A_200 : memref<10240x16xf32, #tpu.memory_space<vmem_shared>>) offsets(%dma_start3A_197 : memref<128xi32, #tpu.memory_space<vmem>>) semaphore(%run_scoped3A : memref<!tpu.dma_semaphore, #tpu.memory_space<semaphore_mem>>) {add = true}
        %dma_wait3A_201 = arith.constant 0 : i32
        %dma_wait3A_202 = arith.constant 0 : i32
        %dma_wait3A_203 = tpu.memref_slice %arg8[%rem3A_177, %dma_wait3A_201, %dma_wait3A_202] : memref<6x128x16xf32, #tpu.memory_space<vmem>> -> memref<1x128x16xf32, #tpu.memory_space<vmem>>
        %dma_wait3A_204 = tpu.memref_squeeze %dma_wait3A_203 : memref<1x128x16xf32, #tpu.memory_space<vmem>> -> memref<128x16xf32, #tpu.memory_space<vmem>>
        %dma_wait3A_205 = arith.constant 0 : i32
        %dma_wait3A_206 = tpu.memref_slice %arg7[%add3A_176, %dma_wait3A_205] : memref<80x128xi32, #tpu.memory_space<vmem>> -> memref<1x128xi32, #tpu.memory_space<vmem>>
        %dma_wait3A_207 = tpu.memref_squeeze %dma_wait3A_206 : memref<1x128xi32, #tpu.memory_space<vmem>> -> memref<128xi32, #tpu.memory_space<vmem>>
        %dma_wait3A_208 = arith.constant 0 : i32
        %dma_wait3A_209 = arith.constant 0 : i32
        %dma_wait3A_210 = tpu.memref_slice %arg10[%dma_wait3A_208, %dma_wait3A_209] : memref<10240x16xf32, #tpu.memory_space<vmem_shared>> -> memref<10240x16xf32, #tpu.memory_space<vmem_shared>>
        tpu.wait_indirect_dma semaphore(%run_scoped3A : memref<!tpu.dma_semaphore, #tpu.memory_space<semaphore_mem>>) src(%dma_wait3A_204 : memref<128x16xf32, #tpu.memory_space<vmem>>) dst(%dma_wait3A_210 : memref<10240x16xf32, #tpu.memory_space<vmem_shared>>)
        tpu.yield
      }) : () -> ()
      %add3A_187 = arith.constant 5 : i32
      %add3A_188 = arith.addi %add3A_176, %add3A_187 : i32
      %lt3A = arith.constant 80 : i32
      %lt3A_189 = arith.cmpi slt, %add3A_188, %lt3A : i32
      %convert_element_type3A = arith.extui %lt3A_189 : i1 to i32
      %cond3A = arith.constant 0 : i32
      %cond3A_190 = arith.cmpi ne, %convert_element_type3A, %cond3A : i32
      scf.if %cond3A_190 {
        %add3A_191 = arith.constant 6 : i32
        %add3A_192 = arith.addi %add3A_176, %add3A_191 : i32
        %sub3A = arith.constant 1 : i32
        %sub3A_193 = arith.subi %add3A_192, %sub3A : i32
        %rem3A_194 = arith.constant 6 : i32
        %rem3A_195 = arith.remsi %sub3A_193, %rem3A_194 : i32
        %dma_start3A_196 = arith.constant 0 : i32
        %dma_start3A_197 = arith.constant 0 : i32
        %dma_start3A_198 = tpu.memref_slice %arg8[%rem3A_195, %dma_start3A_196, %dma_start3A_197] : memref<6x128x16xf32, #tpu.memory_space<vmem>> -> memref<1x128x16xf32, #tpu.memory_space<vmem>>
        %dma_start3A_199 = tpu.memref_squeeze %dma_start3A_198 : memref<1x128x16xf32, #tpu.memory_space<vmem>> -> memref<128x16xf32, #tpu.memory_space<vmem>>
        %dma_start3A_200 = arith.constant 0 : i32
        %dma_start3A_201 = tpu.memref_slice %arg6[%sub3A_193, %dma_start3A_200] : memref<80x128xi32, #tpu.memory_space<vmem>> -> memref<1x128xi32, #tpu.memory_space<vmem>>
        %dma_start3A_202 = tpu.memref_squeeze %dma_start3A_201 : memref<1x128xi32, #tpu.memory_space<vmem>> -> memref<128xi32, #tpu.memory_space<vmem>>
        %dma_start3A_203 = arith.constant 0 : i32
        %dma_start3A_204 = arith.constant 0 : i32
        %dma_start3A_205 = tpu.memref_slice %arg4[%dma_start3A_203, %dma_start3A_204] : memref<10240x16xf32, #tpu.memory_space<hbm>> -> memref<10240x16xf32, #tpu.memory_space<hbm>>
        tpu.enqueue_indirect_dma source(%dma_start3A_205 : memref<10240x16xf32, #tpu.memory_space<hbm>>) target(%dma_start3A_199 : memref<128x16xf32, #tpu.memory_space<vmem>>) offsets(%dma_start3A_202 : memref<128xi32, #tpu.memory_space<vmem>>) semaphore(%arg11 : memref<!tpu.dma_semaphore, #tpu.memory_space<semaphore_mem>>)
      } else {
      }
    }
    %scan3A_164 = arith.constant 80 : i32
    %barrier3A_165 = arith.constant 0 : index
    tpu.barrier barrier_id(%barrier3A_165)
    %scan3A_166 = arith.constant 0 : i32
    %scan3A_167 = arith.constant 0 : i32
    %scan3A_168 = arith.constant 5 : i32
    %scan3A_169 = arith.addi %scan3A_167, %scan3A_168 : i32
    %scan3A_170 = arith.constant 1 : i32
    scf.for %scan3A_172 = %scan3A_167 to %scan3A_169 step %scan3A_170  : i32 {
      %mul3A_173 = arith.constant 1 : i32
      %mul3A_174 = arith.muli %scan3A_172, %mul3A_173 : i32
      %add3A_175 = arith.constant 0 : i32
      %add3A_176 = arith.addi %add3A_175, %mul3A_174 : i32
      %mul3A_177 = arith.constant 640 : i32
      %mul3A_178 = arith.muli %arg1, %mul3A_177 : i32
      %mul3A_179 = arith.constant 128 : i32
      %mul3A_180 = arith.muli %add3A_176, %mul3A_179 : i32
      %add3A_181 = arith.addi %mul3A_178, %mul3A_180 : i32
      "tpu.region"() ({
        %run_scoped3A = tpu.sem_alloc : memref<!tpu.dma_semaphore, #tpu.memory_space<semaphore_mem>>
        %dma_start3A_187 = arith.constant 0 : i32
        %dma_start3A_188 = arith.constant 0 : i32
        %dma_start3A_189 = tpu.memref_slice %arg8[%scan3A_166, %dma_start3A_187, %dma_start3A_188] : memref<6x128x16xf32, #tpu.memory_space<vmem>> -> memref<1x128x16xf32, #tpu.memory_space<vmem>>
        %dma_start3A_190 = tpu.memref_squeeze %dma_start3A_189 : memref<1x128x16xf32, #tpu.memory_space<vmem>> -> memref<128x16xf32, #tpu.memory_space<vmem>>
        %dma_start3A_191 = arith.constant 0 : i32
        %dma_start3A_192 = tpu.memref_slice %arg10[%add3A_181, %dma_start3A_191] : memref<10240x16xf32, #tpu.memory_space<vmem_shared>> -> memref<128x16xf32, #tpu.memory_space<vmem_shared>>
        %dma_start3A_193 = arith.constant 0 : i32
        %dma_start3A_194 = arith.constant 0 : i32
        %dma_start3A_195 = tpu.memref_slice %arg8[%scan3A_166, %dma_start3A_193, %dma_start3A_194] : memref<6x128x16xf32, #tpu.memory_space<vmem>> -> memref<1x128x16xf32, #tpu.memory_space<vmem>>
        %dma_start3A_196 = tpu.memref_squeeze %dma_start3A_195 : memref<1x128x16xf32, #tpu.memory_space<vmem>> -> memref<128x16xf32, #tpu.memory_space<vmem>>
        %dma_start3A_197 = arith.constant 0 : i32
        %dma_start3A_198 = tpu.memref_slice %arg10[%add3A_181, %dma_start3A_197] : memref<10240x16xf32, #tpu.memory_space<vmem_shared>> -> memref<128x16xf32, #tpu.memory_space<vmem_shared>>
        tpu.enqueue_dma source(%dma_start3A_198 : memref<128x16xf32, #tpu.memory_space<vmem_shared>>) target(%dma_start3A_196 : memref<128x16xf32, #tpu.memory_space<vmem>>) target_semaphore(%run_scoped3A : memref<!tpu.dma_semaphore, #tpu.memory_space<semaphore_mem>>)
        %dma_wait3A = arith.constant 0 : i32
        %dma_wait3A_199 = arith.constant 0 : i32
        %dma_wait3A_200 = tpu.memref_slice %arg8[%scan3A_166, %dma_wait3A, %dma_wait3A_199] : memref<6x128x16xf32, #tpu.memory_space<vmem>> -> memref<1x128x16xf32, #tpu.memory_space<vmem>>
        %dma_wait3A_201 = tpu.memref_squeeze %dma_wait3A_200 : memref<1x128x16xf32, #tpu.memory_space<vmem>> -> memref<128x16xf32, #tpu.memory_space<vmem>>
        %dma_wait3A_202 = arith.constant 0 : i32
        %dma_wait3A_203 = tpu.memref_slice %arg10[%add3A_181, %dma_wait3A_202] : memref<10240x16xf32, #tpu.memory_space<vmem_shared>> -> memref<128x16xf32, #tpu.memory_space<vmem_shared>>
        %dma_wait3A_204 = arith.constant 0 : i32
        %dma_wait3A_205 = arith.constant 0 : i32
        %dma_wait3A_206 = tpu.memref_slice %arg8[%scan3A_166, %dma_wait3A_204, %dma_wait3A_205] : memref<6x128x16xf32, #tpu.memory_space<vmem>> -> memref<1x128x16xf32, #tpu.memory_space<vmem>>
        %dma_wait3A_207 = tpu.memref_squeeze %dma_wait3A_206 : memref<1x128x16xf32, #tpu.memory_space<vmem>> -> memref<128x16xf32, #tpu.memory_space<vmem>>
        %dma_wait3A_208 = arith.constant 0 : i32
        %dma_wait3A_209 = tpu.memref_slice %arg10[%add3A_181, %dma_wait3A_208] : memref<10240x16xf32, #tpu.memory_space<vmem_shared>> -> memref<128x16xf32, #tpu.memory_space<vmem_shared>>
        tpu.wait_dma2 semaphore(%run_scoped3A : memref<!tpu.dma_semaphore, #tpu.memory_space<semaphore_mem>>) src(%dma_wait3A_209 : memref<128x16xf32, #tpu.memory_space<vmem_shared>>) dst(%dma_wait3A_207 : memref<128x16xf32, #tpu.memory_space<vmem>>)
        tpu.yield
      }) : () -> ()
      %mul3A_182 = arith.constant 640 : i32
      %mul3A_183 = arith.muli %arg1, %mul3A_182 : i32
      %mul3A_184 = arith.constant 128 : i32
      %mul3A_185 = arith.muli %add3A_176, %mul3A_184 : i32
      %add3A_186 = arith.addi %mul3A_183, %mul3A_185 : i32
      "tpu.region"() ({
        %run_scoped3A = tpu.sem_alloc : memref<!tpu.dma_semaphore, #tpu.memory_space<semaphore_mem>>
        %dma_start3A_187 = arith.constant 0 : i32
        %dma_start3A_188 = arith.constant 0 : i32
        %dma_start3A_189 = tpu.memref_slice %arg8[%scan3A_166, %dma_start3A_187, %dma_start3A_188] : memref<6x128x16xf32, #tpu.memory_space<vmem>> -> memref<1x128x16xf32, #tpu.memory_space<vmem>>
        %dma_start3A_190 = tpu.memref_squeeze %dma_start3A_189 : memref<1x128x16xf32, #tpu.memory_space<vmem>> -> memref<128x16xf32, #tpu.memory_space<vmem>>
        %dma_start3A_191 = arith.constant 0 : i32
        %dma_start3A_192 = tpu.memref_slice %arg5[%arg0, %add3A_186, %dma_start3A_191] : memref<2x10240x16xf32, #tpu.memory_space<hbm>> -> memref<1x128x16xf32, #tpu.memory_space<hbm>>
        %dma_start3A_193 = tpu.memref_squeeze %dma_start3A_192 : memref<1x128x16xf32, #tpu.memory_space<hbm>> -> memref<128x16xf32, #tpu.memory_space<hbm>>
        %dma_start3A_194 = arith.constant 0 : i32
        %dma_start3A_195 = tpu.memref_slice %arg5[%arg0, %add3A_186, %dma_start3A_194] : memref<2x10240x16xf32, #tpu.memory_space<hbm>> -> memref<1x128x16xf32, #tpu.memory_space<hbm>>
        %dma_start3A_196 = tpu.memref_squeeze %dma_start3A_195 : memref<1x128x16xf32, #tpu.memory_space<hbm>> -> memref<128x16xf32, #tpu.memory_space<hbm>>
        %dma_start3A_197 = arith.constant 0 : i32
        %dma_start3A_198 = arith.constant 0 : i32
        %dma_start3A_199 = tpu.memref_slice %arg8[%scan3A_166, %dma_start3A_197, %dma_start3A_198] : memref<6x128x16xf32, #tpu.memory_space<vmem>> -> memref<1x128x16xf32, #tpu.memory_space<vmem>>
        %dma_start3A_200 = tpu.memref_squeeze %dma_start3A_199 : memref<1x128x16xf32, #tpu.memory_space<vmem>> -> memref<128x16xf32, #tpu.memory_space<vmem>>
        tpu.enqueue_dma source(%dma_start3A_200 : memref<128x16xf32, #tpu.memory_space<vmem>>) target(%dma_start3A_196 : memref<128x16xf32, #tpu.memory_space<hbm>>) target_semaphore(%run_scoped3A : memref<!tpu.dma_semaphore, #tpu.memory_space<semaphore_mem>>)
        %dma_wait3A = arith.constant 0 : i32
        %dma_wait3A_201 = arith.constant 0 : i32
        %dma_wait3A_202 = tpu.memref_slice %arg8[%scan3A_166, %dma_wait3A, %dma_wait3A_201] : memref<6x128x16xf32, #tpu.memory_space<vmem>> -> memref<1x128x16xf32, #tpu.memory_space<vmem>>
        %dma_wait3A_203 = tpu.memref_squeeze %dma_wait3A_202 : memref<1x128x16xf32, #tpu.memory_space<vmem>> -> memref<128x16xf32, #tpu.memory_space<vmem>>
        %dma_wait3A_204 = arith.constant 0 : i32
        %dma_wait3A_205 = tpu.memref_slice %arg5[%arg0, %add3A_186, %dma_wait3A_204] : memref<2x10240x16xf32, #tpu.memory_space<hbm>> -> memref<1x128x16xf32, #tpu.memory_space<hbm>>
        %dma_wait3A_206 = tpu.memref_squeeze %dma_wait3A_205 : memref<1x128x16xf32, #tpu.memory_space<hbm>> -> memref<128x16xf32, #tpu.memory_space<hbm>>
        %dma_wait3A_207 = arith.constant 0 : i32
        %dma_wait3A_208 = tpu.memref_slice %arg5[%arg0, %add3A_186, %dma_wait3A_207] : memref<2x10240x16xf32, #tpu.memory_space<hbm>> -> memref<1x128x16xf32, #tpu.memory_space<hbm>>
        %dma_wait3A_209 = tpu.memref_squeeze %dma_wait3A_208 : memref<1x128x16xf32, #tpu.memory_space<hbm>> -> memref<128x16xf32, #tpu.memory_space<hbm>>
        %dma_wait3A_210 = arith.constant 0 : i32
        %dma_wait3A_211 = arith.constant 0 : i32
        %dma_wait3A_212 = tpu.memref_slice %arg8[%scan3A_166, %dma_wait3A_210, %dma_wait3A_211] : memref<6x128x16xf32, #tpu.memory_space<vmem>> -> memref<1x128x16xf32, #tpu.memory_space<vmem>>
        %dma_wait3A_213 = tpu.memref_squeeze %dma_wait3A_212 : memref<1x128x16xf32, #tpu.memory_space<vmem>> -> memref<128x16xf32, #tpu.memory_space<vmem>>
        tpu.wait_dma2 semaphore(%run_scoped3A : memref<!tpu.dma_semaphore, #tpu.memory_space<semaphore_mem>>) src(%dma_wait3A_213 : memref<128x16xf32, #tpu.memory_space<vmem>>) dst(%dma_wait3A_209 : memref<128x16xf32, #tpu.memory_space<hbm>>)
        tpu.yield
      }) : () -> ()
    }
    %scan3A_171 = arith.constant 5 : i32
    return
  }
}

module attributes {stable_mosaic.version = 14 : i64} {
  func.func @_scale_body(%arg0: memref<2x10240x16xf32, #tpu.memory_space<vmem>>, %arg1: memref<10240x16xf32, #tpu.memory_space<vmem>>, %arg2: memref<10240x16xf32, #tpu.memory_space<vmem>>, %arg3: memref<10240x16xf32, #tpu.memory_space<vmem>>) attributes {dimension_semantics = [], scalar_prefetch = 0 : i64, scratch_operands = 0 : i64, tpu.core_type = #tpu.core_type<tc>} {
    %get3A = arith.constant 0 : index
    %get3A_0 = arith.constant 0 : index
    %get3A_1 = arith.constant 0 : index
    %get3A_2 = vector.load %arg0[%get3A, %get3A_0, %get3A_1] : memref<2x10240x16xf32, #tpu.memory_space<vmem>>, vector<1x10240x16xf32>
    %get3A_3 = vector.shape_cast %get3A_2 : vector<1x10240x16xf32> to vector<10240x16xf32>
    %get3A_4 = arith.constant 1 : index
    %get3A_5 = arith.constant 0 : index
    %get3A_6 = arith.constant 0 : index
    %get3A_7 = vector.load %arg0[%get3A_4, %get3A_5, %get3A_6] : memref<2x10240x16xf32, #tpu.memory_space<vmem>>, vector<1x10240x16xf32>
    %get3A_8 = vector.shape_cast %get3A_7 : vector<1x10240x16xf32> to vector<10240x16xf32>
    %add3A = arith.addf %get3A_3, %get3A_8 : vector<10240x16xf32>
    %add3A_9 = arith.constant 1.000000e+00 : f32
    %add3A_10 = vector.broadcast %add3A_9 : f32 to vector<10240x16xf32>
    %add3A_11 = arith.addf %add3A, %add3A_10 : vector<10240x16xf32>
    %rsqrt3A = math.rsqrt %add3A_11 : vector<10240x16xf32>
    %iota3A = tpu.iota {dimensions = array<i32: 0>} : vector<10240x16xi32>
    %lt3A = arith.constant 10000 : i32
    %lt3A_12 = vector.broadcast %lt3A : i32 to vector<10240x16xi32>
    %lt3A_13 = arith.cmpi slt, %iota3A, %lt3A_12 : vector<10240x16xi32>
    %jit3A = arith.constant 0.000000e+00 : f32
    %broadcast_in_dim3A = vector.broadcast %jit3A : f32 to vector<10240x16xf32>
    %select_n3A = arith.select %lt3A_13, %rsqrt3A, %broadcast_in_dim3A : vector<10240x16xi1>, vector<10240x16xf32>
    %get3A_14 = arith.constant 0 : index
    %get3A_15 = arith.constant 0 : index
    %get3A_16 = vector.load %arg1[%get3A_14, %get3A_15] : memref<10240x16xf32, #tpu.memory_space<vmem>>, vector<10240x16xf32>
    %mul3A = arith.mulf %get3A_16, %select_n3A : vector<10240x16xf32>
    %swap3A = arith.constant 0 : index
    %swap3A_17 = arith.constant 0 : index
    %swap3A_18 = vector.load %arg2[%swap3A, %swap3A_17] : memref<10240x16xf32, #tpu.memory_space<vmem>>, vector<10240x16xf32>
    tpu.vector_store %arg2[%swap3A, %swap3A_17], %mul3A {strides = array<i32>} : memref<10240x16xf32, #tpu.memory_space<vmem>>, vector<10240x16xf32>,
    %swap3A_19 = arith.constant 0 : index
    %swap3A_20 = arith.constant 0 : index
    %swap3A_21 = vector.load %arg3[%swap3A_19, %swap3A_20] : memref<10240x16xf32, #tpu.memory_space<vmem>>, vector<10240x16xf32>
    tpu.vector_store %arg3[%swap3A_19, %swap3A_20], %select_n3A {strides = array<i32>} : memref<10240x16xf32, #tpu.memory_space<vmem>>, vector<10240x16xf32>,
    return
  }
}

module attributes {stable_mosaic.version = 14 : i64} {
  func.func @_layer12_body(%arg0: i32, %arg1: memref<2x2560x16xf32, #tpu.memory_space<vmem>>, %arg2: memref<2560x16xf32, #tpu.memory_space<vmem>>, %arg3: memref<2560x16xf32, #tpu.memory_space<vmem>>, %arg4: memref<16x128xf32, #tpu.memory_space<vmem>>, %arg5: memref<1x128xf32, #tpu.memory_space<vmem>>, %arg6: memref<128x128xf32, #tpu.memory_space<vmem>>, %arg7: memref<2560x128xf32, #tpu.memory_space<vmem>>) attributes {dimension_semantics = [#tpu.dimension_semantics<arbitrary>], iteration_bounds = array<i64: 4>, scalar_prefetch = 0 : i64, scratch_operands = 0 : i64, tpu.core_type = #tpu.core_type<tc>, window_params = [{transform_indices = @transform_0, window_bounds = array<i64: 2, 2560, 16>}, {transform_indices = @transform_1, window_bounds = array<i64: 2560, 16>}, {transform_indices = @transform_2, window_bounds = array<i64: 2560, 16>}, {pipeline_mode = #tpu.pipeline_mode<synchronous>, transform_indices = @transform_3, window_bounds = array<i64: 16, 128>}, {pipeline_mode = #tpu.pipeline_mode<synchronous>, transform_indices = @transform_4, window_bounds = array<i64: 1, 128>}, {pipeline_mode = #tpu.pipeline_mode<synchronous>, transform_indices = @transform_5, window_bounds = array<i64: 128, 128>}, {transform_indices = @transform_6, window_bounds = array<i64: 2560, 128>}]} {
    %get3A = arith.constant 0 : index
    %get3A_0 = arith.constant 0 : index
    %get3A_1 = vector.load %arg3[%get3A, %get3A_0] : memref<2560x16xf32, #tpu.memory_space<vmem>>, vector<2560x16xf32>
    %get3A_2 = arith.constant 0 : index
    %get3A_3 = arith.constant 0 : index
    %get3A_4 = arith.constant 0 : index
    %get3A_5 = vector.load %arg1[%get3A_2, %get3A_3, %get3A_4] : memref<2x2560x16xf32, #tpu.memory_space<vmem>>, vector<1x2560x16xf32>
    %get3A_6 = vector.shape_cast %get3A_5 : vector<1x2560x16xf32> to vector<2560x16xf32>
    %get3A_7 = arith.constant 1 : index
    %get3A_8 = arith.constant 0 : index
    %get3A_9 = arith.constant 0 : index
    %get3A_10 = vector.load %arg1[%get3A_7, %get3A_8, %get3A_9] : memref<2x2560x16xf32, #tpu.memory_space<vmem>>, vector<1x2560x16xf32>
    %get3A_11 = vector.shape_cast %get3A_10 : vector<1x2560x16xf32> to vector<2560x16xf32>
    %add3A = arith.addf %get3A_6, %get3A_11 : vector<2560x16xf32>
    %get3A_12 = arith.constant 0 : index
    %get3A_13 = arith.constant 0 : index
    %get3A_14 = vector.load %arg2[%get3A_12, %get3A_13] : memref<2560x16xf32, #tpu.memory_space<vmem>>, vector<2560x16xf32>
    %add3A_15 = arith.addf %add3A, %get3A_14 : vector<2560x16xf32>
    %mul3A = arith.mulf %get3A_1, %add3A_15 : vector<2560x16xf32>
    %get3A_16 = arith.constant 0 : index
    %get3A_17 = arith.constant 0 : index
    %get3A_18 = vector.load %arg4[%get3A_16, %get3A_17] : memref<16x128xf32, #tpu.memory_space<vmem>>, vector<16x128xf32>
    %dot_general3A = arith.constant dense<0.000000e+00> : vector<2560x128xf32>
    %dot_general3A_19 = tpu.matmul %mul3A, %get3A_18, %dot_general3A {dimension_numbers = #tpu.dot_dimension_numbers<[1], [0], [0], [1], [0, 0, 1, 1], [], []>, transpose_lhs_hint = false} : vector<2560x16xf32>, vector<16x128xf32>, vector<2560x128xf32> -> vector<2560x128xf32>
    %get3A_20 = arith.constant 0 : index
    %get3A_21 = arith.constant 0 : index
    %get3A_22 = vector.load %arg5[%get3A_20, %get3A_21] : memref<1x128xf32, #tpu.memory_space<vmem>>, vector<1x128xf32>
    %add3A_23 = vector.broadcast %get3A_22 : vector<1x128xf32> to vector<2560x128xf32>
    %add3A_24 = arith.addf %dot_general3A_19, %add3A_23 : vector<2560x128xf32>
    %max3A = arith.constant 0.000000e+00 : f32
    %max3A_25 = vector.broadcast %max3A : f32 to vector<2560x128xf32>
    %max3A_26 = arith.maximumf %add3A_24, %max3A_25 : vector<2560x128xf32>
    %get3A_27 = arith.constant 0 : index
    %get3A_28 = arith.constant 0 : index
    %get3A_29 = vector.load %arg6[%get3A_27, %get3A_28] : memref<128x128xf32, #tpu.memory_space<vmem>>, vector<128x128xf32>
    %dot_general3A_30 = arith.constant dense<0.000000e+00> : vector<2560x128xf32>
    %dot_general3A_31 = tpu.matmul %max3A_26, %get3A_29, %dot_general3A_30 {dimension_numbers = #tpu.dot_dimension_numbers<[1], [0], [0], [1], [0, 0, 1, 1], [], []>, transpose_lhs_hint = false} : vector<2560x128xf32>, vector<128x128xf32>, vector<2560x128xf32> -> vector<2560x128xf32>
    %get3A_32 = arith.constant 0 : index
    %get3A_33 = arith.constant 0 : index
    %get3A_34 = vector.load %arg3[%get3A_32, %get3A_33] : memref<2560x16xf32, #tpu.memory_space<vmem>>, vector<2560x1xf32>
    %mul3A_35 = vector.broadcast %get3A_34 : vector<2560x1xf32> to vector<2560x128xf32>
    %mul3A_36 = arith.mulf %dot_general3A_31, %mul3A_35 : vector<2560x128xf32>
    %swap3A = arith.constant 0 : index
    %swap3A_37 = arith.constant 0 : index
    %swap3A_38 = vector.load %arg7[%swap3A, %swap3A_37] : memref<2560x128xf32, #tpu.memory_space<vmem>>, vector<2560x128xf32>
    tpu.vector_store %arg7[%swap3A, %swap3A_37], %mul3A_36 {strides = array<i32>} : memref<2560x128xf32, #tpu.memory_space<vmem>>, vector<2560x128xf32>,
    return
  }
  func.func @transform_0(%arg0: i32) -> (i32, i32, i32) {
    %c0_i32 = arith.constant 0 : i32
    %c0_i32_0 = arith.constant 0 : i32
    %c0_i32_1 = arith.constant 0 : i32
    return %c0_i32, %arg0, %c0_i32_0 : i32, i32, i32
  }
  func.func @transform_1(%arg0: i32) -> (i32, i32) {
    %c0_i32 = arith.constant 0 : i32
    %c0_i32_0 = arith.constant 0 : i32
    return %arg0, %c0_i32 : i32, i32
  }
  func.func @transform_2(%arg0: i32) -> (i32, i32) {
    %c0_i32 = arith.constant 0 : i32
    %c0_i32_0 = arith.constant 0 : i32
    return %arg0, %c0_i32 : i32, i32
  }
  func.func @transform_3(%arg0: i32) -> (i32, i32) {
    %c0_i32 = arith.constant 0 : i32
    %c0_i32_0 = arith.constant 0 : i32
    %c0_i32_1 = arith.constant 0 : i32
    return %c0_i32, %c0_i32_0 : i32, i32
  }
  func.func @transform_4(%arg0: i32) -> (i32, i32) {
    %c0_i32 = arith.constant 0 : i32
    %c0_i32_0 = arith.constant 0 : i32
    %c0_i32_1 = arith.constant 0 : i32
    return %c0_i32, %c0_i32_0 : i32, i32
  }
  func.func @transform_5(%arg0: i32) -> (i32, i32) {
    %c0_i32 = arith.constant 0 : i32
    %c0_i32_0 = arith.constant 0 : i32
    %c0_i32_1 = arith.constant 0 : i32
    return %c0_i32, %c0_i32_0 : i32, i32
  }
  func.func @transform_6(%arg0: i32) -> (i32, i32) {
    %c0_i32 = arith.constant 0 : i32
    %c0_i32_0 = arith.constant 0 : i32
    return %arg0, %c0_i32 : i32, i32
  }
}

module attributes {stable_mosaic.version = 14 : i64} {
  func.func @_layer23_body(%arg0: i32, %arg1: memref<2x2560x128xf32, #tpu.memory_space<vmem>>, %arg2: memref<2560x128xf32, #tpu.memory_space<vmem>>, %arg3: memref<2560x16xf32, #tpu.memory_space<vmem>>, %arg4: memref<1x128xf32, #tpu.memory_space<vmem>>, %arg5: memref<128x128xf32, #tpu.memory_space<vmem>>, %arg6: memref<128x1xf32, #tpu.memory_space<vmem>>, %arg7: memref<2560x16xf32, #tpu.memory_space<vmem>>) attributes {dimension_semantics = [#tpu.dimension_semantics<arbitrary>], iteration_bounds = array<i64: 4>, scalar_prefetch = 0 : i64, scratch_operands = 0 : i64, tpu.core_type = #tpu.core_type<tc>, window_params = [{transform_indices = @transform_0, window_bounds = array<i64: 2, 2560, 128>}, {transform_indices = @transform_1, window_bounds = array<i64: 2560, 128>}, {transform_indices = @transform_2, window_bounds = array<i64: 2560, 16>}, {pipeline_mode = #tpu.pipeline_mode<synchronous>, transform_indices = @transform_3, window_bounds = array<i64: 1, 128>}, {pipeline_mode = #tpu.pipeline_mode<synchronous>, transform_indices = @transform_4, window_bounds = array<i64: 128, 128>}, {pipeline_mode = #tpu.pipeline_mode<synchronous>, transform_indices = @transform_5, window_bounds = array<i64: 128, 1>}, {transform_indices = @transform_6, window_bounds = array<i64: 2560, 16>}]} {
    %get3A = arith.constant 0 : index
    %get3A_0 = arith.constant 0 : index
    %get3A_1 = vector.load %arg3[%get3A, %get3A_0] : memref<2560x16xf32, #tpu.memory_space<vmem>>, vector<2560x1xf32>
    %get3A_2 = arith.constant 0 : index
    %get3A_3 = arith.constant 0 : index
    %get3A_4 = arith.constant 0 : index
    %get3A_5 = vector.load %arg1[%get3A_2, %get3A_3, %get3A_4] : memref<2x2560x128xf32, #tpu.memory_space<vmem>>, vector<1x2560x128xf32>
    %get3A_6 = vector.shape_cast %get3A_5 : vector<1x2560x128xf32> to vector<2560x128xf32>
    %get3A_7 = arith.constant 1 : index
    %get3A_8 = arith.constant 0 : index
    %get3A_9 = arith.constant 0 : index
    %get3A_10 = vector.load %arg1[%get3A_7, %get3A_8, %get3A_9] : memref<2x2560x128xf32, #tpu.memory_space<vmem>>, vector<1x2560x128xf32>
    %get3A_11 = vector.shape_cast %get3A_10 : vector<1x2560x128xf32> to vector<2560x128xf32>
    %add3A = arith.addf %get3A_6, %get3A_11 : vector<2560x128xf32>
    %get3A_12 = arith.constant 0 : index
    %get3A_13 = arith.constant 0 : index
    %get3A_14 = vector.load %arg2[%get3A_12, %get3A_13] : memref<2560x128xf32, #tpu.memory_space<vmem>>, vector<2560x128xf32>
    %add3A_15 = arith.addf %add3A, %get3A_14 : vector<2560x128xf32>
    %mul3A = vector.broadcast %get3A_1 : vector<2560x1xf32> to vector<2560x128xf32>
    %mul3A_16 = arith.mulf %mul3A, %add3A_15 : vector<2560x128xf32>
    %get3A_17 = arith.constant 0 : index
    %get3A_18 = arith.constant 0 : index
    %get3A_19 = vector.load %arg4[%get3A_17, %get3A_18] : memref<1x128xf32, #tpu.memory_space<vmem>>, vector<1x128xf32>
    %add3A_20 = vector.broadcast %get3A_19 : vector<1x128xf32> to vector<2560x128xf32>
    %add3A_21 = arith.addf %mul3A_16, %add3A_20 : vector<2560x128xf32>
    %max3A = arith.constant 0.000000e+00 : f32
    %max3A_22 = vector.broadcast %max3A : f32 to vector<2560x128xf32>
    %max3A_23 = arith.maximumf %add3A_21, %max3A_22 : vector<2560x128xf32>
    %get3A_24 = arith.constant 0 : index
    %get3A_25 = arith.constant 0 : index
    %get3A_26 = vector.load %arg5[%get3A_24, %get3A_25] : memref<128x128xf32, #tpu.memory_space<vmem>>, vector<128x128xf32>
    %get3A_27 = arith.constant 0 : index
    %get3A_28 = arith.constant 0 : index
    %get3A_29 = vector.load %arg6[%get3A_27, %get3A_28] : memref<128x1xf32, #tpu.memory_space<vmem>>, vector<128x1xf32>
    %dot_general3A = arith.constant dense<0.000000e+00> : vector<128x1xf32>
    %dot_general3A_30 = tpu.matmul %get3A_26, %get3A_29, %dot_general3A {dimension_numbers = #tpu.dot_dimension_numbers<[1], [0], [0], [1], [0, 0, 1, 1], [], []>, transpose_lhs_hint = false} : vector<128x128xf32>, vector<128x1xf32>, vector<128x1xf32> -> vector<128x1xf32>
    %dot_general3A_31 = arith.constant dense<0.000000e+00> : vector<2560x1xf32>
    %dot_general3A_32 = tpu.matmul %max3A_23, %dot_general3A_30, %dot_general3A_31 {dimension_numbers = #tpu.dot_dimension_numbers<[1], [0], [0], [1], [0, 0, 1, 1], [], []>, transpose_lhs_hint = false} : vector<2560x128xf32>, vector<128x1xf32>, vector<2560x1xf32> -> vector<2560x1xf32>
    %mul3A_33 = arith.mulf %dot_general3A_32, %get3A_1 : vector<2560x1xf32>
    %broadcast_in_dim3A = vector.shape_cast %mul3A_33 : vector<2560x1xf32> to vector<2560x1xf32>
    %broadcast_in_dim3A_34 = vector.broadcast %broadcast_in_dim3A : vector<2560x1xf32> to vector<2560x16xf32>
    %swap3A = arith.constant 0 : index
    %swap3A_35 = arith.constant 0 : index
    %swap3A_36 = vector.load %arg7[%swap3A, %swap3A_35] : memref<2560x16xf32, #tpu.memory_space<vmem>>, vector<2560x16xf32>
    tpu.vector_store %arg7[%swap3A, %swap3A_35], %broadcast_in_dim3A_34 {strides = array<i32>} : memref<2560x16xf32, #tpu.memory_space<vmem>>, vector<2560x16xf32>,
    return
  }
  func.func @transform_0(%arg0: i32) -> (i32, i32, i32) {
    %c0_i32 = arith.constant 0 : i32
    %c0_i32_0 = arith.constant 0 : i32
    %c0_i32_1 = arith.constant 0 : i32
    return %c0_i32, %arg0, %c0_i32_0 : i32, i32, i32
  }
  func.func @transform_1(%arg0: i32) -> (i32, i32) {
    %c0_i32 = arith.constant 0 : i32
    %c0_i32_0 = arith.constant 0 : i32
    return %arg0, %c0_i32 : i32, i32
  }
  func.func @transform_2(%arg0: i32) -> (i32, i32) {
    %c0_i32 = arith.constant 0 : i32
    %c0_i32_0 = arith.constant 0 : i32
    return %arg0, %c0_i32 : i32, i32
  }
  func.func @transform_3(%arg0: i32) -> (i32, i32) {
    %c0_i32 = arith.constant 0 : i32
    %c0_i32_0 = arith.constant 0 : i32
    %c0_i32_1 = arith.constant 0 : i32
    return %c0_i32, %c0_i32_0 : i32, i32
  }
  func.func @transform_4(%arg0: i32) -> (i32, i32) {
    %c0_i32 = arith.constant 0 : i32
    %c0_i32_0 = arith.constant 0 : i32
    %c0_i32_1 = arith.constant 0 : i32
    return %c0_i32, %c0_i32_0 : i32, i32
  }
  func.func @transform_5(%arg0: i32) -> (i32, i32) {
    %c0_i32 = arith.constant 0 : i32
    %c0_i32_0 = arith.constant 0 : i32
    %c0_i32_1 = arith.constant 0 : i32
    return %c0_i32, %c0_i32_0 : i32, i32
  }
  func.func @transform_6(%arg0: i32) -> (i32, i32) {
    %c0_i32 = arith.constant 0 : i32
    %c0_i32_0 = arith.constant 0 : i32
    return %arg0, %c0_i32 : i32, i32
  }
}

module attributes {stable_mosaic.version = 14 : i64} {
  func.func @_head_body(%arg0: memref<2x10240x16xf32, #tpu.memory_space<vmem>>, %arg1: memref<10240x16xf32, #tpu.memory_space<vmem>>, %arg2: memref<10240x16xf32, #tpu.memory_space<vmem>>, %arg3: memref<10240x1xi32, #tpu.memory_space<vmem>>, %arg4: memref<1x128xf32, #tpu.memory_space<vmem>>, %arg5: memref<128x1xf32, #tpu.memory_space<vmem>>, %arg6: memref<1x1xf32, #tpu.memory_space<vmem>>, %arg7: memref<64x1xf32, #tpu.memory_space<vmem>>) attributes {dimension_semantics = [], scalar_prefetch = 0 : i64, scratch_operands = 0 : i64, tpu.core_type = #tpu.core_type<tc>} {
    %get3A = arith.constant 0 : index
    %get3A_0 = arith.constant 0 : index
    %get3A_1 = vector.load %arg4[%get3A, %get3A_0] : memref<1x128xf32, #tpu.memory_space<vmem>>, vector<1x128xf32>
    %get3A_2 = arith.constant 0 : index
    %get3A_3 = arith.constant 0 : index
    %get3A_4 = vector.load %arg5[%get3A_2, %get3A_3] : memref<128x1xf32, #tpu.memory_space<vmem>>, vector<128x1xf32>
    %dot_general3A = arith.constant dense<0.000000e+00> : vector<1x1xf32>
    %dot_general3A_5 = tpu.matmul %get3A_1, %get3A_4, %dot_general3A {dimension_numbers = #tpu.dot_dimension_numbers<[1], [0], [0], [1], [0, 0, 1, 1], [], []>, transpose_lhs_hint = false} : vector<1x128xf32>, vector<128x1xf32>, vector<1x1xf32> -> vector<1x1xf32>
    %get3A_6 = arith.constant 0 : index
    %get3A_7 = arith.constant 0 : index
    %get3A_8 = vector.load %arg2[%get3A_6, %get3A_7] : memref<10240x16xf32, #tpu.memory_space<vmem>>, vector<10240x1xf32>
    %get3A_9 = arith.constant 0 : index
    %get3A_10 = arith.constant 0 : index
    %get3A_11 = arith.constant 0 : index
    %get3A_12 = vector.load %arg0[%get3A_9, %get3A_10, %get3A_11] : memref<2x10240x16xf32, #tpu.memory_space<vmem>>, vector<1x10240x16xf32>
    %get3A_13 = vector.shape_cast %get3A_12 : vector<1x10240x16xf32> to vector<10240x16xf32>
    %slice3A = vector.extract_strided_slice %get3A_13 {offsets = [0, 0], sizes = [10240, 1], strides = [1, 1]} : vector<10240x16xf32> to vector<10240x1xf32>
    %get3A_14 = arith.constant 1 : index
    %get3A_15 = arith.constant 0 : index
    %get3A_16 = arith.constant 0 : index
    %get3A_17 = vector.load %arg0[%get3A_14, %get3A_15, %get3A_16] : memref<2x10240x16xf32, #tpu.memory_space<vmem>>, vector<1x10240x16xf32>
    %get3A_18 = vector.shape_cast %get3A_17 : vector<1x10240x16xf32> to vector<10240x16xf32>
    %slice3A_19 = vector.extract_strided_slice %get3A_18 {offsets = [0, 0], sizes = [10240, 1], strides = [1, 1]} : vector<10240x16xf32> to vector<10240x1xf32>
    %add3A = arith.addf %slice3A, %slice3A_19 : vector<10240x1xf32>
    %get3A_20 = arith.constant 0 : index
    %get3A_21 = arith.constant 0 : index
    %get3A_22 = vector.load %arg1[%get3A_20, %get3A_21] : memref<10240x16xf32, #tpu.memory_space<vmem>>, vector<10240x1xf32>
    %add3A_23 = arith.addf %add3A, %get3A_22 : vector<10240x1xf32>
    %mul3A = arith.mulf %get3A_8, %add3A_23 : vector<10240x1xf32>
    %add3A_24 = vector.broadcast %dot_general3A_5 : vector<1x1xf32> to vector<10240x1xf32>
    %add3A_25 = arith.addf %mul3A, %add3A_24 : vector<10240x1xf32>
    %get3A_26 = arith.constant 0 : index
    %get3A_27 = arith.constant 0 : index
    %get3A_28 = vector.load %arg3[%get3A_26, %get3A_27] : memref<10240x1xi32, #tpu.memory_space<vmem>>, vector<10240x1xi32>
    %iota3A = tpu.iota {dimensions = array<i32: 1>} : vector<1x64xi32>
    %eq3A = vector.broadcast %get3A_28 : vector<10240x1xi32> to vector<10240x64xi32>
    %eq3A_29 = vector.broadcast %iota3A : vector<1x64xi32> to vector<10240x64xi32>
    %eq3A_30 = arith.cmpi eq, %eq3A, %eq3A_29 : vector<10240x64xi32>
    %convert_element_type3A = arith.extui %eq3A_30 : vector<10240x64xi1> to vector<10240x64xi32>
    %convert_element_type3A_31 = arith.sitofp %convert_element_type3A : vector<10240x64xi32> to vector<10240x64xf32>
    %mul3A_32 = vector.broadcast %add3A_25 : vector<10240x1xf32> to vector<10240x64xf32>
    %mul3A_33 = arith.mulf %convert_element_type3A_31, %mul3A_32 : vector<10240x64xf32>
    %reduce_sum3A = arith.constant dense<0.000000e+00> : vector<64xf32>
    %reduce_sum3A_34 = vector.multi_reduction <add>, %mul3A_33, %reduce_sum3A [0] : vector<10240x64xf32> to vector<64xf32>
    %reduce_sum3A_35 = arith.constant dense<0.000000e+00> : vector<64xf32>
    %reduce_sum3A_36 = vector.multi_reduction <add>, %convert_element_type3A_31, %reduce_sum3A_35 [0] : vector<10240x64xf32> to vector<64xf32>
    %max3A = arith.constant 1.000000e+00 : f32
    %max3A_37 = vector.broadcast %max3A : f32 to vector<64xf32>
    %max3A_38 = arith.maximumf %reduce_sum3A_36, %max3A_37 : vector<64xf32>
    %div3A = arith.divf %reduce_sum3A_34, %max3A_38 : vector<64xf32>
    %broadcast_in_dim3A = vector.shape_cast %div3A : vector<64xf32> to vector<64x1xf32>
    %get3A_39 = arith.constant 0 : index
    %get3A_40 = arith.constant 0 : index
    %get3A_41 = vector.load %arg6[%get3A_39, %get3A_40] : memref<1x1xf32, #tpu.memory_space<vmem>>, vector<1x1xf32>
    %add3A_42 = vector.broadcast %get3A_41 : vector<1x1xf32> to vector<64x1xf32>
    %add3A_43 = arith.addf %broadcast_in_dim3A, %add3A_42 : vector<64x1xf32>
    %swap3A = arith.constant 0 : index
    %swap3A_44 = arith.constant 0 : index
    %swap3A_45 = vector.load %arg7[%swap3A, %swap3A_44] : memref<64x1xf32, #tpu.memory_space<vmem>>, vector<64x1xf32>
    tpu.vector_store %arg7[%swap3A, %swap3A_44], %add3A_43 {strides = array<i32>} : memref<64x1xf32, #tpu.memory_space<vmem>>, vector<64x1xf32>,
    return
  }
}

</mosaic_0001>

<sc_bundles>
// kernel: sc_degree.3.cloned.1.call-start
scs
__scs_entry_jumppad:
0x0: {  	(pc) =	sbr.rel $0x88, $3  }
0x1: {  	(tag) =	ssettag $0x0;
	lr =	simm.s32 $0x1  }
0x2: {  	[smem:$0x3F96] =	sst lr;
	_ =	strace $0xD0000000  }
0x3: {  	_ = 	snop  }
0x4: {  	_ = 	snop  }
0x5: {  	_ = 	snop  }
0x6: {  	_ = 	snop  }
0x7: {  	_ = 	snop  }
__scs_overlays_trampoline_lowered:
0x8: {  	[smem:$0x3FA5] =	sst s0  }
0x9: {  	[smem:$0x3FA6] =	sst s1  }
0xa: {  	[smem:$0x3FA7] =	sst s2  }
0xb: {  	[smem:$0x3FA8] =	sst s3  }
0xc: {  	[smem:$0x3FA9] =	sst s4  }
0xd: {  	[smem:$0x3FAA] =	sst s5  }
0xe: {  	[smem:$0x3FAB] =	sst s6  }
0xf: {  	[smem:$0x3FAC] =	sst s7  }
0x10: {  	[smem:$0x3FAD] =	sst s8  }
0x11: {  	[smem:$0x3FAE] =	sst s9;
	s0 =	simm.s32 @!p0 $0x0  }
0x12: {  	s1 =	sld [smem:$0x3F94];
	s0 =	simm.s32 @p0 $0x1  }
0x13: {  	[smem:$0x3FAF] =	sst s0;
	s0 =	simm.s32 @!p1 $0x0  }
0x14: {  	s2 =	sld [smem:$0x3F93];
	s0 =	simm.s32 @p1 $0x1  }
0x15: {  	[smem:$0x3FB0] =	sst s0;
	s0 =	simm.s32 @!p2 $0x0  }
0x16: {  	s3 =	sld [smem:$0x3FDB];
	s0 =	simm.s32 @p2 $0x1  }
0x17: {  	s4 =	simm.s32 $0x1BF5;
	[smem:$0x3FB2] =	sst s0  }
0x18: {  	s0 =	sld [smem:$0x3F95];
	_ =	swait.ge [sflag:s4], $0x0  }
0x19: {  	s7 =	sld [smem:$0x3F96]  }
0x1a: {  	s8 =	sadd.s32 $0xFFFFE003, lr  }
0x1b: {  	s9 =	sadd.s32 $0xFFFFFEF7, lr;
	s5 =	simm.s32 $0xFFFFFFFF;
	p2 =	slt.u32 s8, $0xFFFFF086  }
0x1c: {  	p1 =	slt.u32 s9, $0xF7A;
	s5 =	simm.s32 @!p2 $0x0  }
0x1d: {  	s5 =	simm.s32 @p1 $0x1;
	p0 =	seq.s32 s7, s2  }
0x1e: {  	s7 =	smul.u32 @!p0 $0xF7A, s2;
	p2 =	seq.s32 @!p0 s5, $0x0  }
0x1f: {  	s9 =	smul.u32 $0xF7A, s1;
	s8 =	simm.s32 @!p0 $0x1BF5;
	p2 =	por !p2, p0  }
0x20: {  	[sflag:s8] =	ssyncset.s32 @!p0 $0xFFFFF086;
	s6 =	sadd.s32 @!p0 s3, s7;
	s7 =	simm.s32 @!p0 $0x108  }
0x21: {  	s3 =	sadd.s32 s3, s9;
	s6 =	sadd.s32 @!p0 $0x88, s6;
	s7 =	simm.s32 @p2 $0x1082  }
0x22: {  	[simem:s7], [sflag:s8] =	dma.local @!p0 [hbm:s6], $0xF7A  }
0x23: {  	s9 =	sor.u32 $0xD0000000, s2;
	s6 =	simm.s32 $0x108;
	_ =	swait.ge @!p0 [sflag:s8], $0x0  }
0x24: {  	s3 =	sadd.s32 $0x88, s3;
	s6 =	simm.s32 @!p1 $0x1082;
	[sflag:s4] =	ssyncset.s32 $0xFFFFF086  }
0x25: {  	[simem:s6], [sflag:s4] =	dma.local [hbm:s3], $0xF7A  }
0x26: {  	[smem:$0x3F96] =	sst s1;
	(tag) =	ssettag s2;
	_ =	strace s9  }
0x27: {  	s1 =	sld [smem:$0x3FA6]  }
0x28: {  	s2 =	sld [smem:$0x3FA7]  }
0x29: {  	s4 =	sld [smem:$0x3FA9]  }
0x2a: {  	p0 =	seq.s32 s5, $0x0;
	s5 =	sld [smem:$0x3FAA]  }
0x2b: {  	s6 =	sld [smem:$0x3FAB]  }
0x2c: {  	s7 =	sld [smem:$0x3FAC]  }
0x2d: {  	s3 =	simm.s32 $0x108;
	s8 =	sld [smem:$0x3FAD]  }
0x2e: {  	s3 =	simm.s32 @!p0 $0x1082;
	s9 =	sld [smem:$0x3FAE]  }
0x2f: {  	lr =	sadd.s32 s0, s3;
	s0 =	sld [smem:$0x3FA5]  }
0x30: {  	s3 =	sld [smem:$0x3FA8]  }
0x31: {  	[smem:$0x3FB1] =	sst s10  }
0x32: {  	s10 =	sld [smem:$0x3FAF];
	_ =	sdelay $0x3  }
0x33: {  	p0 =	seq.s32 s10, $0x1;
	s10 =	sld [smem:$0x3FB1];
	_ =	sdelay $0x3  }
0x34: {  	[smem:$0x3FB1] =	sst s10  }
0x35: {  	s10 =	sld [smem:$0x3FB0];
	_ =	sdelay $0x3  }
0x36: {  	p1 =	seq.s32 s10, $0x1;
	s10 =	sld [smem:$0x3FB1];
	_ =	sdelay $0x3  }
0x37: {  	[smem:$0x3FB1] =	sst s10  }
0x38: {  	s10 =	sld [smem:$0x3FB2]  }
0x39: {  	_ = 	snop;
	(pc) =	sbr.ind lr, $3  }
0x3a: {  	_ = 	snop  }
0x3b: {  	_ = 	snop  }
0x3c: {  	p2 =	seq.s32 s10, $0x1;
	s10 =	sld [smem:$0x3FB1]  }
0x3d: {  	_ =	shalt  }
0x3e: {  	_ =	shalt  }
0x3f: {  	_ =	shalt  }
0x40: {  	_ =	shalt  }
0x41: {  	_ =	shalt  }
0x42: {  	_ =	shalt  }
0x43: {  	_ =	shalt  }
0x44: {  	_ =	shalt  }
0x45: {  	_ =	shalt  }
0x46: {  	_ =	shalt  }
0x47: {  	_ =	shalt  }
0x48: {  	_ =	shalt  }
0x49: {  	_ =	shalt  }
0x4a: {  	_ =	shalt  }
0x4b: {  	_ =	shalt  }
0x4c: {  	_ =	shalt  }
0x4d: {  	_ =	shalt  }
0x4e: {  	_ =	shalt  }
0x4f: {  	_ =	shalt  }
0x50: {  	_ =	shalt  }
0x51: {  	_ =	shalt  }
0x52: {  	_ =	shalt  }
0x53: {  	_ =	shalt  }
0x54: {  	_ =	shalt  }
0x55: {  	_ =	shalt  }
0x56: {  	_ =	shalt  }
0x57: {  	_ =	shalt  }
0x58: {  	_ =	shalt  }
0x59: {  	_ =	shalt  }
0x5a: {  	_ =	shalt  }
0x5b: {  	_ =	shalt  }
0x5c: {  	_ =	shalt  }
0x5d: {  	_ =	shalt  }
0x5e: {  	_ =	shalt  }
0x5f: {  	_ =	shalt  }
0x60: {  	_ =	shalt  }
0x61: {  	_ =	shalt  }
0x62: {  	_ =	shalt  }
0x63: {  	_ =	shalt  }
0x64: {  	_ =	shalt  }
0x65: {  	_ =	shalt  }
0x66: {  	_ =	shalt  }
0x67: {  	_ =	shalt  }
0x68: {  	_ =	shalt  }
0x69: {  	_ =	shalt  }
0x6a: {  	_ =	shalt  }
0x6b: {  	_ =	shalt  }
0x6c: {  	_ =	shalt  }
0x6d: {  	_ =	shalt  }
0x6e: {  	_ =	shalt  }
0x6f: {  	_ =	shalt  }
0x70: {  	_ =	shalt  }
0x71: {  	_ =	shalt  }
0x72: {  	_ =	shalt  }
0x73: {  	_ =	shalt  }
0x74: {  	_ =	shalt  }
0x75: {  	_ =	shalt  }
0x76: {  	_ =	shalt  }
0x77: {  	_ =	shalt  }
0x78: {  	_ =	shalt  }
0x79: {  	_ =	shalt  }
0x7a: {  	_ =	shalt  }
0x7b: {  	_ =	shalt  }
0x7c: {  	_ =	shalt  }
0x7d: {  	_ =	shalt  }
0x7e: {  	_ =	shalt  }
0x7f: {  	_ =	shalt  }
0x80: {  	_ =	shalt  }
0x81: {  	_ =	shalt  }
0x82: {  	_ =	shalt  }
0x83: {  	_ =	shalt  }
0x84: {  	_ =	shalt  }
0x85: {  	_ =	shalt  }
0x86: {  	_ =	shalt  }
0x87: {  	_ =	shalt  }
.Lfunc_end0:
.L_simem_size_0:
called_computation_lowered:
.L_overlay_start_0:
0x88: {  	s2 =	sld [smem:$0x3FD9]  }
0x89: {  	s3 =	sld [smem:$0x3FFE];
	_ =	sdelay $0x1  }
0x8a: {  	s1 =	srdreg.scid  }
0x8b: {  	s0 =	sand.u32 $0x1, s1  }
0x8c: {  	s16 =	sshll.u32 s0, $0xA;
	s2 =	sadd.s32 s3, s2  }
0x8d: {  	s2 =	sadd.s32 s2, s16  }
0x8e: {  	[smem:$0x3FBD] =	sst s2  }
0x8f: {  	_ = 	snop  }
0x90: {  	(tm) =	ssettm $0x1  }
0x91: {  	s17 =	sld [smem:$0x3FFB];
	_ =	sdelay $0x3  }
0x92: {  	_ =	strace s17  }
0x93: {  	s2 =	sld [smem:$0x3FFC];
	_ =	sdelay $0x3  }
0x94: {  	_ =	strace s2  }
0x95: {  	s2 =	sld [smem:$0x3FFD];
	_ =	sdelay $0x3  }
0x96: {  	_ =	strace s2  }
0x97: {  	_ =	strace $0x8FFFFFFF  }
0x98: {  	s18 =	sld [smem:$0x3FDB];
	_ =	sdelay $0x1  }
0x99: {  	s19 =	simm.s32 $_scs_section_size  }
0x9a: {  	s4 =	simm.s32 $_size__tile_overlayer_lowered;
	s5 =	simm.s32 $_tile_overlayer_lowered  }
0x9b: {  	s22 =	simm.s32 $0x1BFF;
	s21 =	sshll.u32 s5, $0x1;
	s2 =	sadd.s32 s19, s18  }
0x9c: {  	s6 =	simm.s32 $0x0;
	s20 =	sshll.u32 s4, $0x1;
	s4 =	sadd.s32 s21, s2  }
0x9d: {  	[timem:s6], [sflag:s22] =	dma.local [hbm:s4], s20  }
0x9e: {  	_ =	swait.ge [sflag:s22], s20  }
0x9f: {  	s3 =	ssub.s32 $0x0, s20;
	[sflag:s22] =	ssyncset.done $0x0  }
0xa0: {  	[sflag:s22] =	ssyncadd.s32 s3;
	_ =	sdelay $0x1  }
0xa1: {  	s23 =	simm.s32 $0x1B8B  }
0xa2: {  	_ =	swait.ge [sflag:s23], $0x1  }
0xa3: {  	[sflag:s23] =	ssyncset.done $0x0  }
0xa4: {  	s25 =	simm.s32 $0x1B8E;
	s24 =	sld [smem:$0x3FFE];
	[sflag:s23] =	ssyncadd.s32 $0xFFFFFFFF  }
0xa5: {  	s26 =	simm.s32 $execute0_lowered;
	[smem:$0x3FD2] =	sst s25  }
0xa6: {  	s4 =	sshll.u32 s26, $0x1;
	_ =	strace $0x80000046;
	[dreg:$0x1] =	wrdreg $0xFFFFFFFF  }
0xa7: {  	s28 =	simm.s32 $_size_execute0_lowered;
	s2 =	sadd.s32 s2, s4;
	[dreg:$0x0] =	wrdreg $0x0  }
0xa8: {  	s4 =	sshll.u32 s28, $0x1;
	[dreg:$0x2] =	wrdreg s2  }
0xa9: {  	[dreg:$0x3] =	wrdreg s4  }
0xaa: {  	[dreg:$0x4] =	wrdreg $0xC0  }
0xab: {  	_ =	task [dreg:s6], $0x5FFFF  }
0xac: {  	[dreg:$0x1] =	wrdreg $0xFFFFFFFF  }
0xad: {  	[dreg:$0x0] =	wrdreg $0x60  }
0xae: {  	[dreg:$0x2] =	wrdreg s24  }
0xaf: {  	[dreg:$0x3] =	wrdreg $0x70000  }
0xb0: {  	[dreg:$0x4] =	wrdreg $0x9  }
0xb1: {  	_ =	task.clear_ibuf [dreg:s6], $0x5FFFF;
	_ =	strace $0x90000046  }
0xb2: {  	s29 =	simm.s32 $0x9;
	_ =	strace $0x80000048  }
0xb3: {  	_ =	swait.ge [sflag:s29], $0x1  }
0xb4: {  	[sflag:s29] =	ssyncadd.s32 $0xFFFFFFFF  }
0xb5: {  	_ =	strace $0x90000048  }
0xb6: {  	_ =	sfence  }
0xb7: {  	s30 =	sld [smem:$0x0];
	_ =	sdelay $0x2  }
0xb8: {  	s31 =	sshll.u32 s1, $0xD;
	s1 =	sshrl.u32 s1, $0x2  }
0xb9: {  	s3 =	sand.u32 $0x4000, s31;
	s1 =	sadd.s32 s1, s30  }
0xba: {  	s0 =	sor.u32 s3, s0;
	s1 =	sshll.u32 s1, $0x11  }
0xbb: {  	s0 =	sor.u32 s1, s0  }
0xbc: {  	s0 =	sadd.s32 $0x8F2B, s0  }
0xbd: {  	[sflag:s0] =	ssyncadd.remote.s32 $0x1  }
0xbe: {  	_ =	sfence.sel $0xFFFF  }
0xbf: {  	[dreg:$0x0] =	wrdreg $0xFFFFFFFF;
	(pc) =	sbr.abs _section_cstart, $3  }
0xc0: {  	[dreg:$0x1] =	wrdreg $0xFFFFFFFF  }
0xc1: {  	_ =	task.clear_ibuf [dreg:s6], $0x2FFFF;
	_ =	strace $0x9FFFFFFF  }
0xc2: {  	(tm) =	ssettm $0x7FFFFFFF  }
0xc3: {  	_ =	shalt  }
tec
execute0_lowered:
.L_overlay_start_1:
0x0: {  	(tag) =	ssettag $0x1  }
0x1: {  	s0 =	srdreg.scid;
	s4 =	rddreg [dreg:$0x0]  }
0x2: {  	s2 =	rddreg [dreg:$0x1];
	s1 =	stileid.u32  }
0x3: {  	s3 =	simm.s32 $0x0;
	s18 =	simm.s32 $0x80;
	s19 =	simm.s32 $0x2800  }
0x4: {  	s5 =	sand.u32 $0x1, s0;
	s0 =	rddreg [dreg:$0x2];
	s7 =	smul.u32 $0x50000, s1  }
0x5: {  	s20 =	simm.s32 $0x0;
	[smem:$0x7FF] =	sst s3;
	s12 =	smul.u32 $0x14000, s1  }
0x6: {  	s15 =	sadd.s32 $0x16800, s4;
	s6 =	sshll.u32 s5, $0x4;
	_ =	strace $0x80000047  }
0x7: {  	s8 =	ssub.s32 $0x2, s5;
	s13 =	smul.u32 $0x140000, s5;
	s6 =	sor.u32 s1, s6  }
0x8: {  	s24 =	sshrl.u32 s8, $0x1;
	s7 =	sshrl.u32 s7, $0x2;
	s9 =	sadd.s32 $0x4000, s12  }
0x9: {  	s11 =	sadd.s32 $0x8000, s12;
	s29 =	sadd.s32 $0xC000, s12;
	s17 =	sadd.s32 $0x10000, s12  }
0xa: {  	s6 =	smul.u32 $0x500, s6;
	s8 =	ssub.s32 s8, s24;
	s25 =	sadd.s32 s13, s12  }
0xb: {  	s26 =	sadd.s32 s13, s9;
	s14 =	sadd.s32 s13, s11;
	s16 =	sadd.s32 s13, s29  }
0xc: {  	s12 =	sadd.s32 s29, s2;
	s31 =	sadd.s32 s13, s17;
	s10 =	sshrl.u32 s26, $0x3  }
0xd: {  	s28 =	sshrl.u32 s14, $0x3;
	s30 =	sshrl.u32 s16, $0x3;
	s14 =	sadd.s32 s17, s2  }
0xe: {  	s16 =	sshrl.u32 s31, $0x3;
	s17 =	simm.s32 $0x1;
	s6 =	sadd.s32 s6, s4  }
0xf: {  	s4 =	sadd.s32 s7, s2;
	s7 =	sshrl.u32 s25, $0x3;
	s13 =	sadd.s32 s15, s30  }
0x10: {  	s5 =	sadd.s32 $0xC800, s6;
	s6 =	smax.u32 s8, $0x1;
	s7 =	sadd.s32 s15, s7  }
0x11: {  	s8 =	sadd.s32 s9, s2;
	s9 =	sadd.s32 s15, s10;
	s10 =	sadd.s32 s11, s2  }
0x12: {  	v0 =	vimm.f32 $0.0e+00;
	v1 =	vimm.f32 $1.000000000e+00;
	s11 =	sadd.s32 s15, s28;
	s15 =	sadd.s32 s15, s16;
	s16 =	simm.s32 $0x6800  }
.LBB2_1:
0x13: {  	[tilespmem:$0x6800] =	vst v0  }
0x14: {  	[tilespmem:$0x6880] =	vst v0  }
0x15: {  	[tilespmem:$0x6900] =	vst v0  }
0x16: {  	[tilespmem:$0x6980] =	vst v0  }
0x17: {  	[tilespmem:$0x6A00] =	vst v0  }
0x18: {  	[tilespmem:$0x6A80] =	vst v0  }
0x19: {  	[tilespmem:$0x6B00] =	vst v0  }
0x1a: {  	[tilespmem:$0x6B80] =	vst v0  }
0x1b: {  	[tilespmem:$0x6C00] =	vst v0  }
0x1c: {  	[tilespmem:$0x6C80] =	vst v0  }
0x1d: {  	[tilespmem:$0x6D00] =	vst v0  }
0x1e: {  	[tilespmem:$0x6D80] =	vst v0  }
0x1f: {  	[tilespmem:$0x6E00] =	vst v0  }
0x20: {  	[tilespmem:$0x6E80] =	vst v0  }
0x21: {  	[tilespmem:$0x6F00] =	vst v0  }
0x22: {  	[tilespmem:$0x6F80] =	vst v0;
	s21 =	sadd.s32 $0x0, s4  }
0x23: {  	[spmem:s21] =	stream.linear.scatter [tilespmem:s16], [sflag:$0x1], $0x800, $0x38;
	[tilespmem:$0x9800] =	vst v63  }
0x24: {  	s21 =	simm.s32 $0x2000;
	_ =	swait.ge [sflag:s17], $0x800  }
.LBB2_2:
0x25: {  	s22 =	sshra.s32 s21, $0x2;
	[sflag:s17] =	ssyncset.done $0x0;
	p0 =	sne.s32 s21, $0x4E000  }
.Ltmp0:
0x26: {  	s22 =	sadd.s32 s22, s4;
	[sflag:s17] =	ssyncadd.s32 $0xFFFFF800;
	(pc) =	sbr.rel @p0 .LBB2_2-.Ltmp0, $3  }
0x27: {  	[spmem:s22] =	stream.linear.scatter [tilespmem:s16], [sflag:$0x1], $0x800, $0x38;
	[tilespmem:$0x9800] =	vst v63  }
0x28: {  	s21 =	sadd.s32 $0x2000, s21;
	_ =	sdelay $0x1  }
0x29: {  	_ =	swait.ge [sflag:s17], $0x800  }
0x2a: {  	[sflag:s17] =	ssyncset.done $0x0  }
0x2b: {  	[sflag:s17] =	ssyncadd.s32 $0xFFFFF800  }
0x2c: {  	[tilespmem:$0x2800] =	vst v1  }
0x2d: {  	[tilespmem:$0x2880] =	vst v1  }
0x2e: {  	[tilespmem:$0x2900] =	vst v1  }
0x2f: {  	[tilespmem:$0x2980] =	vst v1  }
0x30: {  	[tilespmem:$0x2A00] =	vst v1  }
0x31: {  	[tilespmem:$0x2A80] =	vst v1  }
0x32: {  	[tilespmem:$0x2B00] =	vst v1  }
0x33: {  	[tilespmem:$0x2B80] =	vst v1  }
0x34: {  	[tilespmem:$0x2C00] =	vst v1  }
0x35: {  	[tilespmem:$0x2C80] =	vst v1  }
0x36: {  	[tilespmem:$0x2D00] =	vst v1  }
0x37: {  	[tilespmem:$0x2D80] =	vst v1  }
0x38: {  	[tilespmem:$0x2E00] =	vst v1  }
0x39: {  	[tilespmem:$0x2E80] =	vst v1  }
0x3a: {  	[tilespmem:$0x2F00] =	vst v1  }
0x3b: {  	[tilespmem:$0x2F80] =	vst v1  }
0x3c: {  	[tilespmem:$0x3000] =	vst v1  }
0x3d: {  	[tilespmem:$0x3080] =	vst v1  }
0x3e: {  	[tilespmem:$0x3100] =	vst v1  }
0x3f: {  	[tilespmem:$0x3180] =	vst v1  }
0x40: {  	[tilespmem:$0x3200] =	vst v1  }
0x41: {  	[tilespmem:$0x3280] =	vst v1  }
0x42: {  	[tilespmem:$0x3300] =	vst v1  }
0x43: {  	[tilespmem:$0x3380] =	vst v1  }
0x44: {  	[tilespmem:$0x3400] =	vst v1  }
0x45: {  	[tilespmem:$0x3480] =	vst v1  }
0x46: {  	[tilespmem:$0x3500] =	vst v1  }
0x47: {  	[tilespmem:$0x3580] =	vst v1  }
0x48: {  	[tilespmem:$0x3600] =	vst v1  }
0x49: {  	[tilespmem:$0x3680] =	vst v1  }
0x4a: {  	[tilespmem:$0x3700] =	vst v1  }
0x4b: {  	[tilespmem:$0x3780] =	vst v1  }
0x4c: {  	[tilespmem:$0x3800] =	vst v1  }
0x4d: {  	[tilespmem:$0x3880] =	vst v1  }
0x4e: {  	[tilespmem:$0x3900] =	vst v1  }
0x4f: {  	[tilespmem:$0x3980] =	vst v1  }
0x50: {  	[tilespmem:$0x3A00] =	vst v1  }
0x51: {  	[tilespmem:$0x3A80] =	vst v1  }
0x52: {  	[tilespmem:$0x3B00] =	vst v1  }
0x53: {  	[tilespmem:$0x3B80] =	vst v1  }
0x54: {  	[tilespmem:$0x3C00] =	vst v1  }
0x55: {  	[tilespmem:$0x3C80] =	vst v1  }
0x56: {  	[tilespmem:$0x3D00] =	vst v1  }
0x57: {  	[tilespmem:$0x3D80] =	vst v1  }
0x58: {  	[tilespmem:$0x3E00] =	vst v1  }
0x59: {  	[tilespmem:$0x3E80] =	vst v1  }
0x5a: {  	[tilespmem:$0x3F00] =	vst v1  }
0x5b: {  	[tilespmem:$0x3F80] =	vst v1  }
0x5c: {  	[tilespmem:$0x4000] =	vst v1  }
0x5d: {  	[tilespmem:$0x4080] =	vst v1  }
0x5e: {  	[tilespmem:$0x4100] =	vst v1  }
0x5f: {  	[tilespmem:$0x4180] =	vst v1  }
0x60: {  	[tilespmem:$0x4200] =	vst v1  }
0x61: {  	[tilespmem:$0x4280] =	vst v1  }
0x62: {  	[tilespmem:$0x4300] =	vst v1  }
0x63: {  	[tilespmem:$0x4380] =	vst v1  }
0x64: {  	[tilespmem:$0x4400] =	vst v1  }
0x65: {  	[tilespmem:$0x4480] =	vst v1  }
0x66: {  	[tilespmem:$0x4500] =	vst v1  }
0x67: {  	[tilespmem:$0x4580] =	vst v1  }
0x68: {  	[tilespmem:$0x4600] =	vst v1  }
0x69: {  	[tilespmem:$0x4680] =	vst v1  }
0x6a: {  	[tilespmem:$0x4700] =	vst v1  }
0x6b: {  	[tilespmem:$0x4780] =	vst v1  }
0x6c: {  	[tilespmem:$0x4800] =	vst v1  }
0x6d: {  	[tilespmem:$0x4880] =	vst v1  }
0x6e: {  	[tilespmem:$0x4900] =	vst v1  }
0x6f: {  	[tilespmem:$0x4980] =	vst v1  }
0x70: {  	[tilespmem:$0x4A00] =	vst v1  }
0x71: {  	[tilespmem:$0x4A80] =	vst v1  }
0x72: {  	[tilespmem:$0x4B00] =	vst v1  }
0x73: {  	[tilespmem:$0x4B80] =	vst v1  }
0x74: {  	[tilespmem:$0x4C00] =	vst v1  }
0x75: {  	[tilespmem:$0x4C80] =	vst v1  }
0x76: {  	[tilespmem:$0x4D00] =	vst v1  }
0x77: {  	[tilespmem:$0x4D80] =	vst v1  }
0x78: {  	[tilespmem:$0x4E00] =	vst v1  }
0x79: {  	[tilespmem:$0x4E80] =	vst v1  }
0x7a: {  	[tilespmem:$0x4F00] =	vst v1  }
0x7b: {  	[tilespmem:$0x4F80] =	vst v1  }
0x7c: {  	[tilespmem:$0x5000] =	vst v1  }
0x7d: {  	[tilespmem:$0x5080] =	vst v1  }
0x7e: {  	[tilespmem:$0x5100] =	vst v1  }
0x7f: {  	[tilespmem:$0x5180] =	vst v1  }
0x80: {  	[tilespmem:$0x5200] =	vst v1  }
0x81: {  	[tilespmem:$0x5280] =	vst v1  }
0x82: {  	[tilespmem:$0x5300] =	vst v1  }
0x83: {  	[tilespmem:$0x5380] =	vst v1  }
0x84: {  	[tilespmem:$0x5400] =	vst v1  }
0x85: {  	[tilespmem:$0x5480] =	vst v1  }
0x86: {  	[tilespmem:$0x5500] =	vst v1  }
0x87: {  	[tilespmem:$0x5580] =	vst v1  }
0x88: {  	[tilespmem:$0x5600] =	vst v1  }
0x89: {  	[tilespmem:$0x5680] =	vst v1  }
0x8a: {  	[tilespmem:$0x5700] =	vst v1  }
0x8b: {  	[tilespmem:$0x5780] =	vst v1  }
0x8c: {  	[tilespmem:$0x5800] =	vst v1  }
0x8d: {  	[tilespmem:$0x5880] =	vst v1  }
0x8e: {  	[tilespmem:$0x5900] =	vst v1  }
0x8f: {  	[tilespmem:$0x5980] =	vst v1  }
0x90: {  	[tilespmem:$0x5A00] =	vst v1  }
0x91: {  	[tilespmem:$0x5A80] =	vst v1  }
0x92: {  	[tilespmem:$0x5B00] =	vst v1  }
0x93: {  	[tilespmem:$0x5B80] =	vst v1  }
0x94: {  	[tilespmem:$0x5C00] =	vst v1  }
0x95: {  	[tilespmem:$0x5C80] =	vst v1  }
0x96: {  	[tilespmem:$0x5D00] =	vst v1  }
0x97: {  	[tilespmem:$0x5D80] =	vst v1  }
0x98: {  	[tilespmem:$0x5E00] =	vst v1  }
0x99: {  	[tilespmem:$0x5E80] =	vst v1  }
0x9a: {  	[tilespmem:$0x5F00] =	vst v1  }
0x9b: {  	[tilespmem:$0x5F80] =	vst v1  }
0x9c: {  	[tilespmem:$0x6000] =	vst v1  }
0x9d: {  	[tilespmem:$0x6080] =	vst v1  }
0x9e: {  	[tilespmem:$0x6100] =	vst v1  }
0x9f: {  	[tilespmem:$0x6180] =	vst v1  }
0xa0: {  	[tilespmem:$0x6200] =	vst v1  }
0xa1: {  	[tilespmem:$0x6280] =	vst v1  }
0xa2: {  	[tilespmem:$0x6300] =	vst v1  }
0xa3: {  	[tilespmem:$0x6380] =	vst v1  }
0xa4: {  	[tilespmem:$0x6400] =	vst v1  }
0xa5: {  	[tilespmem:$0x6480] =	vst v1  }
0xa6: {  	[tilespmem:$0x6500] =	vst v1  }
0xa7: {  	[tilespmem:$0x6580] =	vst v1  }
0xa8: {  	[tilespmem:$0x6600] =	vst v1  }
0xa9: {  	[tilespmem:$0x6680] =	vst v1  }
0xaa: {  	[tilespmem:$0x6700] =	vst v1  }
0xab: {  	s21 =	simm.s32 $0x0;
	[tilespmem:$0x6780] =	vst v1  }
0xac: {  	[tilespmem:s21], [sflag:$0x1] =	stream.linear.gather [hbm4b:s5+s21], $0x2800, $0x38;
	[tilespmem:$0x9800] =	vst v63  }
0xad: {  	_ =	swait.ge [sflag:s17], $0x2800  }
0xae: {  	[sflag:s17] =	ssyncset.done $0x0  }
0xaf: {  	[sflag:s17] =	ssyncadd.s32 $0xFFFFD800  }
0xb0: {  	s31 =	simm.s32 $0x0;
	[bflag:$0x0] =	sbarrier.arrive $0xFFFF  }
0xb1: {  	[spmem:s2] =	stream.indirect.scatter.add.f32 [tilespmem:s19], [sflag:$0x1], $0x10, s31, s18, $0xb8;
	[tilespmem:$0x9800] =	vst v63  }
0xb2: {  	_ =	swait.ge [sflag:s17], $0x800  }
0xb3: {  	s21 =	simm.s32 $0x200;
	[sflag:s17] =	ssyncset.done $0x0  }
.LBB2_4:
0xb4: {  	s22 =	sshra.s32 s21, $0x2;
	[sflag:s17] =	ssyncadd.s32 $0xFFFFF800;
	p0 =	sne.s32 s21, $0x9E00  }
0xb5: {  	[spmem:s2] =	stream.indirect.scatter.add.f32 [tilespmem:s19], [sflag:$0x1], $0x10, s22, s18, $0xb8;
	[tilespmem:$0x9800] =	vst v63  }
.Ltmp1:
0xb6: {  	_ = 	snop;
	(pc) =	sbr.rel @p0 .LBB2_4-.Ltmp1, $4  }
0xb7: {  	_ = 	snop  }
0xb8: {  	s21 =	sadd.s32 $0x200, s21  }
0xb9: {  	_ =	swait.ge [sflag:s17], $0x800  }
0xba: {  	[sflag:s17] =	ssyncset.done $0x0  }
0xbb: {  	[sflag:s17] =	ssyncadd.s32 $0xFFFFF800  }
0xbc: {  	[bflag:$0x0] =	sbarrier.arrive $0xFFFF  }
0xbd: {  	[tilespmem:s19], [sflag:$0x1] =	stream.linear.gather [spmem:s4], $0x4000, $0x38;
	[tilespmem:$0x9800] =	vst v63  }
0xbe: {  	_ =	swait.ge [sflag:s17], $0x4000  }
0xbf: {  	[sflag:s17] =	ssyncset.done $0x0  }
0xc0: {  	[sflag:s17] =	ssyncadd.s32 $0xFFFFC000  }
0xc1: {  	[hbm4b:s7+s3] =	stream.linear.scatter [tilespmem:s19], [sflag:$0x1], $0x4000, $0x38;
	[tilespmem:$0x9800] =	vst v63  }
0xc2: {  	_ =	swait.ge [sflag:s17], $0x4000  }
0xc3: {  	[sflag:s17] =	ssyncset.done $0x0  }
0xc4: {  	[sflag:s17] =	ssyncadd.s32 $0xFFFFC000  }
0xc5: {  	[tilespmem:s19], [sflag:$0x1] =	stream.linear.gather [spmem:s8], $0x4000, $0x38;
	[tilespmem:$0x9800] =	vst v63  }
0xc6: {  	_ =	swait.ge [sflag:s17], $0x4000  }
0xc7: {  	[sflag:s17] =	ssyncset.done $0x0  }
0xc8: {  	[sflag:s17] =	ssyncadd.s32 $0xFFFFC000  }
0xc9: {  	[hbm4b:s9+s3] =	stream.linear.scatter [tilespmem:s19], [sflag:$0x1], $0x4000, $0x38;
	[tilespmem:$0x9800] =	vst v63  }
0xca: {  	_ =	swait.ge [sflag:s17], $0x4000  }
0xcb: {  	[sflag:s17] =	ssyncset.done $0x0  }
0xcc: {  	[sflag:s17] =	ssyncadd.s32 $0xFFFFC000  }
0xcd: {  	[tilespmem:s19], [sflag:$0x1] =	stream.linear.gather [spmem:s10], $0x4000, $0x38;
	[tilespmem:$0x9800] =	vst v63  }
0xce: {  	_ =	swait.ge [sflag:s17], $0x4000  }
0xcf: {  	[sflag:s17] =	ssyncset.done $0x0  }
0xd0: {  	[sflag:s17] =	ssyncadd.s32 $0xFFFFC000  }
0xd1: {  	[hbm4b:s11+s3] =	stream.linear.scatter [tilespmem:s19], [sflag:$0x1], $0x4000, $0x38;
	[tilespmem:$0x9800] =	vst v63  }
0xd2: {  	_ =	swait.ge [sflag:s17], $0x4000  }
0xd3: {  	[sflag:s17] =	ssyncset.done $0x0  }
0xd4: {  	[sflag:s17] =	ssyncadd.s32 $0xFFFFC000  }
0xd5: {  	[tilespmem:s19], [sflag:$0x1] =	stream.linear.gather [spmem:s12], $0x4000, $0x38;
	[tilespmem:$0x9800] =	vst v63  }
0xd6: {  	_ =	swait.ge [sflag:s17], $0x4000  }
0xd7: {  	[sflag:s17] =	ssyncset.done $0x0  }
0xd8: {  	[sflag:s17] =	ssyncadd.s32 $0xFFFFC000  }
0xd9: {  	[hbm4b:s13+s3] =	stream.linear.scatter [tilespmem:s19], [sflag:$0x1], $0x4000, $0x38;
	[tilespmem:$0x9800] =	vst v63  }
0xda: {  	_ =	swait.ge [sflag:s17], $0x4000  }
0xdb: {  	[sflag:s17] =	ssyncset.done $0x0  }
0xdc: {  	[sflag:s17] =	ssyncadd.s32 $0xFFFFC000  }
0xdd: {  	[tilespmem:s19], [sflag:$0x1] =	stream.linear.gather [spmem:s14], $0x4000, $0x38;
	[tilespmem:$0x9800] =	vst v63  }
0xde: {  	s20 =	sadd.s32 $0x1, s20;
	_ =	swait.ge [sflag:s17], $0x4000  }
0xdf: {  	p0 =	sne.s32 s20, s6;
	[sflag:s17] =	ssyncset.done $0x0  }
.Ltmp2:
0xe0: {  	[sflag:s17] =	ssyncadd.s32 $0xFFFFC000;
	(pc) =	sbr.rel @p0 .LBB2_1-.Ltmp2, $4  }
0xe1: {  	[hbm4b:s15+s3] =	stream.linear.scatter [tilespmem:s19], [sflag:$0x1], $0x4000, $0x38;
	[tilespmem:$0x9800] =	vst v63  }
0xe2: {  	_ =	swait.ge [sflag:s17], $0x4000  }
0xe3: {  	[sflag:s17] =	ssyncset.done $0x0  }
0xe4: {  	[sflag:s17] =	ssyncadd.s32 $0xFFFFC000  }
0xe5: {  	_ =	sfence.sel $0x180000  }
0xe6: {  	[bflag:$0x0] =	sbarrier.arrive $0xFFFF  }
0xe7: {  	p0 =	sne.s32 s1, $0x0;
	_ =	strace $0x90000047  }
0xe8: {  	s0 =	sadd.s32 @!p0 $0x100000, s0;
	[bflag:$0x2] =	sbarrier.arrive $0xFFFF  }
0xe9: {  	[sflag:s0] =	ssyncadd.tile.s32 @!p0 $0x1;
	_ =	shalt  }
.Lfunc_end2:
_tile_overlayer_lowered:
.L_overlay_start_2:
0xea: {  	(tag) =	ssettag $0x2  }
0xeb: {  	s0 =	rddreg [dreg:$0x0];
	s2 =	stileid.u32  }
0xec: {  	s1 =	rddreg [dreg:$0x1];
	p0 =	sne.s32 s2, $0x0  }
0xed: {  	s3 =	rddreg [dreg:$0x2];
	[bflag:$0x3] =	sbarrier.arrive $0xFFFF;
	s2 =	simm.s32 @!p0 $0x1C01  }
0xee: {  	[timem:s3], [sflag:s2] =	dma.local @!p0 [hbm:s0], s1  }
0xef: {  	s0 =	simm.s32 @!p0 $0x1  }
0xf0: {  	_ =	swait.ge @!p0 [sflag:s0], s1  }
0xf1: {  	s1 =	ssub.s32 @!p0 $0x0, s1;
	[sflag:s0] =	ssyncset.done @!p0 $0x0  }
0xf2: {  	[sflag:s0] =	ssyncadd.s32 @!p0 s1  }
0xf3: {  	[bflag:$0x3] =	sbarrier.arrive $0xFFFF  }
0xf4: {  	_ =	shalt  }

// kernel: sc_spmm_f128.3.cloned.1.call-start
scs
__scs_entry_jumppad:
0x0: {  	(pc) =	sbr.rel $0x88, $3  }
0x1: {  	(tag) =	ssettag $0x0;
	lr =	simm.s32 $0x1  }
0x2: {  	[smem:$0x3F96] =	sst lr;
	_ =	strace $0xD0000000  }
0x3: {  	_ = 	snop  }
0x4: {  	_ = 	snop  }
0x5: {  	_ = 	snop  }
0x6: {  	_ = 	snop  }
0x7: {  	_ = 	snop  }
__scs_overlays_trampoline_lowered:
0x8: {  	[smem:$0x3FA5] =	sst s0  }
0x9: {  	[smem:$0x3FA6] =	sst s1  }
0xa: {  	[smem:$0x3FA7] =	sst s2  }
0xb: {  	[smem:$0x3FA8] =	sst s3  }
0xc: {  	[smem:$0x3FA9] =	sst s4  }
0xd: {  	[smem:$0x3FAA] =	sst s5  }
0xe: {  	[smem:$0x3FAB] =	sst s6  }
0xf: {  	[smem:$0x3FAC] =	sst s7  }
0x10: {  	[smem:$0x3FAD] =	sst s8  }
0x11: {  	[smem:$0x3FAE] =	sst s9;
	s0 =	simm.s32 @!p0 $0x0  }
0x12: {  	s1 =	sld [smem:$0x3F94];
	s0 =	simm.s32 @p0 $0x1  }
0x13: {  	[smem:$0x3FAF] =	sst s0;
	s0 =	simm.s32 @!p1 $0x0  }
0x14: {  	s2 =	sld [smem:$0x3F93];
	s0 =	simm.s32 @p1 $0x1  }
0x15: {  	[smem:$0x3FB0] =	sst s0;
	s0 =	simm.s32 @!p2 $0x0  }
0x16: {  	s3 =	sld [smem:$0x3FDB];
	s0 =	simm.s32 @p2 $0x1  }
0x17: {  	s4 =	simm.s32 $0x1BF5;
	[smem:$0x3FB2] =	sst s0  }
0x18: {  	s0 =	sld [smem:$0x3F95];
	_ =	swait.ge [sflag:s4], $0x0  }
0x19: {  	s7 =	sld [smem:$0x3F96]  }
0x1a: {  	s8 =	sadd.s32 $0xFFFFE003, lr  }
0x1b: {  	s9 =	sadd.s32 $0xFFFFFEF7, lr;
	s5 =	simm.s32 $0xFFFFFFFF;
	p2 =	slt.u32 s8, $0xFFFFF086  }
0x1c: {  	p1 =	slt.u32 s9, $0xF7A;
	s5 =	simm.s32 @!p2 $0x0  }
0x1d: {  	s5 =	simm.s32 @p1 $0x1;
	p0 =	seq.s32 s7, s2  }
0x1e: {  	s7 =	smul.u32 @!p0 $0xF7A, s2;
	p2 =	seq.s32 @!p0 s5, $0x0  }
0x1f: {  	s9 =	smul.u32 $0xF7A, s1;
	s8 =	simm.s32 @!p0 $0x1BF5;
	p2 =	por !p2, p0  }
0x20: {  	[sflag:s8] =	ssyncset.s32 @!p0 $0xFFFFF086;
	s6 =	sadd.s32 @!p0 s3, s7;
	s7 =	simm.s32 @!p0 $0x108  }
0x21: {  	s3 =	sadd.s32 s3, s9;
	s6 =	sadd.s32 @!p0 $0x88, s6;
	s7 =	simm.s32 @p2 $0x1082  }
0x22: {  	[simem:s7], [sflag:s8] =	dma.local @!p0 [hbm:s6], $0xF7A  }
0x23: {  	s9 =	sor.u32 $0xD0000000, s2;
	s6 =	simm.s32 $0x108;
	_ =	swait.ge @!p0 [sflag:s8], $0x0  }
0x24: {  	s3 =	sadd.s32 $0x88, s3;
	s6 =	simm.s32 @!p1 $0x1082;
	[sflag:s4] =	ssyncset.s32 $0xFFFFF086  }
0x25: {  	[simem:s6], [sflag:s4] =	dma.local [hbm:s3], $0xF7A  }
0x26: {  	[smem:$0x3F96] =	sst s1;
	(tag) =	ssettag s2;
	_ =	strace s9  }
0x27: {  	s1 =	sld [smem:$0x3FA6]  }
0x28: {  	s2 =	sld [smem:$0x3FA7]  }
0x29: {  	s4 =	sld [smem:$0x3FA9]  }
0x2a: {  	p0 =	seq.s32 s5, $0x0;
	s5 =	sld [smem:$0x3FAA]  }
0x2b: {  	s6 =	sld [smem:$0x3FAB]  }
0x2c: {  	s7 =	sld [smem:$0x3FAC]  }
0x2d: {  	s3 =	simm.s32 $0x108;
	s8 =	sld [smem:$0x3FAD]  }
0x2e: {  	s3 =	simm.s32 @!p0 $0x1082;
	s9 =	sld [smem:$0x3FAE]  }
0x2f: {  	lr =	sadd.s32 s0, s3;
	s0 =	sld [smem:$0x3FA5]  }
0x30: {  	s3 =	sld [smem:$0x3FA8]  }
0x31: {  	[smem:$0x3FB1] =	sst s10  }
0x32: {  	s10 =	sld [smem:$0x3FAF];
	_ =	sdelay $0x3  }
0x33: {  	p0 =	seq.s32 s10, $0x1;
	s10 =	sld [smem:$0x3FB1];
	_ =	sdelay $0x3  }
0x34: {  	[smem:$0x3FB1] =	sst s10  }
0x35: {  	s10 =	sld [smem:$0x3FB0];
	_ =	sdelay $0x3  }
0x36: {  	p1 =	seq.s32 s10, $0x1;
	s10 =	sld [smem:$0x3FB1];
	_ =	sdelay $0x3  }
0x37: {  	[smem:$0x3FB1] =	sst s10  }
0x38: {  	s10 =	sld [smem:$0x3FB2]  }
0x39: {  	_ = 	snop;
	(pc) =	sbr.ind lr, $3  }
0x3a: {  	_ = 	snop  }
0x3b: {  	_ = 	snop  }
0x3c: {  	p2 =	seq.s32 s10, $0x1;
	s10 =	sld [smem:$0x3FB1]  }
0x3d: {  	_ =	shalt  }
0x3e: {  	_ =	shalt  }
0x3f: {  	_ =	shalt  }
0x40: {  	_ =	shalt  }
0x41: {  	_ =	shalt  }
0x42: {  	_ =	shalt  }
0x43: {  	_ =	shalt  }
0x44: {  	_ =	shalt  }
0x45: {  	_ =	shalt  }
0x46: {  	_ =	shalt  }
0x47: {  	_ =	shalt  }
0x48: {  	_ =	shalt  }
0x49: {  	_ =	shalt  }
0x4a: {  	_ =	shalt  }
0x4b: {  	_ =	shalt  }
0x4c: {  	_ =	shalt  }
0x4d: {  	_ =	shalt  }
0x4e: {  	_ =	shalt  }
0x4f: {  	_ =	shalt  }
0x50: {  	_ =	shalt  }
0x51: {  	_ =	shalt  }
0x52: {  	_ =	shalt  }
0x53: {  	_ =	shalt  }
0x54: {  	_ =	shalt  }
0x55: {  	_ =	shalt  }
0x56: {  	_ =	shalt  }
0x57: {  	_ =	shalt  }
0x58: {  	_ =	shalt  }
0x59: {  	_ =	shalt  }
0x5a: {  	_ =	shalt  }
0x5b: {  	_ =	shalt  }
0x5c: {  	_ =	shalt  }
0x5d: {  	_ =	shalt  }
0x5e: {  	_ =	shalt  }
0x5f: {  	_ =	shalt  }
0x60: {  	_ =	shalt  }
0x61: {  	_ =	shalt  }
0x62: {  	_ =	shalt  }
0x63: {  	_ =	shalt  }
0x64: {  	_ =	shalt  }
0x65: {  	_ =	shalt  }
0x66: {  	_ =	shalt  }
0x67: {  	_ =	shalt  }
0x68: {  	_ =	shalt  }
0x69: {  	_ =	shalt  }
0x6a: {  	_ =	shalt  }
0x6b: {  	_ =	shalt  }
0x6c: {  	_ =	shalt  }
0x6d: {  	_ =	shalt  }
0x6e: {  	_ =	shalt  }
0x6f: {  	_ =	shalt  }
0x70: {  	_ =	shalt  }
0x71: {  	_ =	shalt  }
0x72: {  	_ =	shalt  }
0x73: {  	_ =	shalt  }
0x74: {  	_ =	shalt  }
0x75: {  	_ =	shalt  }
0x76: {  	_ =	shalt  }
0x77: {  	_ =	shalt  }
0x78: {  	_ =	shalt  }
0x79: {  	_ =	shalt  }
0x7a: {  	_ =	shalt  }
0x7b: {  	_ =	shalt  }
0x7c: {  	_ =	shalt  }
0x7d: {  	_ =	shalt  }
0x7e: {  	_ =	shalt  }
0x7f: {  	_ =	shalt  }
0x80: {  	_ =	shalt  }
0x81: {  	_ =	shalt  }
0x82: {  	_ =	shalt  }
0x83: {  	_ =	shalt  }
0x84: {  	_ =	shalt  }
0x85: {  	_ =	shalt  }
0x86: {  	_ =	shalt  }
0x87: {  	_ =	shalt  }
.Lfunc_end0:
.L_simem_size_0:
called_computation.2_lowered:
.L_overlay_start_0:
0x88: {  	s2 =	sld [smem:$0x3FD9]  }
0x89: {  	s3 =	sld [smem:$0x3FFE];
	_ =	sdelay $0x1  }
0x8a: {  	s1 =	srdreg.scid  }
0x8b: {  	s0 =	sand.u32 $0x1, s1  }
0x8c: {  	s16 =	sshll.u32 s0, $0xA;
	s2 =	sadd.s32 s3, s2  }
0x8d: {  	s2 =	sadd.s32 s2, s16  }
0x8e: {  	[smem:$0x3FBD] =	sst s2  }
0x8f: {  	_ = 	snop  }
0x90: {  	(tm) =	ssettm $0x1  }
0x91: {  	s17 =	sld [smem:$0x3FFB];
	_ =	sdelay $0x3  }
0x92: {  	_ =	strace s17  }
0x93: {  	s2 =	sld [smem:$0x3FFC];
	_ =	sdelay $0x3  }
0x94: {  	_ =	strace s2  }
0x95: {  	s2 =	sld [smem:$0x3FFD];
	_ =	sdelay $0x3  }
0x96: {  	_ =	strace s2  }
0x97: {  	_ =	strace $0x8FFFFFFF  }
0x98: {  	s18 =	sld [smem:$0x3FDB];
	_ =	sdelay $0x1  }
0x99: {  	s19 =	simm.s32 $_scs_section_size  }
0x9a: {  	s4 =	simm.s32 $_size__tile_overlayer_lowered;
	s5 =	simm.s32 $_tile_overlayer_lowered  }
0x9b: {  	s22 =	simm.s32 $0x1BFF;
	s21 =	sshll.u32 s5, $0x1;
	s2 =	sadd.s32 s19, s18  }
0x9c: {  	s6 =	simm.s32 $0x0;
	s20 =	sshll.u32 s4, $0x1;
	s4 =	sadd.s32 s21, s2  }
0x9d: {  	[timem:s6], [sflag:s22] =	dma.local [hbm:s4], s20  }
0x9e: {  	_ =	swait.ge [sflag:s22], s20  }
0x9f: {  	s3 =	ssub.s32 $0x0, s20;
	[sflag:s22] =	ssyncset.done $0x0  }
0xa0: {  	[sflag:s22] =	ssyncadd.s32 s3;
	_ =	sdelay $0x1  }
0xa1: {  	s23 =	simm.s32 $0x1B8B  }
0xa2: {  	_ =	swait.ge [sflag:s23], $0x1  }
0xa3: {  	[sflag:s23] =	ssyncset.done $0x0  }
0xa4: {  	s25 =	simm.s32 $0x1B8E;
	s24 =	sld [smem:$0x3FFE];
	[sflag:s23] =	ssyncadd.s32 $0xFFFFFFFF  }
0xa5: {  	s26 =	simm.s32 $execute0_lowered;
	[smem:$0x3FD2] =	sst s25  }
0xa6: {  	s4 =	sshll.u32 s26, $0x1;
	_ =	strace $0x8000004C;
	[dreg:$0x1] =	wrdreg $0xFFFFFFFF  }
0xa7: {  	s28 =	simm.s32 $_size_execute0_lowered;
	s2 =	sadd.s32 s2, s4;
	[dreg:$0x0] =	wrdreg $0x0  }
0xa8: {  	s4 =	sshll.u32 s28, $0x1;
	[dreg:$0x2] =	wrdreg s2  }
0xa9: {  	[dreg:$0x3] =	wrdreg s4  }
0xaa: {  	[dreg:$0x4] =	wrdreg $0xC0  }
0xab: {  	_ =	task [dreg:s6], $0x5FFFF  }
0xac: {  	[dreg:$0x1] =	wrdreg $0xFFFFFFFF  }
0xad: {  	[dreg:$0x0] =	wrdreg $0x60  }
0xae: {  	[dreg:$0x2] =	wrdreg s24  }
0xaf: {  	[dreg:$0x3] =	wrdreg $0x98000  }
0xb0: {  	[dreg:$0x4] =	wrdreg $0x9  }
0xb1: {  	_ =	task.clear_ibuf [dreg:s6], $0x5FFFF;
	_ =	strace $0x9000004C  }
0xb2: {  	s29 =	simm.s32 $0x9;
	_ =	strace $0x8000004E  }
0xb3: {  	_ =	swait.ge [sflag:s29], $0x1  }
0xb4: {  	[sflag:s29] =	ssyncadd.s32 $0xFFFFFFFF  }
0xb5: {  	_ =	strace $0x9000004E  }
0xb6: {  	_ =	sfence  }
0xb7: {  	s30 =	sld [smem:$0x0];
	_ =	sdelay $0x2  }
0xb8: {  	s31 =	sshll.u32 s1, $0xD;
	s1 =	sshrl.u32 s1, $0x2  }
0xb9: {  	s3 =	sand.u32 $0x4000, s31;
	s1 =	sadd.s32 s1, s30  }
0xba: {  	s0 =	sor.u32 s3, s0;
	s1 =	sshll.u32 s1, $0x11  }
0xbb: {  	s0 =	sor.u32 s1, s0  }
0xbc: {  	s0 =	sadd.s32 $0x8F2B, s0  }
0xbd: {  	[sflag:s0] =	ssyncadd.remote.s32 $0x1  }
0xbe: {  	_ =	sfence.sel $0xFFFF  }
0xbf: {  	[dreg:$0x0] =	wrdreg $0xFFFFFFFF;
	(pc) =	sbr.abs _section_cstart, $3  }
0xc0: {  	[dreg:$0x1] =	wrdreg $0xFFFFFFFF  }
0xc1: {  	_ =	task.clear_ibuf [dreg:s6], $0x2FFFF;
	_ =	strace $0x9FFFFFFF  }
0xc2: {  	(tm) =	ssettm $0x7FFFFFFF  }
0xc3: {  	_ =	shalt  }
tec
execute0_lowered:
.L_overlay_start_1:
0x0: {  	(tag) =	ssettag $0x1  }
0x1: {  	s0 =	rddreg [dreg:$0x0]  }
0x2: {  	s1 =	rddreg [dreg:$0x1];
	s2 =	simm.s32 $0x0;
	s3 =	srdreg.scid  }
0x3: {  	s11 =	stileid.u32;
	s28 =	simm.s32 $0x80;
	s29 =	simm.s32 $0x1000  }
0x4: {  	[smem:$0x7FF] =	sst s2;
	s4 =	sadd.s32 $0x2800, s0;
	s5 =	sadd.s32 $0xC800, s0  }
0x5: {  	s3 =	sand.u32 $0x1, s3;
	s6 =	sadd.s32 $0x16800, s0;
	s9 =	smul.u32 $0x50000, s11  }
0x6: {  	s0 =	sadd.s32 $0x3E800, s0;
	_ =	strace $0x8000004D;
	s7 =	sshll.u32 s3, $0x4  }
0x7: {  	s8 =	ssub.s32 $0x2, s3;
	s3 =	smul.u32 $0x140000, s3;
	s7 =	sor.u32 s11, s7  }
0x8: {  	s10 =	sshrl.u32 s8, $0x1;
	s17 =	sshrl.u32 s9, $0x2;
	s11 =	smul.u32 $0x14000, s11  }
0x9: {  	s7 =	smul.u32 $0x2800, s7;
	s10 =	ssub.s32 s8, s10;
	s8 =	sadd.s32 s17, s1  }
0xa: {  	s10 =	smax.u32 s10, $0x1;
	s20 =	sadd.s32 s3, s11;
	s21 =	sadd.s32 $0x4000, s11  }
0xb: {  	s25 =	sadd.s32 $0x8000, s11;
	s26 =	sadd.s32 $0xC000, s11;
	s11 =	sadd.s32 $0x10000, s11  }
0xc: {  	s18 =	sshrl.u32 s7, $0x3;
	[dreg:$0x5] =	wrdreg s10;
	s10 =	sshrl.u32 s20, $0x3  }
0xd: {  	s15 =	sadd.s32 s3, s21;
	s24 =	sadd.s32 s21, s1;
	s17 =	sadd.s32 s25, s1  }
0xe: {  	s30 =	sadd.s32 s3, s26;
	s21 =	sadd.s32 s11, s1;
	s12 =	sadd.s32 s4, s18  }
0xf: {  	s19 =	sadd.s32 s5, s18;
	s9 =	sor.u32 $0x80, s18;
	[dreg:$0x9] =	wrdreg s24  }
0x10: {  	s22 =	sadd.s32 s0, s10;
	s23 =	sshrl.u32 s15, $0x3;
	[dreg:$0x3] =	wrdreg s12  }
0x11: {  	s31 =	sshrl.u32 s30, $0x3;
	s24 =	simm.s32 $0x3;
	[dreg:$0x4] =	wrdreg s19  }
0x12: {  	s13 =	sadd.s32 s4, s9;
	s9 =	sadd.s32 s5, s9;
	[dreg:$0x8] =	wrdreg s22  }
0x13: {  	s16 =	sadd.s32 s0, s23;
	s19 =	sadd.s32 s26, s1;
	s20 =	sadd.s32 s0, s31  }
0x14: {  	s23 =	simm.s32 $0x9000;
	[dreg:$0x7] =	wrdreg s9;
	s9 =	sadd.s32 s3, s25  }
0x15: {  	s26 =	simm.s32 $0x2;
	s3 =	sadd.s32 s3, s11;
	s9 =	sshrl.u32 s9, $0x3  }
0x16: {  	[dreg:$0x6] =	wrdreg s13;
	s3 =	sshrl.u32 s3, $0x3;
	s18 =	sadd.s32 s0, s9  }
0x17: {  	v0 =	vimm.f32 $0.0e+00;
	s22 =	sadd.s32 s0, s3;
	s0 =	simm.s32 $0x1;
	s3 =	simm.s32 $0x0  }
.LBB2_1:
0x18: {  	[tilespmem:$0x9000] =	vst v0  }
0x19: {  	[tilespmem:$0x9010] =	vst v0  }
0x1a: {  	[tilespmem:$0x9020] =	vst v0  }
0x1b: {  	[tilespmem:$0x9030] =	vst v0  }
0x1c: {  	[tilespmem:$0x9040] =	vst v0  }
0x1d: {  	[tilespmem:$0x9050] =	vst v0  }
0x1e: {  	[tilespmem:$0x9060] =	vst v0  }
0x1f: {  	[tilespmem:$0x9070] =	vst v0  }
0x20: {  	[tilespmem:$0x9080] =	vst v0  }
0x21: {  	[tilespmem:$0x9090] =	vst v0  }
0x22: {  	[tilespmem:$0x90A0] =	vst v0  }
0x23: {  	[tilespmem:$0x90B0] =	vst v0  }
0x24: {  	[tilespmem:$0x90C0] =	vst v0  }
0x25: {  	[tilespmem:$0x90D0] =	vst v0  }
0x26: {  	[tilespmem:$0x90E0] =	vst v0  }
0x27: {  	[tilespmem:$0x90F0] =	vst v0  }
0x28: {  	[tilespmem:$0x9100] =	vst v0  }
0x29: {  	[tilespmem:$0x9110] =	vst v0  }
0x2a: {  	[tilespmem:$0x9120] =	vst v0  }
0x2b: {  	[tilespmem:$0x9130] =	vst v0  }
0x2c: {  	[tilespmem:$0x9140] =	vst v0  }
0x2d: {  	[tilespmem:$0x9150] =	vst v0  }
0x2e: {  	[tilespmem:$0x9160] =	vst v0  }
0x2f: {  	[tilespmem:$0x9170] =	vst v0  }
0x30: {  	[tilespmem:$0x9180] =	vst v0  }
0x31: {  	[tilespmem:$0x9190] =	vst v0  }
0x32: {  	[tilespmem:$0x91A0] =	vst v0  }
0x33: {  	[tilespmem:$0x91B0] =	vst v0  }
0x34: {  	[tilespmem:$0x91C0] =	vst v0  }
0x35: {  	[tilespmem:$0x91D0] =	vst v0  }
0x36: {  	[tilespmem:$0x91E0] =	vst v0  }
0x37: {  	[tilespmem:$0x91F0] =	vst v0  }
0x38: {  	[tilespmem:$0x9200] =	vst v0  }
0x39: {  	[tilespmem:$0x9210] =	vst v0  }
0x3a: {  	[tilespmem:$0x9220] =	vst v0  }
0x3b: {  	[tilespmem:$0x9230] =	vst v0  }
0x3c: {  	[tilespmem:$0x9240] =	vst v0  }
0x3d: {  	[tilespmem:$0x9250] =	vst v0  }
0x3e: {  	[tilespmem:$0x9260] =	vst v0  }
0x3f: {  	[tilespmem:$0x9270] =	vst v0  }
0x40: {  	[tilespmem:$0x9280] =	vst v0  }
0x41: {  	[tilespmem:$0x9290] =	vst v0  }
0x42: {  	[tilespmem:$0x92A0] =	vst v0  }
0x43: {  	[tilespmem:$0x92B0] =	vst v0  }
0x44: {  	[tilespmem:$0x92C0] =	vst v0  }
0x45: {  	[tilespmem:$0x92D0] =	vst v0  }
0x46: {  	[tilespmem:$0x92E0] =	vst v0  }
0x47: {  	[tilespmem:$0x92F0] =	vst v0  }
0x48: {  	[tilespmem:$0x9300] =	vst v0  }
0x49: {  	[tilespmem:$0x9310] =	vst v0  }
0x4a: {  	[tilespmem:$0x9320] =	vst v0  }
0x4b: {  	[tilespmem:$0x9330] =	vst v0  }
0x4c: {  	[tilespmem:$0x9340] =	vst v0  }
0x4d: {  	[tilespmem:$0x9350] =	vst v0  }
0x4e: {  	[tilespmem:$0x9360] =	vst v0  }
0x4f: {  	[tilespmem:$0x9370] =	vst v0  }
0x50: {  	[tilespmem:$0x9380] =	vst v0  }
0x51: {  	[tilespmem:$0x9390] =	vst v0  }
0x52: {  	[tilespmem:$0x93A0] =	vst v0  }
0x53: {  	[tilespmem:$0x93B0] =	vst v0  }
0x54: {  	[tilespmem:$0x93C0] =	vst v0  }
0x55: {  	[tilespmem:$0x93D0] =	vst v0  }
0x56: {  	[tilespmem:$0x93E0] =	vst v0  }
0x57: {  	[tilespmem:$0x93F0] =	vst v0  }
0x58: {  	[tilespmem:$0x9400] =	vst v0  }
0x59: {  	[tilespmem:$0x9410] =	vst v0  }
0x5a: {  	[tilespmem:$0x9420] =	vst v0  }
0x5b: {  	[tilespmem:$0x9430] =	vst v0  }
0x5c: {  	[tilespmem:$0x9440] =	vst v0  }
0x5d: {  	[tilespmem:$0x9450] =	vst v0  }
0x5e: {  	[tilespmem:$0x9460] =	vst v0  }
0x5f: {  	[tilespmem:$0x9470] =	vst v0  }
0x60: {  	[tilespmem:$0x9480] =	vst v0  }
0x61: {  	[tilespmem:$0x9490] =	vst v0  }
0x62: {  	[tilespmem:$0x94A0] =	vst v0  }
0x63: {  	[tilespmem:$0x94B0] =	vst v0  }
0x64: {  	[tilespmem:$0x94C0] =	vst v0  }
0x65: {  	[tilespmem:$0x94D0] =	vst v0  }
0x66: {  	[tilespmem:$0x94E0] =	vst v0  }
0x67: {  	[tilespmem:$0x94F0] =	vst v0  }
0x68: {  	[tilespmem:$0x9500] =	vst v0  }
0x69: {  	[tilespmem:$0x9510] =	vst v0  }
0x6a: {  	[tilespmem:$0x9520] =	vst v0  }
0x6b: {  	[tilespmem:$0x9530] =	vst v0  }
0x6c: {  	[tilespmem:$0x9540] =	vst v0  }
0x6d: {  	[tilespmem:$0x9550] =	vst v0  }
0x6e: {  	[tilespmem:$0x9560] =	vst v0  }
0x6f: {  	[tilespmem:$0x9570] =	vst v0  }
0x70: {  	[tilespmem:$0x9580] =	vst v0  }
0x71: {  	[tilespmem:$0x9590] =	vst v0  }
0x72: {  	[tilespmem:$0x95A0] =	vst v0  }
0x73: {  	[tilespmem:$0x95B0] =	vst v0  }
0x74: {  	[tilespmem:$0x95C0] =	vst v0  }
0x75: {  	[tilespmem:$0x95D0] =	vst v0  }
0x76: {  	[tilespmem:$0x95E0] =	vst v0  }
0x77: {  	[tilespmem:$0x95F0] =	vst v0  }
0x78: {  	[tilespmem:$0x9600] =	vst v0  }
0x79: {  	[tilespmem:$0x9610] =	vst v0  }
0x7a: {  	[tilespmem:$0x9620] =	vst v0  }
0x7b: {  	[tilespmem:$0x9630] =	vst v0  }
0x7c: {  	[tilespmem:$0x9640] =	vst v0  }
0x7d: {  	[tilespmem:$0x9650] =	vst v0  }
0x7e: {  	[tilespmem:$0x9660] =	vst v0  }
0x7f: {  	[tilespmem:$0x9670] =	vst v0  }
0x80: {  	[tilespmem:$0x9680] =	vst v0  }
0x81: {  	[tilespmem:$0x9690] =	vst v0  }
0x82: {  	[tilespmem:$0x96A0] =	vst v0  }
0x83: {  	[tilespmem:$0x96B0] =	vst v0  }
0x84: {  	[tilespmem:$0x96C0] =	vst v0  }
0x85: {  	[tilespmem:$0x96D0] =	vst v0  }
0x86: {  	[tilespmem:$0x96E0] =	vst v0  }
0x87: {  	[tilespmem:$0x96F0] =	vst v0  }
0x88: {  	[tilespmem:$0x9700] =	vst v0  }
0x89: {  	[tilespmem:$0x9710] =	vst v0  }
0x8a: {  	[tilespmem:$0x9720] =	vst v0  }
0x8b: {  	[tilespmem:$0x9730] =	vst v0  }
0x8c: {  	[tilespmem:$0x9740] =	vst v0  }
0x8d: {  	[tilespmem:$0x9750] =	vst v0  }
0x8e: {  	[tilespmem:$0x9760] =	vst v0  }
0x8f: {  	[tilespmem:$0x9770] =	vst v0  }
0x90: {  	[tilespmem:$0x9780] =	vst v0  }
0x91: {  	[tilespmem:$0x9790] =	vst v0  }
0x92: {  	[tilespmem:$0x97A0] =	vst v0  }
0x93: {  	[tilespmem:$0x97B0] =	vst v0  }
0x94: {  	[tilespmem:$0x97C0] =	vst v0  }
0x95: {  	[tilespmem:$0x97D0] =	vst v0  }
0x96: {  	[tilespmem:$0x97E0] =	vst v0  }
0x97: {  	[tilespmem:$0x97F0] =	vst v0;
	s9 =	sadd.s32 $0x0, s8  }
0x98: {  	[spmem:s9] =	stream.linear.scatter [tilespmem:s23], [sflag:$0x3], $0x800, $0x38;
	[tilespmem:$0x1D800] =	vst v63  }
0x99: {  	s9 =	simm.s32 $0x2000;
	_ =	swait.ge [sflag:s24], $0x800  }
.LBB2_2:
0x9a: {  	s10 =	sshra.s32 s9, $0x2;
	[sflag:s24] =	ssyncset.done $0x0;
	p0 =	sne.s32 s9, $0x4E000  }
.Ltmp0:
0x9b: {  	s10 =	sadd.s32 s10, s8;
	[sflag:s24] =	ssyncadd.s32 $0xFFFFF800;
	(pc) =	sbr.rel @p0 .LBB2_2-.Ltmp0, $3  }
0x9c: {  	[spmem:s10] =	stream.linear.scatter [tilespmem:s23], [sflag:$0x3], $0x800, $0x38;
	[tilespmem:$0x1D800] =	vst v63  }
0x9d: {  	s9 =	sadd.s32 $0x2000, s9;
	_ =	sdelay $0x1  }
0x9e: {  	_ =	swait.ge [sflag:s24], $0x800  }
0x9f: {  	[sflag:s24] =	ssyncset.done $0x0  }
0xa0: {  	s25 =	simm.s32 $0x0;
	s9 =	rddreg [dreg:$0x3];
	[sflag:s24] =	ssyncadd.s32 $0xFFFFF800  }
0xa1: {  	[tilespmem:s25], [sflag:$0x2] =	stream.linear.gather [hbm4b:s9+s25], $0x400, $0x38;
	[tilespmem:$0x1D800] =	vst v63  }
0xa2: {  	s15 =	rddreg [dreg:$0x4];
	s10 =	simm.s32 $0x800  }
0xa3: {  	[tilespmem:s10], [sflag:$0x2] =	stream.linear.gather [hbm4b:s15+s25], $0x400, $0x38;
	[tilespmem:$0x1D800] =	vst v63  }
0xa4: {  	[bflag:$0x0] =	sbarrier.arrive $0xFFFF  }
0xa5: {  	_ =	swait.ge [sflag:s26], $0x400  }
0xa6: {  	[sflag:s26] =	ssyncset.done $0x0  }
0xa7: {  	[sflag:s26] =	ssyncadd.s32 $0xFFFFFC00  }
0xa8: {  	_ =	swait.ge [sflag:s26], $0x400  }
0xa9: {  	s14 =	simm.s32 $0x1;
	[sflag:s26] =	ssyncset.done $0x0  }
0xaa: {  	s9 =	sand.u32 $0x7, s14;
	[sflag:s26] =	ssyncadd.s32 $0xFFFFFC00  }
0xab: {  	[tilespmem:s29], [sflag:$0x1] =	stream.indirect.gather [hbm4b:s6+s28], $0x80, s25, s28, $0xb8;
	[tilespmem:$0x1D800] =	vst v63  }
0xac: {  	s11 =	simm.s32 $0x400;
	p1 =	sne.s32 s9, $0x0;
	s10 =	rddreg [dreg:$0x6]  }
0xad: {  	[tilespmem:s11], [sflag:$0x2] =	stream.linear.gather [hbm4b:s10+s25], $0x400, $0x38;
	[tilespmem:$0x1D800] =	vst v63  }
0xae: {  	s13 =	simm.s32 $0xC00;
	s12 =	rddreg [dreg:$0x7];
	s10 =	simm.s32 @!p1 $0x2  }
0xaf: {  	[tilespmem:s13], [sflag:$0x2] =	stream.linear.gather [hbm4b:s12+s25], $0x400, $0x38;
	[tilespmem:$0x1D800] =	vst v63  }
0xb0: {  	s30 =	simm.s32 $0x10000;
	s31 =	simm.s32 $0x0;
	_ =	swait.ge @!p1 [sflag:s10], $0x400  }
0xb1: {  	p0 =	por $0x0, $0x0;
	s31 =	sand.u32 $0x400, s31;
	[sflag:s10] =	ssyncset.done @!p1 $0x0  }
0xb2: {  	p2 =	sne.s32 @!p0 s9, $0x0;
	s15 =	simm.s32 $0x0;
	[sflag:s10] =	ssyncadd.s32 @!p1 $0xFFFFFC00  }
0xb3: {  	p0 =	por p2, p0;
	s12 =	sand.u32 $0x10000, s30;
	_ =	swait.ge @!p1 [sflag:s10], $0x400  }
0xb4: {  	s11 =	sshll.u32 s9, $0x7;
	s12 =	sshrl.u32 s12, $0x2;
	[sflag:s10] =	ssyncset.done @!p1 $0x0  }
0xb5: {  	s13 =	sor.u32 s11, s31;
	s14 =	sor.u32 $0x1000, s12;
	[sflag:s10] =	ssyncadd.s32 @!p1 $0xFFFFFC00  }
0xb6: {  	[tilespmem:s14], [sflag:$0x1] =	stream.indirect.gather [hbm4b:s6+s28], $0x80, s13, s28, $0xb8;
	[tilespmem:$0x1D800] =	vst v63  }
0xb7: {  	s9 =	sand.u32 $0x10000, s15;
	s15 =	sand.u32 $0x1E00, s25;
	_ =	swait.ge [sflag:s0], $0x4000  }
0xb8: {  	s9 =	sshrl.u32 s9, $0x2;
	s10 =	sshrl.u32 s15, $0x2;
	[sflag:s0] =	ssyncset.done $0x0  }
0xb9: {  	s9 =	sor.u32 $0x1000, s9;
	s10 =	sor.u32 $0x800, s10;
	[sflag:s0] =	ssyncadd.s32 $0xFFFFC000  }
0xba: {  	[spmem:s1] =	stream.indirect.scatter.add.f32 [tilespmem:s9], [sflag:$0x3], $0x80, s10, s28, $0xb8;
	[tilespmem:$0x1D800] =	vst v63  }
0xbb: {  	s12 =	simm.s32 @!p0 $0x0;
	s10 =	sadd.s32 @!p0 $0x400, s7;
	_ =	swait.ge [sflag:s24], $0x4000  }
0xbc: {  	s9 =	simm.s32 @!p0 $0x400;
	s11 =	sshrl.u32 @!p0 s10, $0x3;
	[sflag:s24] =	ssyncset.done $0x0  }
0xbd: {  	s9 =	sand.u32 @!p0 $0x400, s9;
	s10 =	sadd.s32 @!p0 s4, s11;
	[sflag:s24] =	ssyncadd.s32 $0xFFFFC000  }
0xbe: {  	[tilespmem:s9], [sflag:$0x2] =	stream.linear.gather @!p0 [hbm4b:s10+s12], $0x400, $0x38;
	[tilespmem:$0x1D800] =	vst v63  }
0xbf: {  	s31 =	simm.s32 $0x2;
	s11 =	sadd.s32 @!p0 s5, s11;
	s10 =	sor.u32 @!p0 $0x800, s9  }
.LBB2_4:
0xc0: {  	s25 =	sadd.s32 $0x200, s25  }
0xc1: {  	s30 =	sadd.s32 $0x10000, s30;
	s9 =	smov.u32 s31;
	s31 =	sadd.s32 $0x1, s31  }
0xc2: {  	[tilespmem:s10], [sflag:$0x2] =	stream.linear.gather @!p0 [hbm4b:s11+s12], $0x400, $0x38;
	[tilespmem:$0x1D800] =	vst v63  }
0xc3: {  	s10 =	sand.u32 $0x7, s9;
	p0 =	sgt.u32 s9, $0x47;
	p1 =	sne.s32 s31, $0x50  }
0xc4: {  	p2 =	sne.s32 s10, $0x0;
	s11 =	sshll.u32 s10, $0x7;
	p3 =	sne.s32 @!p0 s10, $0x0  }
0xc5: {  	s10 =	simm.s32 @!p2 $0x2  }
0xc6: {  	s12 =	sadd.s32 $0xFFFF0000, s30;
	p0 =	por p3, p0;
	_ =	swait.ge @!p2 [sflag:s10], $0x400  }
0xc7: {  	s13 =	sand.u32 $0x10000, s30;
	s12 =	sand.u32 $0x10000, s12;
	[sflag:s10] =	ssyncset.done @!p2 $0x0  }
0xc8: {  	s9 =	sshrl.u32 s9, $0x3;
	s12 =	sshrl.u32 s12, $0x2;
	[sflag:s10] =	ssyncadd.s32 @!p2 $0xFFFFFC00  }
0xc9: {  	s14 =	sshll.u32 s9, $0xA;
	s12 =	sor.u32 $0x1000, s12;
	_ =	swait.ge @!p2 [sflag:s10], $0x400  }
0xca: {  	s13 =	sshrl.u32 s13, $0x2;
	s14 =	sand.u32 $0x400, s14;
	[sflag:s10] =	ssyncset.done @!p2 $0x0  }
0xcb: {  	[sflag:s10] =	ssyncadd.s32 @!p2 $0xFFFFFC00;
	s10 =	sor.u32 s11, s14;
	s11 =	sshll.u32 @!p0 s9, $0xA  }
0xcc: {  	s9 =	sor.u32 $0x1000, s13;
	s13 =	sand.u32 $0x1E00, s25;
	s11 =	sadd.s32 @!p0 $0x400, s11  }
0xcd: {  	[tilespmem:s9], [sflag:$0x1] =	stream.indirect.gather [hbm4b:s6+s28], $0x80, s10, s28, $0xb8;
	[tilespmem:$0x1D800] =	vst v63  }
0xce: {  	s10 =	sadd.s32 @!p0 s7, s11;
	s14 =	sand.u32 @!p0 $0x400, s11;
	_ =	swait.ge [sflag:s0], $0x4000  }
0xcf: {  	s11 =	sshrl.u32 s13, $0x2;
	s13 =	sshrl.u32 @!p0 s10, $0x3;
	[sflag:s0] =	ssyncset.done $0x0  }
0xd0: {  	s10 =	sor.u32 $0x800, s11;
	s15 =	sadd.s32 @!p0 s4, s13;
	[sflag:s0] =	ssyncadd.s32 $0xFFFFC000  }
0xd1: {  	[spmem:s1] =	stream.indirect.scatter.add.f32 [tilespmem:s12], [sflag:$0x3], $0x80, s10, s28, $0xb8;
	[tilespmem:$0x1D800] =	vst v63  }
.Ltmp1:
0xd2: {  	_ = 	snop;
	(pc) =	sbr.rel @p1 .LBB2_4-.Ltmp1, $4  }
0xd3: {  	s11 =	sadd.s32 @!p0 s5, s13;
	s10 =	sor.u32 @!p0 $0x800, s14;
	_ =	swait.ge [sflag:s24], $0x4000  }
0xd4: {  	[sflag:s24] =	ssyncset.done $0x0  }
0xd5: {  	s12 =	simm.s32 @!p0 $0x0;
	[sflag:s24] =	ssyncadd.s32 $0xFFFFC000  }
0xd6: {  	[tilespmem:s14], [sflag:$0x2] =	stream.linear.gather @!p0 [hbm4b:s15+s12], $0x400, $0x38;
	[tilespmem:$0x1D800] =	vst v63  }
0xd7: {  	s13 =	sadd.s32 $0x200, s25  }
0xd8: {  	[tilespmem:s10], [sflag:$0x2] =	stream.linear.gather @!p0 [hbm4b:s11+s12], $0x400, $0x38;
	[tilespmem:$0x1D800] =	vst v63  }
0xd9: {  	_ =	swait.ge [sflag:s0], $0x4000;
	s15 =	sand.u32 $0x1E00, s13  }
0xda: {  	[sflag:s0] =	ssyncset.done $0x0;
	s10 =	sshrl.u32 s15, $0x2  }
0xdb: {  	[sflag:s0] =	ssyncadd.s32 $0xFFFFC000;
	s10 =	sor.u32 $0x800, s10  }
0xdc: {  	[spmem:s1] =	stream.indirect.scatter.add.f32 [tilespmem:s9], [sflag:$0x3], $0x80, s10, s28, $0xb8;
	[tilespmem:$0x1D800] =	vst v63  }
0xdd: {  	_ =	swait.ge [sflag:s24], $0x4000  }
0xde: {  	[sflag:s24] =	ssyncset.done $0x0  }
0xdf: {  	[sflag:s24] =	ssyncadd.s32 $0xFFFFC000  }
0xe0: {  	[bflag:$0x0] =	sbarrier.arrive $0xFFFF  }
0xe1: {  	[tilespmem:s29], [sflag:$0x3] =	stream.linear.gather [spmem:s8], $0x4000, $0x38;
	[tilespmem:$0x1D800] =	vst v63  }
0xe2: {  	_ =	swait.ge [sflag:s24], $0x4000  }
0xe3: {  	[sflag:s24] =	ssyncset.done $0x0  }
0xe4: {  	s25 =	rddreg [dreg:$0x8];
	[sflag:s24] =	ssyncadd.s32 $0xFFFFC000  }
0xe5: {  	[hbm4b:s25+s2] =	stream.linear.scatter [tilespmem:s29], [sflag:$0x3], $0x4000, $0x38;
	[tilespmem:$0x1D800] =	vst v63  }
0xe6: {  	_ =	swait.ge [sflag:s24], $0x4000  }
0xe7: {  	[sflag:s24] =	ssyncset.done $0x0  }
0xe8: {  	s30 =	rddreg [dreg:$0x9];
	[sflag:s24] =	ssyncadd.s32 $0xFFFFC000  }
0xe9: {  	[tilespmem:s29], [sflag:$0x3] =	stream.linear.gather [spmem:s30], $0x4000, $0x38;
	[tilespmem:$0x1D800] =	vst v63  }
0xea: {  	_ =	swait.ge [sflag:s24], $0x4000  }
0xeb: {  	[sflag:s24] =	ssyncset.done $0x0  }
0xec: {  	[sflag:s24] =	ssyncadd.s32 $0xFFFFC000  }
0xed: {  	[hbm4b:s16+s2] =	stream.linear.scatter [tilespmem:s29], [sflag:$0x3], $0x4000, $0x38;
	[tilespmem:$0x1D800] =	vst v63  }
0xee: {  	_ =	swait.ge [sflag:s24], $0x4000  }
0xef: {  	[sflag:s24] =	ssyncset.done $0x0  }
0xf0: {  	[sflag:s24] =	ssyncadd.s32 $0xFFFFC000  }
0xf1: {  	[tilespmem:s29], [sflag:$0x3] =	stream.linear.gather [spmem:s17], $0x4000, $0x38;
	[tilespmem:$0x1D800] =	vst v63  }
0xf2: {  	_ =	swait.ge [sflag:s24], $0x4000  }
0xf3: {  	[sflag:s24] =	ssyncset.done $0x0  }
0xf4: {  	[sflag:s24] =	ssyncadd.s32 $0xFFFFC000  }
0xf5: {  	[hbm4b:s18+s2] =	stream.linear.scatter [tilespmem:s29], [sflag:$0x3], $0x4000, $0x38;
	[tilespmem:$0x1D800] =	vst v63  }
0xf6: {  	_ =	swait.ge [sflag:s24], $0x4000  }
0xf7: {  	[sflag:s24] =	ssyncset.done $0x0  }
0xf8: {  	[sflag:s24] =	ssyncadd.s32 $0xFFFFC000  }
0xf9: {  	[tilespmem:s29], [sflag:$0x3] =	stream.linear.gather [spmem:s19], $0x4000, $0x38;
	[tilespmem:$0x1D800] =	vst v63  }
0xfa: {  	_ =	swait.ge [sflag:s24], $0x4000  }
0xfb: {  	[sflag:s24] =	ssyncset.done $0x0  }
0xfc: {  	[sflag:s24] =	ssyncadd.s32 $0xFFFFC000  }
0xfd: {  	[hbm4b:s20+s2] =	stream.linear.scatter [tilespmem:s29], [sflag:$0x3], $0x4000, $0x38;
	[tilespmem:$0x1D800] =	vst v63  }
0xfe: {  	_ =	swait.ge [sflag:s24], $0x4000  }
0xff: {  	[sflag:s24] =	ssyncset.done $0x0  }
0x100: {  	[sflag:s24] =	ssyncadd.s32 $0xFFFFC000  }
0x101: {  	[tilespmem:s29], [sflag:$0x3] =	stream.linear.gather [spmem:s21], $0x4000, $0x38;
	[tilespmem:$0x1D800] =	vst v63  }
0x102: {  	_ =	swait.ge [sflag:s24], $0x4000  }
0x103: {  	[sflag:s24] =	ssyncset.done $0x0  }
0x104: {  	[sflag:s24] =	ssyncadd.s32 $0xFFFFC000  }
0x105: {  	[hbm4b:s22+s2] =	stream.linear.scatter [tilespmem:s29], [sflag:$0x3], $0x4000, $0x38;
	[tilespmem:$0x1D800] =	vst v63  }
0x106: {  	_ =	swait.ge [sflag:s24], $0x4000  }
0x107: {  	s3 =	sadd.s32 $0x1, s3;
	s31 =	rddreg [dreg:$0x5]  }
0x108: {  	p0 =	sne.s32 s3, s31  }
.Ltmp2:
0x109: {  	_ = 	snop;
	(pc) =	sbr.rel @p0 .LBB2_1-.Ltmp2, $3  }
0x10a: {  	_ =	sdelay $0x1  }
0x10b: {  	[sflag:s24] =	ssyncset.done $0x0  }
0x10c: {  	[sflag:s24] =	ssyncadd.s32 $0xFFFFC000  }
0x10d: {  	_ =	sfence.sel $0x180000  }
0x10e: {  	[bflag:$0x0] =	sbarrier.arrive $0xFFFF  }
0x10f: {  	_ =	strace $0x9000004D  }
0x110: {  	s0 =	stileid.u32;
	[bflag:$0x2] =	sbarrier.arrive $0xFFFF  }
0x111: {  	p0 =	sne.s32 s0, $0x0;
	s0 =	rddreg [dreg:$0x2]  }
0x112: {  	s0 =	sadd.s32 @!p0 $0x100000, s0  }
0x113: {  	[sflag:s0] =	ssyncadd.tile.s32 @!p0 $0x1;
	_ =	shalt  }
.Lfunc_end2:
_tile_overlayer_lowered:
.L_overlay_start_2:
0x114: {  	(tag) =	ssettag $0x2  }
0x115: {  	s0 =	rddreg [dreg:$0x0];
	s2 =	stileid.u32  }
0x116: {  	s1 =	rddreg [dreg:$0x1];
	p0 =	sne.s32 s2, $0x0  }
0x117: {  	s3 =	rddreg [dreg:$0x2];
	[bflag:$0x3] =	sbarrier.arrive $0xFFFF;
	s2 =	simm.s32 @!p0 $0x1C03  }
0x118: {  	[timem:s3], [sflag:s2] =	dma.local @!p0 [hbm:s0], s1  }
0x119: {  	s0 =	simm.s32 @!p0 $0x3  }
0x11a: {  	_ =	swait.ge @!p0 [sflag:s0], s1  }
0x11b: {  	s1 =	ssub.s32 @!p0 $0x0, s1;
	[sflag:s0] =	ssyncset.done @!p0 $0x0  }
0x11c: {  	[sflag:s0] =	ssyncadd.s32 @!p0 s1  }
0x11d: {  	[bflag:$0x3] =	sbarrier.arrive $0xFFFF  }
0x11e: {  	_ =	shalt  }

// kernel: sc_spmm_f16.4.cloned.1.call-start
scs
__scs_entry_jumppad:
0x0: {  	(pc) =	sbr.rel $0x88, $3  }
0x1: {  	(tag) =	ssettag $0x0;
	lr =	simm.s32 $0x1  }
0x2: {  	[smem:$0x3F96] =	sst lr;
	_ =	strace $0xD0000000  }
0x3: {  	_ = 	snop  }
0x4: {  	_ = 	snop  }
0x5: {  	_ = 	snop  }
0x6: {  	_ = 	snop  }
0x7: {  	_ = 	snop  }
__scs_overlays_trampoline_lowered:
0x8: {  	[smem:$0x3FA5] =	sst s0  }
0x9: {  	[smem:$0x3FA6] =	sst s1  }
0xa: {  	[smem:$0x3FA7] =	sst s2  }
0xb: {  	[smem:$0x3FA8] =	sst s3  }
0xc: {  	[smem:$0x3FA9] =	sst s4  }
0xd: {  	[smem:$0x3FAA] =	sst s5  }
0xe: {  	[smem:$0x3FAB] =	sst s6  }
0xf: {  	[smem:$0x3FAC] =	sst s7  }
0x10: {  	[smem:$0x3FAD] =	sst s8  }
0x11: {  	[smem:$0x3FAE] =	sst s9;
	s0 =	simm.s32 @!p0 $0x0  }
0x12: {  	s1 =	sld [smem:$0x3F94];
	s0 =	simm.s32 @p0 $0x1  }
0x13: {  	[smem:$0x3FAF] =	sst s0;
	s0 =	simm.s32 @!p1 $0x0  }
0x14: {  	s2 =	sld [smem:$0x3F93];
	s0 =	simm.s32 @p1 $0x1  }
0x15: {  	[smem:$0x3FB0] =	sst s0;
	s0 =	simm.s32 @!p2 $0x0  }
0x16: {  	s3 =	sld [smem:$0x3FDB];
	s0 =	simm.s32 @p2 $0x1  }
0x17: {  	s4 =	simm.s32 $0x1BF5;
	[smem:$0x3FB2] =	sst s0  }
0x18: {  	s0 =	sld [smem:$0x3F95];
	_ =	swait.ge [sflag:s4], $0x0  }
0x19: {  	s7 =	sld [smem:$0x3F96]  }
0x1a: {  	s8 =	sadd.s32 $0xFFFFE003, lr  }
0x1b: {  	s9 =	sadd.s32 $0xFFFFFEF7, lr;
	s5 =	simm.s32 $0xFFFFFFFF;
	p2 =	slt.u32 s8, $0xFFFFF086  }
0x1c: {  	p1 =	slt.u32 s9, $0xF7A;
	s5 =	simm.s32 @!p2 $0x0  }
0x1d: {  	s5 =	simm.s32 @p1 $0x1;
	p0 =	seq.s32 s7, s2  }
0x1e: {  	s7 =	smul.u32 @!p0 $0xF7A, s2;
	p2 =	seq.s32 @!p0 s5, $0x0  }
0x1f: {  	s9 =	smul.u32 $0xF7A, s1;
	s8 =	simm.s32 @!p0 $0x1BF5;
	p2 =	por !p2, p0  }
0x20: {  	[sflag:s8] =	ssyncset.s32 @!p0 $0xFFFFF086;
	s6 =	sadd.s32 @!p0 s3, s7;
	s7 =	simm.s32 @!p0 $0x108  }
0x21: {  	s3 =	sadd.s32 s3, s9;
	s6 =	sadd.s32 @!p0 $0x88, s6;
	s7 =	simm.s32 @p2 $0x1082  }
0x22: {  	[simem:s7], [sflag:s8] =	dma.local @!p0 [hbm:s6], $0xF7A  }
0x23: {  	s9 =	sor.u32 $0xD0000000, s2;
	s6 =	simm.s32 $0x108;
	_ =	swait.ge @!p0 [sflag:s8], $0x0  }
0x24: {  	s3 =	sadd.s32 $0x88, s3;
	s6 =	simm.s32 @!p1 $0x1082;
	[sflag:s4] =	ssyncset.s32 $0xFFFFF086  }
0x25: {  	[simem:s6], [sflag:s4] =	dma.local [hbm:s3], $0xF7A  }
0x26: {  	[smem:$0x3F96] =	sst s1;
	(tag) =	ssettag s2;
	_ =	strace s9  }
0x27: {  	s1 =	sld [smem:$0x3FA6]  }
0x28: {  	s2 =	sld [smem:$0x3FA7]  }
0x29: {  	s4 =	sld [smem:$0x3FA9]  }
0x2a: {  	p0 =	seq.s32 s5, $0x0;
	s5 =	sld [smem:$0x3FAA]  }
0x2b: {  	s6 =	sld [smem:$0x3FAB]  }
0x2c: {  	s7 =	sld [smem:$0x3FAC]  }
0x2d: {  	s3 =	simm.s32 $0x108;
	s8 =	sld [smem:$0x3FAD]  }
0x2e: {  	s3 =	simm.s32 @!p0 $0x1082;
	s9 =	sld [smem:$0x3FAE]  }
0x2f: {  	lr =	sadd.s32 s0, s3;
	s0 =	sld [smem:$0x3FA5]  }
0x30: {  	s3 =	sld [smem:$0x3FA8]  }
0x31: {  	[smem:$0x3FB1] =	sst s10  }
0x32: {  	s10 =	sld [smem:$0x3FAF];
	_ =	sdelay $0x3  }
0x33: {  	p0 =	seq.s32 s10, $0x1;
	s10 =	sld [smem:$0x3FB1];
	_ =	sdelay $0x3  }
0x34: {  	[smem:$0x3FB1] =	sst s10  }
0x35: {  	s10 =	sld [smem:$0x3FB0];
	_ =	sdelay $0x3  }
0x36: {  	p1 =	seq.s32 s10, $0x1;
	s10 =	sld [smem:$0x3FB1];
	_ =	sdelay $0x3  }
0x37: {  	[smem:$0x3FB1] =	sst s10  }
0x38: {  	s10 =	sld [smem:$0x3FB2]  }
0x39: {  	_ = 	snop;
	(pc) =	sbr.ind lr, $3  }
0x3a: {  	_ = 	snop  }
0x3b: {  	_ = 	snop  }
0x3c: {  	p2 =	seq.s32 s10, $0x1;
	s10 =	sld [smem:$0x3FB1]  }
0x3d: {  	_ =	shalt  }
0x3e: {  	_ =	shalt  }
0x3f: {  	_ =	shalt  }
0x40: {  	_ =	shalt  }
0x41: {  	_ =	shalt  }
0x42: {  	_ =	shalt  }
0x43: {  	_ =	shalt  }
0x44: {  	_ =	shalt  }
0x45: {  	_ =	shalt  }
0x46: {  	_ =	shalt  }
0x47: {  	_ =	shalt  }
0x48: {  	_ =	shalt  }
0x49: {  	_ =	shalt  }
0x4a: {  	_ =	shalt  }
0x4b: {  	_ =	shalt  }
0x4c: {  	_ =	shalt  }
0x4d: {  	_ =	shalt  }
0x4e: {  	_ =	shalt  }
0x4f: {  	_ =	shalt  }
0x50: {  	_ =	shalt  }
0x51: {  	_ =	shalt  }
0x52: {  	_ =	shalt  }
0x53: {  	_ =	shalt  }
0x54: {  	_ =	shalt  }
0x55: {  	_ =	shalt  }
0x56: {  	_ =	shalt  }
0x57: {  	_ =	shalt  }
0x58: {  	_ =	shalt  }
0x59: {  	_ =	shalt  }
0x5a: {  	_ =	shalt  }
0x5b: {  	_ =	shalt  }
0x5c: {  	_ =	shalt  }
0x5d: {  	_ =	shalt  }
0x5e: {  	_ =	shalt  }
0x5f: {  	_ =	shalt  }
0x60: {  	_ =	shalt  }
0x61: {  	_ =	shalt  }
0x62: {  	_ =	shalt  }
0x63: {  	_ =	shalt  }
0x64: {  	_ =	shalt  }
0x65: {  	_ =	shalt  }
0x66: {  	_ =	shalt  }
0x67: {  	_ =	shalt  }
0x68: {  	_ =	shalt  }
0x69: {  	_ =	shalt  }
0x6a: {  	_ =	shalt  }
0x6b: {  	_ =	shalt  }
0x6c: {  	_ =	shalt  }
0x6d: {  	_ =	shalt  }
0x6e: {  	_ =	shalt  }
0x6f: {  	_ =	shalt  }
0x70: {  	_ =	shalt  }
0x71: {  	_ =	shalt  }
0x72: {  	_ =	shalt  }
0x73: {  	_ =	shalt  }
0x74: {  	_ =	shalt  }
0x75: {  	_ =	shalt  }
0x76: {  	_ =	shalt  }
0x77: {  	_ =	shalt  }
0x78: {  	_ =	shalt  }
0x79: {  	_ =	shalt  }
0x7a: {  	_ =	shalt  }
0x7b: {  	_ =	shalt  }
0x7c: {  	_ =	shalt  }
0x7d: {  	_ =	shalt  }
0x7e: {  	_ =	shalt  }
0x7f: {  	_ =	shalt  }
0x80: {  	_ =	shalt  }
0x81: {  	_ =	shalt  }
0x82: {  	_ =	shalt  }
0x83: {  	_ =	shalt  }
0x84: {  	_ =	shalt  }
0x85: {  	_ =	shalt  }
0x86: {  	_ =	shalt  }
0x87: {  	_ =	shalt  }
.Lfunc_end0:
.L_simem_size_0:
called_computation.1_lowered:
.L_overlay_start_0:
0x88: {  	s2 =	sld [smem:$0x3FD9]  }
0x89: {  	s3 =	sld [smem:$0x3FFE];
	_ =	sdelay $0x1  }
0x8a: {  	s1 =	srdreg.scid  }
0x8b: {  	s0 =	sand.u32 $0x1, s1  }
0x8c: {  	s16 =	sshll.u32 s0, $0xA;
	s2 =	sadd.s32 s3, s2  }
0x8d: {  	s2 =	sadd.s32 s2, s16  }
0x8e: {  	[smem:$0x3FBD] =	sst s2  }
0x8f: {  	_ = 	snop  }
0x90: {  	(tm) =	ssettm $0x1  }
0x91: {  	s17 =	sld [smem:$0x3FFB];
	_ =	sdelay $0x3  }
0x92: {  	_ =	strace s17  }
0x93: {  	s2 =	sld [smem:$0x3FFC];
	_ =	sdelay $0x3  }
0x94: {  	_ =	strace s2  }
0x95: {  	s2 =	sld [smem:$0x3FFD];
	_ =	sdelay $0x3  }
0x96: {  	_ =	strace s2  }
0x97: {  	_ =	strace $0x8FFFFFFF  }
0x98: {  	s18 =	sld [smem:$0x3FDB];
	_ =	sdelay $0x1  }
0x99: {  	s19 =	simm.s32 $_scs_section_size  }
0x9a: {  	s4 =	simm.s32 $_size__tile_overlayer_lowered;
	s5 =	simm.s32 $_tile_overlayer_lowered  }
0x9b: {  	s22 =	simm.s32 $0x1BFF;
	s21 =	sshll.u32 s5, $0x1;
	s2 =	sadd.s32 s19, s18  }
0x9c: {  	s6 =	simm.s32 $0x0;
	s20 =	sshll.u32 s4, $0x1;
	s4 =	sadd.s32 s21, s2  }
0x9d: {  	[timem:s6], [sflag:s22] =	dma.local [hbm:s4], s20  }
0x9e: {  	_ =	swait.ge [sflag:s22], s20  }
0x9f: {  	s3 =	ssub.s32 $0x0, s20;
	[sflag:s22] =	ssyncset.done $0x0  }
0xa0: {  	[sflag:s22] =	ssyncadd.s32 s3;
	_ =	sdelay $0x1  }
0xa1: {  	s23 =	simm.s32 $0x1B8B  }
0xa2: {  	_ =	swait.ge [sflag:s23], $0x1  }
0xa3: {  	[sflag:s23] =	ssyncset.done $0x0  }
0xa4: {  	s25 =	simm.s32 $0x1B8E;
	s24 =	sld [smem:$0x3FFE];
	[sflag:s23] =	ssyncadd.s32 $0xFFFFFFFF  }
0xa5: {  	s26 =	simm.s32 $execute0_lowered;
	[smem:$0x3FD2] =	sst s25  }
0xa6: {  	s4 =	sshll.u32 s26, $0x1;
	_ =	strace $0x80000049;
	[dreg:$0x1] =	wrdreg $0xFFFFFFFF  }
0xa7: {  	s28 =	simm.s32 $_size_execute0_lowered;
	s2 =	sadd.s32 s2, s4;
	[dreg:$0x0] =	wrdreg $0x0  }
0xa8: {  	s4 =	sshll.u32 s28, $0x1;
	[dreg:$0x2] =	wrdreg s2  }
0xa9: {  	[dreg:$0x3] =	wrdreg s4  }
0xaa: {  	[dreg:$0x4] =	wrdreg $0xC0  }
0xab: {  	_ =	task [dreg:s6], $0x5FFFF  }
0xac: {  	[dreg:$0x1] =	wrdreg $0xFFFFFFFF  }
0xad: {  	[dreg:$0x0] =	wrdreg $0x60  }
0xae: {  	[dreg:$0x2] =	wrdreg s24  }
0xaf: {  	[dreg:$0x3] =	wrdreg $0x81000  }
0xb0: {  	[dreg:$0x4] =	wrdreg $0x9  }
0xb1: {  	_ =	task.clear_ibuf [dreg:s6], $0x5FFFF;
	_ =	strace $0x90000049  }
0xb2: {  	s29 =	simm.s32 $0x9;
	_ =	strace $0x8000004B  }
0xb3: {  	_ =	swait.ge [sflag:s29], $0x1  }
0xb4: {  	[sflag:s29] =	ssyncadd.s32 $0xFFFFFFFF  }
0xb5: {  	_ =	strace $0x9000004B  }
0xb6: {  	_ =	sfence  }
0xb7: {  	s30 =	sld [smem:$0x0];
	_ =	sdelay $0x2  }
0xb8: {  	s31 =	sshll.u32 s1, $0xD;
	s1 =	sshrl.u32 s1, $0x2  }
0xb9: {  	s3 =	sand.u32 $0x4000, s31;
	s1 =	sadd.s32 s1, s30  }
0xba: {  	s0 =	sor.u32 s3, s0;
	s1 =	sshll.u32 s1, $0x11  }
0xbb: {  	s0 =	sor.u32 s1, s0  }
0xbc: {  	s0 =	sadd.s32 $0x8F2B, s0  }
0xbd: {  	[sflag:s0] =	ssyncadd.remote.s32 $0x1  }
0xbe: {  	_ =	sfence.sel $0xFFFF  }
0xbf: {  	[dreg:$0x0] =	wrdreg $0xFFFFFFFF;
	(pc) =	sbr.abs _section_cstart, $3  }
0xc0: {  	[dreg:$0x1] =	wrdreg $0xFFFFFFFF  }
0xc1: {  	_ =	task.clear_ibuf [dreg:s6], $0x2FFFF;
	_ =	strace $0x9FFFFFFF  }
0xc2: {  	(tm) =	ssettm $0x7FFFFFFF  }
0xc3: {  	_ =	shalt  }
tec
execute0_lowered:
.L_overlay_start_1:
0x0: {  	(tag) =	ssettag $0x1  }
0x1: {  	s0 =	srdreg.scid;
	s1 =	rddreg [dreg:$0x0]  }
0x2: {  	s2 =	rddreg [dreg:$0x1];
	s8 =	stileid.u32;
	s3 =	simm.s32 $0x0  }
0x3: {  	s19 =	simm.s32 $0x8000;
	s20 =	simm.s32 $0x2;
	s21 =	simm.s32 $0x80  }
0x4: {  	s31 =	simm.s32 $0x1;
	s0 =	sand.u32 $0x1, s0;
	s5 =	smul.u32 $0xA000, s8  }
0x5: {  	[smem:$0x7FF] =	sst s3;
	s14 =	smul.u32 $0x2800, s8;
	s4 =	sshll.u32 s0, $0x4  }
0x6: {  	_ =	strace $0x8000004A;
	s7 =	ssub.s32 $0x2, s0;
	s0 =	smul.u32 $0x28000, s0  }
0x7: {  	s4 =	sor.u32 s8, s4;
	s22 =	sshrl.u32 s7, $0x1;
	s5 =	sshrl.u32 s5, $0x2  }
0x8: {  	s11 =	sadd.s32 $0x800, s14;
	s25 =	sadd.s32 s14, s2;
	s28 =	sadd.s32 $0x1000, s14  }
0x9: {  	s29 =	sadd.s32 $0x1800, s14;
	s17 =	sadd.s32 $0x2000, s14;
	s4 =	smul.u32 $0x500, s4  }
0xa: {  	s7 =	ssub.s32 s7, s22;
	s5 =	sadd.s32 s5, s2;
	s24 =	sadd.s32 s0, s14  }
0xb: {  	[dreg:$0x5] =	wrdreg s25;
	s12 =	sadd.s32 s0, s11;
	s11 =	sadd.s32 s11, s2  }
0xc: {  	s13 =	sadd.s32 s28, s2;
	s15 =	sadd.s32 s0, s29;
	s22 =	simm.s32 $0x5000  }
0xd: {  	s7 =	smax.u32 s7, $0x1;
	s26 =	sshrl.u32 s12, $0x3;
	s30 =	sshrl.u32 s15, $0x3  }
0xe: {  	s15 =	sadd.s32 s29, s2;
	s6 =	sadd.s32 s4, s1;
	s4 =	sadd.s32 $0x16800, s1  }
0xf: {  	s1 =	sadd.s32 $0x1B800, s1;
	[dreg:$0x6] =	wrdreg s7;
	s23 =	sadd.s32 $0x2800, s6  }
0x10: {  	s6 =	sadd.s32 $0xC800, s6;
	s12 =	sadd.s32 s1, s26;
	[dreg:$0x3] =	wrdreg s23  }
0x11: {  	s16 =	sadd.s32 s1, s30;
	[dreg:$0x4] =	wrdreg s6;
	s6 =	sshrl.u32 s24, $0x3  }
0x12: {  	s10 =	sadd.s32 s1, s6;
	s6 =	sadd.s32 s0, s28;
	s0 =	sadd.s32 s0, s17  }
0x13: {  	s17 =	sadd.s32 s17, s2;
	s6 =	sshrl.u32 s6, $0x3;
	s0 =	sshrl.u32 s0, $0x3  }
0x14: {  	v0 =	vimm.f32 $0.0e+00;
	s14 =	sadd.s32 s1, s6;
	s18 =	sadd.s32 s1, s0;
	s0 =	simm.s32 $0x0  }
.LBB2_1:
0x15: {  	[tilespmem:$0x8000] =	vst v0  }
0x16: {  	[tilespmem:$0x8010] =	vst v0  }
0x17: {  	[tilespmem:$0x8020] =	vst v0  }
0x18: {  	[tilespmem:$0x8030] =	vst v0  }
0x19: {  	[tilespmem:$0x8040] =	vst v0  }
0x1a: {  	[tilespmem:$0x8050] =	vst v0  }
0x1b: {  	[tilespmem:$0x8060] =	vst v0  }
0x1c: {  	[tilespmem:$0x8070] =	vst v0  }
0x1d: {  	[tilespmem:$0x8080] =	vst v0  }
0x1e: {  	[tilespmem:$0x8090] =	vst v0  }
0x1f: {  	[tilespmem:$0x80A0] =	vst v0  }
0x20: {  	[tilespmem:$0x80B0] =	vst v0  }
0x21: {  	[tilespmem:$0x80C0] =	vst v0  }
0x22: {  	[tilespmem:$0x80D0] =	vst v0  }
0x23: {  	[tilespmem:$0x80E0] =	vst v0  }
0x24: {  	[tilespmem:$0x80F0] =	vst v0;
	s1 =	sadd.s32 $0x0, s5  }
0x25: {  	[spmem:s1] =	stream.linear.scatter [tilespmem:s19], [sflag:$0x2], $0x100, $0x38;
	[tilespmem:$0xA900] =	vst v63  }
0x26: {  	s1 =	simm.s32 $0x400;
	_ =	swait.ge [sflag:s20], $0x100  }
.LBB2_2:
0x27: {  	s6 =	sshra.s32 s1, $0x2;
	[sflag:s20] =	ssyncset.done $0x0;
	p0 =	sne.s32 s1, $0x9C00  }
.Ltmp0:
0x28: {  	s6 =	sadd.s32 s6, s5;
	[sflag:s20] =	ssyncadd.s32 $0xFFFFFF00;
	(pc) =	sbr.rel @p0 .LBB2_2-.Ltmp0, $3  }
0x29: {  	[spmem:s6] =	stream.linear.scatter [tilespmem:s19], [sflag:$0x2], $0x100, $0x38;
	[tilespmem:$0xA900] =	vst v63  }
0x2a: {  	s1 =	sadd.s32 $0x400, s1;
	_ =	sdelay $0x1  }
0x2b: {  	_ =	swait.ge [sflag:s20], $0x100  }
0x2c: {  	[sflag:s20] =	ssyncset.done $0x0  }
0x2d: {  	s1 =	rddreg [dreg:$0x3];
	[sflag:s20] =	ssyncadd.s32 $0xFFFFFF00  }
0x2e: {  	[tilespmem:s3], [sflag:$0x2] =	stream.linear.gather [hbm4b:s1+s3], $0x2800, $0x38;
	[tilespmem:$0xA900] =	vst v63  }
0x2f: {  	_ =	swait.ge [sflag:s20], $0x2800  }
0x30: {  	[sflag:s20] =	ssyncset.done $0x0  }
0x31: {  	s23 =	simm.s32 $0x2800;
	s24 =	rddreg [dreg:$0x4];
	[sflag:s20] =	ssyncadd.s32 $0xFFFFD800  }
0x32: {  	[tilespmem:s23], [sflag:$0x2] =	stream.linear.gather [hbm4b:s24+s3], $0x2800, $0x38;
	[tilespmem:$0xA900] =	vst v63  }
0x33: {  	_ =	swait.ge [sflag:s20], $0x2800  }
0x34: {  	s25 =	simm.s32 $0x5800;
	[sflag:s20] =	ssyncset.done $0x0  }
0x35: {  	s26 =	simm.s32 $0x100;
	s9 =	simm.s32 $0x0;
	[sflag:s20] =	ssyncadd.s32 $0xFFFFD800  }
0x36: {  	s6 =	simm.s32 $0x6000;
	s1 =	smul.u32 $0xAB, s9;
	[bflag:$0x0] =	sbarrier.arrive $0xFFFF  }
0x37: {  	[tilespmem:s22], [sflag:$0x1] =	stream.indirect.gather [hbm4b:s4+s21], $0x10, s3, s21, $0xb8;
	[tilespmem:$0xA900] =	vst v63  }
0x38: {  	s7 =	simm.s32 $0x180;
	s8 =	simm.s32 $0x6800;
	s1 =	sshrl.u32 s1, $0xA  }
0x39: {  	[tilespmem:s25], [sflag:$0x1] =	stream.indirect.gather [hbm4b:s4+s21], $0x10, s21, s21, $0xb8;
	[tilespmem:$0xA900] =	vst v63  }
0x3a: {  	p0 =	por $0x0, $0x0;
	s28 =	simm.s32 $0x7;
	s1 =	sand.u32 $0x3F, s1  }
0x3b: {  	[tilespmem:s6], [sflag:$0x1] =	stream.indirect.gather [hbm4b:s4+s21], $0x10, s26, s21, $0xb8;
	[tilespmem:$0xA900] =	vst v63  }
0x3c: {  	s29 =	simm.s32 $0x1;
	s25 =	smul.u32 $0x6, s1;
	s6 =	simm.s32 $0x5  }
0x3d: {  	s24 =	simm.s32 $0x200;
	s1 =	simm.s32 $0x6;
	s6 =	smul.u32 @!p0 $0xAB, s6  }
0x3e: {  	[tilespmem:s8], [sflag:$0x1] =	stream.indirect.gather [hbm4b:s4+s21], $0x10, s7, s21, $0xb8;
	[tilespmem:$0xA900] =	vst v63  }
0x3f: {  	s7 =	simm.s32 $0x7000;
	s6 =	sshrl.u32 @!p0 s6, $0xA;
	p0 =	por p0, p0  }
0x40: {  	[tilespmem:s7], [sflag:$0x1] =	stream.indirect.gather [hbm4b:s4+s21], $0x10, s24, s21, $0xb8;
	[tilespmem:$0xA900] =	vst v63  }
0x41: {  	s26 =	simm.s32 $0x280;
	s7 =	ssub.s32 $0x0, s25;
	s6 =	sand.u32 @!p0 $0x3F, s6  }
0x42: {  	s25 =	simm.s32 $0x2880;
	s7 =	sand.u32 $0xFF, s7;
	s6 =	smul.u32 @!p0 $0x6, s6  }
0x43: {  	s24 =	simm.s32 $0x300;
	_ =	swait.ge [sflag:s31], $0x800;
	s7 =	sshll.u32 s7, $0xB  }
0x44: {  	[sflag:s31] =	ssyncset.done $0x0;
	s30 =	sadd.s32 $0x5000, s7;
	s7 =	ssub.s32 @!p0 $0x5, s6  }
0x45: {  	[sflag:s31] =	ssyncadd.s32 $0xFFFFF800;
	s6 =	smul.u32 $0xAB, s29;
	s7 =	sand.u32 @!p0 $0xFF, s7  }
.LBB2_4:
0x46: {  	[spmem:s2] =	stream.indirect.scatter.add.f32 [tilespmem:s30], [sflag:$0x2], $0x10, s23, s21, $0xb8;
	[tilespmem:$0xA900] =	vst v63  }
0x47: {  	s8 =	smov.u32 s1;
	s1 =	smov.u32 s28;
	s23 =	smov.u32 s25  }
0x48: {  	s30 =	simm.s32 @!p0 $0x80;
	s6 =	sshrl.u32 s6, $0xA;
	_ =	swait.ge [sflag:s20], $0x800  }
0x49: {  	s7 =	sshll.u32 @!p0 s7, $0xB;
	s6 =	sand.u32 $0x3F, s6;
	[sflag:s20] =	ssyncset.done $0x0  }
0x4a: {  	p2 =	sgt.u32 s29, $0x4A;
	s6 =	smul.u32 $0x6, s6;
	[sflag:s20] =	ssyncadd.s32 $0xFFFFF800  }
0x4b: {  	s28 =	sadd.s32 $0x1, s28;
	s9 =	smul.u32 @!p2 $0xAB, s8;
	s7 =	sadd.s32 @!p0 $0x5000, s7  }
0x4c: {  	[tilespmem:s7], [sflag:$0x1] =	stream.indirect.gather @!p0 [hbm4b:s4+s30], $0x10, s26, s30, $0xb8;
	[tilespmem:$0xA900] =	vst v63  }
0x4d: {  	p1 =	sne.s32 s28, $0x55;
	s6 =	ssub.s32 s29, s6;
	s26 =	smov.u32 s24  }
0x4e: {  	s7 =	sshrl.u32 @!p2 s9, $0xA;
	p0 =	por p2, p2;
	s6 =	sand.u32 $0xFF, s6  }
.Ltmp1:
0x4f: {  	s7 =	sand.u32 @!p0 $0x3F, s7;
	s6 =	sshll.u32 s6, $0xB;
	(pc) =	sbr.rel @p1 .LBB2_4-.Ltmp1, $4  }
0x50: {  	s30 =	sadd.s32 $0x5000, s6;
	s6 =	smul.u32 @!p0 $0x6, s7;
	_ =	swait.ge [sflag:s31], $0x800  }
0x51: {  	s25 =	sadd.s32 $0x80, s25;
	[sflag:s31] =	ssyncset.done $0x0  }
0x52: {  	s29 =	sadd.s32 $0xFFFFFFFB, s1;
	s7 =	ssub.s32 @!p0 s8, s6;
	[sflag:s31] =	ssyncadd.s32 $0xFFFFF800  }
0x53: {  	s24 =	sadd.s32 $0x80, s24;
	s6 =	smul.u32 $0xAB, s29;
	s7 =	sand.u32 @!p0 $0xFF, s7  }
0x54: {  	[spmem:s2] =	stream.indirect.scatter.add.f32 [tilespmem:s30], [sflag:$0x2], $0x10, s23, s21, $0xb8;
	[tilespmem:$0xA900] =	vst v63  }
0x55: {  	s7 =	sshll.u32 @!p0 s7, $0xB;
	_ =	swait.ge [sflag:s20], $0x800  }
0x56: {  	s8 =	simm.s32 @!p0 $0x80;
	s6 =	sshrl.u32 s6, $0xA;
	[sflag:s20] =	ssyncset.done $0x0  }
0x57: {  	s7 =	sadd.s32 @!p0 $0x5000, s7;
	s6 =	sand.u32 $0x3F, s6;
	[sflag:s20] =	ssyncadd.s32 $0xFFFFF800  }
0x58: {  	[tilespmem:s7], [sflag:$0x1] =	stream.indirect.gather @!p0 [hbm4b:s4+s8], $0x10, s26, s8, $0xb8;
	[tilespmem:$0xA900] =	vst v63  }
0x59: {  	s6 =	smul.u32 $0x6, s6;
	p0 =	sgt.u32 s29, $0x4A  }
0x5a: {  	s7 =	smul.u32 @!p0 $0xAB, s1  }
0x5b: {  	s6 =	ssub.s32 s29, s6;
	_ =	swait.ge [sflag:s31], $0x800  }
0x5c: {  	s6 =	sand.u32 $0xFF, s6;
	s7 =	sshrl.u32 @!p0 s7, $0xA;
	p0 =	por p0, p0  }
0x5d: {  	[sflag:s31] =	ssyncset.done $0x0;
	s6 =	sshll.u32 s6, $0xB;
	s7 =	sand.u32 @!p0 $0x3F, s7  }
0x5e: {  	[sflag:s31] =	ssyncadd.s32 $0xFFFFF800;
	s6 =	sadd.s32 $0x5000, s6;
	s7 =	smul.u32 @!p0 $0x6, s7  }
0x5f: {  	[spmem:s2] =	stream.indirect.scatter.add.f32 [tilespmem:s6], [sflag:$0x2], $0x10, s25, s21, $0xb8;
	[tilespmem:$0xA900] =	vst v63  }
0x60: {  	s1 =	ssub.s32 @!p0 s1, s7  }
0x61: {  	_ =	swait.ge [sflag:s20], $0x800;
	s1 =	sand.u32 @!p0 $0xFF, s1  }
0x62: {  	[sflag:s20] =	ssyncset.done $0x0;
	s1 =	sshll.u32 @!p0 s1, $0xB  }
0x63: {  	s6 =	simm.s32 @!p0 $0x80;
	[sflag:s20] =	ssyncadd.s32 $0xFFFFF800;
	s1 =	sadd.s32 @!p0 $0x5000, s1  }
0x64: {  	[tilespmem:s1], [sflag:$0x1] =	stream.indirect.gather @!p0 [hbm4b:s4+s6], $0x10, s24, s6, $0xb8;
	[tilespmem:$0xA900] =	vst v63  }
0x65: {  	[bflag:$0x0] =	sbarrier.arrive $0xFFFF  }
0x66: {  	s29 =	rddreg [dreg:$0x5]  }
0x67: {  	[tilespmem:s22], [sflag:$0x2] =	stream.linear.gather [spmem:s29], $0x800, $0x38;
	[tilespmem:$0xA900] =	vst v63  }
0x68: {  	_ =	swait.ge [sflag:s20], $0x800  }
0x69: {  	[sflag:s20] =	ssyncset.done $0x0  }
0x6a: {  	[sflag:s20] =	ssyncadd.s32 $0xFFFFF800  }
0x6b: {  	[hbm4b:s10+s3] =	stream.linear.scatter [tilespmem:s22], [sflag:$0x2], $0x800, $0x38;
	[tilespmem:$0xA900] =	vst v63  }
0x6c: {  	_ =	swait.ge [sflag:s20], $0x800  }
0x6d: {  	[sflag:s20] =	ssyncset.done $0x0  }
0x6e: {  	[sflag:s20] =	ssyncadd.s32 $0xFFFFF800  }
0x6f: {  	[tilespmem:s22], [sflag:$0x2] =	stream.linear.gather [spmem:s11], $0x800, $0x38;
	[tilespmem:$0xA900] =	vst v63  }
0x70: {  	_ =	swait.ge [sflag:s20], $0x800  }
0x71: {  	[sflag:s20] =	ssyncset.done $0x0  }
0x72: {  	[sflag:s20] =	ssyncadd.s32 $0xFFFFF800  }
0x73: {  	[hbm4b:s12+s3] =	stream.linear.scatter [tilespmem:s22], [sflag:$0x2], $0x800, $0x38;
	[tilespmem:$0xA900] =	vst v63  }
0x74: {  	_ =	swait.ge [sflag:s20], $0x800  }
0x75: {  	[sflag:s20] =	ssyncset.done $0x0  }
0x76: {  	[sflag:s20] =	ssyncadd.s32 $0xFFFFF800  }
0x77: {  	[tilespmem:s22], [sflag:$0x2] =	stream.linear.gather [spmem:s13], $0x800, $0x38;
	[tilespmem:$0xA900] =	vst v63  }
0x78: {  	_ =	swait.ge [sflag:s20], $0x800  }
0x79: {  	[sflag:s20] =	ssyncset.done $0x0  }
0x7a: {  	[sflag:s20] =	ssyncadd.s32 $0xFFFFF800  }
0x7b: {  	[hbm4b:s14+s3] =	stream.linear.scatter [tilespmem:s22], [sflag:$0x2], $0x800, $0x38;
	[tilespmem:$0xA900] =	vst v63  }
0x7c: {  	_ =	swait.ge [sflag:s20], $0x800  }
0x7d: {  	[sflag:s20] =	ssyncset.done $0x0  }
0x7e: {  	[sflag:s20] =	ssyncadd.s32 $0xFFFFF800  }
0x7f: {  	[tilespmem:s22], [sflag:$0x2] =	stream.linear.gather [spmem:s15], $0x800, $0x38;
	[tilespmem:$0xA900] =	vst v63  }
0x80: {  	_ =	swait.ge [sflag:s20], $0x800  }
0x81: {  	[sflag:s20] =	ssyncset.done $0x0  }
0x82: {  	[sflag:s20] =	ssyncadd.s32 $0xFFFFF800  }
0x83: {  	[hbm4b:s16+s3] =	stream.linear.scatter [tilespmem:s22], [sflag:$0x2], $0x800, $0x38;
	[tilespmem:$0xA900] =	vst v63  }
0x84: {  	_ =	swait.ge [sflag:s20], $0x800  }
0x85: {  	[sflag:s20] =	ssyncset.done $0x0  }
0x86: {  	[sflag:s20] =	ssyncadd.s32 $0xFFFFF800  }
0x87: {  	[tilespmem:s22], [sflag:$0x2] =	stream.linear.gather [spmem:s17], $0x800, $0x38;
	[tilespmem:$0xA900] =	vst v63  }
0x88: {  	_ =	swait.ge [sflag:s20], $0x800  }
0x89: {  	[sflag:s20] =	ssyncset.done $0x0  }
0x8a: {  	[sflag:s20] =	ssyncadd.s32 $0xFFFFF800  }
0x8b: {  	[hbm4b:s18+s3] =	stream.linear.scatter [tilespmem:s22], [sflag:$0x2], $0x800, $0x38;
	[tilespmem:$0xA900] =	vst v63  }
0x8c: {  	_ =	swait.ge [sflag:s20], $0x800  }
0x8d: {  	s0 =	sadd.s32 $0x1, s0;
	s30 =	rddreg [dreg:$0x6]  }
0x8e: {  	p0 =	sne.s32 s0, s30  }
.Ltmp2:
0x8f: {  	_ = 	snop;
	(pc) =	sbr.rel @p0 .LBB2_1-.Ltmp2, $3  }
0x90: {  	_ =	sdelay $0x1  }
0x91: {  	[sflag:s20] =	ssyncset.done $0x0  }
0x92: {  	[sflag:s20] =	ssyncadd.s32 $0xFFFFF800  }
0x93: {  	_ =	sfence.sel $0x180000  }
0x94: {  	[bflag:$0x0] =	sbarrier.arrive $0xFFFF  }
0x95: {  	_ =	strace $0x9000004A  }
0x96: {  	s0 =	stileid.u32;
	[bflag:$0x2] =	sbarrier.arrive $0xFFFF  }
0x97: {  	p0 =	sne.s32 s0, $0x0;
	s0 =	rddreg [dreg:$0x2]  }
0x98: {  	s0 =	sadd.s32 @!p0 $0x100000, s0  }
0x99: {  	[sflag:s0] =	ssyncadd.tile.s32 @!p0 $0x1;
	_ =	shalt  }
.Lfunc_end2:
_tile_overlayer_lowered:
.L_overlay_start_2:
0x9a: {  	(tag) =	ssettag $0x2  }
0x9b: {  	s0 =	rddreg [dreg:$0x0];
	s2 =	stileid.u32  }
0x9c: {  	s1 =	rddreg [dreg:$0x1];
	p0 =	sne.s32 s2, $0x0  }
0x9d: {  	s3 =	rddreg [dreg:$0x2];
	[bflag:$0x3] =	sbarrier.arrive $0xFFFF;
	s2 =	simm.s32 @!p0 $0x1C02  }
0x9e: {  	[timem:s3], [sflag:s2] =	dma.local @!p0 [hbm:s0], s1  }
0x9f: {  	s0 =	simm.s32 @!p0 $0x2  }
0xa0: {  	_ =	swait.ge @!p0 [sflag:s0], s1  }
0xa1: {  	s1 =	ssub.s32 @!p0 $0x0, s1;
	[sflag:s0] =	ssyncset.done @!p0 $0x0  }
0xa2: {  	[sflag:s0] =	ssyncadd.s32 @!p0 s1  }
0xa3: {  	[bflag:$0x3] =	sbarrier.arrive $0xFFFF  }
0xa4: {  	_ =	shalt  }

// kernel: sc_spmm_f16.7.cloned.1.call-start
scs
__scs_entry_jumppad:
0x0: {  	(pc) =	sbr.rel $0x88, $3  }
0x1: {  	(tag) =	ssettag $0x0;
	lr =	simm.s32 $0x1  }
0x2: {  	[smem:$0x3F96] =	sst lr;
	_ =	strace $0xD0000000  }
0x3: {  	_ = 	snop  }
0x4: {  	_ = 	snop  }
0x5: {  	_ = 	snop  }
0x6: {  	_ = 	snop  }
0x7: {  	_ = 	snop  }
__scs_overlays_trampoline_lowered:
0x8: {  	[smem:$0x3FA5] =	sst s0  }
0x9: {  	[smem:$0x3FA6] =	sst s1  }
0xa: {  	[smem:$0x3FA7] =	sst s2  }
0xb: {  	[smem:$0x3FA8] =	sst s3  }
0xc: {  	[smem:$0x3FA9] =	sst s4  }
0xd: {  	[smem:$0x3FAA] =	sst s5  }
0xe: {  	[smem:$0x3FAB] =	sst s6  }
0xf: {  	[smem:$0x3FAC] =	sst s7  }
0x10: {  	[smem:$0x3FAD] =	sst s8  }
0x11: {  	[smem:$0x3FAE] =	sst s9;
	s0 =	simm.s32 @!p0 $0x0  }
0x12: {  	s1 =	sld [smem:$0x3F94];
	s0 =	simm.s32 @p0 $0x1  }
0x13: {  	[smem:$0x3FAF] =	sst s0;
	s0 =	simm.s32 @!p1 $0x0  }
0x14: {  	s2 =	sld [smem:$0x3F93];
	s0 =	simm.s32 @p1 $0x1  }
0x15: {  	[smem:$0x3FB0] =	sst s0;
	s0 =	simm.s32 @!p2 $0x0  }
0x16: {  	s3 =	sld [smem:$0x3FDB];
	s0 =	simm.s32 @p2 $0x1  }
0x17: {  	s4 =	simm.s32 $0x1BF5;
	[smem:$0x3FB2] =	sst s0  }
0x18: {  	s0 =	sld [smem:$0x3F95];
	_ =	swait.ge [sflag:s4], $0x0  }
0x19: {  	s7 =	sld [smem:$0x3F96]  }
0x1a: {  	s8 =	sadd.s32 $0xFFFFE003, lr  }
0x1b: {  	s9 =	sadd.s32 $0xFFFFFEF7, lr;
	s5 =	simm.s32 $0xFFFFFFFF;
	p2 =	slt.u32 s8, $0xFFFFF086  }
0x1c: {  	p1 =	slt.u32 s9, $0xF7A;
	s5 =	simm.s32 @!p2 $0x0  }
0x1d: {  	s5 =	simm.s32 @p1 $0x1;
	p0 =	seq.s32 s7, s2  }
0x1e: {  	s7 =	smul.u32 @!p0 $0xF7A, s2;
	p2 =	seq.s32 @!p0 s5, $0x0  }
0x1f: {  	s9 =	smul.u32 $0xF7A, s1;
	s8 =	simm.s32 @!p0 $0x1BF5;
	p2 =	por !p2, p0  }
0x20: {  	[sflag:s8] =	ssyncset.s32 @!p0 $0xFFFFF086;
	s6 =	sadd.s32 @!p0 s3, s7;
	s7 =	simm.s32 @!p0 $0x108  }
0x21: {  	s3 =	sadd.s32 s3, s9;
	s6 =	sadd.s32 @!p0 $0x88, s6;
	s7 =	simm.s32 @p2 $0x1082  }
0x22: {  	[simem:s7], [sflag:s8] =	dma.local @!p0 [hbm:s6], $0xF7A  }
0x23: {  	s9 =	sor.u32 $0xD0000000, s2;
	s6 =	simm.s32 $0x108;
	_ =	swait.ge @!p0 [sflag:s8], $0x0  }
0x24: {  	s3 =	sadd.s32 $0x88, s3;
	s6 =	simm.s32 @!p1 $0x1082;
	[sflag:s4] =	ssyncset.s32 $0xFFFFF086  }
0x25: {  	[simem:s6], [sflag:s4] =	dma.local [hbm:s3], $0xF7A  }
0x26: {  	[smem:$0x3F96] =	sst s1;
	(tag) =	ssettag s2;
	_ =	strace s9  }
0x27: {  	s1 =	sld [smem:$0x3FA6]  }
0x28: {  	s2 =	sld [smem:$0x3FA7]  }
0x29: {  	s4 =	sld [smem:$0x3FA9]  }
0x2a: {  	p0 =	seq.s32 s5, $0x0;
	s5 =	sld [smem:$0x3FAA]  }
0x2b: {  	s6 =	sld [smem:$0x3FAB]  }
0x2c: {  	s7 =	sld [smem:$0x3FAC]  }
0x2d: {  	s3 =	simm.s32 $0x108;
	s8 =	sld [smem:$0x3FAD]  }
0x2e: {  	s3 =	simm.s32 @!p0 $0x1082;
	s9 =	sld [smem:$0x3FAE]  }
0x2f: {  	lr =	sadd.s32 s0, s3;
	s0 =	sld [smem:$0x3FA5]  }
0x30: {  	s3 =	sld [smem:$0x3FA8]  }
0x31: {  	[smem:$0x3FB1] =	sst s10  }
0x32: {  	s10 =	sld [smem:$0x3FAF];
	_ =	sdelay $0x3  }
0x33: {  	p0 =	seq.s32 s10, $0x1;
	s10 =	sld [smem:$0x3FB1];
	_ =	sdelay $0x3  }
0x34: {  	[smem:$0x3FB1] =	sst s10  }
0x35: {  	s10 =	sld [smem:$0x3FB0];
	_ =	sdelay $0x3  }
0x36: {  	p1 =	seq.s32 s10, $0x1;
	s10 =	sld [smem:$0x3FB1];
	_ =	sdelay $0x3  }
0x37: {  	[smem:$0x3FB1] =	sst s10  }
0x38: {  	s10 =	sld [smem:$0x3FB2]  }
0x39: {  	_ = 	snop;
	(pc) =	sbr.ind lr, $3  }
0x3a: {  	_ = 	snop  }
0x3b: {  	_ = 	snop  }
0x3c: {  	p2 =	seq.s32 s10, $0x1;
	s10 =	sld [smem:$0x3FB1]  }
0x3d: {  	_ =	shalt  }
0x3e: {  	_ =	shalt  }
0x3f: {  	_ =	shalt  }
0x40: {  	_ =	shalt  }
0x41: {  	_ =	shalt  }
0x42: {  	_ =	shalt  }
0x43: {  	_ =	shalt  }
0x44: {  	_ =	shalt  }
0x45: {  	_ =	shalt  }
0x46: {  	_ =	shalt  }
0x47: {  	_ =	shalt  }
0x48: {  	_ =	shalt  }
0x49: {  	_ =	shalt  }
0x4a: {  	_ =	shalt  }
0x4b: {  	_ =	shalt  }
0x4c: {  	_ =	shalt  }
0x4d: {  	_ =	shalt  }
0x4e: {  	_ =	shalt  }
0x4f: {  	_ =	shalt  }
0x50: {  	_ =	shalt  }
0x51: {  	_ =	shalt  }
0x52: {  	_ =	shalt  }
0x53: {  	_ =	shalt  }
0x54: {  	_ =	shalt  }
0x55: {  	_ =	shalt  }
0x56: {  	_ =	shalt  }
0x57: {  	_ =	shalt  }
0x58: {  	_ =	shalt  }
0x59: {  	_ =	shalt  }
0x5a: {  	_ =	shalt  }
0x5b: {  	_ =	shalt  }
0x5c: {  	_ =	shalt  }
0x5d: {  	_ =	shalt  }
0x5e: {  	_ =	shalt  }
0x5f: {  	_ =	shalt  }
0x60: {  	_ =	shalt  }
0x61: {  	_ =	shalt  }
0x62: {  	_ =	shalt  }
0x63: {  	_ =	shalt  }
0x64: {  	_ =	shalt  }
0x65: {  	_ =	shalt  }
0x66: {  	_ =	shalt  }
0x67: {  	_ =	shalt  }
0x68: {  	_ =	shalt  }
0x69: {  	_ =	shalt  }
0x6a: {  	_ =	shalt  }
0x6b: {  	_ =	shalt  }
0x6c: {  	_ =	shalt  }
0x6d: {  	_ =	shalt  }
0x6e: {  	_ =	shalt  }
0x6f: {  	_ =	shalt  }
0x70: {  	_ =	shalt  }
0x71: {  	_ =	shalt  }
0x72: {  	_ =	shalt  }
0x73: {  	_ =	shalt  }
0x74: {  	_ =	shalt  }
0x75: {  	_ =	shalt  }
0x76: {  	_ =	shalt  }
0x77: {  	_ =	shalt  }
0x78: {  	_ =	shalt  }
0x79: {  	_ =	shalt  }
0x7a: {  	_ =	shalt  }
0x7b: {  	_ =	shalt  }
0x7c: {  	_ =	shalt  }
0x7d: {  	_ =	shalt  }
0x7e: {  	_ =	shalt  }
0x7f: {  	_ =	shalt  }
0x80: {  	_ =	shalt  }
0x81: {  	_ =	shalt  }
0x82: {  	_ =	shalt  }
0x83: {  	_ =	shalt  }
0x84: {  	_ =	shalt  }
0x85: {  	_ =	shalt  }
0x86: {  	_ =	shalt  }
0x87: {  	_ =	shalt  }
.Lfunc_end0:
.L_simem_size_0:
called_computation.3_lowered:
.L_overlay_start_0:
0x88: {  	s2 =	sld [smem:$0x3FD9]  }
0x89: {  	s3 =	sld [smem:$0x3FFE];
	_ =	sdelay $0x1  }
0x8a: {  	s1 =	srdreg.scid  }
0x8b: {  	s0 =	sand.u32 $0x1, s1  }
0x8c: {  	s16 =	sshll.u32 s0, $0xA;
	s2 =	sadd.s32 s3, s2  }
0x8d: {  	s2 =	sadd.s32 s2, s16  }
0x8e: {  	[smem:$0x3FBD] =	sst s2  }
0x8f: {  	_ = 	snop  }
0x90: {  	(tm) =	ssettm $0x1  }
0x91: {  	s17 =	sld [smem:$0x3FFB];
	_ =	sdelay $0x3  }
0x92: {  	_ =	strace s17  }
0x93: {  	s2 =	sld [smem:$0x3FFC];
	_ =	sdelay $0x3  }
0x94: {  	_ =	strace s2  }
0x95: {  	s2 =	sld [smem:$0x3FFD];
	_ =	sdelay $0x3  }
0x96: {  	_ =	strace s2  }
0x97: {  	_ =	strace $0x8FFFFFFF  }
0x98: {  	s18 =	sld [smem:$0x3FDB];
	_ =	sdelay $0x1  }
0x99: {  	s19 =	simm.s32 $_scs_section_size  }
0x9a: {  	s4 =	simm.s32 $_size__tile_overlayer_lowered;
	s5 =	simm.s32 $_tile_overlayer_lowered  }
0x9b: {  	s22 =	simm.s32 $0x1BFF;
	s21 =	sshll.u32 s5, $0x1;
	s2 =	sadd.s32 s19, s18  }
0x9c: {  	s6 =	simm.s32 $0x0;
	s20 =	sshll.u32 s4, $0x1;
	s4 =	sadd.s32 s21, s2  }
0x9d: {  	[timem:s6], [sflag:s22] =	dma.local [hbm:s4], s20  }
0x9e: {  	_ =	swait.ge [sflag:s22], s20  }
0x9f: {  	s3 =	ssub.s32 $0x0, s20;
	[sflag:s22] =	ssyncset.done $0x0  }
0xa0: {  	[sflag:s22] =	ssyncadd.s32 s3;
	_ =	sdelay $0x1  }
0xa1: {  	s23 =	simm.s32 $0x1B8B  }
0xa2: {  	_ =	swait.ge [sflag:s23], $0x1  }
0xa3: {  	[sflag:s23] =	ssyncset.done $0x0  }
0xa4: {  	s25 =	simm.s32 $0x1B8E;
	s24 =	sld [smem:$0x3FFE];
	[sflag:s23] =	ssyncadd.s32 $0xFFFFFFFF  }
0xa5: {  	s26 =	simm.s32 $execute0_lowered;
	[smem:$0x3FD2] =	sst s25  }
0xa6: {  	s4 =	sshll.u32 s26, $0x1;
	_ =	strace $0x8000004F;
	[dreg:$0x1] =	wrdreg $0xFFFFFFFF  }
0xa7: {  	s28 =	simm.s32 $_size_execute0_lowered;
	s2 =	sadd.s32 s2, s4;
	[dreg:$0x0] =	wrdreg $0x0  }
0xa8: {  	s4 =	sshll.u32 s28, $0x1;
	[dreg:$0x2] =	wrdreg s2  }
0xa9: {  	[dreg:$0x3] =	wrdreg s4  }
0xaa: {  	[dreg:$0x4] =	wrdreg $0xC0  }
0xab: {  	_ =	task [dreg:s6], $0x5FFFF  }
0xac: {  	[dreg:$0x1] =	wrdreg $0xFFFFFFFF  }
0xad: {  	[dreg:$0x0] =	wrdreg $0x60  }
0xae: {  	[dreg:$0x2] =	wrdreg s24  }
0xaf: {  	[dreg:$0x3] =	wrdreg $0x81000  }
0xb0: {  	[dreg:$0x4] =	wrdreg $0x9  }
0xb1: {  	_ =	task.clear_ibuf [dreg:s6], $0x5FFFF;
	_ =	strace $0x9000004F  }
0xb2: {  	s29 =	simm.s32 $0x9;
	_ =	strace $0x80000051  }
0xb3: {  	_ =	swait.ge [sflag:s29], $0x1  }
0xb4: {  	[sflag:s29] =	ssyncadd.s32 $0xFFFFFFFF  }
0xb5: {  	_ =	strace $0x90000051  }
0xb6: {  	_ =	sfence  }
0xb7: {  	s30 =	sld [smem:$0x0];
	_ =	sdelay $0x2  }
0xb8: {  	s31 =	sshll.u32 s1, $0xD;
	s1 =	sshrl.u32 s1, $0x2  }
0xb9: {  	s3 =	sand.u32 $0x4000, s31;
	s1 =	sadd.s32 s1, s30  }
0xba: {  	s0 =	sor.u32 s3, s0;
	s1 =	sshll.u32 s1, $0x11  }
0xbb: {  	s0 =	sor.u32 s1, s0  }
0xbc: {  	s0 =	sadd.s32 $0x8F2B, s0  }
0xbd: {  	[sflag:s0] =	ssyncadd.remote.s32 $0x1  }
0xbe: {  	_ =	sfence.sel $0xFFFF  }
0xbf: {  	[dreg:$0x0] =	wrdreg $0xFFFFFFFF;
	(pc) =	sbr.abs _section_cstart, $3  }
0xc0: {  	[dreg:$0x1] =	wrdreg $0xFFFFFFFF  }
0xc1: {  	_ =	task.clear_ibuf [dreg:s6], $0x2FFFF;
	_ =	strace $0x9FFFFFFF  }
0xc2: {  	(tm) =	ssettm $0x7FFFFFFF  }
0xc3: {  	_ =	shalt  }
tec
execute0_lowered:
.L_overlay_start_1:
0x0: {  	(tag) =	ssettag $0x1  }
0x1: {  	s0 =	srdreg.scid;
	s1 =	rddreg [dreg:$0x0]  }
0x2: {  	s2 =	rddreg [dreg:$0x1];
	s8 =	stileid.u32;
	s3 =	simm.s32 $0x0  }
0x3: {  	s19 =	simm.s32 $0x8000;
	s20 =	simm.s32 $0x2;
	s21 =	simm.s32 $0x80  }
0x4: {  	s31 =	simm.s32 $0x1;
	s0 =	sand.u32 $0x1, s0;
	s5 =	smul.u32 $0xA000, s8  }
0x5: {  	[smem:$0x7FF] =	sst s3;
	s14 =	smul.u32 $0x2800, s8;
	s4 =	sshll.u32 s0, $0x4  }
0x6: {  	_ =	strace $0x80000050;
	s7 =	ssub.s32 $0x2, s0;
	s0 =	smul.u32 $0x28000, s0  }
0x7: {  	s4 =	sor.u32 s8, s4;
	s22 =	sshrl.u32 s7, $0x1;
	s5 =	sshrl.u32 s5, $0x2  }
0x8: {  	s11 =	sadd.s32 $0x800, s14;
	s25 =	sadd.s32 s14, s2;
	s28 =	sadd.s32 $0x1000, s14  }
0x9: {  	s29 =	sadd.s32 $0x1800, s14;
	s17 =	sadd.s32 $0x2000, s14;
	s4 =	smul.u32 $0x500, s4  }
0xa: {  	s7 =	ssub.s32 s7, s22;
	s5 =	sadd.s32 s5, s2;
	s24 =	sadd.s32 s0, s14  }
0xb: {  	[dreg:$0x5] =	wrdreg s25;
	s12 =	sadd.s32 s0, s11;
	s11 =	sadd.s32 s11, s2  }
0xc: {  	s13 =	sadd.s32 s28, s2;
	s15 =	sadd.s32 s0, s29;
	s22 =	simm.s32 $0x5000  }
0xd: {  	s7 =	smax.u32 s7, $0x1;
	s26 =	sshrl.u32 s12, $0x3;
	s30 =	sshrl.u32 s15, $0x3  }
0xe: {  	s15 =	sadd.s32 s29, s2;
	s6 =	sadd.s32 s4, s1;
	s4 =	sadd.s32 $0x16800, s1  }
0xf: {  	s1 =	sadd.s32 $0x1B800, s1;
	[dreg:$0x6] =	wrdreg s7;
	s23 =	sadd.s32 $0x2800, s6  }
0x10: {  	s6 =	sadd.s32 $0xC800, s6;
	s12 =	sadd.s32 s1, s26;
	[dreg:$0x3] =	wrdreg s23  }
0x11: {  	s16 =	sadd.s32 s1, s30;
	[dreg:$0x4] =	wrdreg s6;
	s6 =	sshrl.u32 s24, $0x3  }
0x12: {  	s10 =	sadd.s32 s1, s6;
	s6 =	sadd.s32 s0, s28;
	s0 =	sadd.s32 s0, s17  }
0x13: {  	s17 =	sadd.s32 s17, s2;
	s6 =	sshrl.u32 s6, $0x3;
	s0 =	sshrl.u32 s0, $0x3  }
0x14: {  	v0 =	vimm.f32 $0.0e+00;
	s14 =	sadd.s32 s1, s6;
	s18 =	sadd.s32 s1, s0;
	s0 =	simm.s32 $0x0  }
.LBB2_1:
0x15: {  	[tilespmem:$0x8000] =	vst v0  }
0x16: {  	[tilespmem:$0x8010] =	vst v0  }
0x17: {  	[tilespmem:$0x8020] =	vst v0  }
0x18: {  	[tilespmem:$0x8030] =	vst v0  }
0x19: {  	[tilespmem:$0x8040] =	vst v0  }
0x1a: {  	[tilespmem:$0x8050] =	vst v0  }
0x1b: {  	[tilespmem:$0x8060] =	vst v0  }
0x1c: {  	[tilespmem:$0x8070] =	vst v0  }
0x1d: {  	[tilespmem:$0x8080] =	vst v0  }
0x1e: {  	[tilespmem:$0x8090] =	vst v0  }
0x1f: {  	[tilespmem:$0x80A0] =	vst v0  }
0x20: {  	[tilespmem:$0x80B0] =	vst v0  }
0x21: {  	[tilespmem:$0x80C0] =	vst v0  }
0x22: {  	[tilespmem:$0x80D0] =	vst v0  }
0x23: {  	[tilespmem:$0x80E0] =	vst v0  }
0x24: {  	[tilespmem:$0x80F0] =	vst v0;
	s1 =	sadd.s32 $0x0, s5  }
0x25: {  	[spmem:s1] =	stream.linear.scatter [tilespmem:s19], [sflag:$0x2], $0x100, $0x38;
	[tilespmem:$0xA900] =	vst v63  }
0x26: {  	s1 =	simm.s32 $0x400;
	_ =	swait.ge [sflag:s20], $0x100  }
.LBB2_2:
0x27: {  	s6 =	sshra.s32 s1, $0x2;
	[sflag:s20] =	ssyncset.done $0x0;
	p0 =	sne.s32 s1, $0x9C00  }
.Ltmp0:
0x28: {  	s6 =	sadd.s32 s6, s5;
	[sflag:s20] =	ssyncadd.s32 $0xFFFFFF00;
	(pc) =	sbr.rel @p0 .LBB2_2-.Ltmp0, $3  }
0x29: {  	[spmem:s6] =	stream.linear.scatter [tilespmem:s19], [sflag:$0x2], $0x100, $0x38;
	[tilespmem:$0xA900] =	vst v63  }
0x2a: {  	s1 =	sadd.s32 $0x400, s1;
	_ =	sdelay $0x1  }
0x2b: {  	_ =	swait.ge [sflag:s20], $0x100  }
0x2c: {  	[sflag:s20] =	ssyncset.done $0x0  }
0x2d: {  	s1 =	rddreg [dreg:$0x3];
	[sflag:s20] =	ssyncadd.s32 $0xFFFFFF00  }
0x2e: {  	[tilespmem:s3], [sflag:$0x2] =	stream.linear.gather [hbm4b:s1+s3], $0x2800, $0x38;
	[tilespmem:$0xA900] =	vst v63  }
0x2f: {  	_ =	swait.ge [sflag:s20], $0x2800  }
0x30: {  	[sflag:s20] =	ssyncset.done $0x0  }
0x31: {  	s23 =	simm.s32 $0x2800;
	s24 =	rddreg [dreg:$0x4];
	[sflag:s20] =	ssyncadd.s32 $0xFFFFD800  }
0x32: {  	[tilespmem:s23], [sflag:$0x2] =	stream.linear.gather [hbm4b:s24+s3], $0x2800, $0x38;
	[tilespmem:$0xA900] =	vst v63  }
0x33: {  	_ =	swait.ge [sflag:s20], $0x2800  }
0x34: {  	s25 =	simm.s32 $0x5800;
	[sflag:s20] =	ssyncset.done $0x0  }
0x35: {  	s26 =	simm.s32 $0x100;
	s9 =	simm.s32 $0x0;
	[sflag:s20] =	ssyncadd.s32 $0xFFFFD800  }
0x36: {  	s6 =	simm.s32 $0x6000;
	s1 =	smul.u32 $0xAB, s9;
	[bflag:$0x0] =	sbarrier.arrive $0xFFFF  }
0x37: {  	[tilespmem:s22], [sflag:$0x1] =	stream.indirect.gather [hbm4b:s4+s21], $0x10, s3, s21, $0xb8;
	[tilespmem:$0xA900] =	vst v63  }
0x38: {  	s7 =	simm.s32 $0x180;
	s8 =	simm.s32 $0x6800;
	s1 =	sshrl.u32 s1, $0xA  }
0x39: {  	[tilespmem:s25], [sflag:$0x1] =	stream.indirect.gather [hbm4b:s4+s21], $0x10, s21, s21, $0xb8;
	[tilespmem:$0xA900] =	vst v63  }
0x3a: {  	p0 =	por $0x0, $0x0;
	s28 =	simm.s32 $0x7;
	s1 =	sand.u32 $0x3F, s1  }
0x3b: {  	[tilespmem:s6], [sflag:$0x1] =	stream.indirect.gather [hbm4b:s4+s21], $0x10, s26, s21, $0xb8;
	[tilespmem:$0xA900] =	vst v63  }
0x3c: {  	s29 =	simm.s32 $0x1;
	s25 =	smul.u32 $0x6, s1;
	s6 =	simm.s32 $0x5  }
0x3d: {  	s24 =	simm.s32 $0x200;
	s1 =	simm.s32 $0x6;
	s6 =	smul.u32 @!p0 $0xAB, s6  }
0x3e: {  	[tilespmem:s8], [sflag:$0x1] =	stream.indirect.gather [hbm4b:s4+s21], $0x10, s7, s21, $0xb8;
	[tilespmem:$0xA900] =	vst v63  }
0x3f: {  	s7 =	simm.s32 $0x7000;
	s6 =	sshrl.u32 @!p0 s6, $0xA;
	p0 =	por p0, p0  }
0x40: {  	[tilespmem:s7], [sflag:$0x1] =	stream.indirect.gather [hbm4b:s4+s21], $0x10, s24, s21, $0xb8;
	[tilespmem:$0xA900] =	vst v63  }
0x41: {  	s26 =	simm.s32 $0x280;
	s7 =	ssub.s32 $0x0, s25;
	s6 =	sand.u32 @!p0 $0x3F, s6  }
0x42: {  	s25 =	simm.s32 $0x2880;
	s7 =	sand.u32 $0xFF, s7;
	s6 =	smul.u32 @!p0 $0x6, s6  }
0x43: {  	s24 =	simm.s32 $0x300;
	_ =	swait.ge [sflag:s31], $0x800;
	s7 =	sshll.u32 s7, $0xB  }
0x44: {  	[sflag:s31] =	ssyncset.done $0x0;
	s30 =	sadd.s32 $0x5000, s7;
	s7 =	ssub.s32 @!p0 $0x5, s6  }
0x45: {  	[sflag:s31] =	ssyncadd.s32 $0xFFFFF800;
	s6 =	smul.u32 $0xAB, s29;
	s7 =	sand.u32 @!p0 $0xFF, s7  }
.LBB2_4:
0x46: {  	[spmem:s2] =	stream.indirect.scatter.add.f32 [tilespmem:s30], [sflag:$0x2], $0x10, s23, s21, $0xb8;
	[tilespmem:$0xA900] =	vst v63  }
0x47: {  	s8 =	smov.u32 s1;
	s1 =	smov.u32 s28;
	s23 =	smov.u32 s25  }
0x48: {  	s30 =	simm.s32 @!p0 $0x80;
	s6 =	sshrl.u32 s6, $0xA;
	_ =	swait.ge [sflag:s20], $0x800  }
0x49: {  	s7 =	sshll.u32 @!p0 s7, $0xB;
	s6 =	sand.u32 $0x3F, s6;
	[sflag:s20] =	ssyncset.done $0x0  }
0x4a: {  	p2 =	sgt.u32 s29, $0x4A;
	s6 =	smul.u32 $0x6, s6;
	[sflag:s20] =	ssyncadd.s32 $0xFFFFF800  }
0x4b: {  	s28 =	sadd.s32 $0x1, s28;
	s9 =	smul.u32 @!p2 $0xAB, s8;
	s7 =	sadd.s32 @!p0 $0x5000, s7  }
0x4c: {  	[tilespmem:s7], [sflag:$0x1] =	stream.indirect.gather @!p0 [hbm4b:s4+s30], $0x10, s26, s30, $0xb8;
	[tilespmem:$0xA900] =	vst v63  }
0x4d: {  	p1 =	sne.s32 s28, $0x55;
	s6 =	ssub.s32 s29, s6;
	s26 =	smov.u32 s24  }
0x4e: {  	s7 =	sshrl.u32 @!p2 s9, $0xA;
	p0 =	por p2, p2;
	s6 =	sand.u32 $0xFF, s6  }
.Ltmp1:
0x4f: {  	s7 =	sand.u32 @!p0 $0x3F, s7;
	s6 =	sshll.u32 s6, $0xB;
	(pc) =	sbr.rel @p1 .LBB2_4-.Ltmp1, $4  }
0x50: {  	s30 =	sadd.s32 $0x5000, s6;
	s6 =	smul.u32 @!p0 $0x6, s7;
	_ =	swait.ge [sflag:s31], $0x800  }
0x51: {  	s25 =	sadd.s32 $0x80, s25;
	[sflag:s31] =	ssyncset.done $0x0  }
0x52: {  	s29 =	sadd.s32 $0xFFFFFFFB, s1;
	s7 =	ssub.s32 @!p0 s8, s6;
	[sflag:s31] =	ssyncadd.s32 $0xFFFFF800  }
0x53: {  	s24 =	sadd.s32 $0x80, s24;
	s6 =	smul.u32 $0xAB, s29;
	s7 =	sand.u32 @!p0 $0xFF, s7  }
0x54: {  	[spmem:s2] =	stream.indirect.scatter.add.f32 [tilespmem:s30], [sflag:$0x2], $0x10, s23, s21, $0xb8;
	[tilespmem:$0xA900] =	vst v63  }
0x55: {  	s7 =	sshll.u32 @!p0 s7, $0xB;
	_ =	swait.ge [sflag:s20], $0x800  }
0x56: {  	s8 =	simm.s32 @!p0 $0x80;
	s6 =	sshrl.u32 s6, $0xA;
	[sflag:s20] =	ssyncset.done $0x0  }
0x57: {  	s7 =	sadd.s32 @!p0 $0x5000, s7;
	s6 =	sand.u32 $0x3F, s6;
	[sflag:s20] =	ssyncadd.s32 $0xFFFFF800  }
0x58: {  	[tilespmem:s7], [sflag:$0x1] =	stream.indirect.gather @!p0 [hbm4b:s4+s8], $0x10, s26, s8, $0xb8;
	[tilespmem:$0xA900] =	vst v63  }
0x59: {  	s6 =	smul.u32 $0x6, s6;
	p0 =	sgt.u32 s29, $0x4A  }
0x5a: {  	s7 =	smul.u32 @!p0 $0xAB, s1  }
0x5b: {  	s6 =	ssub.s32 s29, s6;
	_ =	swait.ge [sflag:s31], $0x800  }
0x5c: {  	s6 =	sand.u32 $0xFF, s6;
	s7 =	sshrl.u32 @!p0 s7, $0xA;
	p0 =	por p0, p0  }
0x5d: {  	[sflag:s31] =	ssyncset.done $0x0;
	s6 =	sshll.u32 s6, $0xB;
	s7 =	sand.u32 @!p0 $0x3F, s7  }
0x5e: {  	[sflag:s31] =	ssyncadd.s32 $0xFFFFF800;
	s6 =	sadd.s32 $0x5000, s6;
	s7 =	smul.u32 @!p0 $0x6, s7  }
0x5f: {  	[spmem:s2] =	stream.indirect.scatter.add.f32 [tilespmem:s6], [sflag:$0x2], $0x10, s25, s21, $0xb8;
	[tilespmem:$0xA900] =	vst v63  }
0x60: {  	s1 =	ssub.s32 @!p0 s1, s7  }
0x61: {  	_ =	swait.ge [sflag:s20], $0x800;
	s1 =	sand.u32 @!p0 $0xFF, s1  }
0x62: {  	[sflag:s20] =	ssyncset.done $0x0;
	s1 =	sshll.u32 @!p0 s1, $0xB  }
0x63: {  	s6 =	simm.s32 @!p0 $0x80;
	[sflag:s20] =	ssyncadd.s32 $0xFFFFF800;
	s1 =	sadd.s32 @!p0 $0x5000, s1  }
0x64: {  	[tilespmem:s1], [sflag:$0x1] =	stream.indirect.gather @!p0 [hbm4b:s4+s6], $0x10, s24, s6, $0xb8;
	[tilespmem:$0xA900] =	vst v63  }
0x65: {  	[bflag:$0x0] =	sbarrier.arrive $0xFFFF  }
0x66: {  	s29 =	rddreg [dreg:$0x5]  }
0x67: {  	[tilespmem:s22], [sflag:$0x2] =	stream.linear.gather [spmem:s29], $0x800, $0x38;
	[tilespmem:$0xA900] =	vst v63  }
0x68: {  	_ =	swait.ge [sflag:s20], $0x800  }
0x69: {  	[sflag:s20] =	ssyncset.done $0x0  }
0x6a: {  	[sflag:s20] =	ssyncadd.s32 $0xFFFFF800  }
0x6b: {  	[hbm4b:s10+s3] =	stream.linear.scatter [tilespmem:s22], [sflag:$0x2], $0x800, $0x38;
	[tilespmem:$0xA900] =	vst v63  }
0x6c: {  	_ =	swait.ge [sflag:s20], $0x800  }
0x6d: {  	[sflag:s20] =	ssyncset.done $0x0  }
0x6e: {  	[sflag:s20] =	ssyncadd.s32 $0xFFFFF800  }
0x6f: {  	[tilespmem:s22], [sflag:$0x2] =	stream.linear.gather [spmem:s11], $0x800, $0x38;
	[tilespmem:$0xA900] =	vst v63  }
0x70: {  	_ =	swait.ge [sflag:s20], $0x800  }
0x71: {  	[sflag:s20] =	ssyncset.done $0x0  }
0x72: {  	[sflag:s20] =	ssyncadd.s32 $0xFFFFF800  }
0x73: {  	[hbm4b:s12+s3] =	stream.linear.scatter [tilespmem:s22], [sflag:$0x2], $0x800, $0x38;
	[tilespmem:$0xA900] =	vst v63  }
0x74: {  	_ =	swait.ge [sflag:s20], $0x800  }
0x75: {  	[sflag:s20] =	ssyncset.done $0x0  }
0x76: {  	[sflag:s20] =	ssyncadd.s32 $0xFFFFF800  }
0x77: {  	[tilespmem:s22], [sflag:$0x2] =	stream.linear.gather [spmem:s13], $0x800, $0x38;
	[tilespmem:$0xA900] =	vst v63  }
0x78: {  	_ =	swait.ge [sflag:s20], $0x800  }
0x79: {  	[sflag:s20] =	ssyncset.done $0x0  }
0x7a: {  	[sflag:s20] =	ssyncadd.s32 $0xFFFFF800  }
0x7b: {  	[hbm4b:s14+s3] =	stream.linear.scatter [tilespmem:s22], [sflag:$0x2], $0x800, $0x38;
	[tilespmem:$0xA900] =	vst v63  }
0x7c: {  	_ =	swait.ge [sflag:s20], $0x800  }
0x7d: {  	[sflag:s20] =	ssyncset.done $0x0  }
0x7e: {  	[sflag:s20] =	ssyncadd.s32 $0xFFFFF800  }
0x7f: {  	[tilespmem:s22], [sflag:$0x2] =	stream.linear.gather [spmem:s15], $0x800, $0x38;
	[tilespmem:$0xA900] =	vst v63  }
0x80: {  	_ =	swait.ge [sflag:s20], $0x800  }
0x81: {  	[sflag:s20] =	ssyncset.done $0x0  }
0x82: {  	[sflag:s20] =	ssyncadd.s32 $0xFFFFF800  }
0x83: {  	[hbm4b:s16+s3] =	stream.linear.scatter [tilespmem:s22], [sflag:$0x2], $0x800, $0x38;
	[tilespmem:$0xA900] =	vst v63  }
0x84: {  	_ =	swait.ge [sflag:s20], $0x800  }
0x85: {  	[sflag:s20] =	ssyncset.done $0x0  }
0x86: {  	[sflag:s20] =	ssyncadd.s32 $0xFFFFF800  }
0x87: {  	[tilespmem:s22], [sflag:$0x2] =	stream.linear.gather [spmem:s17], $0x800, $0x38;
	[tilespmem:$0xA900] =	vst v63  }
0x88: {  	_ =	swait.ge [sflag:s20], $0x800  }
0x89: {  	[sflag:s20] =	ssyncset.done $0x0  }
0x8a: {  	[sflag:s20] =	ssyncadd.s32 $0xFFFFF800  }
0x8b: {  	[hbm4b:s18+s3] =	stream.linear.scatter [tilespmem:s22], [sflag:$0x2], $0x800, $0x38;
	[tilespmem:$0xA900] =	vst v63  }
0x8c: {  	_ =	swait.ge [sflag:s20], $0x800  }
0x8d: {  	s0 =	sadd.s32 $0x1, s0;
	s30 =	rddreg [dreg:$0x6]  }
0x8e: {  	p0 =	sne.s32 s0, s30  }
.Ltmp2:
0x8f: {  	_ = 	snop;
	(pc) =	sbr.rel @p0 .LBB2_1-.Ltmp2, $3  }
0x90: {  	_ =	sdelay $0x1  }
0x91: {  	[sflag:s20] =	ssyncset.done $0x0  }
0x92: {  	[sflag:s20] =	ssyncadd.s32 $0xFFFFF800  }
0x93: {  	_ =	sfence.sel $0x180000  }
0x94: {  	[bflag:$0x0] =	sbarrier.arrive $0xFFFF  }
0x95: {  	_ =	strace $0x90000050  }
0x96: {  	s0 =	stileid.u32;
	[bflag:$0x2] =	sbarrier.arrive $0xFFFF  }
0x97: {  	p0 =	sne.s32 s0, $0x0;
	s0 =	rddreg [dreg:$0x2]  }
0x98: {  	s0 =	sadd.s32 @!p0 $0x100000, s0  }
0x99: {  	[sflag:s0] =	ssyncadd.tile.s32 @!p0 $0x1;
	_ =	shalt  }
.Lfunc_end2:
_tile_overlayer_lowered:
.L_overlay_start_2:
0x9a: {  	(tag) =	ssettag $0x2  }
0x9b: {  	s0 =	rddreg [dreg:$0x0];
	s2 =	stileid.u32  }
0x9c: {  	s1 =	rddreg [dreg:$0x1];
	p0 =	sne.s32 s2, $0x0  }
0x9d: {  	s3 =	rddreg [dreg:$0x2];
	[bflag:$0x3] =	sbarrier.arrive $0xFFFF;
	s2 =	simm.s32 @!p0 $0x1C02  }
0x9e: {  	[timem:s3], [sflag:s2] =	dma.local @!p0 [hbm:s0], s1  }
0x9f: {  	s0 =	simm.s32 @!p0 $0x2  }
0xa0: {  	_ =	swait.ge @!p0 [sflag:s0], s1  }
0xa1: {  	s1 =	ssub.s32 @!p0 $0x0, s1;
	[sflag:s0] =	ssyncset.done @!p0 $0x0  }
0xa2: {  	[sflag:s0] =	ssyncadd.s32 @!p0 s1  }
0xa3: {  	[bflag:$0x3] =	sbarrier.arrive $0xFFFF  }
0xa4: {  	_ =	shalt  }

</sc_bundles>
